<compile_context>
chip_gen: v7x
topology: tpu7x:2x2x1
jax: 0.10.2.dev20260603
libtpu: 0.0.44.dev20260713+nightly
codegen_flags: <defaults>
</compile_context>

<pallas_src>
import functools

import jax
import jax.numpy as jnp
from jax import lax
from jax.experimental import pallas as pl
from jax.experimental.pallas import tpu as pltpu
from jax.experimental.pallas import tpu_sc as plsc

_NC = 2
_NS = 16
_NW = _NC * _NS
_CHUNK = 128
_NBUF = 4


@functools.lru_cache(maxsize=None)
def _build_gather(n_s: int, d: int):
    mesh = plsc.VectorSubcoreMesh(core_axis_name="c", subcore_axis_name="s")
    n_dt = d // 8

    @functools.partial(
        pl.kernel,
        mesh=mesh,
        out_type=jax.ShapeDtypeStruct((n_s, n_dt, _NW, 8, 128), jnp.float32),
        scratch_types=[
            pltpu.VMEM((n_s, _CHUNK), jnp.int32),
            pltpu.VMEM((_NBUF, _CHUNK, d), jnp.float32),
            pltpu.VMEM((d, 129), jnp.float32),
            pltpu.VMEM((d, 129), jnp.float32),
            pltpu.SemaphoreType.DMA((_NBUF,)),
            pltpu.SemaphoreType.DMA((2,)),
        ],
        compiler_params=pltpu.CompilerParams(
            use_tc_tiling_on_sc=False, needs_layout_passes=False),
    )
    def gather_kernel(idx_hbm, table_hbm, out_hbm, idx_v, rows_v, trans_a,
                      trans_b, gsems, osems):
        trans_refs = (trans_a, trans_b)
        wid = lax.axis_index("s") * _NC + lax.axis_index("c")
        pltpu.sync_copy(idx_hbm.at[:, wid], idx_v)
        v16 = lax.iota(jnp.int32, 16)

        def gather(t, b):
            return pltpu.make_async_copy(
                table_hbm.at[idx_v.at[t]], rows_v.at[b], gsems.at[b])

        def out_copy(t, ts, dt):
            return pltpu.make_async_copy(
                trans_refs[ts].at[pl.ds(8 * dt, 8), pl.ds(0, 128)],
                out_hbm.at[t, dt, wid], osems.at[ts])

        def transpose_chunk(b, ts):
            @plsc.parallel_loop(0, _CHUNK, step=1, unroll=16)
            def body(t):
                col = jnp.full((16,), t, jnp.int32)
                for h in range(d // 16):
                    vals = rows_v[b, t, pl.ds(16 * h, 16)]
                    plsc.store_scatter(
                        trans_refs[ts], [v16 + 16 * h, col], vals)

        for b in range(_NBUF):
            gather(b, b).start()

        def outer(gi, carry):
            g = gi * _NBUF
            for b in range(_NBUF):
                t = g + b
                ts = b % 2
                gather(t, b).wait()
                @pl.when(t >= 2)
                def _():
                    for dt in range(n_dt):
                        out_copy(t - 2, ts, dt).wait()
                transpose_chunk(b, ts)
                for dt in range(n_dt):
                    out_copy(t, ts, dt).start()
                gather(t + _NBUF, b).start()
            return carry

        lax.fori_loop(0, n_s // _NBUF - 1, outer, 0)

        for b in range(_NBUF):
            t = n_s - _NBUF + b
            ts = b % 2
            gather(t, b).wait()
            for dt in range(n_dt):
                out_copy(t - 2, ts, dt).wait()
            transpose_chunk(b, ts)
            for dt in range(n_dt):
                out_copy(t, ts, dt).start()
        for b in range(_NBUF - 2, _NBUF):
            t = n_s - _NBUF + b
            for dt in range(n_dt):
                out_copy(t, b % 2, dt).wait()

    return gather_kernel


def kernel(token_ids, weight):
    bsz, seq = token_ids.shape
    d = weight.shape[1]
    v = weight.shape[0]
    assert bsz == _NW * _CHUNK and d % 16 == 0
    idx3 = token_ids.T.reshape(seq, _NW, _CHUNK).astype(jnp.int32)
    out6 = _build_gather(seq, d)(idx3, weight)
    out5 = out6.reshape(seq, d // 8, _NW, 8, 128)
    return out5.transpose(2, 4, 0, 1, 3).reshape(bsz, seq, d)

# --- scband reference (transcript-rebuilt; emitter-appended) ---
"""Pipeline reference for scband-embedding-2929167696210 (READ-ONLY COPY).

The authoritative reference and input builder live on the scoring server;
editing this copy changes nothing except your own understanding.
"""

import jax, jax.numpy as jnp
import numpy as np

NUM_EMBEDDINGS = 1000000
EMBEDDING_DIM = 32

def setup_inputs(seed: int = 0) -> dict:
    key = jax.random.key(seed)
    k_idx, k_w = jax.random.split(key)
    token_ids = jax.random.randint(k_idx, (4096, 200), 0, NUM_EMBEDDINGS, dtype=jnp.int64 if jax.config.jax_enable_x64 else jnp.int32)
    # trunc_normal_(mean=0, std=1, a=-3, b=3) approximated with truncated normal
    weight = jax.random.truncated_normal(k_w, -3.0, 3.0, (NUM_EMBEDDINGS, EMBEDDING_DIM), dtype=jnp.float32)
    return {"token_ids": token_ids, "weight": weight}

def reference(token_ids, weight):
    # weight[token_ids] -> (batch, seq, embedding_dim)
    return jnp.take(weight, token_ids, axis=0)

if __name__ == "__main__":
    import jax
    _d = setup_inputs()
    print(jax.jit(kernel)(*tuple(_d.values())))

</pallas_src>

<mosaic_0001>
#map = affine_map<(d0, d1) -> (0, 0, 0)>
#map1 = affine_map<(d0, d1) -> (0, 0)>
#map2 = affine_map<(d0, d1) -> (0, 0, 0, 0, 0)>
module attributes {stable_mosaic.version = 14 : i64} {
  func.func @gather_kernel(%arg0: i32, %arg1: i32, %arg2: memref<200x32x128xi32, #tpu.memory_space<hbm>>, %arg3: memref<1000000x32xf32, #tpu.memory_space<hbm>>, %arg4: memref<200x4x32x8x128xf32, #tpu.memory_space<hbm>>, %arg5: memref<200x128xi32, #tpu.memory_space<vmem>>, %arg6: memref<4x128x32xf32, #tpu.memory_space<vmem>>, %arg7: memref<32x129xf32, #tpu.memory_space<vmem>>, %arg8: memref<32x129xf32, #tpu.memory_space<vmem>>, %arg9: memref<4x!tpu.dma_semaphore, #tpu.memory_space<semaphore_mem>>, %arg10: memref<2x!tpu.dma_semaphore, #tpu.memory_space<semaphore_mem>>) attributes {dimension_semantics = [#tpu.dimension_semantics<core_parallel>, #tpu.dimension_semantics<subcore_parallel>], iteration_bounds = array<i64: 2, 16>, scalar_prefetch = 0 : i64, scratch_operands = 6 : i64, tpu.core_type = #tpu.core_type<sc_vector_subcore>, window_params = [{transform_indices = #map}, {transform_indices = #map1}, {transform_indices = #map2}]} {
    %mul3A = arith.constant 2 : i32
    %mul3A_0 = arith.muli %arg1, %mul3A : i32
    %add3A = arith.addi %mul3A_0, %arg0 : i32
    "tpu.region"() ({
      %run_scoped3A = tpu.sem_alloc : memref<!tpu.dma_semaphore, #tpu.memory_space<semaphore_mem>>
      %dma_start3A_895 = arith.constant 0 : i32
      %dma_start3A_896 = arith.constant 0 : i32
      %dma_start3A_897 = tpu.memref_slice %arg2[%dma_start3A_895, %add3A, %dma_start3A_896] : memref<200x32x128xi32, #tpu.memory_space<hbm>> -> memref<200x1x128xi32, #tpu.memory_space<hbm>>
      %dma_start3A_898 = tpu.memref_squeeze %dma_start3A_897 : memref<200x1x128xi32, #tpu.memory_space<hbm>> -> memref<200x128xi32, #tpu.memory_space<hbm>>
      %dma_start3A_899 = arith.constant 0 : i32
      %dma_start3A_900 = arith.constant 0 : i32
      %dma_start3A_901 = tpu.memref_slice %arg2[%dma_start3A_899, %add3A, %dma_start3A_900] : memref<200x32x128xi32, #tpu.memory_space<hbm>> -> memref<200x1x128xi32, #tpu.memory_space<hbm>>
      %dma_start3A_902 = tpu.memref_squeeze %dma_start3A_901 : memref<200x1x128xi32, #tpu.memory_space<hbm>> -> memref<200x128xi32, #tpu.memory_space<hbm>>
      tpu.enqueue_dma source(%dma_start3A_902 : memref<200x128xi32, #tpu.memory_space<hbm>>) target(%arg5 : memref<200x128xi32, #tpu.memory_space<vmem>>) target_semaphore(%run_scoped3A : memref<!tpu.dma_semaphore, #tpu.memory_space<semaphore_mem>>)
      %dma_wait3A_903 = arith.constant 0 : i32
      %dma_wait3A_904 = arith.constant 0 : i32
      %dma_wait3A_905 = tpu.memref_slice %arg2[%dma_wait3A_903, %add3A, %dma_wait3A_904] : memref<200x32x128xi32, #tpu.memory_space<hbm>> -> memref<200x1x128xi32, #tpu.memory_space<hbm>>
      %dma_wait3A_906 = tpu.memref_squeeze %dma_wait3A_905 : memref<200x1x128xi32, #tpu.memory_space<hbm>> -> memref<200x128xi32, #tpu.memory_space<hbm>>
      %dma_wait3A_907 = arith.constant 0 : i32
      %dma_wait3A_908 = arith.constant 0 : i32
      %dma_wait3A_909 = tpu.memref_slice %arg2[%dma_wait3A_907, %add3A, %dma_wait3A_908] : memref<200x32x128xi32, #tpu.memory_space<hbm>> -> memref<200x1x128xi32, #tpu.memory_space<hbm>>
      %dma_wait3A_910 = tpu.memref_squeeze %dma_wait3A_909 : memref<200x1x128xi32, #tpu.memory_space<hbm>> -> memref<200x128xi32, #tpu.memory_space<hbm>>
      tpu.wait_dma2 semaphore(%run_scoped3A : memref<!tpu.dma_semaphore, #tpu.memory_space<semaphore_mem>>) src(%dma_wait3A_910 : memref<200x128xi32, #tpu.memory_space<hbm>>) dst(%arg5 : memref<200x128xi32, #tpu.memory_space<vmem>>)
      tpu.yield
    }) : () -> ()
    %iota3A = tpu.iota {dimensions = array<i32: 0>} : vector<16xi32>
    %dma_start3A = arith.constant 0 : i32
    %dma_start3A_1 = arith.constant 0 : i32
    %dma_start3A_2 = arith.constant 0 : i32
    %dma_start3A_3 = arith.constant 0 : i32
    %dma_start3A_4 = arith.constant 0 : i32
    %dma_start3A_5 = tpu.memref_slice %arg6[%dma_start3A_1, %dma_start3A_3, %dma_start3A_4] : memref<4x128x32xf32, #tpu.memory_space<vmem>> -> memref<1x128x32xf32, #tpu.memory_space<vmem>>
    %dma_start3A_6 = tpu.memref_squeeze %dma_start3A_5 : memref<1x128x32xf32, #tpu.memory_space<vmem>> -> memref<128x32xf32, #tpu.memory_space<vmem>>
    %dma_start3A_7 = arith.constant 0 : i32
    %dma_start3A_8 = tpu.memref_slice %arg5[%dma_start3A, %dma_start3A_7] : memref<200x128xi32, #tpu.memory_space<vmem>> -> memref<1x128xi32, #tpu.memory_space<vmem>>
    %dma_start3A_9 = tpu.memref_squeeze %dma_start3A_8 : memref<1x128xi32, #tpu.memory_space<vmem>> -> memref<128xi32, #tpu.memory_space<vmem>>
    %dma_start3A_10 = arith.constant 0 : i32
    %dma_start3A_11 = arith.constant 0 : i32
    %dma_start3A_12 = tpu.memref_slice %arg3[%dma_start3A_10, %dma_start3A_11] : memref<1000000x32xf32, #tpu.memory_space<hbm>> -> memref<1000000x32xf32, #tpu.memory_space<hbm>>
    %dma_start3A_13 = tpu.memref_slice %arg9[%dma_start3A_2] : memref<4x!tpu.dma_semaphore, #tpu.memory_space<semaphore_mem>> -> memref<1x!tpu.dma_semaphore, #tpu.memory_space<semaphore_mem>>
    %dma_start3A_14 = tpu.memref_squeeze %dma_start3A_13 : memref<1x!tpu.dma_semaphore, #tpu.memory_space<semaphore_mem>> -> memref<!tpu.dma_semaphore, #tpu.memory_space<semaphore_mem>>
    tpu.enqueue_indirect_dma source(%dma_start3A_12 : memref<1000000x32xf32, #tpu.memory_space<hbm>>) target(%dma_start3A_6 : memref<128x32xf32, #tpu.memory_space<vmem>>) offsets(%dma_start3A_9 : memref<128xi32, #tpu.memory_space<vmem>>) semaphore(%dma_start3A_14 : memref<!tpu.dma_semaphore, #tpu.memory_space<semaphore_mem>>)
    %dma_start3A_15 = arith.constant 1 : i32
    %dma_start3A_16 = arith.constant 1 : i32
    %dma_start3A_17 = arith.constant 1 : i32
    %dma_start3A_18 = arith.constant 0 : i32
    %dma_start3A_19 = arith.constant 0 : i32
    %dma_start3A_20 = tpu.memref_slice %arg6[%dma_start3A_16, %dma_start3A_18, %dma_start3A_19] : memref<4x128x32xf32, #tpu.memory_space<vmem>> -> memref<1x128x32xf32, #tpu.memory_space<vmem>>
    %dma_start3A_21 = tpu.memref_squeeze %dma_start3A_20 : memref<1x128x32xf32, #tpu.memory_space<vmem>> -> memref<128x32xf32, #tpu.memory_space<vmem>>
    %dma_start3A_22 = arith.constant 0 : i32
    %dma_start3A_23 = tpu.memref_slice %arg5[%dma_start3A_15, %dma_start3A_22] : memref<200x128xi32, #tpu.memory_space<vmem>> -> memref<1x128xi32, #tpu.memory_space<vmem>>
    %dma_start3A_24 = tpu.memref_squeeze %dma_start3A_23 : memref<1x128xi32, #tpu.memory_space<vmem>> -> memref<128xi32, #tpu.memory_space<vmem>>
    %dma_start3A_25 = arith.constant 0 : i32
    %dma_start3A_26 = arith.constant 0 : i32
    %dma_start3A_27 = tpu.memref_slice %arg3[%dma_start3A_25, %dma_start3A_26] : memref<1000000x32xf32, #tpu.memory_space<hbm>> -> memref<1000000x32xf32, #tpu.memory_space<hbm>>
    %dma_start3A_28 = tpu.memref_slice %arg9[%dma_start3A_17] : memref<4x!tpu.dma_semaphore, #tpu.memory_space<semaphore_mem>> -> memref<1x!tpu.dma_semaphore, #tpu.memory_space<semaphore_mem>>
    %dma_start3A_29 = tpu.memref_squeeze %dma_start3A_28 : memref<1x!tpu.dma_semaphore, #tpu.memory_space<semaphore_mem>> -> memref<!tpu.dma_semaphore, #tpu.memory_space<semaphore_mem>>
    tpu.enqueue_indirect_dma source(%dma_start3A_27 : memref<1000000x32xf32, #tpu.memory_space<hbm>>) target(%dma_start3A_21 : memref<128x32xf32, #tpu.memory_space<vmem>>) offsets(%dma_start3A_24 : memref<128xi32, #tpu.memory_space<vmem>>) semaphore(%dma_start3A_29 : memref<!tpu.dma_semaphore, #tpu.memory_space<semaphore_mem>>)
    %dma_start3A_30 = arith.constant 2 : i32
    %dma_start3A_31 = arith.constant 2 : i32
    %dma_start3A_32 = arith.constant 2 : i32
    %dma_start3A_33 = arith.constant 0 : i32
    %dma_start3A_34 = arith.constant 0 : i32
    %dma_start3A_35 = tpu.memref_slice %arg6[%dma_start3A_31, %dma_start3A_33, %dma_start3A_34] : memref<4x128x32xf32, #tpu.memory_space<vmem>> -> memref<1x128x32xf32, #tpu.memory_space<vmem>>
    %dma_start3A_36 = tpu.memref_squeeze %dma_start3A_35 : memref<1x128x32xf32, #tpu.memory_space<vmem>> -> memref<128x32xf32, #tpu.memory_space<vmem>>
    %dma_start3A_37 = arith.constant 0 : i32
    %dma_start3A_38 = tpu.memref_slice %arg5[%dma_start3A_30, %dma_start3A_37] : memref<200x128xi32, #tpu.memory_space<vmem>> -> memref<1x128xi32, #tpu.memory_space<vmem>>
    %dma_start3A_39 = tpu.memref_squeeze %dma_start3A_38 : memref<1x128xi32, #tpu.memory_space<vmem>> -> memref<128xi32, #tpu.memory_space<vmem>>
    %dma_start3A_40 = arith.constant 0 : i32
    %dma_start3A_41 = arith.constant 0 : i32
    %dma_start3A_42 = tpu.memref_slice %arg3[%dma_start3A_40, %dma_start3A_41] : memref<1000000x32xf32, #tpu.memory_space<hbm>> -> memref<1000000x32xf32, #tpu.memory_space<hbm>>
    %dma_start3A_43 = tpu.memref_slice %arg9[%dma_start3A_32] : memref<4x!tpu.dma_semaphore, #tpu.memory_space<semaphore_mem>> -> memref<1x!tpu.dma_semaphore, #tpu.memory_space<semaphore_mem>>
    %dma_start3A_44 = tpu.memref_squeeze %dma_start3A_43 : memref<1x!tpu.dma_semaphore, #tpu.memory_space<semaphore_mem>> -> memref<!tpu.dma_semaphore, #tpu.memory_space<semaphore_mem>>
    tpu.enqueue_indirect_dma source(%dma_start3A_42 : memref<1000000x32xf32, #tpu.memory_space<hbm>>) target(%dma_start3A_36 : memref<128x32xf32, #tpu.memory_space<vmem>>) offsets(%dma_start3A_39 : memref<128xi32, #tpu.memory_space<vmem>>) semaphore(%dma_start3A_44 : memref<!tpu.dma_semaphore, #tpu.memory_space<semaphore_mem>>)
    %dma_start3A_45 = arith.constant 3 : i32
    %dma_start3A_46 = arith.constant 3 : i32
    %dma_start3A_47 = arith.constant 3 : i32
    %dma_start3A_48 = arith.constant 0 : i32
    %dma_start3A_49 = arith.constant 0 : i32
    %dma_start3A_50 = tpu.memref_slice %arg6[%dma_start3A_46, %dma_start3A_48, %dma_start3A_49] : memref<4x128x32xf32, #tpu.memory_space<vmem>> -> memref<1x128x32xf32, #tpu.memory_space<vmem>>
    %dma_start3A_51 = tpu.memref_squeeze %dma_start3A_50 : memref<1x128x32xf32, #tpu.memory_space<vmem>> -> memref<128x32xf32, #tpu.memory_space<vmem>>
    %dma_start3A_52 = arith.constant 0 : i32
    %dma_start3A_53 = tpu.memref_slice %arg5[%dma_start3A_45, %dma_start3A_52] : memref<200x128xi32, #tpu.memory_space<vmem>> -> memref<1x128xi32, #tpu.memory_space<vmem>>
    %dma_start3A_54 = tpu.memref_squeeze %dma_start3A_53 : memref<1x128xi32, #tpu.memory_space<vmem>> -> memref<128xi32, #tpu.memory_space<vmem>>
    %dma_start3A_55 = arith.constant 0 : i32
    %dma_start3A_56 = arith.constant 0 : i32
    %dma_start3A_57 = tpu.memref_slice %arg3[%dma_start3A_55, %dma_start3A_56] : memref<1000000x32xf32, #tpu.memory_space<hbm>> -> memref<1000000x32xf32, #tpu.memory_space<hbm>>
    %dma_start3A_58 = tpu.memref_slice %arg9[%dma_start3A_47] : memref<4x!tpu.dma_semaphore, #tpu.memory_space<semaphore_mem>> -> memref<1x!tpu.dma_semaphore, #tpu.memory_space<semaphore_mem>>
    %dma_start3A_59 = tpu.memref_squeeze %dma_start3A_58 : memref<1x!tpu.dma_semaphore, #tpu.memory_space<semaphore_mem>> -> memref<!tpu.dma_semaphore, #tpu.memory_space<semaphore_mem>>
    tpu.enqueue_indirect_dma source(%dma_start3A_57 : memref<1000000x32xf32, #tpu.memory_space<hbm>>) target(%dma_start3A_51 : memref<128x32xf32, #tpu.memory_space<vmem>>) offsets(%dma_start3A_54 : memref<128xi32, #tpu.memory_space<vmem>>) semaphore(%dma_start3A_59 : memref<!tpu.dma_semaphore, #tpu.memory_space<semaphore_mem>>)
    %scan3A = arith.constant 0 : i32
    %scan3A_60 = arith.constant 0 : i32
    %scan3A_61 = arith.constant 49 : i32
    %scan3A_62 = arith.addi %scan3A_60, %scan3A_61 : i32
    %scan3A_63 = arith.constant 1 : i32
    scf.for %scan3A_895 = %scan3A_60 to %scan3A_62 step %scan3A_63  : i32 {
      %mul3A_896 = arith.constant 4 : i32
      %mul3A_897 = arith.muli %scan3A_895, %mul3A_896 : i32
      %add3A_898 = arith.constant 0 : i32
      %add3A_899 = arith.addi %mul3A_897, %add3A_898 : i32
      %dma_wait3A_900 = arith.constant 0 : i32
      %dma_wait3A_901 = arith.constant 0 : i32
      %dma_wait3A_902 = arith.constant 0 : i32
      %dma_wait3A_903 = arith.constant 0 : i32
      %dma_wait3A_904 = tpu.memref_slice %arg6[%dma_wait3A_900, %dma_wait3A_902, %dma_wait3A_903] : memref<4x128x32xf32, #tpu.memory_space<vmem>> -> memref<1x128x32xf32, #tpu.memory_space<vmem>>
      %dma_wait3A_905 = tpu.memref_squeeze %dma_wait3A_904 : memref<1x128x32xf32, #tpu.memory_space<vmem>> -> memref<128x32xf32, #tpu.memory_space<vmem>>
      %dma_wait3A_906 = arith.constant 0 : i32
      %dma_wait3A_907 = tpu.memref_slice %arg5[%add3A_899, %dma_wait3A_906] : memref<200x128xi32, #tpu.memory_space<vmem>> -> memref<1x128xi32, #tpu.memory_space<vmem>>
      %dma_wait3A_908 = tpu.memref_squeeze %dma_wait3A_907 : memref<1x128xi32, #tpu.memory_space<vmem>> -> memref<128xi32, #tpu.memory_space<vmem>>
      %dma_wait3A_909 = arith.constant 0 : i32
      %dma_wait3A_910 = arith.constant 0 : i32
      %dma_wait3A_911 = tpu.memref_slice %arg3[%dma_wait3A_909, %dma_wait3A_910] : memref<1000000x32xf32, #tpu.memory_space<hbm>> -> memref<1000000x32xf32, #tpu.memory_space<hbm>>
      %dma_wait3A_912 = tpu.memref_slice %arg9[%dma_wait3A_901] : memref<4x!tpu.dma_semaphore, #tpu.memory_space<semaphore_mem>> -> memref<1x!tpu.dma_semaphore, #tpu.memory_space<semaphore_mem>>
      %dma_wait3A_913 = tpu.memref_squeeze %dma_wait3A_912 : memref<1x!tpu.dma_semaphore, #tpu.memory_space<semaphore_mem>> -> memref<!tpu.dma_semaphore, #tpu.memory_space<semaphore_mem>>
      tpu.wait_indirect_dma semaphore(%dma_wait3A_913 : memref<!tpu.dma_semaphore, #tpu.memory_space<semaphore_mem>>) src(%dma_wait3A_911 : memref<1000000x32xf32, #tpu.memory_space<hbm>>) dst(%dma_wait3A_905 : memref<128x32xf32, #tpu.memory_space<vmem>>)
      %ge3A = arith.constant 2 : i32
      %ge3A_914 = arith.cmpi sge, %add3A_899, %ge3A : i32
      %convert_element_type3A = arith.extui %ge3A_914 : i1 to i32
      %cond3A = arith.constant 0 : i32
      %cond3A_915 = arith.cmpi ne, %convert_element_type3A, %cond3A : i32
      scf.if %cond3A_915 {
        %sub3A = arith.constant 2 : i32
        %sub3A_1343 = arith.subi %add3A_899, %sub3A : i32
        %dma_wait3A_1344 = arith.constant 0 : i32
        %dma_wait3A_1345 = arith.constant 0 : i32
        %dma_wait3A_1346 = arith.constant 0 : i32
        %dma_wait3A_1347 = arith.constant 0 : i32
        %dma_wait3A_1348 = tpu.memref_slice %arg7[%dma_wait3A_1346, %dma_wait3A_1347] : memref<32x129xf32, #tpu.memory_space<vmem>> -> memref<8x128xf32, #tpu.memory_space<vmem>>
        %dma_wait3A_1349 = arith.constant 0 : i32
        %dma_wait3A_1350 = arith.constant 0 : i32
        %dma_wait3A_1351 = tpu.memref_slice %arg4[%sub3A_1343, %dma_wait3A_1344, %add3A, %dma_wait3A_1349, %dma_wait3A_1350] : memref<200x4x32x8x128xf32, #tpu.memory_space<hbm>> -> memref<1x1x1x8x128xf32, #tpu.memory_space<hbm>>
        %dma_wait3A_1352 = tpu.memref_squeeze %dma_wait3A_1351 : memref<1x1x1x8x128xf32, #tpu.memory_space<hbm>> -> memref<8x128xf32, #tpu.memory_space<hbm>>
        %dma_wait3A_1353 = tpu.memref_slice %arg10[%dma_wait3A_1345] : memref<2x!tpu.dma_semaphore, #tpu.memory_space<semaphore_mem>> -> memref<1x!tpu.dma_semaphore, #tpu.memory_space<semaphore_mem>>
        %dma_wait3A_1354 = tpu.memref_squeeze %dma_wait3A_1353 : memref<1x!tpu.dma_semaphore, #tpu.memory_space<semaphore_mem>> -> memref<!tpu.dma_semaphore, #tpu.memory_space<semaphore_mem>>
        %dma_wait3A_1355 = arith.constant 0 : i32
        %dma_wait3A_1356 = arith.constant 0 : i32
        %dma_wait3A_1357 = tpu.memref_slice %arg4[%sub3A_1343, %dma_wait3A_1344, %add3A, %dma_wait3A_1355, %dma_wait3A_1356] : memref<200x4x32x8x128xf32, #tpu.memory_space<hbm>> -> memref<1x1x1x8x128xf32, #tpu.memory_space<hbm>>
        %dma_wait3A_1358 = tpu.memref_squeeze %dma_wait3A_1357 : memref<1x1x1x8x128xf32, #tpu.memory_space<hbm>> -> memref<8x128xf32, #tpu.memory_space<hbm>>
        %dma_wait3A_1359 = arith.constant 0 : i32
        %dma_wait3A_1360 = arith.constant 0 : i32
        %dma_wait3A_1361 = tpu.memref_slice %arg7[%dma_wait3A_1359, %dma_wait3A_1360] : memref<32x129xf32, #tpu.memory_space<vmem>> -> memref<8x128xf32, #tpu.memory_space<vmem>>
        tpu.wait_dma2 semaphore(%dma_wait3A_1354 : memref<!tpu.dma_semaphore, #tpu.memory_space<semaphore_mem>>) src(%dma_wait3A_1361 : memref<8x128xf32, #tpu.memory_space<vmem>>) dst(%dma_wait3A_1358 : memref<8x128xf32, #tpu.memory_space<hbm>>)
        %sub3A_1362 = arith.constant 2 : i32
        %sub3A_1363 = arith.subi %add3A_899, %sub3A_1362 : i32
        %dma_wait3A_1364 = arith.constant 1 : i32
        %dma_wait3A_1365 = arith.constant 0 : i32
        %dma_wait3A_1366 = arith.constant 8 : i32
        %dma_wait3A_1367 = arith.constant 0 : i32
        %dma_wait3A_1368 = tpu.memref_slice %arg7[%dma_wait3A_1366, %dma_wait3A_1367] : memref<32x129xf32, #tpu.memory_space<vmem>> -> memref<8x128xf32, #tpu.memory_space<vmem>>
        %dma_wait3A_1369 = arith.constant 0 : i32
        %dma_wait3A_1370 = arith.constant 0 : i32
        %dma_wait3A_1371 = tpu.memref_slice %arg4[%sub3A_1363, %dma_wait3A_1364, %add3A, %dma_wait3A_1369, %dma_wait3A_1370] : memref<200x4x32x8x128xf32, #tpu.memory_space<hbm>> -> memref<1x1x1x8x128xf32, #tpu.memory_space<hbm>>
        %dma_wait3A_1372 = tpu.memref_squeeze %dma_wait3A_1371 : memref<1x1x1x8x128xf32, #tpu.memory_space<hbm>> -> memref<8x128xf32, #tpu.memory_space<hbm>>
        %dma_wait3A_1373 = tpu.memref_slice %arg10[%dma_wait3A_1365] : memref<2x!tpu.dma_semaphore, #tpu.memory_space<semaphore_mem>> -> memref<1x!tpu.dma_semaphore, #tpu.memory_space<semaphore_mem>>
        %dma_wait3A_1374 = tpu.memref_squeeze %dma_wait3A_1373 : memref<1x!tpu.dma_semaphore, #tpu.memory_space<semaphore_mem>> -> memref<!tpu.dma_semaphore, #tpu.memory_space<semaphore_mem>>
        %dma_wait3A_1375 = arith.constant 0 : i32
        %dma_wait3A_1376 = arith.constant 0 : i32
        %dma_wait3A_1377 = tpu.memref_slice %arg4[%sub3A_1363, %dma_wait3A_1364, %add3A, %dma_wait3A_1375, %dma_wait3A_1376] : memref<200x4x32x8x128xf32, #tpu.memory_space<hbm>> -> memref<1x1x1x8x128xf32, #tpu.memory_space<hbm>>
        %dma_wait3A_1378 = tpu.memref_squeeze %dma_wait3A_1377 : memref<1x1x1x8x128xf32, #tpu.memory_space<hbm>> -> memref<8x128xf32, #tpu.memory_space<hbm>>
        %dma_wait3A_1379 = arith.constant 8 : i32
        %dma_wait3A_1380 = arith.constant 0 : i32
        %dma_wait3A_1381 = tpu.memref_slice %arg7[%dma_wait3A_1379, %dma_wait3A_1380] : memref<32x129xf32, #tpu.memory_space<vmem>> -> memref<8x128xf32, #tpu.memory_space<vmem>>
        tpu.wait_dma2 semaphore(%dma_wait3A_1374 : memref<!tpu.dma_semaphore, #tpu.memory_space<semaphore_mem>>) src(%dma_wait3A_1381 : memref<8x128xf32, #tpu.memory_space<vmem>>) dst(%dma_wait3A_1378 : memref<8x128xf32, #tpu.memory_space<hbm>>)
        %sub3A_1382 = arith.constant 2 : i32
        %sub3A_1383 = arith.subi %add3A_899, %sub3A_1382 : i32
        %dma_wait3A_1384 = arith.constant 2 : i32
        %dma_wait3A_1385 = arith.constant 0 : i32
        %dma_wait3A_1386 = arith.constant 16 : i32
        %dma_wait3A_1387 = arith.constant 0 : i32
        %dma_wait3A_1388 = tpu.memref_slice %arg7[%dma_wait3A_1386, %dma_wait3A_1387] : memref<32x129xf32, #tpu.memory_space<vmem>> -> memref<8x128xf32, #tpu.memory_space<vmem>>
        %dma_wait3A_1389 = arith.constant 0 : i32
        %dma_wait3A_1390 = arith.constant 0 : i32
        %dma_wait3A_1391 = tpu.memref_slice %arg4[%sub3A_1383, %dma_wait3A_1384, %add3A, %dma_wait3A_1389, %dma_wait3A_1390] : memref<200x4x32x8x128xf32, #tpu.memory_space<hbm>> -> memref<1x1x1x8x128xf32, #tpu.memory_space<hbm>>
        %dma_wait3A_1392 = tpu.memref_squeeze %dma_wait3A_1391 : memref<1x1x1x8x128xf32, #tpu.memory_space<hbm>> -> memref<8x128xf32, #tpu.memory_space<hbm>>
        %dma_wait3A_1393 = tpu.memref_slice %arg10[%dma_wait3A_1385] : memref<2x!tpu.dma_semaphore, #tpu.memory_space<semaphore_mem>> -> memref<1x!tpu.dma_semaphore, #tpu.memory_space<semaphore_mem>>
        %dma_wait3A_1394 = tpu.memref_squeeze %dma_wait3A_1393 : memref<1x!tpu.dma_semaphore, #tpu.memory_space<semaphore_mem>> -> memref<!tpu.dma_semaphore, #tpu.memory_space<semaphore_mem>>
        %dma_wait3A_1395 = arith.constant 0 : i32
        %dma_wait3A_1396 = arith.constant 0 : i32
        %dma_wait3A_1397 = tpu.memref_slice %arg4[%sub3A_1383, %dma_wait3A_1384, %add3A, %dma_wait3A_1395, %dma_wait3A_1396] : memref<200x4x32x8x128xf32, #tpu.memory_space<hbm>> -> memref<1x1x1x8x128xf32, #tpu.memory_space<hbm>>
        %dma_wait3A_1398 = tpu.memref_squeeze %dma_wait3A_1397 : memref<1x1x1x8x128xf32, #tpu.memory_space<hbm>> -> memref<8x128xf32, #tpu.memory_space<hbm>>
        %dma_wait3A_1399 = arith.constant 16 : i32
        %dma_wait3A_1400 = arith.constant 0 : i32
        %dma_wait3A_1401 = tpu.memref_slice %arg7[%dma_wait3A_1399, %dma_wait3A_1400] : memref<32x129xf32, #tpu.memory_space<vmem>> -> memref<8x128xf32, #tpu.memory_space<vmem>>
        tpu.wait_dma2 semaphore(%dma_wait3A_1394 : memref<!tpu.dma_semaphore, #tpu.memory_space<semaphore_mem>>) src(%dma_wait3A_1401 : memref<8x128xf32, #tpu.memory_space<vmem>>) dst(%dma_wait3A_1398 : memref<8x128xf32, #tpu.memory_space<hbm>>)
        %sub3A_1402 = arith.constant 2 : i32
        %sub3A_1403 = arith.subi %add3A_899, %sub3A_1402 : i32
        %dma_wait3A_1404 = arith.constant 3 : i32
        %dma_wait3A_1405 = arith.constant 0 : i32
        %dma_wait3A_1406 = arith.constant 24 : i32
        %dma_wait3A_1407 = arith.constant 0 : i32
        %dma_wait3A_1408 = tpu.memref_slice %arg7[%dma_wait3A_1406, %dma_wait3A_1407] : memref<32x129xf32, #tpu.memory_space<vmem>> -> memref<8x128xf32, #tpu.memory_space<vmem>>
        %dma_wait3A_1409 = arith.constant 0 : i32
        %dma_wait3A_1410 = arith.constant 0 : i32
        %dma_wait3A_1411 = tpu.memref_slice %arg4[%sub3A_1403, %dma_wait3A_1404, %add3A, %dma_wait3A_1409, %dma_wait3A_1410] : memref<200x4x32x8x128xf32, #tpu.memory_space<hbm>> -> memref<1x1x1x8x128xf32, #tpu.memory_space<hbm>>
        %dma_wait3A_1412 = tpu.memref_squeeze %dma_wait3A_1411 : memref<1x1x1x8x128xf32, #tpu.memory_space<hbm>> -> memref<8x128xf32, #tpu.memory_space<hbm>>
        %dma_wait3A_1413 = tpu.memref_slice %arg10[%dma_wait3A_1405] : memref<2x!tpu.dma_semaphore, #tpu.memory_space<semaphore_mem>> -> memref<1x!tpu.dma_semaphore, #tpu.memory_space<semaphore_mem>>
        %dma_wait3A_1414 = tpu.memref_squeeze %dma_wait3A_1413 : memref<1x!tpu.dma_semaphore, #tpu.memory_space<semaphore_mem>> -> memref<!tpu.dma_semaphore, #tpu.memory_space<semaphore_mem>>
        %dma_wait3A_1415 = arith.constant 0 : i32
        %dma_wait3A_1416 = arith.constant 0 : i32
        %dma_wait3A_1417 = tpu.memref_slice %arg4[%sub3A_1403, %dma_wait3A_1404, %add3A, %dma_wait3A_1415, %dma_wait3A_1416] : memref<200x4x32x8x128xf32, #tpu.memory_space<hbm>> -> memref<1x1x1x8x128xf32, #tpu.memory_space<hbm>>
        %dma_wait3A_1418 = tpu.memref_squeeze %dma_wait3A_1417 : memref<1x1x1x8x128xf32, #tpu.memory_space<hbm>> -> memref<8x128xf32, #tpu.memory_space<hbm>>
        %dma_wait3A_1419 = arith.constant 24 : i32
        %dma_wait3A_1420 = arith.constant 0 : i32
        %dma_wait3A_1421 = tpu.memref_slice %arg7[%dma_wait3A_1419, %dma_wait3A_1420] : memref<32x129xf32, #tpu.memory_space<vmem>> -> memref<8x128xf32, #tpu.memory_space<vmem>>
        tpu.wait_dma2 semaphore(%dma_wait3A_1414 : memref<!tpu.dma_semaphore, #tpu.memory_space<semaphore_mem>>) src(%dma_wait3A_1421 : memref<8x128xf32, #tpu.memory_space<vmem>>) dst(%dma_wait3A_1418 : memref<8x128xf32, #tpu.memory_space<hbm>>)
      } else {
      }
      %parallel_loop3A_916 = arith.constant 0 : i32
      %parallel_loop3A_917 = arith.constant 128 : i32
      %parallel_loop3A_918 = arith.constant 1 : i32
      scf.for %parallel_loop3A_1343 = %parallel_loop3A_916 to %parallel_loop3A_917 step %parallel_loop3A_918  : i32 {
        %parallel_loop3A_1344 = vector.broadcast %parallel_loop3A_1343 : i32 to vector<16xi32>
        %parallel_loop3A_1345 = arith.constant 0 : i32
        %parallel_loop3A_1346 = arith.index_cast %parallel_loop3A_1345 : i32 to index
        %parallel_loop3A_1347 = arith.index_cast %parallel_loop3A_1343 : i32 to index
        %parallel_loop3A_1348 = arith.constant 0 : index
        %parallel_loop3A_1349 = tpu.vector_load %arg6[%parallel_loop3A_1346, %parallel_loop3A_1347, %parallel_loop3A_1348] {strides = array<i32>} : memref<4x128x32xf32, #tpu.memory_space<vmem>>, vector<16xf32>,
        %parallel_loop3A_1350 = arith.constant 0 : i32
        %parallel_loop3A_1351 = vector.broadcast %parallel_loop3A_1350 : i32 to vector<16xi32>
        %parallel_loop3A_1352 = arith.addi %iota3A, %parallel_loop3A_1351 : vector<16xi32>
        tpu.vector_store_idx %arg7[%parallel_loop3A_1352, %parallel_loop3A_1344], %parallel_loop3A_1349 : memref<32x129xf32, #tpu.memory_space<vmem>>[vector<16xi32>, vector<16xi32>], vector<16xf32>,
        %parallel_loop3A_1353 = arith.constant 0 : i32
        %parallel_loop3A_1354 = arith.index_cast %parallel_loop3A_1353 : i32 to index
        %parallel_loop3A_1355 = arith.index_cast %parallel_loop3A_1343 : i32 to index
        %parallel_loop3A_1356 = arith.constant 16 : index
        %parallel_loop3A_1357 = tpu.vector_load %arg6[%parallel_loop3A_1354, %parallel_loop3A_1355, %parallel_loop3A_1356] {strides = array<i32>} : memref<4x128x32xf32, #tpu.memory_space<vmem>>, vector<16xf32>,
        %parallel_loop3A_1358 = arith.constant 16 : i32
        %parallel_loop3A_1359 = vector.broadcast %parallel_loop3A_1358 : i32 to vector<16xi32>
        %parallel_loop3A_1360 = arith.addi %iota3A, %parallel_loop3A_1359 : vector<16xi32>
        tpu.vector_store_idx %arg7[%parallel_loop3A_1360, %parallel_loop3A_1344], %parallel_loop3A_1357 : memref<32x129xf32, #tpu.memory_space<vmem>>[vector<16xi32>, vector<16xi32>], vector<16xf32>,
      } {sc.loop_unroll_factor = 16 : i64, sc.parallel_access}
      %dma_start3A_919 = arith.constant 0 : i32
      %dma_start3A_920 = arith.constant 0 : i32
      %dma_start3A_921 = arith.constant 0 : i32
      %dma_start3A_922 = arith.constant 0 : i32
      %dma_start3A_923 = tpu.memref_slice %arg7[%dma_start3A_921, %dma_start3A_922] : memref<32x129xf32, #tpu.memory_space<vmem>> -> memref<8x128xf32, #tpu.memory_space<vmem>>
      %dma_start3A_924 = arith.constant 0 : i32
      %dma_start3A_925 = arith.constant 0 : i32
      %dma_start3A_926 = tpu.memref_slice %arg4[%add3A_899, %dma_start3A_919, %add3A, %dma_start3A_924, %dma_start3A_925] : memref<200x4x32x8x128xf32, #tpu.memory_space<hbm>> -> memref<1x1x1x8x128xf32, #tpu.memory_space<hbm>>
      %dma_start3A_927 = tpu.memref_squeeze %dma_start3A_926 : memref<1x1x1x8x128xf32, #tpu.memory_space<hbm>> -> memref<8x128xf32, #tpu.memory_space<hbm>>
      %dma_start3A_928 = tpu.memref_slice %arg10[%dma_start3A_920] : memref<2x!tpu.dma_semaphore, #tpu.memory_space<semaphore_mem>> -> memref<1x!tpu.dma_semaphore, #tpu.memory_space<semaphore_mem>>
      %dma_start3A_929 = tpu.memref_squeeze %dma_start3A_928 : memref<1x!tpu.dma_semaphore, #tpu.memory_space<semaphore_mem>> -> memref<!tpu.dma_semaphore, #tpu.memory_space<semaphore_mem>>
      %dma_start3A_930 = arith.constant 0 : i32
      %dma_start3A_931 = arith.constant 0 : i32
      %dma_start3A_932 = tpu.memref_slice %arg4[%add3A_899, %dma_start3A_919, %add3A, %dma_start3A_930, %dma_start3A_931] : memref<200x4x32x8x128xf32, #tpu.memory_space<hbm>> -> memref<1x1x1x8x128xf32, #tpu.memory_space<hbm>>
      %dma_start3A_933 = tpu.memref_squeeze %dma_start3A_932 : memref<1x1x1x8x128xf32, #tpu.memory_space<hbm>> -> memref<8x128xf32, #tpu.memory_space<hbm>>
      %dma_start3A_934 = arith.constant 0 : i32
      %dma_start3A_935 = arith.constant 0 : i32
      %dma_start3A_936 = tpu.memref_slice %arg7[%dma_start3A_934, %dma_start3A_935] : memref<32x129xf32, #tpu.memory_space<vmem>> -> memref<8x128xf32, #tpu.memory_space<vmem>>
      tpu.enqueue_dma source(%dma_start3A_936 : memref<8x128xf32, #tpu.memory_space<vmem>>) target(%dma_start3A_933 : memref<8x128xf32, #tpu.memory_space<hbm>>) target_semaphore(%dma_start3A_929 : memref<!tpu.dma_semaphore, #tpu.memory_space<semaphore_mem>>)
      %dma_start3A_937 = arith.constant 1 : i32
      %dma_start3A_938 = arith.constant 0 : i32
      %dma_start3A_939 = arith.constant 8 : i32
      %dma_start3A_940 = arith.constant 0 : i32
      %dma_start3A_941 = tpu.memref_slice %arg7[%dma_start3A_939, %dma_start3A_940] : memref<32x129xf32, #tpu.memory_space<vmem>> -> memref<8x128xf32, #tpu.memory_space<vmem>>
      %dma_start3A_942 = arith.constant 0 : i32
      %dma_start3A_943 = arith.constant 0 : i32
      %dma_start3A_944 = tpu.memref_slice %arg4[%add3A_899, %dma_start3A_937, %add3A, %dma_start3A_942, %dma_start3A_943] : memref<200x4x32x8x128xf32, #tpu.memory_space<hbm>> -> memref<1x1x1x8x128xf32, #tpu.memory_space<hbm>>
      %dma_start3A_945 = tpu.memref_squeeze %dma_start3A_944 : memref<1x1x1x8x128xf32, #tpu.memory_space<hbm>> -> memref<8x128xf32, #tpu.memory_space<hbm>>
      %dma_start3A_946 = tpu.memref_slice %arg10[%dma_start3A_938] : memref<2x!tpu.dma_semaphore, #tpu.memory_space<semaphore_mem>> -> memref<1x!tpu.dma_semaphore, #tpu.memory_space<semaphore_mem>>
      %dma_start3A_947 = tpu.memref_squeeze %dma_start3A_946 : memref<1x!tpu.dma_semaphore, #tpu.memory_space<semaphore_mem>> -> memref<!tpu.dma_semaphore, #tpu.memory_space<semaphore_mem>>
      %dma_start3A_948 = arith.constant 0 : i32
      %dma_start3A_949 = arith.constant 0 : i32
      %dma_start3A_950 = tpu.memref_slice %arg4[%add3A_899, %dma_start3A_937, %add3A, %dma_start3A_948, %dma_start3A_949] : memref<200x4x32x8x128xf32, #tpu.memory_space<hbm>> -> memref<1x1x1x8x128xf32, #tpu.memory_space<hbm>>
      %dma_start3A_951 = tpu.memref_squeeze %dma_start3A_950 : memref<1x1x1x8x128xf32, #tpu.memory_space<hbm>> -> memref<8x128xf32, #tpu.memory_space<hbm>>
      %dma_start3A_952 = arith.constant 8 : i32
      %dma_start3A_953 = arith.constant 0 : i32
      %dma_start3A_954 = tpu.memref_slice %arg7[%dma_start3A_952, %dma_start3A_953] : memref<32x129xf32, #tpu.memory_space<vmem>> -> memref<8x128xf32, #tpu.memory_space<vmem>>
      tpu.enqueue_dma source(%dma_start3A_954 : memref<8x128xf32, #tpu.memory_space<vmem>>) target(%dma_start3A_951 : memref<8x128xf32, #tpu.memory_space<hbm>>) target_semaphore(%dma_start3A_947 : memref<!tpu.dma_semaphore, #tpu.memory_space<semaphore_mem>>)
      %dma_start3A_955 = arith.constant 2 : i32
      %dma_start3A_956 = arith.constant 0 : i32
      %dma_start3A_957 = arith.constant 16 : i32
      %dma_start3A_958 = arith.constant 0 : i32
      %dma_start3A_959 = tpu.memref_slice %arg7[%dma_start3A_957, %dma_start3A_958] : memref<32x129xf32, #tpu.memory_space<vmem>> -> memref<8x128xf32, #tpu.memory_space<vmem>>
      %dma_start3A_960 = arith.constant 0 : i32
      %dma_start3A_961 = arith.constant 0 : i32
      %dma_start3A_962 = tpu.memref_slice %arg4[%add3A_899, %dma_start3A_955, %add3A, %dma_start3A_960, %dma_start3A_961] : memref<200x4x32x8x128xf32, #tpu.memory_space<hbm>> -> memref<1x1x1x8x128xf32, #tpu.memory_space<hbm>>
      %dma_start3A_963 = tpu.memref_squeeze %dma_start3A_962 : memref<1x1x1x8x128xf32, #tpu.memory_space<hbm>> -> memref<8x128xf32, #tpu.memory_space<hbm>>
      %dma_start3A_964 = tpu.memref_slice %arg10[%dma_start3A_956] : memref<2x!tpu.dma_semaphore, #tpu.memory_space<semaphore_mem>> -> memref<1x!tpu.dma_semaphore, #tpu.memory_space<semaphore_mem>>
      %dma_start3A_965 = tpu.memref_squeeze %dma_start3A_964 : memref<1x!tpu.dma_semaphore, #tpu.memory_space<semaphore_mem>> -> memref<!tpu.dma_semaphore, #tpu.memory_space<semaphore_mem>>
      %dma_start3A_966 = arith.constant 0 : i32
      %dma_start3A_967 = arith.constant 0 : i32
      %dma_start3A_968 = tpu.memref_slice %arg4[%add3A_899, %dma_start3A_955, %add3A, %dma_start3A_966, %dma_start3A_967] : memref<200x4x32x8x128xf32, #tpu.memory_space<hbm>> -> memref<1x1x1x8x128xf32, #tpu.memory_space<hbm>>
      %dma_start3A_969 = tpu.memref_squeeze %dma_start3A_968 : memref<1x1x1x8x128xf32, #tpu.memory_space<hbm>> -> memref<8x128xf32, #tpu.memory_space<hbm>>
      %dma_start3A_970 = arith.constant 16 : i32
      %dma_start3A_971 = arith.constant 0 : i32
      %dma_start3A_972 = tpu.memref_slice %arg7[%dma_start3A_970, %dma_start3A_971] : memref<32x129xf32, #tpu.memory_space<vmem>> -> memref<8x128xf32, #tpu.memory_space<vmem>>
      tpu.enqueue_dma source(%dma_start3A_972 : memref<8x128xf32, #tpu.memory_space<vmem>>) target(%dma_start3A_969 : memref<8x128xf32, #tpu.memory_space<hbm>>) target_semaphore(%dma_start3A_965 : memref<!tpu.dma_semaphore, #tpu.memory_space<semaphore_mem>>)
      %dma_start3A_973 = arith.constant 3 : i32
      %dma_start3A_974 = arith.constant 0 : i32
      %dma_start3A_975 = arith.constant 24 : i32
      %dma_start3A_976 = arith.constant 0 : i32
      %dma_start3A_977 = tpu.memref_slice %arg7[%dma_start3A_975, %dma_start3A_976] : memref<32x129xf32, #tpu.memory_space<vmem>> -> memref<8x128xf32, #tpu.memory_space<vmem>>
      %dma_start3A_978 = arith.constant 0 : i32
      %dma_start3A_979 = arith.constant 0 : i32
      %dma_start3A_980 = tpu.memref_slice %arg4[%add3A_899, %dma_start3A_973, %add3A, %dma_start3A_978, %dma_start3A_979] : memref<200x4x32x8x128xf32, #tpu.memory_space<hbm>> -> memref<1x1x1x8x128xf32, #tpu.memory_space<hbm>>
      %dma_start3A_981 = tpu.memref_squeeze %dma_start3A_980 : memref<1x1x1x8x128xf32, #tpu.memory_space<hbm>> -> memref<8x128xf32, #tpu.memory_space<hbm>>
      %dma_start3A_982 = tpu.memref_slice %arg10[%dma_start3A_974] : memref<2x!tpu.dma_semaphore, #tpu.memory_space<semaphore_mem>> -> memref<1x!tpu.dma_semaphore, #tpu.memory_space<semaphore_mem>>
      %dma_start3A_983 = tpu.memref_squeeze %dma_start3A_982 : memref<1x!tpu.dma_semaphore, #tpu.memory_space<semaphore_mem>> -> memref<!tpu.dma_semaphore, #tpu.memory_space<semaphore_mem>>
      %dma_start3A_984 = arith.constant 0 : i32
      %dma_start3A_985 = arith.constant 0 : i32
      %dma_start3A_986 = tpu.memref_slice %arg4[%add3A_899, %dma_start3A_973, %add3A, %dma_start3A_984, %dma_start3A_985] : memref<200x4x32x8x128xf32, #tpu.memory_space<hbm>> -> memref<1x1x1x8x128xf32, #tpu.memory_space<hbm>>
      %dma_start3A_987 = tpu.memref_squeeze %dma_start3A_986 : memref<1x1x1x8x128xf32, #tpu.memory_space<hbm>> -> memref<8x128xf32, #tpu.memory_space<hbm>>
      %dma_start3A_988 = arith.constant 24 : i32
      %dma_start3A_989 = arith.constant 0 : i32
      %dma_start3A_990 = tpu.memref_slice %arg7[%dma_start3A_988, %dma_start3A_989] : memref<32x129xf32, #tpu.memory_space<vmem>> -> memref<8x128xf32, #tpu.memory_space<vmem>>
      tpu.enqueue_dma source(%dma_start3A_990 : memref<8x128xf32, #tpu.memory_space<vmem>>) target(%dma_start3A_987 : memref<8x128xf32, #tpu.memory_space<hbm>>) target_semaphore(%dma_start3A_983 : memref<!tpu.dma_semaphore, #tpu.memory_space<semaphore_mem>>)
      %add3A_991 = arith.constant 4 : i32
      %add3A_992 = arith.addi %add3A_899, %add3A_991 : i32
      %dma_start3A_993 = arith.constant 0 : i32
      %dma_start3A_994 = arith.constant 0 : i32
      %dma_start3A_995 = arith.constant 0 : i32
      %dma_start3A_996 = arith.constant 0 : i32
      %dma_start3A_997 = tpu.memref_slice %arg6[%dma_start3A_993, %dma_start3A_995, %dma_start3A_996] : memref<4x128x32xf32, #tpu.memory_space<vmem>> -> memref<1x128x32xf32, #tpu.memory_space<vmem>>
      %dma_start3A_998 = tpu.memref_squeeze %dma_start3A_997 : memref<1x128x32xf32, #tpu.memory_space<vmem>> -> memref<128x32xf32, #tpu.memory_space<vmem>>
      %dma_start3A_999 = arith.constant 0 : i32
      %dma_start3A_1000 = tpu.memref_slice %arg5[%add3A_992, %dma_start3A_999] : memref<200x128xi32, #tpu.memory_space<vmem>> -> memref<1x128xi32, #tpu.memory_space<vmem>>
      %dma_start3A_1001 = tpu.memref_squeeze %dma_start3A_1000 : memref<1x128xi32, #tpu.memory_space<vmem>> -> memref<128xi32, #tpu.memory_space<vmem>>
      %dma_start3A_1002 = arith.constant 0 : i32
      %dma_start3A_1003 = arith.constant 0 : i32
      %dma_start3A_1004 = tpu.memref_slice %arg3[%dma_start3A_1002, %dma_start3A_1003] : memref<1000000x32xf32, #tpu.memory_space<hbm>> -> memref<1000000x32xf32, #tpu.memory_space<hbm>>
      %dma_start3A_1005 = tpu.memref_slice %arg9[%dma_start3A_994] : memref<4x!tpu.dma_semaphore, #tpu.memory_space<semaphore_mem>> -> memref<1x!tpu.dma_semaphore, #tpu.memory_space<semaphore_mem>>
      %dma_start3A_1006 = tpu.memref_squeeze %dma_start3A_1005 : memref<1x!tpu.dma_semaphore, #tpu.memory_space<semaphore_mem>> -> memref<!tpu.dma_semaphore, #tpu.memory_space<semaphore_mem>>
      tpu.enqueue_indirect_dma source(%dma_start3A_1004 : memref<1000000x32xf32, #tpu.memory_space<hbm>>) target(%dma_start3A_998 : memref<128x32xf32, #tpu.memory_space<vmem>>) offsets(%dma_start3A_1001 : memref<128xi32, #tpu.memory_space<vmem>>) semaphore(%dma_start3A_1006 : memref<!tpu.dma_semaphore, #tpu.memory_space<semaphore_mem>>)
      %add3A_1007 = arith.constant 1 : i32
      %add3A_1008 = arith.addi %mul3A_897, %add3A_1007 : i32
      %dma_wait3A_1009 = arith.constant 1 : i32
      %dma_wait3A_1010 = arith.constant 1 : i32
      %dma_wait3A_1011 = arith.constant 0 : i32
      %dma_wait3A_1012 = arith.constant 0 : i32
      %dma_wait3A_1013 = tpu.memref_slice %arg6[%dma_wait3A_1009, %dma_wait3A_1011, %dma_wait3A_1012] : memref<4x128x32xf32, #tpu.memory_space<vmem>> -> memref<1x128x32xf32, #tpu.memory_space<vmem>>
      %dma_wait3A_1014 = tpu.memref_squeeze %dma_wait3A_1013 : memref<1x128x32xf32, #tpu.memory_space<vmem>> -> memref<128x32xf32, #tpu.memory_space<vmem>>
      %dma_wait3A_1015 = arith.constant 0 : i32
      %dma_wait3A_1016 = tpu.memref_slice %arg5[%add3A_1008, %dma_wait3A_1015] : memref<200x128xi32, #tpu.memory_space<vmem>> -> memref<1x128xi32, #tpu.memory_space<vmem>>
      %dma_wait3A_1017 = tpu.memref_squeeze %dma_wait3A_1016 : memref<1x128xi32, #tpu.memory_space<vmem>> -> memref<128xi32, #tpu.memory_space<vmem>>
      %dma_wait3A_1018 = arith.constant 0 : i32
      %dma_wait3A_1019 = arith.constant 0 : i32
      %dma_wait3A_1020 = tpu.memref_slice %arg3[%dma_wait3A_1018, %dma_wait3A_1019] : memref<1000000x32xf32, #tpu.memory_space<hbm>> -> memref<1000000x32xf32, #tpu.memory_space<hbm>>
      %dma_wait3A_1021 = tpu.memref_slice %arg9[%dma_wait3A_1010] : memref<4x!tpu.dma_semaphore, #tpu.memory_space<semaphore_mem>> -> memref<1x!tpu.dma_semaphore, #tpu.memory_space<semaphore_mem>>
      %dma_wait3A_1022 = tpu.memref_squeeze %dma_wait3A_1021 : memref<1x!tpu.dma_semaphore, #tpu.memory_space<semaphore_mem>> -> memref<!tpu.dma_semaphore, #tpu.memory_space<semaphore_mem>>
      tpu.wait_indirect_dma semaphore(%dma_wait3A_1022 : memref<!tpu.dma_semaphore, #tpu.memory_space<semaphore_mem>>) src(%dma_wait3A_1020 : memref<1000000x32xf32, #tpu.memory_space<hbm>>) dst(%dma_wait3A_1014 : memref<128x32xf32, #tpu.memory_space<vmem>>)
      %ge3A_1023 = arith.constant 2 : i32
      %ge3A_1024 = arith.cmpi sge, %add3A_1008, %ge3A_1023 : i32
      %convert_element_type3A_1025 = arith.extui %ge3A_1024 : i1 to i32
      %cond3A_1026 = arith.constant 0 : i32
      %cond3A_1027 = arith.cmpi ne, %convert_element_type3A_1025, %cond3A_1026 : i32
      scf.if %cond3A_1027 {
        %sub3A = arith.constant 2 : i32
        %sub3A_1343 = arith.subi %add3A_1008, %sub3A : i32
        %dma_wait3A_1344 = arith.constant 0 : i32
        %dma_wait3A_1345 = arith.constant 1 : i32
        %dma_wait3A_1346 = arith.constant 0 : i32
        %dma_wait3A_1347 = arith.constant 0 : i32
        %dma_wait3A_1348 = tpu.memref_slice %arg8[%dma_wait3A_1346, %dma_wait3A_1347] : memref<32x129xf32, #tpu.memory_space<vmem>> -> memref<8x128xf32, #tpu.memory_space<vmem>>
        %dma_wait3A_1349 = arith.constant 0 : i32
        %dma_wait3A_1350 = arith.constant 0 : i32
        %dma_wait3A_1351 = tpu.memref_slice %arg4[%sub3A_1343, %dma_wait3A_1344, %add3A, %dma_wait3A_1349, %dma_wait3A_1350] : memref<200x4x32x8x128xf32, #tpu.memory_space<hbm>> -> memref<1x1x1x8x128xf32, #tpu.memory_space<hbm>>
        %dma_wait3A_1352 = tpu.memref_squeeze %dma_wait3A_1351 : memref<1x1x1x8x128xf32, #tpu.memory_space<hbm>> -> memref<8x128xf32, #tpu.memory_space<hbm>>
        %dma_wait3A_1353 = tpu.memref_slice %arg10[%dma_wait3A_1345] : memref<2x!tpu.dma_semaphore, #tpu.memory_space<semaphore_mem>> -> memref<1x!tpu.dma_semaphore, #tpu.memory_space<semaphore_mem>>
        %dma_wait3A_1354 = tpu.memref_squeeze %dma_wait3A_1353 : memref<1x!tpu.dma_semaphore, #tpu.memory_space<semaphore_mem>> -> memref<!tpu.dma_semaphore, #tpu.memory_space<semaphore_mem>>
        %dma_wait3A_1355 = arith.constant 0 : i32
        %dma_wait3A_1356 = arith.constant 0 : i32
        %dma_wait3A_1357 = tpu.memref_slice %arg4[%sub3A_1343, %dma_wait3A_1344, %add3A, %dma_wait3A_1355, %dma_wait3A_1356] : memref<200x4x32x8x128xf32, #tpu.memory_space<hbm>> -> memref<1x1x1x8x128xf32, #tpu.memory_space<hbm>>
        %dma_wait3A_1358 = tpu.memref_squeeze %dma_wait3A_1357 : memref<1x1x1x8x128xf32, #tpu.memory_space<hbm>> -> memref<8x128xf32, #tpu.memory_space<hbm>>
        %dma_wait3A_1359 = arith.constant 0 : i32
        %dma_wait3A_1360 = arith.constant 0 : i32
        %dma_wait3A_1361 = tpu.memref_slice %arg8[%dma_wait3A_1359, %dma_wait3A_1360] : memref<32x129xf32, #tpu.memory_space<vmem>> -> memref<8x128xf32, #tpu.memory_space<vmem>>
        tpu.wait_dma2 semaphore(%dma_wait3A_1354 : memref<!tpu.dma_semaphore, #tpu.memory_space<semaphore_mem>>) src(%dma_wait3A_1361 : memref<8x128xf32, #tpu.memory_space<vmem>>) dst(%dma_wait3A_1358 : memref<8x128xf32, #tpu.memory_space<hbm>>)
        %sub3A_1362 = arith.constant 2 : i32
        %sub3A_1363 = arith.subi %add3A_1008, %sub3A_1362 : i32
        %dma_wait3A_1364 = arith.constant 1 : i32
        %dma_wait3A_1365 = arith.constant 1 : i32
        %dma_wait3A_1366 = arith.constant 8 : i32
        %dma_wait3A_1367 = arith.constant 0 : i32
        %dma_wait3A_1368 = tpu.memref_slice %arg8[%dma_wait3A_1366, %dma_wait3A_1367] : memref<32x129xf32, #tpu.memory_space<vmem>> -> memref<8x128xf32, #tpu.memory_space<vmem>>
        %dma_wait3A_1369 = arith.constant 0 : i32
        %dma_wait3A_1370 = arith.constant 0 : i32
        %dma_wait3A_1371 = tpu.memref_slice %arg4[%sub3A_1363, %dma_wait3A_1364, %add3A, %dma_wait3A_1369, %dma_wait3A_1370] : memref<200x4x32x8x128xf32, #tpu.memory_space<hbm>> -> memref<1x1x1x8x128xf32, #tpu.memory_space<hbm>>
        %dma_wait3A_1372 = tpu.memref_squeeze %dma_wait3A_1371 : memref<1x1x1x8x128xf32, #tpu.memory_space<hbm>> -> memref<8x128xf32, #tpu.memory_space<hbm>>
        %dma_wait3A_1373 = tpu.memref_slice %arg10[%dma_wait3A_1365] : memref<2x!tpu.dma_semaphore, #tpu.memory_space<semaphore_mem>> -> memref<1x!tpu.dma_semaphore, #tpu.memory_space<semaphore_mem>>
        %dma_wait3A_1374 = tpu.memref_squeeze %dma_wait3A_1373 : memref<1x!tpu.dma_semaphore, #tpu.memory_space<semaphore_mem>> -> memref<!tpu.dma_semaphore, #tpu.memory_space<semaphore_mem>>
        %dma_wait3A_1375 = arith.constant 0 : i32
        %dma_wait3A_1376 = arith.constant 0 : i32
        %dma_wait3A_1377 = tpu.memref_slice %arg4[%sub3A_1363, %dma_wait3A_1364, %add3A, %dma_wait3A_1375, %dma_wait3A_1376] : memref<200x4x32x8x128xf32, #tpu.memory_space<hbm>> -> memref<1x1x1x8x128xf32, #tpu.memory_space<hbm>>
        %dma_wait3A_1378 = tpu.memref_squeeze %dma_wait3A_1377 : memref<1x1x1x8x128xf32, #tpu.memory_space<hbm>> -> memref<8x128xf32, #tpu.memory_space<hbm>>
        %dma_wait3A_1379 = arith.constant 8 : i32
        %dma_wait3A_1380 = arith.constant 0 : i32
        %dma_wait3A_1381 = tpu.memref_slice %arg8[%dma_wait3A_1379, %dma_wait3A_1380] : memref<32x129xf32, #tpu.memory_space<vmem>> -> memref<8x128xf32, #tpu.memory_space<vmem>>
        tpu.wait_dma2 semaphore(%dma_wait3A_1374 : memref<!tpu.dma_semaphore, #tpu.memory_space<semaphore_mem>>) src(%dma_wait3A_1381 : memref<8x128xf32, #tpu.memory_space<vmem>>) dst(%dma_wait3A_1378 : memref<8x128xf32, #tpu.memory_space<hbm>>)
        %sub3A_1382 = arith.constant 2 : i32
        %sub3A_1383 = arith.subi %add3A_1008, %sub3A_1382 : i32
        %dma_wait3A_1384 = arith.constant 2 : i32
        %dma_wait3A_1385 = arith.constant 1 : i32
        %dma_wait3A_1386 = arith.constant 16 : i32
        %dma_wait3A_1387 = arith.constant 0 : i32
        %dma_wait3A_1388 = tpu.memref_slice %arg8[%dma_wait3A_1386, %dma_wait3A_1387] : memref<32x129xf32, #tpu.memory_space<vmem>> -> memref<8x128xf32, #tpu.memory_space<vmem>>
        %dma_wait3A_1389 = arith.constant 0 : i32
        %dma_wait3A_1390 = arith.constant 0 : i32
        %dma_wait3A_1391 = tpu.memref_slice %arg4[%sub3A_1383, %dma_wait3A_1384, %add3A, %dma_wait3A_1389, %dma_wait3A_1390] : memref<200x4x32x8x128xf32, #tpu.memory_space<hbm>> -> memref<1x1x1x8x128xf32, #tpu.memory_space<hbm>>
        %dma_wait3A_1392 = tpu.memref_squeeze %dma_wait3A_1391 : memref<1x1x1x8x128xf32, #tpu.memory_space<hbm>> -> memref<8x128xf32, #tpu.memory_space<hbm>>
        %dma_wait3A_1393 = tpu.memref_slice %arg10[%dma_wait3A_1385] : memref<2x!tpu.dma_semaphore, #tpu.memory_space<semaphore_mem>> -> memref<1x!tpu.dma_semaphore, #tpu.memory_space<semaphore_mem>>
        %dma_wait3A_1394 = tpu.memref_squeeze %dma_wait3A_1393 : memref<1x!tpu.dma_semaphore, #tpu.memory_space<semaphore_mem>> -> memref<!tpu.dma_semaphore, #tpu.memory_space<semaphore_mem>>
        %dma_wait3A_1395 = arith.constant 0 : i32
        %dma_wait3A_1396 = arith.constant 0 : i32
        %dma_wait3A_1397 = tpu.memref_slice %arg4[%sub3A_1383, %dma_wait3A_1384, %add3A, %dma_wait3A_1395, %dma_wait3A_1396] : memref<200x4x32x8x128xf32, #tpu.memory_space<hbm>> -> memref<1x1x1x8x128xf32, #tpu.memory_space<hbm>>
        %dma_wait3A_1398 = tpu.memref_squeeze %dma_wait3A_1397 : memref<1x1x1x8x128xf32, #tpu.memory_space<hbm>> -> memref<8x128xf32, #tpu.memory_space<hbm>>
        %dma_wait3A_1399 = arith.constant 16 : i32
        %dma_wait3A_1400 = arith.constant 0 : i32
        %dma_wait3A_1401 = tpu.memref_slice %arg8[%dma_wait3A_1399, %dma_wait3A_1400] : memref<32x129xf32, #tpu.memory_space<vmem>> -> memref<8x128xf32, #tpu.memory_space<vmem>>
        tpu.wait_dma2 semaphore(%dma_wait3A_1394 : memref<!tpu.dma_semaphore, #tpu.memory_space<semaphore_mem>>) src(%dma_wait3A_1401 : memref<8x128xf32, #tpu.memory_space<vmem>>) dst(%dma_wait3A_1398 : memref<8x128xf32, #tpu.memory_space<hbm>>)
        %sub3A_1402 = arith.constant 2 : i32
        %sub3A_1403 = arith.subi %add3A_1008, %sub3A_1402 : i32
        %dma_wait3A_1404 = arith.constant 3 : i32
        %dma_wait3A_1405 = arith.constant 1 : i32
        %dma_wait3A_1406 = arith.constant 24 : i32
        %dma_wait3A_1407 = arith.constant 0 : i32
        %dma_wait3A_1408 = tpu.memref_slice %arg8[%dma_wait3A_1406, %dma_wait3A_1407] : memref<32x129xf32, #tpu.memory_space<vmem>> -> memref<8x128xf32, #tpu.memory_space<vmem>>
        %dma_wait3A_1409 = arith.constant 0 : i32
        %dma_wait3A_1410 = arith.constant 0 : i32
        %dma_wait3A_1411 = tpu.memref_slice %arg4[%sub3A_1403, %dma_wait3A_1404, %add3A, %dma_wait3A_1409, %dma_wait3A_1410] : memref<200x4x32x8x128xf32, #tpu.memory_space<hbm>> -> memref<1x1x1x8x128xf32, #tpu.memory_space<hbm>>
        %dma_wait3A_1412 = tpu.memref_squeeze %dma_wait3A_1411 : memref<1x1x1x8x128xf32, #tpu.memory_space<hbm>> -> memref<8x128xf32, #tpu.memory_space<hbm>>
        %dma_wait3A_1413 = tpu.memref_slice %arg10[%dma_wait3A_1405] : memref<2x!tpu.dma_semaphore, #tpu.memory_space<semaphore_mem>> -> memref<1x!tpu.dma_semaphore, #tpu.memory_space<semaphore_mem>>
        %dma_wait3A_1414 = tpu.memref_squeeze %dma_wait3A_1413 : memref<1x!tpu.dma_semaphore, #tpu.memory_space<semaphore_mem>> -> memref<!tpu.dma_semaphore, #tpu.memory_space<semaphore_mem>>
        %dma_wait3A_1415 = arith.constant 0 : i32
        %dma_wait3A_1416 = arith.constant 0 : i32
        %dma_wait3A_1417 = tpu.memref_slice %arg4[%sub3A_1403, %dma_wait3A_1404, %add3A, %dma_wait3A_1415, %dma_wait3A_1416] : memref<200x4x32x8x128xf32, #tpu.memory_space<hbm>> -> memref<1x1x1x8x128xf32, #tpu.memory_space<hbm>>
        %dma_wait3A_1418 = tpu.memref_squeeze %dma_wait3A_1417 : memref<1x1x1x8x128xf32, #tpu.memory_space<hbm>> -> memref<8x128xf32, #tpu.memory_space<hbm>>
        %dma_wait3A_1419 = arith.constant 24 : i32
        %dma_wait3A_1420 = arith.constant 0 : i32
        %dma_wait3A_1421 = tpu.memref_slice %arg8[%dma_wait3A_1419, %dma_wait3A_1420] : memref<32x129xf32, #tpu.memory_space<vmem>> -> memref<8x128xf32, #tpu.memory_space<vmem>>
        tpu.wait_dma2 semaphore(%dma_wait3A_1414 : memref<!tpu.dma_semaphore, #tpu.memory_space<semaphore_mem>>) src(%dma_wait3A_1421 : memref<8x128xf32, #tpu.memory_space<vmem>>) dst(%dma_wait3A_1418 : memref<8x128xf32, #tpu.memory_space<hbm>>)
      } else {
      }
      %parallel_loop3A_1028 = arith.constant 0 : i32
      %parallel_loop3A_1029 = arith.constant 128 : i32
      %parallel_loop3A_1030 = arith.constant 1 : i32
      scf.for %parallel_loop3A_1343 = %parallel_loop3A_1028 to %parallel_loop3A_1029 step %parallel_loop3A_1030  : i32 {
        %parallel_loop3A_1344 = vector.broadcast %parallel_loop3A_1343 : i32 to vector<16xi32>
        %parallel_loop3A_1345 = arith.constant 1 : i32
        %parallel_loop3A_1346 = arith.index_cast %parallel_loop3A_1345 : i32 to index
        %parallel_loop3A_1347 = arith.index_cast %parallel_loop3A_1343 : i32 to index
        %parallel_loop3A_1348 = arith.constant 0 : index
        %parallel_loop3A_1349 = tpu.vector_load %arg6[%parallel_loop3A_1346, %parallel_loop3A_1347, %parallel_loop3A_1348] {strides = array<i32>} : memref<4x128x32xf32, #tpu.memory_space<vmem>>, vector<16xf32>,
        %parallel_loop3A_1350 = arith.constant 0 : i32
        %parallel_loop3A_1351 = vector.broadcast %parallel_loop3A_1350 : i32 to vector<16xi32>
        %parallel_loop3A_1352 = arith.addi %iota3A, %parallel_loop3A_1351 : vector<16xi32>
        tpu.vector_store_idx %arg8[%parallel_loop3A_1352, %parallel_loop3A_1344], %parallel_loop3A_1349 : memref<32x129xf32, #tpu.memory_space<vmem>>[vector<16xi32>, vector<16xi32>], vector<16xf32>,
        %parallel_loop3A_1353 = arith.constant 1 : i32
        %parallel_loop3A_1354 = arith.index_cast %parallel_loop3A_1353 : i32 to index
        %parallel_loop3A_1355 = arith.index_cast %parallel_loop3A_1343 : i32 to index
        %parallel_loop3A_1356 = arith.constant 16 : index
        %parallel_loop3A_1357 = tpu.vector_load %arg6[%parallel_loop3A_1354, %parallel_loop3A_1355, %parallel_loop3A_1356] {strides = array<i32>} : memref<4x128x32xf32, #tpu.memory_space<vmem>>, vector<16xf32>,
        %parallel_loop3A_1358 = arith.constant 16 : i32
        %parallel_loop3A_1359 = vector.broadcast %parallel_loop3A_1358 : i32 to vector<16xi32>
        %parallel_loop3A_1360 = arith.addi %iota3A, %parallel_loop3A_1359 : vector<16xi32>
        tpu.vector_store_idx %arg8[%parallel_loop3A_1360, %parallel_loop3A_1344], %parallel_loop3A_1357 : memref<32x129xf32, #tpu.memory_space<vmem>>[vector<16xi32>, vector<16xi32>], vector<16xf32>,
      } {sc.loop_unroll_factor = 16 : i64, sc.parallel_access}
      %dma_start3A_1031 = arith.constant 0 : i32
      %dma_start3A_1032 = arith.constant 1 : i32
      %dma_start3A_1033 = arith.constant 0 : i32
      %dma_start3A_1034 = arith.constant 0 : i32
      %dma_start3A_1035 = tpu.memref_slice %arg8[%dma_start3A_1033, %dma_start3A_1034] : memref<32x129xf32, #tpu.memory_space<vmem>> -> memref<8x128xf32, #tpu.memory_space<vmem>>
      %dma_start3A_1036 = arith.constant 0 : i32
      %dma_start3A_1037 = arith.constant 0 : i32
      %dma_start3A_1038 = tpu.memref_slice %arg4[%add3A_1008, %dma_start3A_1031, %add3A, %dma_start3A_1036, %dma_start3A_1037] : memref<200x4x32x8x128xf32, #tpu.memory_space<hbm>> -> memref<1x1x1x8x128xf32, #tpu.memory_space<hbm>>
      %dma_start3A_1039 = tpu.memref_squeeze %dma_start3A_1038 : memref<1x1x1x8x128xf32, #tpu.memory_space<hbm>> -> memref<8x128xf32, #tpu.memory_space<hbm>>
      %dma_start3A_1040 = tpu.memref_slice %arg10[%dma_start3A_1032] : memref<2x!tpu.dma_semaphore, #tpu.memory_space<semaphore_mem>> -> memref<1x!tpu.dma_semaphore, #tpu.memory_space<semaphore_mem>>
      %dma_start3A_1041 = tpu.memref_squeeze %dma_start3A_1040 : memref<1x!tpu.dma_semaphore, #tpu.memory_space<semaphore_mem>> -> memref<!tpu.dma_semaphore, #tpu.memory_space<semaphore_mem>>
      %dma_start3A_1042 = arith.constant 0 : i32
      %dma_start3A_1043 = arith.constant 0 : i32
      %dma_start3A_1044 = tpu.memref_slice %arg4[%add3A_1008, %dma_start3A_1031, %add3A, %dma_start3A_1042, %dma_start3A_1043] : memref<200x4x32x8x128xf32, #tpu.memory_space<hbm>> -> memref<1x1x1x8x128xf32, #tpu.memory_space<hbm>>
      %dma_start3A_1045 = tpu.memref_squeeze %dma_start3A_1044 : memref<1x1x1x8x128xf32, #tpu.memory_space<hbm>> -> memref<8x128xf32, #tpu.memory_space<hbm>>
      %dma_start3A_1046 = arith.constant 0 : i32
      %dma_start3A_1047 = arith.constant 0 : i32
      %dma_start3A_1048 = tpu.memref_slice %arg8[%dma_start3A_1046, %dma_start3A_1047] : memref<32x129xf32, #tpu.memory_space<vmem>> -> memref<8x128xf32, #tpu.memory_space<vmem>>
      tpu.enqueue_dma source(%dma_start3A_1048 : memref<8x128xf32, #tpu.memory_space<vmem>>) target(%dma_start3A_1045 : memref<8x128xf32, #tpu.memory_space<hbm>>) target_semaphore(%dma_start3A_1041 : memref<!tpu.dma_semaphore, #tpu.memory_space<semaphore_mem>>)
      %dma_start3A_1049 = arith.constant 1 : i32
      %dma_start3A_1050 = arith.constant 1 : i32
      %dma_start3A_1051 = arith.constant 8 : i32
      %dma_start3A_1052 = arith.constant 0 : i32
      %dma_start3A_1053 = tpu.memref_slice %arg8[%dma_start3A_1051, %dma_start3A_1052] : memref<32x129xf32, #tpu.memory_space<vmem>> -> memref<8x128xf32, #tpu.memory_space<vmem>>
      %dma_start3A_1054 = arith.constant 0 : i32
      %dma_start3A_1055 = arith.constant 0 : i32
      %dma_start3A_1056 = tpu.memref_slice %arg4[%add3A_1008, %dma_start3A_1049, %add3A, %dma_start3A_1054, %dma_start3A_1055] : memref<200x4x32x8x128xf32, #tpu.memory_space<hbm>> -> memref<1x1x1x8x128xf32, #tpu.memory_space<hbm>>
      %dma_start3A_1057 = tpu.memref_squeeze %dma_start3A_1056 : memref<1x1x1x8x128xf32, #tpu.memory_space<hbm>> -> memref<8x128xf32, #tpu.memory_space<hbm>>
      %dma_start3A_1058 = tpu.memref_slice %arg10[%dma_start3A_1050] : memref<2x!tpu.dma_semaphore, #tpu.memory_space<semaphore_mem>> -> memref<1x!tpu.dma_semaphore, #tpu.memory_space<semaphore_mem>>
      %dma_start3A_1059 = tpu.memref_squeeze %dma_start3A_1058 : memref<1x!tpu.dma_semaphore, #tpu.memory_space<semaphore_mem>> -> memref<!tpu.dma_semaphore, #tpu.memory_space<semaphore_mem>>
      %dma_start3A_1060 = arith.constant 0 : i32
      %dma_start3A_1061 = arith.constant 0 : i32
      %dma_start3A_1062 = tpu.memref_slice %arg4[%add3A_1008, %dma_start3A_1049, %add3A, %dma_start3A_1060, %dma_start3A_1061] : memref<200x4x32x8x128xf32, #tpu.memory_space<hbm>> -> memref<1x1x1x8x128xf32, #tpu.memory_space<hbm>>
      %dma_start3A_1063 = tpu.memref_squeeze %dma_start3A_1062 : memref<1x1x1x8x128xf32, #tpu.memory_space<hbm>> -> memref<8x128xf32, #tpu.memory_space<hbm>>
      %dma_start3A_1064 = arith.constant 8 : i32
      %dma_start3A_1065 = arith.constant 0 : i32
      %dma_start3A_1066 = tpu.memref_slice %arg8[%dma_start3A_1064, %dma_start3A_1065] : memref<32x129xf32, #tpu.memory_space<vmem>> -> memref<8x128xf32, #tpu.memory_space<vmem>>
      tpu.enqueue_dma source(%dma_start3A_1066 : memref<8x128xf32, #tpu.memory_space<vmem>>) target(%dma_start3A_1063 : memref<8x128xf32, #tpu.memory_space<hbm>>) target_semaphore(%dma_start3A_1059 : memref<!tpu.dma_semaphore, #tpu.memory_space<semaphore_mem>>)
      %dma_start3A_1067 = arith.constant 2 : i32
      %dma_start3A_1068 = arith.constant 1 : i32
      %dma_start3A_1069 = arith.constant 16 : i32
      %dma_start3A_1070 = arith.constant 0 : i32
      %dma_start3A_1071 = tpu.memref_slice %arg8[%dma_start3A_1069, %dma_start3A_1070] : memref<32x129xf32, #tpu.memory_space<vmem>> -> memref<8x128xf32, #tpu.memory_space<vmem>>
      %dma_start3A_1072 = arith.constant 0 : i32
      %dma_start3A_1073 = arith.constant 0 : i32
      %dma_start3A_1074 = tpu.memref_slice %arg4[%add3A_1008, %dma_start3A_1067, %add3A, %dma_start3A_1072, %dma_start3A_1073] : memref<200x4x32x8x128xf32, #tpu.memory_space<hbm>> -> memref<1x1x1x8x128xf32, #tpu.memory_space<hbm>>
      %dma_start3A_1075 = tpu.memref_squeeze %dma_start3A_1074 : memref<1x1x1x8x128xf32, #tpu.memory_space<hbm>> -> memref<8x128xf32, #tpu.memory_space<hbm>>
      %dma_start3A_1076 = tpu.memref_slice %arg10[%dma_start3A_1068] : memref<2x!tpu.dma_semaphore, #tpu.memory_space<semaphore_mem>> -> memref<1x!tpu.dma_semaphore, #tpu.memory_space<semaphore_mem>>
      %dma_start3A_1077 = tpu.memref_squeeze %dma_start3A_1076 : memref<1x!tpu.dma_semaphore, #tpu.memory_space<semaphore_mem>> -> memref<!tpu.dma_semaphore, #tpu.memory_space<semaphore_mem>>
      %dma_start3A_1078 = arith.constant 0 : i32
      %dma_start3A_1079 = arith.constant 0 : i32
      %dma_start3A_1080 = tpu.memref_slice %arg4[%add3A_1008, %dma_start3A_1067, %add3A, %dma_start3A_1078, %dma_start3A_1079] : memref<200x4x32x8x128xf32, #tpu.memory_space<hbm>> -> memref<1x1x1x8x128xf32, #tpu.memory_space<hbm>>
      %dma_start3A_1081 = tpu.memref_squeeze %dma_start3A_1080 : memref<1x1x1x8x128xf32, #tpu.memory_space<hbm>> -> memref<8x128xf32, #tpu.memory_space<hbm>>
      %dma_start3A_1082 = arith.constant 16 : i32
      %dma_start3A_1083 = arith.constant 0 : i32
      %dma_start3A_1084 = tpu.memref_slice %arg8[%dma_start3A_1082, %dma_start3A_1083] : memref<32x129xf32, #tpu.memory_space<vmem>> -> memref<8x128xf32, #tpu.memory_space<vmem>>
      tpu.enqueue_dma source(%dma_start3A_1084 : memref<8x128xf32, #tpu.memory_space<vmem>>) target(%dma_start3A_1081 : memref<8x128xf32, #tpu.memory_space<hbm>>) target_semaphore(%dma_start3A_1077 : memref<!tpu.dma_semaphore, #tpu.memory_space<semaphore_mem>>)
      %dma_start3A_1085 = arith.constant 3 : i32
      %dma_start3A_1086 = arith.constant 1 : i32
      %dma_start3A_1087 = arith.constant 24 : i32
      %dma_start3A_1088 = arith.constant 0 : i32
      %dma_start3A_1089 = tpu.memref_slice %arg8[%dma_start3A_1087, %dma_start3A_1088] : memref<32x129xf32, #tpu.memory_space<vmem>> -> memref<8x128xf32, #tpu.memory_space<vmem>>
      %dma_start3A_1090 = arith.constant 0 : i32
      %dma_start3A_1091 = arith.constant 0 : i32
      %dma_start3A_1092 = tpu.memref_slice %arg4[%add3A_1008, %dma_start3A_1085, %add3A, %dma_start3A_1090, %dma_start3A_1091] : memref<200x4x32x8x128xf32, #tpu.memory_space<hbm>> -> memref<1x1x1x8x128xf32, #tpu.memory_space<hbm>>
      %dma_start3A_1093 = tpu.memref_squeeze %dma_start3A_1092 : memref<1x1x1x8x128xf32, #tpu.memory_space<hbm>> -> memref<8x128xf32, #tpu.memory_space<hbm>>
      %dma_start3A_1094 = tpu.memref_slice %arg10[%dma_start3A_1086] : memref<2x!tpu.dma_semaphore, #tpu.memory_space<semaphore_mem>> -> memref<1x!tpu.dma_semaphore, #tpu.memory_space<semaphore_mem>>
      %dma_start3A_1095 = tpu.memref_squeeze %dma_start3A_1094 : memref<1x!tpu.dma_semaphore, #tpu.memory_space<semaphore_mem>> -> memref<!tpu.dma_semaphore, #tpu.memory_space<semaphore_mem>>
      %dma_start3A_1096 = arith.constant 0 : i32
      %dma_start3A_1097 = arith.constant 0 : i32
      %dma_start3A_1098 = tpu.memref_slice %arg4[%add3A_1008, %dma_start3A_1085, %add3A, %dma_start3A_1096, %dma_start3A_1097] : memref<200x4x32x8x128xf32, #tpu.memory_space<hbm>> -> memref<1x1x1x8x128xf32, #tpu.memory_space<hbm>>
      %dma_start3A_1099 = tpu.memref_squeeze %dma_start3A_1098 : memref<1x1x1x8x128xf32, #tpu.memory_space<hbm>> -> memref<8x128xf32, #tpu.memory_space<hbm>>
      %dma_start3A_1100 = arith.constant 24 : i32
      %dma_start3A_1101 = arith.constant 0 : i32
      %dma_start3A_1102 = tpu.memref_slice %arg8[%dma_start3A_1100, %dma_start3A_1101] : memref<32x129xf32, #tpu.memory_space<vmem>> -> memref<8x128xf32, #tpu.memory_space<vmem>>
      tpu.enqueue_dma source(%dma_start3A_1102 : memref<8x128xf32, #tpu.memory_space<vmem>>) target(%dma_start3A_1099 : memref<8x128xf32, #tpu.memory_space<hbm>>) target_semaphore(%dma_start3A_1095 : memref<!tpu.dma_semaphore, #tpu.memory_space<semaphore_mem>>)
      %add3A_1103 = arith.constant 4 : i32
      %add3A_1104 = arith.addi %add3A_1008, %add3A_1103 : i32
      %dma_start3A_1105 = arith.constant 1 : i32
      %dma_start3A_1106 = arith.constant 1 : i32
      %dma_start3A_1107 = arith.constant 0 : i32
      %dma_start3A_1108 = arith.constant 0 : i32
      %dma_start3A_1109 = tpu.memref_slice %arg6[%dma_start3A_1105, %dma_start3A_1107, %dma_start3A_1108] : memref<4x128x32xf32, #tpu.memory_space<vmem>> -> memref<1x128x32xf32, #tpu.memory_space<vmem>>
      %dma_start3A_1110 = tpu.memref_squeeze %dma_start3A_1109 : memref<1x128x32xf32, #tpu.memory_space<vmem>> -> memref<128x32xf32, #tpu.memory_space<vmem>>
      %dma_start3A_1111 = arith.constant 0 : i32
      %dma_start3A_1112 = tpu.memref_slice %arg5[%add3A_1104, %dma_start3A_1111] : memref<200x128xi32, #tpu.memory_space<vmem>> -> memref<1x128xi32, #tpu.memory_space<vmem>>
      %dma_start3A_1113 = tpu.memref_squeeze %dma_start3A_1112 : memref<1x128xi32, #tpu.memory_space<vmem>> -> memref<128xi32, #tpu.memory_space<vmem>>
      %dma_start3A_1114 = arith.constant 0 : i32
      %dma_start3A_1115 = arith.constant 0 : i32
      %dma_start3A_1116 = tpu.memref_slice %arg3[%dma_start3A_1114, %dma_start3A_1115] : memref<1000000x32xf32, #tpu.memory_space<hbm>> -> memref<1000000x32xf32, #tpu.memory_space<hbm>>
      %dma_start3A_1117 = tpu.memref_slice %arg9[%dma_start3A_1106] : memref<4x!tpu.dma_semaphore, #tpu.memory_space<semaphore_mem>> -> memref<1x!tpu.dma_semaphore, #tpu.memory_space<semaphore_mem>>
      %dma_start3A_1118 = tpu.memref_squeeze %dma_start3A_1117 : memref<1x!tpu.dma_semaphore, #tpu.memory_space<semaphore_mem>> -> memref<!tpu.dma_semaphore, #tpu.memory_space<semaphore_mem>>
      tpu.enqueue_indirect_dma source(%dma_start3A_1116 : memref<1000000x32xf32, #tpu.memory_space<hbm>>) target(%dma_start3A_1110 : memref<128x32xf32, #tpu.memory_space<vmem>>) offsets(%dma_start3A_1113 : memref<128xi32, #tpu.memory_space<vmem>>) semaphore(%dma_start3A_1118 : memref<!tpu.dma_semaphore, #tpu.memory_space<semaphore_mem>>)
      %add3A_1119 = arith.constant 2 : i32
      %add3A_1120 = arith.addi %mul3A_897, %add3A_1119 : i32
      %dma_wait3A_1121 = arith.constant 2 : i32
      %dma_wait3A_1122 = arith.constant 2 : i32
      %dma_wait3A_1123 = arith.constant 0 : i32
      %dma_wait3A_1124 = arith.constant 0 : i32
      %dma_wait3A_1125 = tpu.memref_slice %arg6[%dma_wait3A_1121, %dma_wait3A_1123, %dma_wait3A_1124] : memref<4x128x32xf32, #tpu.memory_space<vmem>> -> memref<1x128x32xf32, #tpu.memory_space<vmem>>
      %dma_wait3A_1126 = tpu.memref_squeeze %dma_wait3A_1125 : memref<1x128x32xf32, #tpu.memory_space<vmem>> -> memref<128x32xf32, #tpu.memory_space<vmem>>
      %dma_wait3A_1127 = arith.constant 0 : i32
      %dma_wait3A_1128 = tpu.memref_slice %arg5[%add3A_1120, %dma_wait3A_1127] : memref<200x128xi32, #tpu.memory_space<vmem>> -> memref<1x128xi32, #tpu.memory_space<vmem>>
      %dma_wait3A_1129 = tpu.memref_squeeze %dma_wait3A_1128 : memref<1x128xi32, #tpu.memory_space<vmem>> -> memref<128xi32, #tpu.memory_space<vmem>>
      %dma_wait3A_1130 = arith.constant 0 : i32
      %dma_wait3A_1131 = arith.constant 0 : i32
      %dma_wait3A_1132 = tpu.memref_slice %arg3[%dma_wait3A_1130, %dma_wait3A_1131] : memref<1000000x32xf32, #tpu.memory_space<hbm>> -> memref<1000000x32xf32, #tpu.memory_space<hbm>>
      %dma_wait3A_1133 = tpu.memref_slice %arg9[%dma_wait3A_1122] : memref<4x!tpu.dma_semaphore, #tpu.memory_space<semaphore_mem>> -> memref<1x!tpu.dma_semaphore, #tpu.memory_space<semaphore_mem>>
      %dma_wait3A_1134 = tpu.memref_squeeze %dma_wait3A_1133 : memref<1x!tpu.dma_semaphore, #tpu.memory_space<semaphore_mem>> -> memref<!tpu.dma_semaphore, #tpu.memory_space<semaphore_mem>>
      tpu.wait_indirect_dma semaphore(%dma_wait3A_1134 : memref<!tpu.dma_semaphore, #tpu.memory_space<semaphore_mem>>) src(%dma_wait3A_1132 : memref<1000000x32xf32, #tpu.memory_space<hbm>>) dst(%dma_wait3A_1126 : memref<128x32xf32, #tpu.memory_space<vmem>>)
      %ge3A_1135 = arith.constant 2 : i32
      %ge3A_1136 = arith.cmpi sge, %add3A_1120, %ge3A_1135 : i32
      %convert_element_type3A_1137 = arith.extui %ge3A_1136 : i1 to i32
      %cond3A_1138 = arith.constant 0 : i32
      %cond3A_1139 = arith.cmpi ne, %convert_element_type3A_1137, %cond3A_1138 : i32
      scf.if %cond3A_1139 {
        %sub3A = arith.constant 2 : i32
        %sub3A_1343 = arith.subi %add3A_1120, %sub3A : i32
        %dma_wait3A_1344 = arith.constant 0 : i32
        %dma_wait3A_1345 = arith.constant 0 : i32
        %dma_wait3A_1346 = arith.constant 0 : i32
        %dma_wait3A_1347 = arith.constant 0 : i32
        %dma_wait3A_1348 = tpu.memref_slice %arg7[%dma_wait3A_1346, %dma_wait3A_1347] : memref<32x129xf32, #tpu.memory_space<vmem>> -> memref<8x128xf32, #tpu.memory_space<vmem>>
        %dma_wait3A_1349 = arith.constant 0 : i32
        %dma_wait3A_1350 = arith.constant 0 : i32
        %dma_wait3A_1351 = tpu.memref_slice %arg4[%sub3A_1343, %dma_wait3A_1344, %add3A, %dma_wait3A_1349, %dma_wait3A_1350] : memref<200x4x32x8x128xf32, #tpu.memory_space<hbm>> -> memref<1x1x1x8x128xf32, #tpu.memory_space<hbm>>
        %dma_wait3A_1352 = tpu.memref_squeeze %dma_wait3A_1351 : memref<1x1x1x8x128xf32, #tpu.memory_space<hbm>> -> memref<8x128xf32, #tpu.memory_space<hbm>>
        %dma_wait3A_1353 = tpu.memref_slice %arg10[%dma_wait3A_1345] : memref<2x!tpu.dma_semaphore, #tpu.memory_space<semaphore_mem>> -> memref<1x!tpu.dma_semaphore, #tpu.memory_space<semaphore_mem>>
        %dma_wait3A_1354 = tpu.memref_squeeze %dma_wait3A_1353 : memref<1x!tpu.dma_semaphore, #tpu.memory_space<semaphore_mem>> -> memref<!tpu.dma_semaphore, #tpu.memory_space<semaphore_mem>>
        %dma_wait3A_1355 = arith.constant 0 : i32
        %dma_wait3A_1356 = arith.constant 0 : i32
        %dma_wait3A_1357 = tpu.memref_slice %arg4[%sub3A_1343, %dma_wait3A_1344, %add3A, %dma_wait3A_1355, %dma_wait3A_1356] : memref<200x4x32x8x128xf32, #tpu.memory_space<hbm>> -> memref<1x1x1x8x128xf32, #tpu.memory_space<hbm>>
        %dma_wait3A_1358 = tpu.memref_squeeze %dma_wait3A_1357 : memref<1x1x1x8x128xf32, #tpu.memory_space<hbm>> -> memref<8x128xf32, #tpu.memory_space<hbm>>
        %dma_wait3A_1359 = arith.constant 0 : i32
        %dma_wait3A_1360 = arith.constant 0 : i32
        %dma_wait3A_1361 = tpu.memref_slice %arg7[%dma_wait3A_1359, %dma_wait3A_1360] : memref<32x129xf32, #tpu.memory_space<vmem>> -> memref<8x128xf32, #tpu.memory_space<vmem>>
        tpu.wait_dma2 semaphore(%dma_wait3A_1354 : memref<!tpu.dma_semaphore, #tpu.memory_space<semaphore_mem>>) src(%dma_wait3A_1361 : memref<8x128xf32, #tpu.memory_space<vmem>>) dst(%dma_wait3A_1358 : memref<8x128xf32, #tpu.memory_space<hbm>>)
        %sub3A_1362 = arith.constant 2 : i32
        %sub3A_1363 = arith.subi %add3A_1120, %sub3A_1362 : i32
        %dma_wait3A_1364 = arith.constant 1 : i32
        %dma_wait3A_1365 = arith.constant 0 : i32
        %dma_wait3A_1366 = arith.constant 8 : i32
        %dma_wait3A_1367 = arith.constant 0 : i32
        %dma_wait3A_1368 = tpu.memref_slice %arg7[%dma_wait3A_1366, %dma_wait3A_1367] : memref<32x129xf32, #tpu.memory_space<vmem>> -> memref<8x128xf32, #tpu.memory_space<vmem>>
        %dma_wait3A_1369 = arith.constant 0 : i32
        %dma_wait3A_1370 = arith.constant 0 : i32
        %dma_wait3A_1371 = tpu.memref_slice %arg4[%sub3A_1363, %dma_wait3A_1364, %add3A, %dma_wait3A_1369, %dma_wait3A_1370] : memref<200x4x32x8x128xf32, #tpu.memory_space<hbm>> -> memref<1x1x1x8x128xf32, #tpu.memory_space<hbm>>
        %dma_wait3A_1372 = tpu.memref_squeeze %dma_wait3A_1371 : memref<1x1x1x8x128xf32, #tpu.memory_space<hbm>> -> memref<8x128xf32, #tpu.memory_space<hbm>>
        %dma_wait3A_1373 = tpu.memref_slice %arg10[%dma_wait3A_1365] : memref<2x!tpu.dma_semaphore, #tpu.memory_space<semaphore_mem>> -> memref<1x!tpu.dma_semaphore, #tpu.memory_space<semaphore_mem>>
        %dma_wait3A_1374 = tpu.memref_squeeze %dma_wait3A_1373 : memref<1x!tpu.dma_semaphore, #tpu.memory_space<semaphore_mem>> -> memref<!tpu.dma_semaphore, #tpu.memory_space<semaphore_mem>>
        %dma_wait3A_1375 = arith.constant 0 : i32
        %dma_wait3A_1376 = arith.constant 0 : i32
        %dma_wait3A_1377 = tpu.memref_slice %arg4[%sub3A_1363, %dma_wait3A_1364, %add3A, %dma_wait3A_1375, %dma_wait3A_1376] : memref<200x4x32x8x128xf32, #tpu.memory_space<hbm>> -> memref<1x1x1x8x128xf32, #tpu.memory_space<hbm>>
        %dma_wait3A_1378 = tpu.memref_squeeze %dma_wait3A_1377 : memref<1x1x1x8x128xf32, #tpu.memory_space<hbm>> -> memref<8x128xf32, #tpu.memory_space<hbm>>
        %dma_wait3A_1379 = arith.constant 8 : i32
        %dma_wait3A_1380 = arith.constant 0 : i32
        %dma_wait3A_1381 = tpu.memref_slice %arg7[%dma_wait3A_1379, %dma_wait3A_1380] : memref<32x129xf32, #tpu.memory_space<vmem>> -> memref<8x128xf32, #tpu.memory_space<vmem>>
        tpu.wait_dma2 semaphore(%dma_wait3A_1374 : memref<!tpu.dma_semaphore, #tpu.memory_space<semaphore_mem>>) src(%dma_wait3A_1381 : memref<8x128xf32, #tpu.memory_space<vmem>>) dst(%dma_wait3A_1378 : memref<8x128xf32, #tpu.memory_space<hbm>>)
        %sub3A_1382 = arith.constant 2 : i32
        %sub3A_1383 = arith.subi %add3A_1120, %sub3A_1382 : i32
        %dma_wait3A_1384 = arith.constant 2 : i32
        %dma_wait3A_1385 = arith.constant 0 : i32
        %dma_wait3A_1386 = arith.constant 16 : i32
        %dma_wait3A_1387 = arith.constant 0 : i32
        %dma_wait3A_1388 = tpu.memref_slice %arg7[%dma_wait3A_1386, %dma_wait3A_1387] : memref<32x129xf32, #tpu.memory_space<vmem>> -> memref<8x128xf32, #tpu.memory_space<vmem>>
        %dma_wait3A_1389 = arith.constant 0 : i32
        %dma_wait3A_1390 = arith.constant 0 : i32
        %dma_wait3A_1391 = tpu.memref_slice %arg4[%sub3A_1383, %dma_wait3A_1384, %add3A, %dma_wait3A_1389, %dma_wait3A_1390] : memref<200x4x32x8x128xf32, #tpu.memory_space<hbm>> -> memref<1x1x1x8x128xf32, #tpu.memory_space<hbm>>
        %dma_wait3A_1392 = tpu.memref_squeeze %dma_wait3A_1391 : memref<1x1x1x8x128xf32, #tpu.memory_space<hbm>> -> memref<8x128xf32, #tpu.memory_space<hbm>>
        %dma_wait3A_1393 = tpu.memref_slice %arg10[%dma_wait3A_1385] : memref<2x!tpu.dma_semaphore, #tpu.memory_space<semaphore_mem>> -> memref<1x!tpu.dma_semaphore, #tpu.memory_space<semaphore_mem>>
        %dma_wait3A_1394 = tpu.memref_squeeze %dma_wait3A_1393 : memref<1x!tpu.dma_semaphore, #tpu.memory_space<semaphore_mem>> -> memref<!tpu.dma_semaphore, #tpu.memory_space<semaphore_mem>>
        %dma_wait3A_1395 = arith.constant 0 : i32
        %dma_wait3A_1396 = arith.constant 0 : i32
        %dma_wait3A_1397 = tpu.memref_slice %arg4[%sub3A_1383, %dma_wait3A_1384, %add3A, %dma_wait3A_1395, %dma_wait3A_1396] : memref<200x4x32x8x128xf32, #tpu.memory_space<hbm>> -> memref<1x1x1x8x128xf32, #tpu.memory_space<hbm>>
        %dma_wait3A_1398 = tpu.memref_squeeze %dma_wait3A_1397 : memref<1x1x1x8x128xf32, #tpu.memory_space<hbm>> -> memref<8x128xf32, #tpu.memory_space<hbm>>
        %dma_wait3A_1399 = arith.constant 16 : i32
        %dma_wait3A_1400 = arith.constant 0 : i32
        %dma_wait3A_1401 = tpu.memref_slice %arg7[%dma_wait3A_1399, %dma_wait3A_1400] : memref<32x129xf32, #tpu.memory_space<vmem>> -> memref<8x128xf32, #tpu.memory_space<vmem>>
        tpu.wait_dma2 semaphore(%dma_wait3A_1394 : memref<!tpu.dma_semaphore, #tpu.memory_space<semaphore_mem>>) src(%dma_wait3A_1401 : memref<8x128xf32, #tpu.memory_space<vmem>>) dst(%dma_wait3A_1398 : memref<8x128xf32, #tpu.memory_space<hbm>>)
        %sub3A_1402 = arith.constant 2 : i32
        %sub3A_1403 = arith.subi %add3A_1120, %sub3A_1402 : i32
        %dma_wait3A_1404 = arith.constant 3 : i32
        %dma_wait3A_1405 = arith.constant 0 : i32
        %dma_wait3A_1406 = arith.constant 24 : i32
        %dma_wait3A_1407 = arith.constant 0 : i32
        %dma_wait3A_1408 = tpu.memref_slice %arg7[%dma_wait3A_1406, %dma_wait3A_1407] : memref<32x129xf32, #tpu.memory_space<vmem>> -> memref<8x128xf32, #tpu.memory_space<vmem>>
        %dma_wait3A_1409 = arith.constant 0 : i32
        %dma_wait3A_1410 = arith.constant 0 : i32
        %dma_wait3A_1411 = tpu.memref_slice %arg4[%sub3A_1403, %dma_wait3A_1404, %add3A, %dma_wait3A_1409, %dma_wait3A_1410] : memref<200x4x32x8x128xf32, #tpu.memory_space<hbm>> -> memref<1x1x1x8x128xf32, #tpu.memory_space<hbm>>
        %dma_wait3A_1412 = tpu.memref_squeeze %dma_wait3A_1411 : memref<1x1x1x8x128xf32, #tpu.memory_space<hbm>> -> memref<8x128xf32, #tpu.memory_space<hbm>>
        %dma_wait3A_1413 = tpu.memref_slice %arg10[%dma_wait3A_1405] : memref<2x!tpu.dma_semaphore, #tpu.memory_space<semaphore_mem>> -> memref<1x!tpu.dma_semaphore, #tpu.memory_space<semaphore_mem>>
        %dma_wait3A_1414 = tpu.memref_squeeze %dma_wait3A_1413 : memref<1x!tpu.dma_semaphore, #tpu.memory_space<semaphore_mem>> -> memref<!tpu.dma_semaphore, #tpu.memory_space<semaphore_mem>>
        %dma_wait3A_1415 = arith.constant 0 : i32
        %dma_wait3A_1416 = arith.constant 0 : i32
        %dma_wait3A_1417 = tpu.memref_slice %arg4[%sub3A_1403, %dma_wait3A_1404, %add3A, %dma_wait3A_1415, %dma_wait3A_1416] : memref<200x4x32x8x128xf32, #tpu.memory_space<hbm>> -> memref<1x1x1x8x128xf32, #tpu.memory_space<hbm>>
        %dma_wait3A_1418 = tpu.memref_squeeze %dma_wait3A_1417 : memref<1x1x1x8x128xf32, #tpu.memory_space<hbm>> -> memref<8x128xf32, #tpu.memory_space<hbm>>
        %dma_wait3A_1419 = arith.constant 24 : i32
        %dma_wait3A_1420 = arith.constant 0 : i32
        %dma_wait3A_1421 = tpu.memref_slice %arg7[%dma_wait3A_1419, %dma_wait3A_1420] : memref<32x129xf32, #tpu.memory_space<vmem>> -> memref<8x128xf32, #tpu.memory_space<vmem>>
        tpu.wait_dma2 semaphore(%dma_wait3A_1414 : memref<!tpu.dma_semaphore, #tpu.memory_space<semaphore_mem>>) src(%dma_wait3A_1421 : memref<8x128xf32, #tpu.memory_space<vmem>>) dst(%dma_wait3A_1418 : memref<8x128xf32, #tpu.memory_space<hbm>>)
      } else {
      }
      %parallel_loop3A_1140 = arith.constant 0 : i32
      %parallel_loop3A_1141 = arith.constant 128 : i32
      %parallel_loop3A_1142 = arith.constant 1 : i32
      scf.for %parallel_loop3A_1343 = %parallel_loop3A_1140 to %parallel_loop3A_1141 step %parallel_loop3A_1142  : i32 {
        %parallel_loop3A_1344 = vector.broadcast %parallel_loop3A_1343 : i32 to vector<16xi32>
        %parallel_loop3A_1345 = arith.constant 2 : i32
        %parallel_loop3A_1346 = arith.index_cast %parallel_loop3A_1345 : i32 to index
        %parallel_loop3A_1347 = arith.index_cast %parallel_loop3A_1343 : i32 to index
        %parallel_loop3A_1348 = arith.constant 0 : index
        %parallel_loop3A_1349 = tpu.vector_load %arg6[%parallel_loop3A_1346, %parallel_loop3A_1347, %parallel_loop3A_1348] {strides = array<i32>} : memref<4x128x32xf32, #tpu.memory_space<vmem>>, vector<16xf32>,
        %parallel_loop3A_1350 = arith.constant 0 : i32
        %parallel_loop3A_1351 = vector.broadcast %parallel_loop3A_1350 : i32 to vector<16xi32>
        %parallel_loop3A_1352 = arith.addi %iota3A, %parallel_loop3A_1351 : vector<16xi32>
        tpu.vector_store_idx %arg7[%parallel_loop3A_1352, %parallel_loop3A_1344], %parallel_loop3A_1349 : memref<32x129xf32, #tpu.memory_space<vmem>>[vector<16xi32>, vector<16xi32>], vector<16xf32>,
        %parallel_loop3A_1353 = arith.constant 2 : i32
        %parallel_loop3A_1354 = arith.index_cast %parallel_loop3A_1353 : i32 to index
        %parallel_loop3A_1355 = arith.index_cast %parallel_loop3A_1343 : i32 to index
        %parallel_loop3A_1356 = arith.constant 16 : index
        %parallel_loop3A_1357 = tpu.vector_load %arg6[%parallel_loop3A_1354, %parallel_loop3A_1355, %parallel_loop3A_1356] {strides = array<i32>} : memref<4x128x32xf32, #tpu.memory_space<vmem>>, vector<16xf32>,
        %parallel_loop3A_1358 = arith.constant 16 : i32
        %parallel_loop3A_1359 = vector.broadcast %parallel_loop3A_1358 : i32 to vector<16xi32>
        %parallel_loop3A_1360 = arith.addi %iota3A, %parallel_loop3A_1359 : vector<16xi32>
        tpu.vector_store_idx %arg7[%parallel_loop3A_1360, %parallel_loop3A_1344], %parallel_loop3A_1357 : memref<32x129xf32, #tpu.memory_space<vmem>>[vector<16xi32>, vector<16xi32>], vector<16xf32>,
      } {sc.loop_unroll_factor = 16 : i64, sc.parallel_access}
      %dma_start3A_1143 = arith.constant 0 : i32
      %dma_start3A_1144 = arith.constant 0 : i32
      %dma_start3A_1145 = arith.constant 0 : i32
      %dma_start3A_1146 = arith.constant 0 : i32
      %dma_start3A_1147 = tpu.memref_slice %arg7[%dma_start3A_1145, %dma_start3A_1146] : memref<32x129xf32, #tpu.memory_space<vmem>> -> memref<8x128xf32, #tpu.memory_space<vmem>>
      %dma_start3A_1148 = arith.constant 0 : i32
      %dma_start3A_1149 = arith.constant 0 : i32
      %dma_start3A_1150 = tpu.memref_slice %arg4[%add3A_1120, %dma_start3A_1143, %add3A, %dma_start3A_1148, %dma_start3A_1149] : memref<200x4x32x8x128xf32, #tpu.memory_space<hbm>> -> memref<1x1x1x8x128xf32, #tpu.memory_space<hbm>>
      %dma_start3A_1151 = tpu.memref_squeeze %dma_start3A_1150 : memref<1x1x1x8x128xf32, #tpu.memory_space<hbm>> -> memref<8x128xf32, #tpu.memory_space<hbm>>
      %dma_start3A_1152 = tpu.memref_slice %arg10[%dma_start3A_1144] : memref<2x!tpu.dma_semaphore, #tpu.memory_space<semaphore_mem>> -> memref<1x!tpu.dma_semaphore, #tpu.memory_space<semaphore_mem>>
      %dma_start3A_1153 = tpu.memref_squeeze %dma_start3A_1152 : memref<1x!tpu.dma_semaphore, #tpu.memory_space<semaphore_mem>> -> memref<!tpu.dma_semaphore, #tpu.memory_space<semaphore_mem>>
      %dma_start3A_1154 = arith.constant 0 : i32
      %dma_start3A_1155 = arith.constant 0 : i32
      %dma_start3A_1156 = tpu.memref_slice %arg4[%add3A_1120, %dma_start3A_1143, %add3A, %dma_start3A_1154, %dma_start3A_1155] : memref<200x4x32x8x128xf32, #tpu.memory_space<hbm>> -> memref<1x1x1x8x128xf32, #tpu.memory_space<hbm>>
      %dma_start3A_1157 = tpu.memref_squeeze %dma_start3A_1156 : memref<1x1x1x8x128xf32, #tpu.memory_space<hbm>> -> memref<8x128xf32, #tpu.memory_space<hbm>>
      %dma_start3A_1158 = arith.constant 0 : i32
      %dma_start3A_1159 = arith.constant 0 : i32
      %dma_start3A_1160 = tpu.memref_slice %arg7[%dma_start3A_1158, %dma_start3A_1159] : memref<32x129xf32, #tpu.memory_space<vmem>> -> memref<8x128xf32, #tpu.memory_space<vmem>>
      tpu.enqueue_dma source(%dma_start3A_1160 : memref<8x128xf32, #tpu.memory_space<vmem>>) target(%dma_start3A_1157 : memref<8x128xf32, #tpu.memory_space<hbm>>) target_semaphore(%dma_start3A_1153 : memref<!tpu.dma_semaphore, #tpu.memory_space<semaphore_mem>>)
      %dma_start3A_1161 = arith.constant 1 : i32
      %dma_start3A_1162 = arith.constant 0 : i32
      %dma_start3A_1163 = arith.constant 8 : i32
      %dma_start3A_1164 = arith.constant 0 : i32
      %dma_start3A_1165 = tpu.memref_slice %arg7[%dma_start3A_1163, %dma_start3A_1164] : memref<32x129xf32, #tpu.memory_space<vmem>> -> memref<8x128xf32, #tpu.memory_space<vmem>>
      %dma_start3A_1166 = arith.constant 0 : i32
      %dma_start3A_1167 = arith.constant 0 : i32
      %dma_start3A_1168 = tpu.memref_slice %arg4[%add3A_1120, %dma_start3A_1161, %add3A, %dma_start3A_1166, %dma_start3A_1167] : memref<200x4x32x8x128xf32, #tpu.memory_space<hbm>> -> memref<1x1x1x8x128xf32, #tpu.memory_space<hbm>>
      %dma_start3A_1169 = tpu.memref_squeeze %dma_start3A_1168 : memref<1x1x1x8x128xf32, #tpu.memory_space<hbm>> -> memref<8x128xf32, #tpu.memory_space<hbm>>
      %dma_start3A_1170 = tpu.memref_slice %arg10[%dma_start3A_1162] : memref<2x!tpu.dma_semaphore, #tpu.memory_space<semaphore_mem>> -> memref<1x!tpu.dma_semaphore, #tpu.memory_space<semaphore_mem>>
      %dma_start3A_1171 = tpu.memref_squeeze %dma_start3A_1170 : memref<1x!tpu.dma_semaphore, #tpu.memory_space<semaphore_mem>> -> memref<!tpu.dma_semaphore, #tpu.memory_space<semaphore_mem>>
      %dma_start3A_1172 = arith.constant 0 : i32
      %dma_start3A_1173 = arith.constant 0 : i32
      %dma_start3A_1174 = tpu.memref_slice %arg4[%add3A_1120, %dma_start3A_1161, %add3A, %dma_start3A_1172, %dma_start3A_1173] : memref<200x4x32x8x128xf32, #tpu.memory_space<hbm>> -> memref<1x1x1x8x128xf32, #tpu.memory_space<hbm>>
      %dma_start3A_1175 = tpu.memref_squeeze %dma_start3A_1174 : memref<1x1x1x8x128xf32, #tpu.memory_space<hbm>> -> memref<8x128xf32, #tpu.memory_space<hbm>>
      %dma_start3A_1176 = arith.constant 8 : i32
      %dma_start3A_1177 = arith.constant 0 : i32
      %dma_start3A_1178 = tpu.memref_slice %arg7[%dma_start3A_1176, %dma_start3A_1177] : memref<32x129xf32, #tpu.memory_space<vmem>> -> memref<8x128xf32, #tpu.memory_space<vmem>>
      tpu.enqueue_dma source(%dma_start3A_1178 : memref<8x128xf32, #tpu.memory_space<vmem>>) target(%dma_start3A_1175 : memref<8x128xf32, #tpu.memory_space<hbm>>) target_semaphore(%dma_start3A_1171 : memref<!tpu.dma_semaphore, #tpu.memory_space<semaphore_mem>>)
      %dma_start3A_1179 = arith.constant 2 : i32
      %dma_start3A_1180 = arith.constant 0 : i32
      %dma_start3A_1181 = arith.constant 16 : i32
      %dma_start3A_1182 = arith.constant 0 : i32
      %dma_start3A_1183 = tpu.memref_slice %arg7[%dma_start3A_1181, %dma_start3A_1182] : memref<32x129xf32, #tpu.memory_space<vmem>> -> memref<8x128xf32, #tpu.memory_space<vmem>>
      %dma_start3A_1184 = arith.constant 0 : i32
      %dma_start3A_1185 = arith.constant 0 : i32
      %dma_start3A_1186 = tpu.memref_slice %arg4[%add3A_1120, %dma_start3A_1179, %add3A, %dma_start3A_1184, %dma_start3A_1185] : memref<200x4x32x8x128xf32, #tpu.memory_space<hbm>> -> memref<1x1x1x8x128xf32, #tpu.memory_space<hbm>>
      %dma_start3A_1187 = tpu.memref_squeeze %dma_start3A_1186 : memref<1x1x1x8x128xf32, #tpu.memory_space<hbm>> -> memref<8x128xf32, #tpu.memory_space<hbm>>
      %dma_start3A_1188 = tpu.memref_slice %arg10[%dma_start3A_1180] : memref<2x!tpu.dma_semaphore, #tpu.memory_space<semaphore_mem>> -> memref<1x!tpu.dma_semaphore, #tpu.memory_space<semaphore_mem>>
      %dma_start3A_1189 = tpu.memref_squeeze %dma_start3A_1188 : memref<1x!tpu.dma_semaphore, #tpu.memory_space<semaphore_mem>> -> memref<!tpu.dma_semaphore, #tpu.memory_space<semaphore_mem>>
      %dma_start3A_1190 = arith.constant 0 : i32
      %dma_start3A_1191 = arith.constant 0 : i32
      %dma_start3A_1192 = tpu.memref_slice %arg4[%add3A_1120, %dma_start3A_1179, %add3A, %dma_start3A_1190, %dma_start3A_1191] : memref<200x4x32x8x128xf32, #tpu.memory_space<hbm>> -> memref<1x1x1x8x128xf32, #tpu.memory_space<hbm>>
      %dma_start3A_1193 = tpu.memref_squeeze %dma_start3A_1192 : memref<1x1x1x8x128xf32, #tpu.memory_space<hbm>> -> memref<8x128xf32, #tpu.memory_space<hbm>>
      %dma_start3A_1194 = arith.constant 16 : i32
      %dma_start3A_1195 = arith.constant 0 : i32
      %dma_start3A_1196 = tpu.memref_slice %arg7[%dma_start3A_1194, %dma_start3A_1195] : memref<32x129xf32, #tpu.memory_space<vmem>> -> memref<8x128xf32, #tpu.memory_space<vmem>>
      tpu.enqueue_dma source(%dma_start3A_1196 : memref<8x128xf32, #tpu.memory_space<vmem>>) target(%dma_start3A_1193 : memref<8x128xf32, #tpu.memory_space<hbm>>) target_semaphore(%dma_start3A_1189 : memref<!tpu.dma_semaphore, #tpu.memory_space<semaphore_mem>>)
      %dma_start3A_1197 = arith.constant 3 : i32
      %dma_start3A_1198 = arith.constant 0 : i32
      %dma_start3A_1199 = arith.constant 24 : i32
      %dma_start3A_1200 = arith.constant 0 : i32
      %dma_start3A_1201 = tpu.memref_slice %arg7[%dma_start3A_1199, %dma_start3A_1200] : memref<32x129xf32, #tpu.memory_space<vmem>> -> memref<8x128xf32, #tpu.memory_space<vmem>>
      %dma_start3A_1202 = arith.constant 0 : i32
      %dma_start3A_1203 = arith.constant 0 : i32
      %dma_start3A_1204 = tpu.memref_slice %arg4[%add3A_1120, %dma_start3A_1197, %add3A, %dma_start3A_1202, %dma_start3A_1203] : memref<200x4x32x8x128xf32, #tpu.memory_space<hbm>> -> memref<1x1x1x8x128xf32, #tpu.memory_space<hbm>>
      %dma_start3A_1205 = tpu.memref_squeeze %dma_start3A_1204 : memref<1x1x1x8x128xf32, #tpu.memory_space<hbm>> -> memref<8x128xf32, #tpu.memory_space<hbm>>
      %dma_start3A_1206 = tpu.memref_slice %arg10[%dma_start3A_1198] : memref<2x!tpu.dma_semaphore, #tpu.memory_space<semaphore_mem>> -> memref<1x!tpu.dma_semaphore, #tpu.memory_space<semaphore_mem>>
      %dma_start3A_1207 = tpu.memref_squeeze %dma_start3A_1206 : memref<1x!tpu.dma_semaphore, #tpu.memory_space<semaphore_mem>> -> memref<!tpu.dma_semaphore, #tpu.memory_space<semaphore_mem>>
      %dma_start3A_1208 = arith.constant 0 : i32
      %dma_start3A_1209 = arith.constant 0 : i32
      %dma_start3A_1210 = tpu.memref_slice %arg4[%add3A_1120, %dma_start3A_1197, %add3A, %dma_start3A_1208, %dma_start3A_1209] : memref<200x4x32x8x128xf32, #tpu.memory_space<hbm>> -> memref<1x1x1x8x128xf32, #tpu.memory_space<hbm>>
      %dma_start3A_1211 = tpu.memref_squeeze %dma_start3A_1210 : memref<1x1x1x8x128xf32, #tpu.memory_space<hbm>> -> memref<8x128xf32, #tpu.memory_space<hbm>>
      %dma_start3A_1212 = arith.constant 24 : i32
      %dma_start3A_1213 = arith.constant 0 : i32
      %dma_start3A_1214 = tpu.memref_slice %arg7[%dma_start3A_1212, %dma_start3A_1213] : memref<32x129xf32, #tpu.memory_space<vmem>> -> memref<8x128xf32, #tpu.memory_space<vmem>>
      tpu.enqueue_dma source(%dma_start3A_1214 : memref<8x128xf32, #tpu.memory_space<vmem>>) target(%dma_start3A_1211 : memref<8x128xf32, #tpu.memory_space<hbm>>) target_semaphore(%dma_start3A_1207 : memref<!tpu.dma_semaphore, #tpu.memory_space<semaphore_mem>>)
      %add3A_1215 = arith.constant 4 : i32
      %add3A_1216 = arith.addi %add3A_1120, %add3A_1215 : i32
      %dma_start3A_1217 = arith.constant 2 : i32
      %dma_start3A_1218 = arith.constant 2 : i32
      %dma_start3A_1219 = arith.constant 0 : i32
      %dma_start3A_1220 = arith.constant 0 : i32
      %dma_start3A_1221 = tpu.memref_slice %arg6[%dma_start3A_1217, %dma_start3A_1219, %dma_start3A_1220] : memref<4x128x32xf32, #tpu.memory_space<vmem>> -> memref<1x128x32xf32, #tpu.memory_space<vmem>>
      %dma_start3A_1222 = tpu.memref_squeeze %dma_start3A_1221 : memref<1x128x32xf32, #tpu.memory_space<vmem>> -> memref<128x32xf32, #tpu.memory_space<vmem>>
      %dma_start3A_1223 = arith.constant 0 : i32
      %dma_start3A_1224 = tpu.memref_slice %arg5[%add3A_1216, %dma_start3A_1223] : memref<200x128xi32, #tpu.memory_space<vmem>> -> memref<1x128xi32, #tpu.memory_space<vmem>>
      %dma_start3A_1225 = tpu.memref_squeeze %dma_start3A_1224 : memref<1x128xi32, #tpu.memory_space<vmem>> -> memref<128xi32, #tpu.memory_space<vmem>>
      %dma_start3A_1226 = arith.constant 0 : i32
      %dma_start3A_1227 = arith.constant 0 : i32
      %dma_start3A_1228 = tpu.memref_slice %arg3[%dma_start3A_1226, %dma_start3A_1227] : memref<1000000x32xf32, #tpu.memory_space<hbm>> -> memref<1000000x32xf32, #tpu.memory_space<hbm>>
      %dma_start3A_1229 = tpu.memref_slice %arg9[%dma_start3A_1218] : memref<4x!tpu.dma_semaphore, #tpu.memory_space<semaphore_mem>> -> memref<1x!tpu.dma_semaphore, #tpu.memory_space<semaphore_mem>>
      %dma_start3A_1230 = tpu.memref_squeeze %dma_start3A_1229 : memref<1x!tpu.dma_semaphore, #tpu.memory_space<semaphore_mem>> -> memref<!tpu.dma_semaphore, #tpu.memory_space<semaphore_mem>>
      tpu.enqueue_indirect_dma source(%dma_start3A_1228 : memref<1000000x32xf32, #tpu.memory_space<hbm>>) target(%dma_start3A_1222 : memref<128x32xf32, #tpu.memory_space<vmem>>) offsets(%dma_start3A_1225 : memref<128xi32, #tpu.memory_space<vmem>>) semaphore(%dma_start3A_1230 : memref<!tpu.dma_semaphore, #tpu.memory_space<semaphore_mem>>)
      %add3A_1231 = arith.constant 3 : i32
      %add3A_1232 = arith.addi %mul3A_897, %add3A_1231 : i32
      %dma_wait3A_1233 = arith.constant 3 : i32
      %dma_wait3A_1234 = arith.constant 3 : i32
      %dma_wait3A_1235 = arith.constant 0 : i32
      %dma_wait3A_1236 = arith.constant 0 : i32
      %dma_wait3A_1237 = tpu.memref_slice %arg6[%dma_wait3A_1233, %dma_wait3A_1235, %dma_wait3A_1236] : memref<4x128x32xf32, #tpu.memory_space<vmem>> -> memref<1x128x32xf32, #tpu.memory_space<vmem>>
      %dma_wait3A_1238 = tpu.memref_squeeze %dma_wait3A_1237 : memref<1x128x32xf32, #tpu.memory_space<vmem>> -> memref<128x32xf32, #tpu.memory_space<vmem>>
      %dma_wait3A_1239 = arith.constant 0 : i32
      %dma_wait3A_1240 = tpu.memref_slice %arg5[%add3A_1232, %dma_wait3A_1239] : memref<200x128xi32, #tpu.memory_space<vmem>> -> memref<1x128xi32, #tpu.memory_space<vmem>>
      %dma_wait3A_1241 = tpu.memref_squeeze %dma_wait3A_1240 : memref<1x128xi32, #tpu.memory_space<vmem>> -> memref<128xi32, #tpu.memory_space<vmem>>
      %dma_wait3A_1242 = arith.constant 0 : i32
      %dma_wait3A_1243 = arith.constant 0 : i32
      %dma_wait3A_1244 = tpu.memref_slice %arg3[%dma_wait3A_1242, %dma_wait3A_1243] : memref<1000000x32xf32, #tpu.memory_space<hbm>> -> memref<1000000x32xf32, #tpu.memory_space<hbm>>
      %dma_wait3A_1245 = tpu.memref_slice %arg9[%dma_wait3A_1234] : memref<4x!tpu.dma_semaphore, #tpu.memory_space<semaphore_mem>> -> memref<1x!tpu.dma_semaphore, #tpu.memory_space<semaphore_mem>>
      %dma_wait3A_1246 = tpu.memref_squeeze %dma_wait3A_1245 : memref<1x!tpu.dma_semaphore, #tpu.memory_space<semaphore_mem>> -> memref<!tpu.dma_semaphore, #tpu.memory_space<semaphore_mem>>
      tpu.wait_indirect_dma semaphore(%dma_wait3A_1246 : memref<!tpu.dma_semaphore, #tpu.memory_space<semaphore_mem>>) src(%dma_wait3A_1244 : memref<1000000x32xf32, #tpu.memory_space<hbm>>) dst(%dma_wait3A_1238 : memref<128x32xf32, #tpu.memory_space<vmem>>)
      %ge3A_1247 = arith.constant 2 : i32
      %ge3A_1248 = arith.cmpi sge, %add3A_1232, %ge3A_1247 : i32
      %convert_element_type3A_1249 = arith.extui %ge3A_1248 : i1 to i32
      %cond3A_1250 = arith.constant 0 : i32
      %cond3A_1251 = arith.cmpi ne, %convert_element_type3A_1249, %cond3A_1250 : i32
      scf.if %cond3A_1251 {
        %sub3A = arith.constant 2 : i32
        %sub3A_1343 = arith.subi %add3A_1232, %sub3A : i32
        %dma_wait3A_1344 = arith.constant 0 : i32
        %dma_wait3A_1345 = arith.constant 1 : i32
        %dma_wait3A_1346 = arith.constant 0 : i32
        %dma_wait3A_1347 = arith.constant 0 : i32
        %dma_wait3A_1348 = tpu.memref_slice %arg8[%dma_wait3A_1346, %dma_wait3A_1347] : memref<32x129xf32, #tpu.memory_space<vmem>> -> memref<8x128xf32, #tpu.memory_space<vmem>>
        %dma_wait3A_1349 = arith.constant 0 : i32
        %dma_wait3A_1350 = arith.constant 0 : i32
        %dma_wait3A_1351 = tpu.memref_slice %arg4[%sub3A_1343, %dma_wait3A_1344, %add3A, %dma_wait3A_1349, %dma_wait3A_1350] : memref<200x4x32x8x128xf32, #tpu.memory_space<hbm>> -> memref<1x1x1x8x128xf32, #tpu.memory_space<hbm>>
        %dma_wait3A_1352 = tpu.memref_squeeze %dma_wait3A_1351 : memref<1x1x1x8x128xf32, #tpu.memory_space<hbm>> -> memref<8x128xf32, #tpu.memory_space<hbm>>
        %dma_wait3A_1353 = tpu.memref_slice %arg10[%dma_wait3A_1345] : memref<2x!tpu.dma_semaphore, #tpu.memory_space<semaphore_mem>> -> memref<1x!tpu.dma_semaphore, #tpu.memory_space<semaphore_mem>>
        %dma_wait3A_1354 = tpu.memref_squeeze %dma_wait3A_1353 : memref<1x!tpu.dma_semaphore, #tpu.memory_space<semaphore_mem>> -> memref<!tpu.dma_semaphore, #tpu.memory_space<semaphore_mem>>
        %dma_wait3A_1355 = arith.constant 0 : i32
        %dma_wait3A_1356 = arith.constant 0 : i32
        %dma_wait3A_1357 = tpu.memref_slice %arg4[%sub3A_1343, %dma_wait3A_1344, %add3A, %dma_wait3A_1355, %dma_wait3A_1356] : memref<200x4x32x8x128xf32, #tpu.memory_space<hbm>> -> memref<1x1x1x8x128xf32, #tpu.memory_space<hbm>>
        %dma_wait3A_1358 = tpu.memref_squeeze %dma_wait3A_1357 : memref<1x1x1x8x128xf32, #tpu.memory_space<hbm>> -> memref<8x128xf32, #tpu.memory_space<hbm>>
        %dma_wait3A_1359 = arith.constant 0 : i32
        %dma_wait3A_1360 = arith.constant 0 : i32
        %dma_wait3A_1361 = tpu.memref_slice %arg8[%dma_wait3A_1359, %dma_wait3A_1360] : memref<32x129xf32, #tpu.memory_space<vmem>> -> memref<8x128xf32, #tpu.memory_space<vmem>>
        tpu.wait_dma2 semaphore(%dma_wait3A_1354 : memref<!tpu.dma_semaphore, #tpu.memory_space<semaphore_mem>>) src(%dma_wait3A_1361 : memref<8x128xf32, #tpu.memory_space<vmem>>) dst(%dma_wait3A_1358 : memref<8x128xf32, #tpu.memory_space<hbm>>)
        %sub3A_1362 = arith.constant 2 : i32
        %sub3A_1363 = arith.subi %add3A_1232, %sub3A_1362 : i32
        %dma_wait3A_1364 = arith.constant 1 : i32
        %dma_wait3A_1365 = arith.constant 1 : i32
        %dma_wait3A_1366 = arith.constant 8 : i32
        %dma_wait3A_1367 = arith.constant 0 : i32
        %dma_wait3A_1368 = tpu.memref_slice %arg8[%dma_wait3A_1366, %dma_wait3A_1367] : memref<32x129xf32, #tpu.memory_space<vmem>> -> memref<8x128xf32, #tpu.memory_space<vmem>>
        %dma_wait3A_1369 = arith.constant 0 : i32
        %dma_wait3A_1370 = arith.constant 0 : i32
        %dma_wait3A_1371 = tpu.memref_slice %arg4[%sub3A_1363, %dma_wait3A_1364, %add3A, %dma_wait3A_1369, %dma_wait3A_1370] : memref<200x4x32x8x128xf32, #tpu.memory_space<hbm>> -> memref<1x1x1x8x128xf32, #tpu.memory_space<hbm>>
        %dma_wait3A_1372 = tpu.memref_squeeze %dma_wait3A_1371 : memref<1x1x1x8x128xf32, #tpu.memory_space<hbm>> -> memref<8x128xf32, #tpu.memory_space<hbm>>
        %dma_wait3A_1373 = tpu.memref_slice %arg10[%dma_wait3A_1365] : memref<2x!tpu.dma_semaphore, #tpu.memory_space<semaphore_mem>> -> memref<1x!tpu.dma_semaphore, #tpu.memory_space<semaphore_mem>>
        %dma_wait3A_1374 = tpu.memref_squeeze %dma_wait3A_1373 : memref<1x!tpu.dma_semaphore, #tpu.memory_space<semaphore_mem>> -> memref<!tpu.dma_semaphore, #tpu.memory_space<semaphore_mem>>
        %dma_wait3A_1375 = arith.constant 0 : i32
        %dma_wait3A_1376 = arith.constant 0 : i32
        %dma_wait3A_1377 = tpu.memref_slice %arg4[%sub3A_1363, %dma_wait3A_1364, %add3A, %dma_wait3A_1375, %dma_wait3A_1376] : memref<200x4x32x8x128xf32, #tpu.memory_space<hbm>> -> memref<1x1x1x8x128xf32, #tpu.memory_space<hbm>>
        %dma_wait3A_1378 = tpu.memref_squeeze %dma_wait3A_1377 : memref<1x1x1x8x128xf32, #tpu.memory_space<hbm>> -> memref<8x128xf32, #tpu.memory_space<hbm>>
        %dma_wait3A_1379 = arith.constant 8 : i32
        %dma_wait3A_1380 = arith.constant 0 : i32
        %dma_wait3A_1381 = tpu.memref_slice %arg8[%dma_wait3A_1379, %dma_wait3A_1380] : memref<32x129xf32, #tpu.memory_space<vmem>> -> memref<8x128xf32, #tpu.memory_space<vmem>>
        tpu.wait_dma2 semaphore(%dma_wait3A_1374 : memref<!tpu.dma_semaphore, #tpu.memory_space<semaphore_mem>>) src(%dma_wait3A_1381 : memref<8x128xf32, #tpu.memory_space<vmem>>) dst(%dma_wait3A_1378 : memref<8x128xf32, #tpu.memory_space<hbm>>)
        %sub3A_1382 = arith.constant 2 : i32
        %sub3A_1383 = arith.subi %add3A_1232, %sub3A_1382 : i32
        %dma_wait3A_1384 = arith.constant 2 : i32
        %dma_wait3A_1385 = arith.constant 1 : i32
        %dma_wait3A_1386 = arith.constant 16 : i32
        %dma_wait3A_1387 = arith.constant 0 : i32
        %dma_wait3A_1388 = tpu.memref_slice %arg8[%dma_wait3A_1386, %dma_wait3A_1387] : memref<32x129xf32, #tpu.memory_space<vmem>> -> memref<8x128xf32, #tpu.memory_space<vmem>>
        %dma_wait3A_1389 = arith.constant 0 : i32
        %dma_wait3A_1390 = arith.constant 0 : i32
        %dma_wait3A_1391 = tpu.memref_slice %arg4[%sub3A_1383, %dma_wait3A_1384, %add3A, %dma_wait3A_1389, %dma_wait3A_1390] : memref<200x4x32x8x128xf32, #tpu.memory_space<hbm>> -> memref<1x1x1x8x128xf32, #tpu.memory_space<hbm>>
        %dma_wait3A_1392 = tpu.memref_squeeze %dma_wait3A_1391 : memref<1x1x1x8x128xf32, #tpu.memory_space<hbm>> -> memref<8x128xf32, #tpu.memory_space<hbm>>
        %dma_wait3A_1393 = tpu.memref_slice %arg10[%dma_wait3A_1385] : memref<2x!tpu.dma_semaphore, #tpu.memory_space<semaphore_mem>> -> memref<1x!tpu.dma_semaphore, #tpu.memory_space<semaphore_mem>>
        %dma_wait3A_1394 = tpu.memref_squeeze %dma_wait3A_1393 : memref<1x!tpu.dma_semaphore, #tpu.memory_space<semaphore_mem>> -> memref<!tpu.dma_semaphore, #tpu.memory_space<semaphore_mem>>
        %dma_wait3A_1395 = arith.constant 0 : i32
        %dma_wait3A_1396 = arith.constant 0 : i32
        %dma_wait3A_1397 = tpu.memref_slice %arg4[%sub3A_1383, %dma_wait3A_1384, %add3A, %dma_wait3A_1395, %dma_wait3A_1396] : memref<200x4x32x8x128xf32, #tpu.memory_space<hbm>> -> memref<1x1x1x8x128xf32, #tpu.memory_space<hbm>>
        %dma_wait3A_1398 = tpu.memref_squeeze %dma_wait3A_1397 : memref<1x1x1x8x128xf32, #tpu.memory_space<hbm>> -> memref<8x128xf32, #tpu.memory_space<hbm>>
        %dma_wait3A_1399 = arith.constant 16 : i32
        %dma_wait3A_1400 = arith.constant 0 : i32
        %dma_wait3A_1401 = tpu.memref_slice %arg8[%dma_wait3A_1399, %dma_wait3A_1400] : memref<32x129xf32, #tpu.memory_space<vmem>> -> memref<8x128xf32, #tpu.memory_space<vmem>>
        tpu.wait_dma2 semaphore(%dma_wait3A_1394 : memref<!tpu.dma_semaphore, #tpu.memory_space<semaphore_mem>>) src(%dma_wait3A_1401 : memref<8x128xf32, #tpu.memory_space<vmem>>) dst(%dma_wait3A_1398 : memref<8x128xf32, #tpu.memory_space<hbm>>)
        %sub3A_1402 = arith.constant 2 : i32
        %sub3A_1403 = arith.subi %add3A_1232, %sub3A_1402 : i32
        %dma_wait3A_1404 = arith.constant 3 : i32
        %dma_wait3A_1405 = arith.constant 1 : i32
        %dma_wait3A_1406 = arith.constant 24 : i32
        %dma_wait3A_1407 = arith.constant 0 : i32
        %dma_wait3A_1408 = tpu.memref_slice %arg8[%dma_wait3A_1406, %dma_wait3A_1407] : memref<32x129xf32, #tpu.memory_space<vmem>> -> memref<8x128xf32, #tpu.memory_space<vmem>>
        %dma_wait3A_1409 = arith.constant 0 : i32
        %dma_wait3A_1410 = arith.constant 0 : i32
        %dma_wait3A_1411 = tpu.memref_slice %arg4[%sub3A_1403, %dma_wait3A_1404, %add3A, %dma_wait3A_1409, %dma_wait3A_1410] : memref<200x4x32x8x128xf32, #tpu.memory_space<hbm>> -> memref<1x1x1x8x128xf32, #tpu.memory_space<hbm>>
        %dma_wait3A_1412 = tpu.memref_squeeze %dma_wait3A_1411 : memref<1x1x1x8x128xf32, #tpu.memory_space<hbm>> -> memref<8x128xf32, #tpu.memory_space<hbm>>
        %dma_wait3A_1413 = tpu.memref_slice %arg10[%dma_wait3A_1405] : memref<2x!tpu.dma_semaphore, #tpu.memory_space<semaphore_mem>> -> memref<1x!tpu.dma_semaphore, #tpu.memory_space<semaphore_mem>>
        %dma_wait3A_1414 = tpu.memref_squeeze %dma_wait3A_1413 : memref<1x!tpu.dma_semaphore, #tpu.memory_space<semaphore_mem>> -> memref<!tpu.dma_semaphore, #tpu.memory_space<semaphore_mem>>
        %dma_wait3A_1415 = arith.constant 0 : i32
        %dma_wait3A_1416 = arith.constant 0 : i32
        %dma_wait3A_1417 = tpu.memref_slice %arg4[%sub3A_1403, %dma_wait3A_1404, %add3A, %dma_wait3A_1415, %dma_wait3A_1416] : memref<200x4x32x8x128xf32, #tpu.memory_space<hbm>> -> memref<1x1x1x8x128xf32, #tpu.memory_space<hbm>>
        %dma_wait3A_1418 = tpu.memref_squeeze %dma_wait3A_1417 : memref<1x1x1x8x128xf32, #tpu.memory_space<hbm>> -> memref<8x128xf32, #tpu.memory_space<hbm>>
        %dma_wait3A_1419 = arith.constant 24 : i32
        %dma_wait3A_1420 = arith.constant 0 : i32
        %dma_wait3A_1421 = tpu.memref_slice %arg8[%dma_wait3A_1419, %dma_wait3A_1420] : memref<32x129xf32, #tpu.memory_space<vmem>> -> memref<8x128xf32, #tpu.memory_space<vmem>>
        tpu.wait_dma2 semaphore(%dma_wait3A_1414 : memref<!tpu.dma_semaphore, #tpu.memory_space<semaphore_mem>>) src(%dma_wait3A_1421 : memref<8x128xf32, #tpu.memory_space<vmem>>) dst(%dma_wait3A_1418 : memref<8x128xf32, #tpu.memory_space<hbm>>)
      } else {
      }
      %parallel_loop3A_1252 = arith.constant 0 : i32
      %parallel_loop3A_1253 = arith.constant 128 : i32
      %parallel_loop3A_1254 = arith.constant 1 : i32
      scf.for %parallel_loop3A_1343 = %parallel_loop3A_1252 to %parallel_loop3A_1253 step %parallel_loop3A_1254  : i32 {
        %parallel_loop3A_1344 = vector.broadcast %parallel_loop3A_1343 : i32 to vector<16xi32>
        %parallel_loop3A_1345 = arith.constant 3 : i32
        %parallel_loop3A_1346 = arith.index_cast %parallel_loop3A_1345 : i32 to index
        %parallel_loop3A_1347 = arith.index_cast %parallel_loop3A_1343 : i32 to index
        %parallel_loop3A_1348 = arith.constant 0 : index
        %parallel_loop3A_1349 = tpu.vector_load %arg6[%parallel_loop3A_1346, %parallel_loop3A_1347, %parallel_loop3A_1348] {strides = array<i32>} : memref<4x128x32xf32, #tpu.memory_space<vmem>>, vector<16xf32>,
        %parallel_loop3A_1350 = arith.constant 0 : i32
        %parallel_loop3A_1351 = vector.broadcast %parallel_loop3A_1350 : i32 to vector<16xi32>
        %parallel_loop3A_1352 = arith.addi %iota3A, %parallel_loop3A_1351 : vector<16xi32>
        tpu.vector_store_idx %arg8[%parallel_loop3A_1352, %parallel_loop3A_1344], %parallel_loop3A_1349 : memref<32x129xf32, #tpu.memory_space<vmem>>[vector<16xi32>, vector<16xi32>], vector<16xf32>,
        %parallel_loop3A_1353 = arith.constant 3 : i32
        %parallel_loop3A_1354 = arith.index_cast %parallel_loop3A_1353 : i32 to index
        %parallel_loop3A_1355 = arith.index_cast %parallel_loop3A_1343 : i32 to index
        %parallel_loop3A_1356 = arith.constant 16 : index
        %parallel_loop3A_1357 = tpu.vector_load %arg6[%parallel_loop3A_1354, %parallel_loop3A_1355, %parallel_loop3A_1356] {strides = array<i32>} : memref<4x128x32xf32, #tpu.memory_space<vmem>>, vector<16xf32>,
        %parallel_loop3A_1358 = arith.constant 16 : i32
        %parallel_loop3A_1359 = vector.broadcast %parallel_loop3A_1358 : i32 to vector<16xi32>
        %parallel_loop3A_1360 = arith.addi %iota3A, %parallel_loop3A_1359 : vector<16xi32>
        tpu.vector_store_idx %arg8[%parallel_loop3A_1360, %parallel_loop3A_1344], %parallel_loop3A_1357 : memref<32x129xf32, #tpu.memory_space<vmem>>[vector<16xi32>, vector<16xi32>], vector<16xf32>,
      } {sc.loop_unroll_factor = 16 : i64, sc.parallel_access}
      %dma_start3A_1255 = arith.constant 0 : i32
      %dma_start3A_1256 = arith.constant 1 : i32
      %dma_start3A_1257 = arith.constant 0 : i32
      %dma_start3A_1258 = arith.constant 0 : i32
      %dma_start3A_1259 = tpu.memref_slice %arg8[%dma_start3A_1257, %dma_start3A_1258] : memref<32x129xf32, #tpu.memory_space<vmem>> -> memref<8x128xf32, #tpu.memory_space<vmem>>
      %dma_start3A_1260 = arith.constant 0 : i32
      %dma_start3A_1261 = arith.constant 0 : i32
      %dma_start3A_1262 = tpu.memref_slice %arg4[%add3A_1232, %dma_start3A_1255, %add3A, %dma_start3A_1260, %dma_start3A_1261] : memref<200x4x32x8x128xf32, #tpu.memory_space<hbm>> -> memref<1x1x1x8x128xf32, #tpu.memory_space<hbm>>
      %dma_start3A_1263 = tpu.memref_squeeze %dma_start3A_1262 : memref<1x1x1x8x128xf32, #tpu.memory_space<hbm>> -> memref<8x128xf32, #tpu.memory_space<hbm>>
      %dma_start3A_1264 = tpu.memref_slice %arg10[%dma_start3A_1256] : memref<2x!tpu.dma_semaphore, #tpu.memory_space<semaphore_mem>> -> memref<1x!tpu.dma_semaphore, #tpu.memory_space<semaphore_mem>>
      %dma_start3A_1265 = tpu.memref_squeeze %dma_start3A_1264 : memref<1x!tpu.dma_semaphore, #tpu.memory_space<semaphore_mem>> -> memref<!tpu.dma_semaphore, #tpu.memory_space<semaphore_mem>>
      %dma_start3A_1266 = arith.constant 0 : i32
      %dma_start3A_1267 = arith.constant 0 : i32
      %dma_start3A_1268 = tpu.memref_slice %arg4[%add3A_1232, %dma_start3A_1255, %add3A, %dma_start3A_1266, %dma_start3A_1267] : memref<200x4x32x8x128xf32, #tpu.memory_space<hbm>> -> memref<1x1x1x8x128xf32, #tpu.memory_space<hbm>>
      %dma_start3A_1269 = tpu.memref_squeeze %dma_start3A_1268 : memref<1x1x1x8x128xf32, #tpu.memory_space<hbm>> -> memref<8x128xf32, #tpu.memory_space<hbm>>
      %dma_start3A_1270 = arith.constant 0 : i32
      %dma_start3A_1271 = arith.constant 0 : i32
      %dma_start3A_1272 = tpu.memref_slice %arg8[%dma_start3A_1270, %dma_start3A_1271] : memref<32x129xf32, #tpu.memory_space<vmem>> -> memref<8x128xf32, #tpu.memory_space<vmem>>
      tpu.enqueue_dma source(%dma_start3A_1272 : memref<8x128xf32, #tpu.memory_space<vmem>>) target(%dma_start3A_1269 : memref<8x128xf32, #tpu.memory_space<hbm>>) target_semaphore(%dma_start3A_1265 : memref<!tpu.dma_semaphore, #tpu.memory_space<semaphore_mem>>)
      %dma_start3A_1273 = arith.constant 1 : i32
      %dma_start3A_1274 = arith.constant 1 : i32
      %dma_start3A_1275 = arith.constant 8 : i32
      %dma_start3A_1276 = arith.constant 0 : i32
      %dma_start3A_1277 = tpu.memref_slice %arg8[%dma_start3A_1275, %dma_start3A_1276] : memref<32x129xf32, #tpu.memory_space<vmem>> -> memref<8x128xf32, #tpu.memory_space<vmem>>
      %dma_start3A_1278 = arith.constant 0 : i32
      %dma_start3A_1279 = arith.constant 0 : i32
      %dma_start3A_1280 = tpu.memref_slice %arg4[%add3A_1232, %dma_start3A_1273, %add3A, %dma_start3A_1278, %dma_start3A_1279] : memref<200x4x32x8x128xf32, #tpu.memory_space<hbm>> -> memref<1x1x1x8x128xf32, #tpu.memory_space<hbm>>
      %dma_start3A_1281 = tpu.memref_squeeze %dma_start3A_1280 : memref<1x1x1x8x128xf32, #tpu.memory_space<hbm>> -> memref<8x128xf32, #tpu.memory_space<hbm>>
      %dma_start3A_1282 = tpu.memref_slice %arg10[%dma_start3A_1274] : memref<2x!tpu.dma_semaphore, #tpu.memory_space<semaphore_mem>> -> memref<1x!tpu.dma_semaphore, #tpu.memory_space<semaphore_mem>>
      %dma_start3A_1283 = tpu.memref_squeeze %dma_start3A_1282 : memref<1x!tpu.dma_semaphore, #tpu.memory_space<semaphore_mem>> -> memref<!tpu.dma_semaphore, #tpu.memory_space<semaphore_mem>>
      %dma_start3A_1284 = arith.constant 0 : i32
      %dma_start3A_1285 = arith.constant 0 : i32
      %dma_start3A_1286 = tpu.memref_slice %arg4[%add3A_1232, %dma_start3A_1273, %add3A, %dma_start3A_1284, %dma_start3A_1285] : memref<200x4x32x8x128xf32, #tpu.memory_space<hbm>> -> memref<1x1x1x8x128xf32, #tpu.memory_space<hbm>>
      %dma_start3A_1287 = tpu.memref_squeeze %dma_start3A_1286 : memref<1x1x1x8x128xf32, #tpu.memory_space<hbm>> -> memref<8x128xf32, #tpu.memory_space<hbm>>
      %dma_start3A_1288 = arith.constant 8 : i32
      %dma_start3A_1289 = arith.constant 0 : i32
      %dma_start3A_1290 = tpu.memref_slice %arg8[%dma_start3A_1288, %dma_start3A_1289] : memref<32x129xf32, #tpu.memory_space<vmem>> -> memref<8x128xf32, #tpu.memory_space<vmem>>
      tpu.enqueue_dma source(%dma_start3A_1290 : memref<8x128xf32, #tpu.memory_space<vmem>>) target(%dma_start3A_1287 : memref<8x128xf32, #tpu.memory_space<hbm>>) target_semaphore(%dma_start3A_1283 : memref<!tpu.dma_semaphore, #tpu.memory_space<semaphore_mem>>)
      %dma_start3A_1291 = arith.constant 2 : i32
      %dma_start3A_1292 = arith.constant 1 : i32
      %dma_start3A_1293 = arith.constant 16 : i32
      %dma_start3A_1294 = arith.constant 0 : i32
      %dma_start3A_1295 = tpu.memref_slice %arg8[%dma_start3A_1293, %dma_start3A_1294] : memref<32x129xf32, #tpu.memory_space<vmem>> -> memref<8x128xf32, #tpu.memory_space<vmem>>
      %dma_start3A_1296 = arith.constant 0 : i32
      %dma_start3A_1297 = arith.constant 0 : i32
      %dma_start3A_1298 = tpu.memref_slice %arg4[%add3A_1232, %dma_start3A_1291, %add3A, %dma_start3A_1296, %dma_start3A_1297] : memref<200x4x32x8x128xf32, #tpu.memory_space<hbm>> -> memref<1x1x1x8x128xf32, #tpu.memory_space<hbm>>
      %dma_start3A_1299 = tpu.memref_squeeze %dma_start3A_1298 : memref<1x1x1x8x128xf32, #tpu.memory_space<hbm>> -> memref<8x128xf32, #tpu.memory_space<hbm>>
      %dma_start3A_1300 = tpu.memref_slice %arg10[%dma_start3A_1292] : memref<2x!tpu.dma_semaphore, #tpu.memory_space<semaphore_mem>> -> memref<1x!tpu.dma_semaphore, #tpu.memory_space<semaphore_mem>>
      %dma_start3A_1301 = tpu.memref_squeeze %dma_start3A_1300 : memref<1x!tpu.dma_semaphore, #tpu.memory_space<semaphore_mem>> -> memref<!tpu.dma_semaphore, #tpu.memory_space<semaphore_mem>>
      %dma_start3A_1302 = arith.constant 0 : i32
      %dma_start3A_1303 = arith.constant 0 : i32
      %dma_start3A_1304 = tpu.memref_slice %arg4[%add3A_1232, %dma_start3A_1291, %add3A, %dma_start3A_1302, %dma_start3A_1303] : memref<200x4x32x8x128xf32, #tpu.memory_space<hbm>> -> memref<1x1x1x8x128xf32, #tpu.memory_space<hbm>>
      %dma_start3A_1305 = tpu.memref_squeeze %dma_start3A_1304 : memref<1x1x1x8x128xf32, #tpu.memory_space<hbm>> -> memref<8x128xf32, #tpu.memory_space<hbm>>
      %dma_start3A_1306 = arith.constant 16 : i32
      %dma_start3A_1307 = arith.constant 0 : i32
      %dma_start3A_1308 = tpu.memref_slice %arg8[%dma_start3A_1306, %dma_start3A_1307] : memref<32x129xf32, #tpu.memory_space<vmem>> -> memref<8x128xf32, #tpu.memory_space<vmem>>
      tpu.enqueue_dma source(%dma_start3A_1308 : memref<8x128xf32, #tpu.memory_space<vmem>>) target(%dma_start3A_1305 : memref<8x128xf32, #tpu.memory_space<hbm>>) target_semaphore(%dma_start3A_1301 : memref<!tpu.dma_semaphore, #tpu.memory_space<semaphore_mem>>)
      %dma_start3A_1309 = arith.constant 3 : i32
      %dma_start3A_1310 = arith.constant 1 : i32
      %dma_start3A_1311 = arith.constant 24 : i32
      %dma_start3A_1312 = arith.constant 0 : i32
      %dma_start3A_1313 = tpu.memref_slice %arg8[%dma_start3A_1311, %dma_start3A_1312] : memref<32x129xf32, #tpu.memory_space<vmem>> -> memref<8x128xf32, #tpu.memory_space<vmem>>
      %dma_start3A_1314 = arith.constant 0 : i32
      %dma_start3A_1315 = arith.constant 0 : i32
      %dma_start3A_1316 = tpu.memref_slice %arg4[%add3A_1232, %dma_start3A_1309, %add3A, %dma_start3A_1314, %dma_start3A_1315] : memref<200x4x32x8x128xf32, #tpu.memory_space<hbm>> -> memref<1x1x1x8x128xf32, #tpu.memory_space<hbm>>
      %dma_start3A_1317 = tpu.memref_squeeze %dma_start3A_1316 : memref<1x1x1x8x128xf32, #tpu.memory_space<hbm>> -> memref<8x128xf32, #tpu.memory_space<hbm>>
      %dma_start3A_1318 = tpu.memref_slice %arg10[%dma_start3A_1310] : memref<2x!tpu.dma_semaphore, #tpu.memory_space<semaphore_mem>> -> memref<1x!tpu.dma_semaphore, #tpu.memory_space<semaphore_mem>>
      %dma_start3A_1319 = tpu.memref_squeeze %dma_start3A_1318 : memref<1x!tpu.dma_semaphore, #tpu.memory_space<semaphore_mem>> -> memref<!tpu.dma_semaphore, #tpu.memory_space<semaphore_mem>>
      %dma_start3A_1320 = arith.constant 0 : i32
      %dma_start3A_1321 = arith.constant 0 : i32
      %dma_start3A_1322 = tpu.memref_slice %arg4[%add3A_1232, %dma_start3A_1309, %add3A, %dma_start3A_1320, %dma_start3A_1321] : memref<200x4x32x8x128xf32, #tpu.memory_space<hbm>> -> memref<1x1x1x8x128xf32, #tpu.memory_space<hbm>>
      %dma_start3A_1323 = tpu.memref_squeeze %dma_start3A_1322 : memref<1x1x1x8x128xf32, #tpu.memory_space<hbm>> -> memref<8x128xf32, #tpu.memory_space<hbm>>
      %dma_start3A_1324 = arith.constant 24 : i32
      %dma_start3A_1325 = arith.constant 0 : i32
      %dma_start3A_1326 = tpu.memref_slice %arg8[%dma_start3A_1324, %dma_start3A_1325] : memref<32x129xf32, #tpu.memory_space<vmem>> -> memref<8x128xf32, #tpu.memory_space<vmem>>
      tpu.enqueue_dma source(%dma_start3A_1326 : memref<8x128xf32, #tpu.memory_space<vmem>>) target(%dma_start3A_1323 : memref<8x128xf32, #tpu.memory_space<hbm>>) target_semaphore(%dma_start3A_1319 : memref<!tpu.dma_semaphore, #tpu.memory_space<semaphore_mem>>)
      %add3A_1327 = arith.constant 4 : i32
      %add3A_1328 = arith.addi %add3A_1232, %add3A_1327 : i32
      %dma_start3A_1329 = arith.constant 3 : i32
      %dma_start3A_1330 = arith.constant 3 : i32
      %dma_start3A_1331 = arith.constant 0 : i32
      %dma_start3A_1332 = arith.constant 0 : i32
      %dma_start3A_1333 = tpu.memref_slice %arg6[%dma_start3A_1329, %dma_start3A_1331, %dma_start3A_1332] : memref<4x128x32xf32, #tpu.memory_space<vmem>> -> memref<1x128x32xf32, #tpu.memory_space<vmem>>
      %dma_start3A_1334 = tpu.memref_squeeze %dma_start3A_1333 : memref<1x128x32xf32, #tpu.memory_space<vmem>> -> memref<128x32xf32, #tpu.memory_space<vmem>>
      %dma_start3A_1335 = arith.constant 0 : i32
      %dma_start3A_1336 = tpu.memref_slice %arg5[%add3A_1328, %dma_start3A_1335] : memref<200x128xi32, #tpu.memory_space<vmem>> -> memref<1x128xi32, #tpu.memory_space<vmem>>
      %dma_start3A_1337 = tpu.memref_squeeze %dma_start3A_1336 : memref<1x128xi32, #tpu.memory_space<vmem>> -> memref<128xi32, #tpu.memory_space<vmem>>
      %dma_start3A_1338 = arith.constant 0 : i32
      %dma_start3A_1339 = arith.constant 0 : i32
      %dma_start3A_1340 = tpu.memref_slice %arg3[%dma_start3A_1338, %dma_start3A_1339] : memref<1000000x32xf32, #tpu.memory_space<hbm>> -> memref<1000000x32xf32, #tpu.memory_space<hbm>>
      %dma_start3A_1341 = tpu.memref_slice %arg9[%dma_start3A_1330] : memref<4x!tpu.dma_semaphore, #tpu.memory_space<semaphore_mem>> -> memref<1x!tpu.dma_semaphore, #tpu.memory_space<semaphore_mem>>
      %dma_start3A_1342 = tpu.memref_squeeze %dma_start3A_1341 : memref<1x!tpu.dma_semaphore, #tpu.memory_space<semaphore_mem>> -> memref<!tpu.dma_semaphore, #tpu.memory_space<semaphore_mem>>
      tpu.enqueue_indirect_dma source(%dma_start3A_1340 : memref<1000000x32xf32, #tpu.memory_space<hbm>>) target(%dma_start3A_1334 : memref<128x32xf32, #tpu.memory_space<vmem>>) offsets(%dma_start3A_1337 : memref<128xi32, #tpu.memory_space<vmem>>) semaphore(%dma_start3A_1342 : memref<!tpu.dma_semaphore, #tpu.memory_space<semaphore_mem>>)
    }
    %scan3A_64 = arith.constant 49 : i32
    %dma_wait3A = arith.constant 196 : i32
    %dma_wait3A_65 = arith.constant 0 : i32
    %dma_wait3A_66 = arith.constant 0 : i32
    %dma_wait3A_67 = arith.constant 0 : i32
    %dma_wait3A_68 = arith.constant 0 : i32
    %dma_wait3A_69 = tpu.memref_slice %arg6[%dma_wait3A_65, %dma_wait3A_67, %dma_wait3A_68] : memref<4x128x32xf32, #tpu.memory_space<vmem>> -> memref<1x128x32xf32, #tpu.memory_space<vmem>>
    %dma_wait3A_70 = tpu.memref_squeeze %dma_wait3A_69 : memref<1x128x32xf32, #tpu.memory_space<vmem>> -> memref<128x32xf32, #tpu.memory_space<vmem>>
    %dma_wait3A_71 = arith.constant 0 : i32
    %dma_wait3A_72 = tpu.memref_slice %arg5[%dma_wait3A, %dma_wait3A_71] : memref<200x128xi32, #tpu.memory_space<vmem>> -> memref<1x128xi32, #tpu.memory_space<vmem>>
    %dma_wait3A_73 = tpu.memref_squeeze %dma_wait3A_72 : memref<1x128xi32, #tpu.memory_space<vmem>> -> memref<128xi32, #tpu.memory_space<vmem>>
    %dma_wait3A_74 = arith.constant 0 : i32
    %dma_wait3A_75 = arith.constant 0 : i32
    %dma_wait3A_76 = tpu.memref_slice %arg3[%dma_wait3A_74, %dma_wait3A_75] : memref<1000000x32xf32, #tpu.memory_space<hbm>> -> memref<1000000x32xf32, #tpu.memory_space<hbm>>
    %dma_wait3A_77 = tpu.memref_slice %arg9[%dma_wait3A_66] : memref<4x!tpu.dma_semaphore, #tpu.memory_space<semaphore_mem>> -> memref<1x!tpu.dma_semaphore, #tpu.memory_space<semaphore_mem>>
    %dma_wait3A_78 = tpu.memref_squeeze %dma_wait3A_77 : memref<1x!tpu.dma_semaphore, #tpu.memory_space<semaphore_mem>> -> memref<!tpu.dma_semaphore, #tpu.memory_space<semaphore_mem>>
    tpu.wait_indirect_dma semaphore(%dma_wait3A_78 : memref<!tpu.dma_semaphore, #tpu.memory_space<semaphore_mem>>) src(%dma_wait3A_76 : memref<1000000x32xf32, #tpu.memory_space<hbm>>) dst(%dma_wait3A_70 : memref<128x32xf32, #tpu.memory_space<vmem>>)
    %dma_wait3A_79 = arith.constant 194 : i32
    %dma_wait3A_80 = arith.constant 0 : i32
    %dma_wait3A_81 = arith.constant 0 : i32
    %dma_wait3A_82 = arith.constant 0 : i32
    %dma_wait3A_83 = arith.constant 0 : i32
    %dma_wait3A_84 = tpu.memref_slice %arg7[%dma_wait3A_82, %dma_wait3A_83] : memref<32x129xf32, #tpu.memory_space<vmem>> -> memref<8x128xf32, #tpu.memory_space<vmem>>
    %dma_wait3A_85 = arith.constant 0 : i32
    %dma_wait3A_86 = arith.constant 0 : i32
    %dma_wait3A_87 = tpu.memref_slice %arg4[%dma_wait3A_79, %dma_wait3A_80, %add3A, %dma_wait3A_85, %dma_wait3A_86] : memref<200x4x32x8x128xf32, #tpu.memory_space<hbm>> -> memref<1x1x1x8x128xf32, #tpu.memory_space<hbm>>
    %dma_wait3A_88 = tpu.memref_squeeze %dma_wait3A_87 : memref<1x1x1x8x128xf32, #tpu.memory_space<hbm>> -> memref<8x128xf32, #tpu.memory_space<hbm>>
    %dma_wait3A_89 = tpu.memref_slice %arg10[%dma_wait3A_81] : memref<2x!tpu.dma_semaphore, #tpu.memory_space<semaphore_mem>> -> memref<1x!tpu.dma_semaphore, #tpu.memory_space<semaphore_mem>>
    %dma_wait3A_90 = tpu.memref_squeeze %dma_wait3A_89 : memref<1x!tpu.dma_semaphore, #tpu.memory_space<semaphore_mem>> -> memref<!tpu.dma_semaphore, #tpu.memory_space<semaphore_mem>>
    %dma_wait3A_91 = arith.constant 0 : i32
    %dma_wait3A_92 = arith.constant 0 : i32
    %dma_wait3A_93 = tpu.memref_slice %arg4[%dma_wait3A_79, %dma_wait3A_80, %add3A, %dma_wait3A_91, %dma_wait3A_92] : memref<200x4x32x8x128xf32, #tpu.memory_space<hbm>> -> memref<1x1x1x8x128xf32, #tpu.memory_space<hbm>>
    %dma_wait3A_94 = tpu.memref_squeeze %dma_wait3A_93 : memref<1x1x1x8x128xf32, #tpu.memory_space<hbm>> -> memref<8x128xf32, #tpu.memory_space<hbm>>
    %dma_wait3A_95 = arith.constant 0 : i32
    %dma_wait3A_96 = arith.constant 0 : i32
    %dma_wait3A_97 = tpu.memref_slice %arg7[%dma_wait3A_95, %dma_wait3A_96] : memref<32x129xf32, #tpu.memory_space<vmem>> -> memref<8x128xf32, #tpu.memory_space<vmem>>
    tpu.wait_dma2 semaphore(%dma_wait3A_90 : memref<!tpu.dma_semaphore, #tpu.memory_space<semaphore_mem>>) src(%dma_wait3A_97 : memref<8x128xf32, #tpu.memory_space<vmem>>) dst(%dma_wait3A_94 : memref<8x128xf32, #tpu.memory_space<hbm>>)
    %dma_wait3A_98 = arith.constant 194 : i32
    %dma_wait3A_99 = arith.constant 1 : i32
    %dma_wait3A_100 = arith.constant 0 : i32
    %dma_wait3A_101 = arith.constant 8 : i32
    %dma_wait3A_102 = arith.constant 0 : i32
    %dma_wait3A_103 = tpu.memref_slice %arg7[%dma_wait3A_101, %dma_wait3A_102] : memref<32x129xf32, #tpu.memory_space<vmem>> -> memref<8x128xf32, #tpu.memory_space<vmem>>
    %dma_wait3A_104 = arith.constant 0 : i32
    %dma_wait3A_105 = arith.constant 0 : i32
    %dma_wait3A_106 = tpu.memref_slice %arg4[%dma_wait3A_98, %dma_wait3A_99, %add3A, %dma_wait3A_104, %dma_wait3A_105] : memref<200x4x32x8x128xf32, #tpu.memory_space<hbm>> -> memref<1x1x1x8x128xf32, #tpu.memory_space<hbm>>
    %dma_wait3A_107 = tpu.memref_squeeze %dma_wait3A_106 : memref<1x1x1x8x128xf32, #tpu.memory_space<hbm>> -> memref<8x128xf32, #tpu.memory_space<hbm>>
    %dma_wait3A_108 = tpu.memref_slice %arg10[%dma_wait3A_100] : memref<2x!tpu.dma_semaphore, #tpu.memory_space<semaphore_mem>> -> memref<1x!tpu.dma_semaphore, #tpu.memory_space<semaphore_mem>>
    %dma_wait3A_109 = tpu.memref_squeeze %dma_wait3A_108 : memref<1x!tpu.dma_semaphore, #tpu.memory_space<semaphore_mem>> -> memref<!tpu.dma_semaphore, #tpu.memory_space<semaphore_mem>>
    %dma_wait3A_110 = arith.constant 0 : i32
    %dma_wait3A_111 = arith.constant 0 : i32
    %dma_wait3A_112 = tpu.memref_slice %arg4[%dma_wait3A_98, %dma_wait3A_99, %add3A, %dma_wait3A_110, %dma_wait3A_111] : memref<200x4x32x8x128xf32, #tpu.memory_space<hbm>> -> memref<1x1x1x8x128xf32, #tpu.memory_space<hbm>>
    %dma_wait3A_113 = tpu.memref_squeeze %dma_wait3A_112 : memref<1x1x1x8x128xf32, #tpu.memory_space<hbm>> -> memref<8x128xf32, #tpu.memory_space<hbm>>
    %dma_wait3A_114 = arith.constant 8 : i32
    %dma_wait3A_115 = arith.constant 0 : i32
    %dma_wait3A_116 = tpu.memref_slice %arg7[%dma_wait3A_114, %dma_wait3A_115] : memref<32x129xf32, #tpu.memory_space<vmem>> -> memref<8x128xf32, #tpu.memory_space<vmem>>
    tpu.wait_dma2 semaphore(%dma_wait3A_109 : memref<!tpu.dma_semaphore, #tpu.memory_space<semaphore_mem>>) src(%dma_wait3A_116 : memref<8x128xf32, #tpu.memory_space<vmem>>) dst(%dma_wait3A_113 : memref<8x128xf32, #tpu.memory_space<hbm>>)
    %dma_wait3A_117 = arith.constant 194 : i32
    %dma_wait3A_118 = arith.constant 2 : i32
    %dma_wait3A_119 = arith.constant 0 : i32
    %dma_wait3A_120 = arith.constant 16 : i32
    %dma_wait3A_121 = arith.constant 0 : i32
    %dma_wait3A_122 = tpu.memref_slice %arg7[%dma_wait3A_120, %dma_wait3A_121] : memref<32x129xf32, #tpu.memory_space<vmem>> -> memref<8x128xf32, #tpu.memory_space<vmem>>
    %dma_wait3A_123 = arith.constant 0 : i32
    %dma_wait3A_124 = arith.constant 0 : i32
    %dma_wait3A_125 = tpu.memref_slice %arg4[%dma_wait3A_117, %dma_wait3A_118, %add3A, %dma_wait3A_123, %dma_wait3A_124] : memref<200x4x32x8x128xf32, #tpu.memory_space<hbm>> -> memref<1x1x1x8x128xf32, #tpu.memory_space<hbm>>
    %dma_wait3A_126 = tpu.memref_squeeze %dma_wait3A_125 : memref<1x1x1x8x128xf32, #tpu.memory_space<hbm>> -> memref<8x128xf32, #tpu.memory_space<hbm>>
    %dma_wait3A_127 = tpu.memref_slice %arg10[%dma_wait3A_119] : memref<2x!tpu.dma_semaphore, #tpu.memory_space<semaphore_mem>> -> memref<1x!tpu.dma_semaphore, #tpu.memory_space<semaphore_mem>>
    %dma_wait3A_128 = tpu.memref_squeeze %dma_wait3A_127 : memref<1x!tpu.dma_semaphore, #tpu.memory_space<semaphore_mem>> -> memref<!tpu.dma_semaphore, #tpu.memory_space<semaphore_mem>>
    %dma_wait3A_129 = arith.constant 0 : i32
    %dma_wait3A_130 = arith.constant 0 : i32
    %dma_wait3A_131 = tpu.memref_slice %arg4[%dma_wait3A_117, %dma_wait3A_118, %add3A, %dma_wait3A_129, %dma_wait3A_130] : memref<200x4x32x8x128xf32, #tpu.memory_space<hbm>> -> memref<1x1x1x8x128xf32, #tpu.memory_space<hbm>>
    %dma_wait3A_132 = tpu.memref_squeeze %dma_wait3A_131 : memref<1x1x1x8x128xf32, #tpu.memory_space<hbm>> -> memref<8x128xf32, #tpu.memory_space<hbm>>
    %dma_wait3A_133 = arith.constant 16 : i32
    %dma_wait3A_134 = arith.constant 0 : i32
    %dma_wait3A_135 = tpu.memref_slice %arg7[%dma_wait3A_133, %dma_wait3A_134] : memref<32x129xf32, #tpu.memory_space<vmem>> -> memref<8x128xf32, #tpu.memory_space<vmem>>
    tpu.wait_dma2 semaphore(%dma_wait3A_128 : memref<!tpu.dma_semaphore, #tpu.memory_space<semaphore_mem>>) src(%dma_wait3A_135 : memref<8x128xf32, #tpu.memory_space<vmem>>) dst(%dma_wait3A_132 : memref<8x128xf32, #tpu.memory_space<hbm>>)
    %dma_wait3A_136 = arith.constant 194 : i32
    %dma_wait3A_137 = arith.constant 3 : i32
    %dma_wait3A_138 = arith.constant 0 : i32
    %dma_wait3A_139 = arith.constant 24 : i32
    %dma_wait3A_140 = arith.constant 0 : i32
    %dma_wait3A_141 = tpu.memref_slice %arg7[%dma_wait3A_139, %dma_wait3A_140] : memref<32x129xf32, #tpu.memory_space<vmem>> -> memref<8x128xf32, #tpu.memory_space<vmem>>
    %dma_wait3A_142 = arith.constant 0 : i32
    %dma_wait3A_143 = arith.constant 0 : i32
    %dma_wait3A_144 = tpu.memref_slice %arg4[%dma_wait3A_136, %dma_wait3A_137, %add3A, %dma_wait3A_142, %dma_wait3A_143] : memref<200x4x32x8x128xf32, #tpu.memory_space<hbm>> -> memref<1x1x1x8x128xf32, #tpu.memory_space<hbm>>
    %dma_wait3A_145 = tpu.memref_squeeze %dma_wait3A_144 : memref<1x1x1x8x128xf32, #tpu.memory_space<hbm>> -> memref<8x128xf32, #tpu.memory_space<hbm>>
    %dma_wait3A_146 = tpu.memref_slice %arg10[%dma_wait3A_138] : memref<2x!tpu.dma_semaphore, #tpu.memory_space<semaphore_mem>> -> memref<1x!tpu.dma_semaphore, #tpu.memory_space<semaphore_mem>>
    %dma_wait3A_147 = tpu.memref_squeeze %dma_wait3A_146 : memref<1x!tpu.dma_semaphore, #tpu.memory_space<semaphore_mem>> -> memref<!tpu.dma_semaphore, #tpu.memory_space<semaphore_mem>>
    %dma_wait3A_148 = arith.constant 0 : i32
    %dma_wait3A_149 = arith.constant 0 : i32
    %dma_wait3A_150 = tpu.memref_slice %arg4[%dma_wait3A_136, %dma_wait3A_137, %add3A, %dma_wait3A_148, %dma_wait3A_149] : memref<200x4x32x8x128xf32, #tpu.memory_space<hbm>> -> memref<1x1x1x8x128xf32, #tpu.memory_space<hbm>>
    %dma_wait3A_151 = tpu.memref_squeeze %dma_wait3A_150 : memref<1x1x1x8x128xf32, #tpu.memory_space<hbm>> -> memref<8x128xf32, #tpu.memory_space<hbm>>
    %dma_wait3A_152 = arith.constant 24 : i32
    %dma_wait3A_153 = arith.constant 0 : i32
    %dma_wait3A_154 = tpu.memref_slice %arg7[%dma_wait3A_152, %dma_wait3A_153] : memref<32x129xf32, #tpu.memory_space<vmem>> -> memref<8x128xf32, #tpu.memory_space<vmem>>
    tpu.wait_dma2 semaphore(%dma_wait3A_147 : memref<!tpu.dma_semaphore, #tpu.memory_space<semaphore_mem>>) src(%dma_wait3A_154 : memref<8x128xf32, #tpu.memory_space<vmem>>) dst(%dma_wait3A_151 : memref<8x128xf32, #tpu.memory_space<hbm>>)
    %parallel_loop3A = arith.constant 0 : i32
    %parallel_loop3A_155 = arith.constant 128 : i32
    %parallel_loop3A_156 = arith.constant 1 : i32
    scf.for %parallel_loop3A_895 = %parallel_loop3A to %parallel_loop3A_155 step %parallel_loop3A_156  : i32 {
      %parallel_loop3A_896 = vector.broadcast %parallel_loop3A_895 : i32 to vector<16xi32>
      %parallel_loop3A_897 = arith.constant 0 : i32
      %parallel_loop3A_898 = arith.index_cast %parallel_loop3A_897 : i32 to index
      %parallel_loop3A_899 = arith.index_cast %parallel_loop3A_895 : i32 to index
      %parallel_loop3A_900 = arith.constant 0 : index
      %parallel_loop3A_901 = tpu.vector_load %arg6[%parallel_loop3A_898, %parallel_loop3A_899, %parallel_loop3A_900] {strides = array<i32>} : memref<4x128x32xf32, #tpu.memory_space<vmem>>, vector<16xf32>,
      %parallel_loop3A_902 = arith.constant 0 : i32
      %parallel_loop3A_903 = vector.broadcast %parallel_loop3A_902 : i32 to vector<16xi32>
      %parallel_loop3A_904 = arith.addi %iota3A, %parallel_loop3A_903 : vector<16xi32>
      tpu.vector_store_idx %arg7[%parallel_loop3A_904, %parallel_loop3A_896], %parallel_loop3A_901 : memref<32x129xf32, #tpu.memory_space<vmem>>[vector<16xi32>, vector<16xi32>], vector<16xf32>,
      %parallel_loop3A_905 = arith.constant 0 : i32
      %parallel_loop3A_906 = arith.index_cast %parallel_loop3A_905 : i32 to index
      %parallel_loop3A_907 = arith.index_cast %parallel_loop3A_895 : i32 to index
      %parallel_loop3A_908 = arith.constant 16 : index
      %parallel_loop3A_909 = tpu.vector_load %arg6[%parallel_loop3A_906, %parallel_loop3A_907, %parallel_loop3A_908] {strides = array<i32>} : memref<4x128x32xf32, #tpu.memory_space<vmem>>, vector<16xf32>,
      %parallel_loop3A_910 = arith.constant 16 : i32
      %parallel_loop3A_911 = vector.broadcast %parallel_loop3A_910 : i32 to vector<16xi32>
      %parallel_loop3A_912 = arith.addi %iota3A, %parallel_loop3A_911 : vector<16xi32>
      tpu.vector_store_idx %arg7[%parallel_loop3A_912, %parallel_loop3A_896], %parallel_loop3A_909 : memref<32x129xf32, #tpu.memory_space<vmem>>[vector<16xi32>, vector<16xi32>], vector<16xf32>,
    } {sc.loop_unroll_factor = 16 : i64, sc.parallel_access}
    %dma_start3A_157 = arith.constant 196 : i32
    %dma_start3A_158 = arith.constant 0 : i32
    %dma_start3A_159 = arith.constant 0 : i32
    %dma_start3A_160 = arith.constant 0 : i32
    %dma_start3A_161 = arith.constant 0 : i32
    %dma_start3A_162 = tpu.memref_slice %arg7[%dma_start3A_160, %dma_start3A_161] : memref<32x129xf32, #tpu.memory_space<vmem>> -> memref<8x128xf32, #tpu.memory_space<vmem>>
    %dma_start3A_163 = arith.constant 0 : i32
    %dma_start3A_164 = arith.constant 0 : i32
    %dma_start3A_165 = tpu.memref_slice %arg4[%dma_start3A_157, %dma_start3A_158, %add3A, %dma_start3A_163, %dma_start3A_164] : memref<200x4x32x8x128xf32, #tpu.memory_space<hbm>> -> memref<1x1x1x8x128xf32, #tpu.memory_space<hbm>>
    %dma_start3A_166 = tpu.memref_squeeze %dma_start3A_165 : memref<1x1x1x8x128xf32, #tpu.memory_space<hbm>> -> memref<8x128xf32, #tpu.memory_space<hbm>>
    %dma_start3A_167 = tpu.memref_slice %arg10[%dma_start3A_159] : memref<2x!tpu.dma_semaphore, #tpu.memory_space<semaphore_mem>> -> memref<1x!tpu.dma_semaphore, #tpu.memory_space<semaphore_mem>>
    %dma_start3A_168 = tpu.memref_squeeze %dma_start3A_167 : memref<1x!tpu.dma_semaphore, #tpu.memory_space<semaphore_mem>> -> memref<!tpu.dma_semaphore, #tpu.memory_space<semaphore_mem>>
    %dma_start3A_169 = arith.constant 0 : i32
    %dma_start3A_170 = arith.constant 0 : i32
    %dma_start3A_171 = tpu.memref_slice %arg4[%dma_start3A_157, %dma_start3A_158, %add3A, %dma_start3A_169, %dma_start3A_170] : memref<200x4x32x8x128xf32, #tpu.memory_space<hbm>> -> memref<1x1x1x8x128xf32, #tpu.memory_space<hbm>>
    %dma_start3A_172 = tpu.memref_squeeze %dma_start3A_171 : memref<1x1x1x8x128xf32, #tpu.memory_space<hbm>> -> memref<8x128xf32, #tpu.memory_space<hbm>>
    %dma_start3A_173 = arith.constant 0 : i32
    %dma_start3A_174 = arith.constant 0 : i32
    %dma_start3A_175 = tpu.memref_slice %arg7[%dma_start3A_173, %dma_start3A_174] : memref<32x129xf32, #tpu.memory_space<vmem>> -> memref<8x128xf32, #tpu.memory_space<vmem>>
    tpu.enqueue_dma source(%dma_start3A_175 : memref<8x128xf32, #tpu.memory_space<vmem>>) target(%dma_start3A_172 : memref<8x128xf32, #tpu.memory_space<hbm>>) target_semaphore(%dma_start3A_168 : memref<!tpu.dma_semaphore, #tpu.memory_space<semaphore_mem>>)
    %dma_start3A_176 = arith.constant 196 : i32
    %dma_start3A_177 = arith.constant 1 : i32
    %dma_start3A_178 = arith.constant 0 : i32
    %dma_start3A_179 = arith.constant 8 : i32
    %dma_start3A_180 = arith.constant 0 : i32
    %dma_start3A_181 = tpu.memref_slice %arg7[%dma_start3A_179, %dma_start3A_180] : memref<32x129xf32, #tpu.memory_space<vmem>> -> memref<8x128xf32, #tpu.memory_space<vmem>>
    %dma_start3A_182 = arith.constant 0 : i32
    %dma_start3A_183 = arith.constant 0 : i32
    %dma_start3A_184 = tpu.memref_slice %arg4[%dma_start3A_176, %dma_start3A_177, %add3A, %dma_start3A_182, %dma_start3A_183] : memref<200x4x32x8x128xf32, #tpu.memory_space<hbm>> -> memref<1x1x1x8x128xf32, #tpu.memory_space<hbm>>
    %dma_start3A_185 = tpu.memref_squeeze %dma_start3A_184 : memref<1x1x1x8x128xf32, #tpu.memory_space<hbm>> -> memref<8x128xf32, #tpu.memory_space<hbm>>
    %dma_start3A_186 = tpu.memref_slice %arg10[%dma_start3A_178] : memref<2x!tpu.dma_semaphore, #tpu.memory_space<semaphore_mem>> -> memref<1x!tpu.dma_semaphore, #tpu.memory_space<semaphore_mem>>
    %dma_start3A_187 = tpu.memref_squeeze %dma_start3A_186 : memref<1x!tpu.dma_semaphore, #tpu.memory_space<semaphore_mem>> -> memref<!tpu.dma_semaphore, #tpu.memory_space<semaphore_mem>>
    %dma_start3A_188 = arith.constant 0 : i32
    %dma_start3A_189 = arith.constant 0 : i32
    %dma_start3A_190 = tpu.memref_slice %arg4[%dma_start3A_176, %dma_start3A_177, %add3A, %dma_start3A_188, %dma_start3A_189] : memref<200x4x32x8x128xf32, #tpu.memory_space<hbm>> -> memref<1x1x1x8x128xf32, #tpu.memory_space<hbm>>
    %dma_start3A_191 = tpu.memref_squeeze %dma_start3A_190 : memref<1x1x1x8x128xf32, #tpu.memory_space<hbm>> -> memref<8x128xf32, #tpu.memory_space<hbm>>
    %dma_start3A_192 = arith.constant 8 : i32
    %dma_start3A_193 = arith.constant 0 : i32
    %dma_start3A_194 = tpu.memref_slice %arg7[%dma_start3A_192, %dma_start3A_193] : memref<32x129xf32, #tpu.memory_space<vmem>> -> memref<8x128xf32, #tpu.memory_space<vmem>>
    tpu.enqueue_dma source(%dma_start3A_194 : memref<8x128xf32, #tpu.memory_space<vmem>>) target(%dma_start3A_191 : memref<8x128xf32, #tpu.memory_space<hbm>>) target_semaphore(%dma_start3A_187 : memref<!tpu.dma_semaphore, #tpu.memory_space<semaphore_mem>>)
    %dma_start3A_195 = arith.constant 196 : i32
    %dma_start3A_196 = arith.constant 2 : i32
    %dma_start3A_197 = arith.constant 0 : i32
    %dma_start3A_198 = arith.constant 16 : i32
    %dma_start3A_199 = arith.constant 0 : i32
    %dma_start3A_200 = tpu.memref_slice %arg7[%dma_start3A_198, %dma_start3A_199] : memref<32x129xf32, #tpu.memory_space<vmem>> -> memref<8x128xf32, #tpu.memory_space<vmem>>
    %dma_start3A_201 = arith.constant 0 : i32
    %dma_start3A_202 = arith.constant 0 : i32
    %dma_start3A_203 = tpu.memref_slice %arg4[%dma_start3A_195, %dma_start3A_196, %add3A, %dma_start3A_201, %dma_start3A_202] : memref<200x4x32x8x128xf32, #tpu.memory_space<hbm>> -> memref<1x1x1x8x128xf32, #tpu.memory_space<hbm>>
    %dma_start3A_204 = tpu.memref_squeeze %dma_start3A_203 : memref<1x1x1x8x128xf32, #tpu.memory_space<hbm>> -> memref<8x128xf32, #tpu.memory_space<hbm>>
    %dma_start3A_205 = tpu.memref_slice %arg10[%dma_start3A_197] : memref<2x!tpu.dma_semaphore, #tpu.memory_space<semaphore_mem>> -> memref<1x!tpu.dma_semaphore, #tpu.memory_space<semaphore_mem>>
    %dma_start3A_206 = tpu.memref_squeeze %dma_start3A_205 : memref<1x!tpu.dma_semaphore, #tpu.memory_space<semaphore_mem>> -> memref<!tpu.dma_semaphore, #tpu.memory_space<semaphore_mem>>
    %dma_start3A_207 = arith.constant 0 : i32
    %dma_start3A_208 = arith.constant 0 : i32
    %dma_start3A_209 = tpu.memref_slice %arg4[%dma_start3A_195, %dma_start3A_196, %add3A, %dma_start3A_207, %dma_start3A_208] : memref<200x4x32x8x128xf32, #tpu.memory_space<hbm>> -> memref<1x1x1x8x128xf32, #tpu.memory_space<hbm>>
    %dma_start3A_210 = tpu.memref_squeeze %dma_start3A_209 : memref<1x1x1x8x128xf32, #tpu.memory_space<hbm>> -> memref<8x128xf32, #tpu.memory_space<hbm>>
    %dma_start3A_211 = arith.constant 16 : i32
    %dma_start3A_212 = arith.constant 0 : i32
    %dma_start3A_213 = tpu.memref_slice %arg7[%dma_start3A_211, %dma_start3A_212] : memref<32x129xf32, #tpu.memory_space<vmem>> -> memref<8x128xf32, #tpu.memory_space<vmem>>
    tpu.enqueue_dma source(%dma_start3A_213 : memref<8x128xf32, #tpu.memory_space<vmem>>) target(%dma_start3A_210 : memref<8x128xf32, #tpu.memory_space<hbm>>) target_semaphore(%dma_start3A_206 : memref<!tpu.dma_semaphore, #tpu.memory_space<semaphore_mem>>)
    %dma_start3A_214 = arith.constant 196 : i32
    %dma_start3A_215 = arith.constant 3 : i32
    %dma_start3A_216 = arith.constant 0 : i32
    %dma_start3A_217 = arith.constant 24 : i32
    %dma_start3A_218 = arith.constant 0 : i32
    %dma_start3A_219 = tpu.memref_slice %arg7[%dma_start3A_217, %dma_start3A_218] : memref<32x129xf32, #tpu.memory_space<vmem>> -> memref<8x128xf32, #tpu.memory_space<vmem>>
    %dma_start3A_220 = arith.constant 0 : i32
    %dma_start3A_221 = arith.constant 0 : i32
    %dma_start3A_222 = tpu.memref_slice %arg4[%dma_start3A_214, %dma_start3A_215, %add3A, %dma_start3A_220, %dma_start3A_221] : memref<200x4x32x8x128xf32, #tpu.memory_space<hbm>> -> memref<1x1x1x8x128xf32, #tpu.memory_space<hbm>>
    %dma_start3A_223 = tpu.memref_squeeze %dma_start3A_222 : memref<1x1x1x8x128xf32, #tpu.memory_space<hbm>> -> memref<8x128xf32, #tpu.memory_space<hbm>>
    %dma_start3A_224 = tpu.memref_slice %arg10[%dma_start3A_216] : memref<2x!tpu.dma_semaphore, #tpu.memory_space<semaphore_mem>> -> memref<1x!tpu.dma_semaphore, #tpu.memory_space<semaphore_mem>>
    %dma_start3A_225 = tpu.memref_squeeze %dma_start3A_224 : memref<1x!tpu.dma_semaphore, #tpu.memory_space<semaphore_mem>> -> memref<!tpu.dma_semaphore, #tpu.memory_space<semaphore_mem>>
    %dma_start3A_226 = arith.constant 0 : i32
    %dma_start3A_227 = arith.constant 0 : i32
    %dma_start3A_228 = tpu.memref_slice %arg4[%dma_start3A_214, %dma_start3A_215, %add3A, %dma_start3A_226, %dma_start3A_227] : memref<200x4x32x8x128xf32, #tpu.memory_space<hbm>> -> memref<1x1x1x8x128xf32, #tpu.memory_space<hbm>>
    %dma_start3A_229 = tpu.memref_squeeze %dma_start3A_228 : memref<1x1x1x8x128xf32, #tpu.memory_space<hbm>> -> memref<8x128xf32, #tpu.memory_space<hbm>>
    %dma_start3A_230 = arith.constant 24 : i32
    %dma_start3A_231 = arith.constant 0 : i32
    %dma_start3A_232 = tpu.memref_slice %arg7[%dma_start3A_230, %dma_start3A_231] : memref<32x129xf32, #tpu.memory_space<vmem>> -> memref<8x128xf32, #tpu.memory_space<vmem>>
    tpu.enqueue_dma source(%dma_start3A_232 : memref<8x128xf32, #tpu.memory_space<vmem>>) target(%dma_start3A_229 : memref<8x128xf32, #tpu.memory_space<hbm>>) target_semaphore(%dma_start3A_225 : memref<!tpu.dma_semaphore, #tpu.memory_space<semaphore_mem>>)
    %dma_wait3A_233 = arith.constant 197 : i32
    %dma_wait3A_234 = arith.constant 1 : i32
    %dma_wait3A_235 = arith.constant 1 : i32
    %dma_wait3A_236 = arith.constant 0 : i32
    %dma_wait3A_237 = arith.constant 0 : i32
    %dma_wait3A_238 = tpu.memref_slice %arg6[%dma_wait3A_234, %dma_wait3A_236, %dma_wait3A_237] : memref<4x128x32xf32, #tpu.memory_space<vmem>> -> memref<1x128x32xf32, #tpu.memory_space<vmem>>
    %dma_wait3A_239 = tpu.memref_squeeze %dma_wait3A_238 : memref<1x128x32xf32, #tpu.memory_space<vmem>> -> memref<128x32xf32, #tpu.memory_space<vmem>>
    %dma_wait3A_240 = arith.constant 0 : i32
    %dma_wait3A_241 = tpu.memref_slice %arg5[%dma_wait3A_233, %dma_wait3A_240] : memref<200x128xi32, #tpu.memory_space<vmem>> -> memref<1x128xi32, #tpu.memory_space<vmem>>
    %dma_wait3A_242 = tpu.memref_squeeze %dma_wait3A_241 : memref<1x128xi32, #tpu.memory_space<vmem>> -> memref<128xi32, #tpu.memory_space<vmem>>
    %dma_wait3A_243 = arith.constant 0 : i32
    %dma_wait3A_244 = arith.constant 0 : i32
    %dma_wait3A_245 = tpu.memref_slice %arg3[%dma_wait3A_243, %dma_wait3A_244] : memref<1000000x32xf32, #tpu.memory_space<hbm>> -> memref<1000000x32xf32, #tpu.memory_space<hbm>>
    %dma_wait3A_246 = tpu.memref_slice %arg9[%dma_wait3A_235] : memref<4x!tpu.dma_semaphore, #tpu.memory_space<semaphore_mem>> -> memref<1x!tpu.dma_semaphore, #tpu.memory_space<semaphore_mem>>
    %dma_wait3A_247 = tpu.memref_squeeze %dma_wait3A_246 : memref<1x!tpu.dma_semaphore, #tpu.memory_space<semaphore_mem>> -> memref<!tpu.dma_semaphore, #tpu.memory_space<semaphore_mem>>
    tpu.wait_indirect_dma semaphore(%dma_wait3A_247 : memref<!tpu.dma_semaphore, #tpu.memory_space<semaphore_mem>>) src(%dma_wait3A_245 : memref<1000000x32xf32, #tpu.memory_space<hbm>>) dst(%dma_wait3A_239 : memref<128x32xf32, #tpu.memory_space<vmem>>)
    %dma_wait3A_248 = arith.constant 195 : i32
    %dma_wait3A_249 = arith.constant 0 : i32
    %dma_wait3A_250 = arith.constant 1 : i32
    %dma_wait3A_251 = arith.constant 0 : i32
    %dma_wait3A_252 = arith.constant 0 : i32
    %dma_wait3A_253 = tpu.memref_slice %arg8[%dma_wait3A_251, %dma_wait3A_252] : memref<32x129xf32, #tpu.memory_space<vmem>> -> memref<8x128xf32, #tpu.memory_space<vmem>>
    %dma_wait3A_254 = arith.constant 0 : i32
    %dma_wait3A_255 = arith.constant 0 : i32
    %dma_wait3A_256 = tpu.memref_slice %arg4[%dma_wait3A_248, %dma_wait3A_249, %add3A, %dma_wait3A_254, %dma_wait3A_255] : memref<200x4x32x8x128xf32, #tpu.memory_space<hbm>> -> memref<1x1x1x8x128xf32, #tpu.memory_space<hbm>>
    %dma_wait3A_257 = tpu.memref_squeeze %dma_wait3A_256 : memref<1x1x1x8x128xf32, #tpu.memory_space<hbm>> -> memref<8x128xf32, #tpu.memory_space<hbm>>
    %dma_wait3A_258 = tpu.memref_slice %arg10[%dma_wait3A_250] : memref<2x!tpu.dma_semaphore, #tpu.memory_space<semaphore_mem>> -> memref<1x!tpu.dma_semaphore, #tpu.memory_space<semaphore_mem>>
    %dma_wait3A_259 = tpu.memref_squeeze %dma_wait3A_258 : memref<1x!tpu.dma_semaphore, #tpu.memory_space<semaphore_mem>> -> memref<!tpu.dma_semaphore, #tpu.memory_space<semaphore_mem>>
    %dma_wait3A_260 = arith.constant 0 : i32
    %dma_wait3A_261 = arith.constant 0 : i32
    %dma_wait3A_262 = tpu.memref_slice %arg4[%dma_wait3A_248, %dma_wait3A_249, %add3A, %dma_wait3A_260, %dma_wait3A_261] : memref<200x4x32x8x128xf32, #tpu.memory_space<hbm>> -> memref<1x1x1x8x128xf32, #tpu.memory_space<hbm>>
    %dma_wait3A_263 = tpu.memref_squeeze %dma_wait3A_262 : memref<1x1x1x8x128xf32, #tpu.memory_space<hbm>> -> memref<8x128xf32, #tpu.memory_space<hbm>>
    %dma_wait3A_264 = arith.constant 0 : i32
    %dma_wait3A_265 = arith.constant 0 : i32
    %dma_wait3A_266 = tpu.memref_slice %arg8[%dma_wait3A_264, %dma_wait3A_265] : memref<32x129xf32, #tpu.memory_space<vmem>> -> memref<8x128xf32, #tpu.memory_space<vmem>>
    tpu.wait_dma2 semaphore(%dma_wait3A_259 : memref<!tpu.dma_semaphore, #tpu.memory_space<semaphore_mem>>) src(%dma_wait3A_266 : memref<8x128xf32, #tpu.memory_space<vmem>>) dst(%dma_wait3A_263 : memref<8x128xf32, #tpu.memory_space<hbm>>)
    %dma_wait3A_267 = arith.constant 195 : i32
    %dma_wait3A_268 = arith.constant 1 : i32
    %dma_wait3A_269 = arith.constant 1 : i32
    %dma_wait3A_270 = arith.constant 8 : i32
    %dma_wait3A_271 = arith.constant 0 : i32
    %dma_wait3A_272 = tpu.memref_slice %arg8[%dma_wait3A_270, %dma_wait3A_271] : memref<32x129xf32, #tpu.memory_space<vmem>> -> memref<8x128xf32, #tpu.memory_space<vmem>>
    %dma_wait3A_273 = arith.constant 0 : i32
    %dma_wait3A_274 = arith.constant 0 : i32
    %dma_wait3A_275 = tpu.memref_slice %arg4[%dma_wait3A_267, %dma_wait3A_268, %add3A, %dma_wait3A_273, %dma_wait3A_274] : memref<200x4x32x8x128xf32, #tpu.memory_space<hbm>> -> memref<1x1x1x8x128xf32, #tpu.memory_space<hbm>>
    %dma_wait3A_276 = tpu.memref_squeeze %dma_wait3A_275 : memref<1x1x1x8x128xf32, #tpu.memory_space<hbm>> -> memref<8x128xf32, #tpu.memory_space<hbm>>
    %dma_wait3A_277 = tpu.memref_slice %arg10[%dma_wait3A_269] : memref<2x!tpu.dma_semaphore, #tpu.memory_space<semaphore_mem>> -> memref<1x!tpu.dma_semaphore, #tpu.memory_space<semaphore_mem>>
    %dma_wait3A_278 = tpu.memref_squeeze %dma_wait3A_277 : memref<1x!tpu.dma_semaphore, #tpu.memory_space<semaphore_mem>> -> memref<!tpu.dma_semaphore, #tpu.memory_space<semaphore_mem>>
    %dma_wait3A_279 = arith.constant 0 : i32
    %dma_wait3A_280 = arith.constant 0 : i32
    %dma_wait3A_281 = tpu.memref_slice %arg4[%dma_wait3A_267, %dma_wait3A_268, %add3A, %dma_wait3A_279, %dma_wait3A_280] : memref<200x4x32x8x128xf32, #tpu.memory_space<hbm>> -> memref<1x1x1x8x128xf32, #tpu.memory_space<hbm>>
    %dma_wait3A_282 = tpu.memref_squeeze %dma_wait3A_281 : memref<1x1x1x8x128xf32, #tpu.memory_space<hbm>> -> memref<8x128xf32, #tpu.memory_space<hbm>>
    %dma_wait3A_283 = arith.constant 8 : i32
    %dma_wait3A_284 = arith.constant 0 : i32
    %dma_wait3A_285 = tpu.memref_slice %arg8[%dma_wait3A_283, %dma_wait3A_284] : memref<32x129xf32, #tpu.memory_space<vmem>> -> memref<8x128xf32, #tpu.memory_space<vmem>>
    tpu.wait_dma2 semaphore(%dma_wait3A_278 : memref<!tpu.dma_semaphore, #tpu.memory_space<semaphore_mem>>) src(%dma_wait3A_285 : memref<8x128xf32, #tpu.memory_space<vmem>>) dst(%dma_wait3A_282 : memref<8x128xf32, #tpu.memory_space<hbm>>)
    %dma_wait3A_286 = arith.constant 195 : i32
    %dma_wait3A_287 = arith.constant 2 : i32
    %dma_wait3A_288 = arith.constant 1 : i32
    %dma_wait3A_289 = arith.constant 16 : i32
    %dma_wait3A_290 = arith.constant 0 : i32
    %dma_wait3A_291 = tpu.memref_slice %arg8[%dma_wait3A_289, %dma_wait3A_290] : memref<32x129xf32, #tpu.memory_space<vmem>> -> memref<8x128xf32, #tpu.memory_space<vmem>>
    %dma_wait3A_292 = arith.constant 0 : i32
    %dma_wait3A_293 = arith.constant 0 : i32
    %dma_wait3A_294 = tpu.memref_slice %arg4[%dma_wait3A_286, %dma_wait3A_287, %add3A, %dma_wait3A_292, %dma_wait3A_293] : memref<200x4x32x8x128xf32, #tpu.memory_space<hbm>> -> memref<1x1x1x8x128xf32, #tpu.memory_space<hbm>>
    %dma_wait3A_295 = tpu.memref_squeeze %dma_wait3A_294 : memref<1x1x1x8x128xf32, #tpu.memory_space<hbm>> -> memref<8x128xf32, #tpu.memory_space<hbm>>
    %dma_wait3A_296 = tpu.memref_slice %arg10[%dma_wait3A_288] : memref<2x!tpu.dma_semaphore, #tpu.memory_space<semaphore_mem>> -> memref<1x!tpu.dma_semaphore, #tpu.memory_space<semaphore_mem>>
    %dma_wait3A_297 = tpu.memref_squeeze %dma_wait3A_296 : memref<1x!tpu.dma_semaphore, #tpu.memory_space<semaphore_mem>> -> memref<!tpu.dma_semaphore, #tpu.memory_space<semaphore_mem>>
    %dma_wait3A_298 = arith.constant 0 : i32
    %dma_wait3A_299 = arith.constant 0 : i32
    %dma_wait3A_300 = tpu.memref_slice %arg4[%dma_wait3A_286, %dma_wait3A_287, %add3A, %dma_wait3A_298, %dma_wait3A_299] : memref<200x4x32x8x128xf32, #tpu.memory_space<hbm>> -> memref<1x1x1x8x128xf32, #tpu.memory_space<hbm>>
    %dma_wait3A_301 = tpu.memref_squeeze %dma_wait3A_300 : memref<1x1x1x8x128xf32, #tpu.memory_space<hbm>> -> memref<8x128xf32, #tpu.memory_space<hbm>>
    %dma_wait3A_302 = arith.constant 16 : i32
    %dma_wait3A_303 = arith.constant 0 : i32
    %dma_wait3A_304 = tpu.memref_slice %arg8[%dma_wait3A_302, %dma_wait3A_303] : memref<32x129xf32, #tpu.memory_space<vmem>> -> memref<8x128xf32, #tpu.memory_space<vmem>>
    tpu.wait_dma2 semaphore(%dma_wait3A_297 : memref<!tpu.dma_semaphore, #tpu.memory_space<semaphore_mem>>) src(%dma_wait3A_304 : memref<8x128xf32, #tpu.memory_space<vmem>>) dst(%dma_wait3A_301 : memref<8x128xf32, #tpu.memory_space<hbm>>)
    %dma_wait3A_305 = arith.constant 195 : i32
    %dma_wait3A_306 = arith.constant 3 : i32
    %dma_wait3A_307 = arith.constant 1 : i32
    %dma_wait3A_308 = arith.constant 24 : i32
    %dma_wait3A_309 = arith.constant 0 : i32
    %dma_wait3A_310 = tpu.memref_slice %arg8[%dma_wait3A_308, %dma_wait3A_309] : memref<32x129xf32, #tpu.memory_space<vmem>> -> memref<8x128xf32, #tpu.memory_space<vmem>>
    %dma_wait3A_311 = arith.constant 0 : i32
    %dma_wait3A_312 = arith.constant 0 : i32
    %dma_wait3A_313 = tpu.memref_slice %arg4[%dma_wait3A_305, %dma_wait3A_306, %add3A, %dma_wait3A_311, %dma_wait3A_312] : memref<200x4x32x8x128xf32, #tpu.memory_space<hbm>> -> memref<1x1x1x8x128xf32, #tpu.memory_space<hbm>>
    %dma_wait3A_314 = tpu.memref_squeeze %dma_wait3A_313 : memref<1x1x1x8x128xf32, #tpu.memory_space<hbm>> -> memref<8x128xf32, #tpu.memory_space<hbm>>
    %dma_wait3A_315 = tpu.memref_slice %arg10[%dma_wait3A_307] : memref<2x!tpu.dma_semaphore, #tpu.memory_space<semaphore_mem>> -> memref<1x!tpu.dma_semaphore, #tpu.memory_space<semaphore_mem>>
    %dma_wait3A_316 = tpu.memref_squeeze %dma_wait3A_315 : memref<1x!tpu.dma_semaphore, #tpu.memory_space<semaphore_mem>> -> memref<!tpu.dma_semaphore, #tpu.memory_space<semaphore_mem>>
    %dma_wait3A_317 = arith.constant 0 : i32
    %dma_wait3A_318 = arith.constant 0 : i32
    %dma_wait3A_319 = tpu.memref_slice %arg4[%dma_wait3A_305, %dma_wait3A_306, %add3A, %dma_wait3A_317, %dma_wait3A_318] : memref<200x4x32x8x128xf32, #tpu.memory_space<hbm>> -> memref<1x1x1x8x128xf32, #tpu.memory_space<hbm>>
    %dma_wait3A_320 = tpu.memref_squeeze %dma_wait3A_319 : memref<1x1x1x8x128xf32, #tpu.memory_space<hbm>> -> memref<8x128xf32, #tpu.memory_space<hbm>>
    %dma_wait3A_321 = arith.constant 24 : i32
    %dma_wait3A_322 = arith.constant 0 : i32
    %dma_wait3A_323 = tpu.memref_slice %arg8[%dma_wait3A_321, %dma_wait3A_322] : memref<32x129xf32, #tpu.memory_space<vmem>> -> memref<8x128xf32, #tpu.memory_space<vmem>>
    tpu.wait_dma2 semaphore(%dma_wait3A_316 : memref<!tpu.dma_semaphore, #tpu.memory_space<semaphore_mem>>) src(%dma_wait3A_323 : memref<8x128xf32, #tpu.memory_space<vmem>>) dst(%dma_wait3A_320 : memref<8x128xf32, #tpu.memory_space<hbm>>)
    %parallel_loop3A_324 = arith.constant 0 : i32
    %parallel_loop3A_325 = arith.constant 128 : i32
    %parallel_loop3A_326 = arith.constant 1 : i32
    scf.for %parallel_loop3A_895 = %parallel_loop3A_324 to %parallel_loop3A_325 step %parallel_loop3A_326  : i32 {
      %parallel_loop3A_896 = vector.broadcast %parallel_loop3A_895 : i32 to vector<16xi32>
      %parallel_loop3A_897 = arith.constant 1 : i32
      %parallel_loop3A_898 = arith.index_cast %parallel_loop3A_897 : i32 to index
      %parallel_loop3A_899 = arith.index_cast %parallel_loop3A_895 : i32 to index
      %parallel_loop3A_900 = arith.constant 0 : index
      %parallel_loop3A_901 = tpu.vector_load %arg6[%parallel_loop3A_898, %parallel_loop3A_899, %parallel_loop3A_900] {strides = array<i32>} : memref<4x128x32xf32, #tpu.memory_space<vmem>>, vector<16xf32>,
      %parallel_loop3A_902 = arith.constant 0 : i32
      %parallel_loop3A_903 = vector.broadcast %parallel_loop3A_902 : i32 to vector<16xi32>
      %parallel_loop3A_904 = arith.addi %iota3A, %parallel_loop3A_903 : vector<16xi32>
      tpu.vector_store_idx %arg8[%parallel_loop3A_904, %parallel_loop3A_896], %parallel_loop3A_901 : memref<32x129xf32, #tpu.memory_space<vmem>>[vector<16xi32>, vector<16xi32>], vector<16xf32>,
      %parallel_loop3A_905 = arith.constant 1 : i32
      %parallel_loop3A_906 = arith.index_cast %parallel_loop3A_905 : i32 to index
      %parallel_loop3A_907 = arith.index_cast %parallel_loop3A_895 : i32 to index
      %parallel_loop3A_908 = arith.constant 16 : index
      %parallel_loop3A_909 = tpu.vector_load %arg6[%parallel_loop3A_906, %parallel_loop3A_907, %parallel_loop3A_908] {strides = array<i32>} : memref<4x128x32xf32, #tpu.memory_space<vmem>>, vector<16xf32>,
      %parallel_loop3A_910 = arith.constant 16 : i32
      %parallel_loop3A_911 = vector.broadcast %parallel_loop3A_910 : i32 to vector<16xi32>
      %parallel_loop3A_912 = arith.addi %iota3A, %parallel_loop3A_911 : vector<16xi32>
      tpu.vector_store_idx %arg8[%parallel_loop3A_912, %parallel_loop3A_896], %parallel_loop3A_909 : memref<32x129xf32, #tpu.memory_space<vmem>>[vector<16xi32>, vector<16xi32>], vector<16xf32>,
    } {sc.loop_unroll_factor = 16 : i64, sc.parallel_access}
    %dma_start3A_327 = arith.constant 197 : i32
    %dma_start3A_328 = arith.constant 0 : i32
    %dma_start3A_329 = arith.constant 1 : i32
    %dma_start3A_330 = arith.constant 0 : i32
    %dma_start3A_331 = arith.constant 0 : i32
    %dma_start3A_332 = tpu.memref_slice %arg8[%dma_start3A_330, %dma_start3A_331] : memref<32x129xf32, #tpu.memory_space<vmem>> -> memref<8x128xf32, #tpu.memory_space<vmem>>
    %dma_start3A_333 = arith.constant 0 : i32
    %dma_start3A_334 = arith.constant 0 : i32
    %dma_start3A_335 = tpu.memref_slice %arg4[%dma_start3A_327, %dma_start3A_328, %add3A, %dma_start3A_333, %dma_start3A_334] : memref<200x4x32x8x128xf32, #tpu.memory_space<hbm>> -> memref<1x1x1x8x128xf32, #tpu.memory_space<hbm>>
    %dma_start3A_336 = tpu.memref_squeeze %dma_start3A_335 : memref<1x1x1x8x128xf32, #tpu.memory_space<hbm>> -> memref<8x128xf32, #tpu.memory_space<hbm>>
    %dma_start3A_337 = tpu.memref_slice %arg10[%dma_start3A_329] : memref<2x!tpu.dma_semaphore, #tpu.memory_space<semaphore_mem>> -> memref<1x!tpu.dma_semaphore, #tpu.memory_space<semaphore_mem>>
    %dma_start3A_338 = tpu.memref_squeeze %dma_start3A_337 : memref<1x!tpu.dma_semaphore, #tpu.memory_space<semaphore_mem>> -> memref<!tpu.dma_semaphore, #tpu.memory_space<semaphore_mem>>
    %dma_start3A_339 = arith.constant 0 : i32
    %dma_start3A_340 = arith.constant 0 : i32
    %dma_start3A_341 = tpu.memref_slice %arg4[%dma_start3A_327, %dma_start3A_328, %add3A, %dma_start3A_339, %dma_start3A_340] : memref<200x4x32x8x128xf32, #tpu.memory_space<hbm>> -> memref<1x1x1x8x128xf32, #tpu.memory_space<hbm>>
    %dma_start3A_342 = tpu.memref_squeeze %dma_start3A_341 : memref<1x1x1x8x128xf32, #tpu.memory_space<hbm>> -> memref<8x128xf32, #tpu.memory_space<hbm>>
    %dma_start3A_343 = arith.constant 0 : i32
    %dma_start3A_344 = arith.constant 0 : i32
    %dma_start3A_345 = tpu.memref_slice %arg8[%dma_start3A_343, %dma_start3A_344] : memref<32x129xf32, #tpu.memory_space<vmem>> -> memref<8x128xf32, #tpu.memory_space<vmem>>
    tpu.enqueue_dma source(%dma_start3A_345 : memref<8x128xf32, #tpu.memory_space<vmem>>) target(%dma_start3A_342 : memref<8x128xf32, #tpu.memory_space<hbm>>) target_semaphore(%dma_start3A_338 : memref<!tpu.dma_semaphore, #tpu.memory_space<semaphore_mem>>)
    %dma_start3A_346 = arith.constant 197 : i32
    %dma_start3A_347 = arith.constant 1 : i32
    %dma_start3A_348 = arith.constant 1 : i32
    %dma_start3A_349 = arith.constant 8 : i32
    %dma_start3A_350 = arith.constant 0 : i32
    %dma_start3A_351 = tpu.memref_slice %arg8[%dma_start3A_349, %dma_start3A_350] : memref<32x129xf32, #tpu.memory_space<vmem>> -> memref<8x128xf32, #tpu.memory_space<vmem>>
    %dma_start3A_352 = arith.constant 0 : i32
    %dma_start3A_353 = arith.constant 0 : i32
    %dma_start3A_354 = tpu.memref_slice %arg4[%dma_start3A_346, %dma_start3A_347, %add3A, %dma_start3A_352, %dma_start3A_353] : memref<200x4x32x8x128xf32, #tpu.memory_space<hbm>> -> memref<1x1x1x8x128xf32, #tpu.memory_space<hbm>>
    %dma_start3A_355 = tpu.memref_squeeze %dma_start3A_354 : memref<1x1x1x8x128xf32, #tpu.memory_space<hbm>> -> memref<8x128xf32, #tpu.memory_space<hbm>>
    %dma_start3A_356 = tpu.memref_slice %arg10[%dma_start3A_348] : memref<2x!tpu.dma_semaphore, #tpu.memory_space<semaphore_mem>> -> memref<1x!tpu.dma_semaphore, #tpu.memory_space<semaphore_mem>>
    %dma_start3A_357 = tpu.memref_squeeze %dma_start3A_356 : memref<1x!tpu.dma_semaphore, #tpu.memory_space<semaphore_mem>> -> memref<!tpu.dma_semaphore, #tpu.memory_space<semaphore_mem>>
    %dma_start3A_358 = arith.constant 0 : i32
    %dma_start3A_359 = arith.constant 0 : i32
    %dma_start3A_360 = tpu.memref_slice %arg4[%dma_start3A_346, %dma_start3A_347, %add3A, %dma_start3A_358, %dma_start3A_359] : memref<200x4x32x8x128xf32, #tpu.memory_space<hbm>> -> memref<1x1x1x8x128xf32, #tpu.memory_space<hbm>>
    %dma_start3A_361 = tpu.memref_squeeze %dma_start3A_360 : memref<1x1x1x8x128xf32, #tpu.memory_space<hbm>> -> memref<8x128xf32, #tpu.memory_space<hbm>>
    %dma_start3A_362 = arith.constant 8 : i32
    %dma_start3A_363 = arith.constant 0 : i32
    %dma_start3A_364 = tpu.memref_slice %arg8[%dma_start3A_362, %dma_start3A_363] : memref<32x129xf32, #tpu.memory_space<vmem>> -> memref<8x128xf32, #tpu.memory_space<vmem>>
    tpu.enqueue_dma source(%dma_start3A_364 : memref<8x128xf32, #tpu.memory_space<vmem>>) target(%dma_start3A_361 : memref<8x128xf32, #tpu.memory_space<hbm>>) target_semaphore(%dma_start3A_357 : memref<!tpu.dma_semaphore, #tpu.memory_space<semaphore_mem>>)
    %dma_start3A_365 = arith.constant 197 : i32
    %dma_start3A_366 = arith.constant 2 : i32
    %dma_start3A_367 = arith.constant 1 : i32
    %dma_start3A_368 = arith.constant 16 : i32
    %dma_start3A_369 = arith.constant 0 : i32
    %dma_start3A_370 = tpu.memref_slice %arg8[%dma_start3A_368, %dma_start3A_369] : memref<32x129xf32, #tpu.memory_space<vmem>> -> memref<8x128xf32, #tpu.memory_space<vmem>>
    %dma_start3A_371 = arith.constant 0 : i32
    %dma_start3A_372 = arith.constant 0 : i32
    %dma_start3A_373 = tpu.memref_slice %arg4[%dma_start3A_365, %dma_start3A_366, %add3A, %dma_start3A_371, %dma_start3A_372] : memref<200x4x32x8x128xf32, #tpu.memory_space<hbm>> -> memref<1x1x1x8x128xf32, #tpu.memory_space<hbm>>
    %dma_start3A_374 = tpu.memref_squeeze %dma_start3A_373 : memref<1x1x1x8x128xf32, #tpu.memory_space<hbm>> -> memref<8x128xf32, #tpu.memory_space<hbm>>
    %dma_start3A_375 = tpu.memref_slice %arg10[%dma_start3A_367] : memref<2x!tpu.dma_semaphore, #tpu.memory_space<semaphore_mem>> -> memref<1x!tpu.dma_semaphore, #tpu.memory_space<semaphore_mem>>
    %dma_start3A_376 = tpu.memref_squeeze %dma_start3A_375 : memref<1x!tpu.dma_semaphore, #tpu.memory_space<semaphore_mem>> -> memref<!tpu.dma_semaphore, #tpu.memory_space<semaphore_mem>>
    %dma_start3A_377 = arith.constant 0 : i32
    %dma_start3A_378 = arith.constant 0 : i32
    %dma_start3A_379 = tpu.memref_slice %arg4[%dma_start3A_365, %dma_start3A_366, %add3A, %dma_start3A_377, %dma_start3A_378] : memref<200x4x32x8x128xf32, #tpu.memory_space<hbm>> -> memref<1x1x1x8x128xf32, #tpu.memory_space<hbm>>
    %dma_start3A_380 = tpu.memref_squeeze %dma_start3A_379 : memref<1x1x1x8x128xf32, #tpu.memory_space<hbm>> -> memref<8x128xf32, #tpu.memory_space<hbm>>
    %dma_start3A_381 = arith.constant 16 : i32
    %dma_start3A_382 = arith.constant 0 : i32
    %dma_start3A_383 = tpu.memref_slice %arg8[%dma_start3A_381, %dma_start3A_382] : memref<32x129xf32, #tpu.memory_space<vmem>> -> memref<8x128xf32, #tpu.memory_space<vmem>>
    tpu.enqueue_dma source(%dma_start3A_383 : memref<8x128xf32, #tpu.memory_space<vmem>>) target(%dma_start3A_380 : memref<8x128xf32, #tpu.memory_space<hbm>>) target_semaphore(%dma_start3A_376 : memref<!tpu.dma_semaphore, #tpu.memory_space<semaphore_mem>>)
    %dma_start3A_384 = arith.constant 197 : i32
    %dma_start3A_385 = arith.constant 3 : i32
    %dma_start3A_386 = arith.constant 1 : i32
    %dma_start3A_387 = arith.constant 24 : i32
    %dma_start3A_388 = arith.constant 0 : i32
    %dma_start3A_389 = tpu.memref_slice %arg8[%dma_start3A_387, %dma_start3A_388] : memref<32x129xf32, #tpu.memory_space<vmem>> -> memref<8x128xf32, #tpu.memory_space<vmem>>
    %dma_start3A_390 = arith.constant 0 : i32
    %dma_start3A_391 = arith.constant 0 : i32
    %dma_start3A_392 = tpu.memref_slice %arg4[%dma_start3A_384, %dma_start3A_385, %add3A, %dma_start3A_390, %dma_start3A_391] : memref<200x4x32x8x128xf32, #tpu.memory_space<hbm>> -> memref<1x1x1x8x128xf32, #tpu.memory_space<hbm>>
    %dma_start3A_393 = tpu.memref_squeeze %dma_start3A_392 : memref<1x1x1x8x128xf32, #tpu.memory_space<hbm>> -> memref<8x128xf32, #tpu.memory_space<hbm>>
    %dma_start3A_394 = tpu.memref_slice %arg10[%dma_start3A_386] : memref<2x!tpu.dma_semaphore, #tpu.memory_space<semaphore_mem>> -> memref<1x!tpu.dma_semaphore, #tpu.memory_space<semaphore_mem>>
    %dma_start3A_395 = tpu.memref_squeeze %dma_start3A_394 : memref<1x!tpu.dma_semaphore, #tpu.memory_space<semaphore_mem>> -> memref<!tpu.dma_semaphore, #tpu.memory_space<semaphore_mem>>
    %dma_start3A_396 = arith.constant 0 : i32
    %dma_start3A_397 = arith.constant 0 : i32
    %dma_start3A_398 = tpu.memref_slice %arg4[%dma_start3A_384, %dma_start3A_385, %add3A, %dma_start3A_396, %dma_start3A_397] : memref<200x4x32x8x128xf32, #tpu.memory_space<hbm>> -> memref<1x1x1x8x128xf32, #tpu.memory_space<hbm>>
    %dma_start3A_399 = tpu.memref_squeeze %dma_start3A_398 : memref<1x1x1x8x128xf32, #tpu.memory_space<hbm>> -> memref<8x128xf32, #tpu.memory_space<hbm>>
    %dma_start3A_400 = arith.constant 24 : i32
    %dma_start3A_401 = arith.constant 0 : i32
    %dma_start3A_402 = tpu.memref_slice %arg8[%dma_start3A_400, %dma_start3A_401] : memref<32x129xf32, #tpu.memory_space<vmem>> -> memref<8x128xf32, #tpu.memory_space<vmem>>
    tpu.enqueue_dma source(%dma_start3A_402 : memref<8x128xf32, #tpu.memory_space<vmem>>) target(%dma_start3A_399 : memref<8x128xf32, #tpu.memory_space<hbm>>) target_semaphore(%dma_start3A_395 : memref<!tpu.dma_semaphore, #tpu.memory_space<semaphore_mem>>)
    %dma_wait3A_403 = arith.constant 198 : i32
    %dma_wait3A_404 = arith.constant 2 : i32
    %dma_wait3A_405 = arith.constant 2 : i32
    %dma_wait3A_406 = arith.constant 0 : i32
    %dma_wait3A_407 = arith.constant 0 : i32
    %dma_wait3A_408 = tpu.memref_slice %arg6[%dma_wait3A_404, %dma_wait3A_406, %dma_wait3A_407] : memref<4x128x32xf32, #tpu.memory_space<vmem>> -> memref<1x128x32xf32, #tpu.memory_space<vmem>>
    %dma_wait3A_409 = tpu.memref_squeeze %dma_wait3A_408 : memref<1x128x32xf32, #tpu.memory_space<vmem>> -> memref<128x32xf32, #tpu.memory_space<vmem>>
    %dma_wait3A_410 = arith.constant 0 : i32
    %dma_wait3A_411 = tpu.memref_slice %arg5[%dma_wait3A_403, %dma_wait3A_410] : memref<200x128xi32, #tpu.memory_space<vmem>> -> memref<1x128xi32, #tpu.memory_space<vmem>>
    %dma_wait3A_412 = tpu.memref_squeeze %dma_wait3A_411 : memref<1x128xi32, #tpu.memory_space<vmem>> -> memref<128xi32, #tpu.memory_space<vmem>>
    %dma_wait3A_413 = arith.constant 0 : i32
    %dma_wait3A_414 = arith.constant 0 : i32
    %dma_wait3A_415 = tpu.memref_slice %arg3[%dma_wait3A_413, %dma_wait3A_414] : memref<1000000x32xf32, #tpu.memory_space<hbm>> -> memref<1000000x32xf32, #tpu.memory_space<hbm>>
    %dma_wait3A_416 = tpu.memref_slice %arg9[%dma_wait3A_405] : memref<4x!tpu.dma_semaphore, #tpu.memory_space<semaphore_mem>> -> memref<1x!tpu.dma_semaphore, #tpu.memory_space<semaphore_mem>>
    %dma_wait3A_417 = tpu.memref_squeeze %dma_wait3A_416 : memref<1x!tpu.dma_semaphore, #tpu.memory_space<semaphore_mem>> -> memref<!tpu.dma_semaphore, #tpu.memory_space<semaphore_mem>>
    tpu.wait_indirect_dma semaphore(%dma_wait3A_417 : memref<!tpu.dma_semaphore, #tpu.memory_space<semaphore_mem>>) src(%dma_wait3A_415 : memref<1000000x32xf32, #tpu.memory_space<hbm>>) dst(%dma_wait3A_409 : memref<128x32xf32, #tpu.memory_space<vmem>>)
    %dma_wait3A_418 = arith.constant 196 : i32
    %dma_wait3A_419 = arith.constant 0 : i32
    %dma_wait3A_420 = arith.constant 0 : i32
    %dma_wait3A_421 = arith.constant 0 : i32
    %dma_wait3A_422 = arith.constant 0 : i32
    %dma_wait3A_423 = tpu.memref_slice %arg7[%dma_wait3A_421, %dma_wait3A_422] : memref<32x129xf32, #tpu.memory_space<vmem>> -> memref<8x128xf32, #tpu.memory_space<vmem>>
    %dma_wait3A_424 = arith.constant 0 : i32
    %dma_wait3A_425 = arith.constant 0 : i32
    %dma_wait3A_426 = tpu.memref_slice %arg4[%dma_wait3A_418, %dma_wait3A_419, %add3A, %dma_wait3A_424, %dma_wait3A_425] : memref<200x4x32x8x128xf32, #tpu.memory_space<hbm>> -> memref<1x1x1x8x128xf32, #tpu.memory_space<hbm>>
    %dma_wait3A_427 = tpu.memref_squeeze %dma_wait3A_426 : memref<1x1x1x8x128xf32, #tpu.memory_space<hbm>> -> memref<8x128xf32, #tpu.memory_space<hbm>>
    %dma_wait3A_428 = tpu.memref_slice %arg10[%dma_wait3A_420] : memref<2x!tpu.dma_semaphore, #tpu.memory_space<semaphore_mem>> -> memref<1x!tpu.dma_semaphore, #tpu.memory_space<semaphore_mem>>
    %dma_wait3A_429 = tpu.memref_squeeze %dma_wait3A_428 : memref<1x!tpu.dma_semaphore, #tpu.memory_space<semaphore_mem>> -> memref<!tpu.dma_semaphore, #tpu.memory_space<semaphore_mem>>
    %dma_wait3A_430 = arith.constant 0 : i32
    %dma_wait3A_431 = arith.constant 0 : i32
    %dma_wait3A_432 = tpu.memref_slice %arg4[%dma_wait3A_418, %dma_wait3A_419, %add3A, %dma_wait3A_430, %dma_wait3A_431] : memref<200x4x32x8x128xf32, #tpu.memory_space<hbm>> -> memref<1x1x1x8x128xf32, #tpu.memory_space<hbm>>
    %dma_wait3A_433 = tpu.memref_squeeze %dma_wait3A_432 : memref<1x1x1x8x128xf32, #tpu.memory_space<hbm>> -> memref<8x128xf32, #tpu.memory_space<hbm>>
    %dma_wait3A_434 = arith.constant 0 : i32
    %dma_wait3A_435 = arith.constant 0 : i32
    %dma_wait3A_436 = tpu.memref_slice %arg7[%dma_wait3A_434, %dma_wait3A_435] : memref<32x129xf32, #tpu.memory_space<vmem>> -> memref<8x128xf32, #tpu.memory_space<vmem>>
    tpu.wait_dma2 semaphore(%dma_wait3A_429 : memref<!tpu.dma_semaphore, #tpu.memory_space<semaphore_mem>>) src(%dma_wait3A_436 : memref<8x128xf32, #tpu.memory_space<vmem>>) dst(%dma_wait3A_433 : memref<8x128xf32, #tpu.memory_space<hbm>>)
    %dma_wait3A_437 = arith.constant 196 : i32
    %dma_wait3A_438 = arith.constant 1 : i32
    %dma_wait3A_439 = arith.constant 0 : i32
    %dma_wait3A_440 = arith.constant 8 : i32
    %dma_wait3A_441 = arith.constant 0 : i32
    %dma_wait3A_442 = tpu.memref_slice %arg7[%dma_wait3A_440, %dma_wait3A_441] : memref<32x129xf32, #tpu.memory_space<vmem>> -> memref<8x128xf32, #tpu.memory_space<vmem>>
    %dma_wait3A_443 = arith.constant 0 : i32
    %dma_wait3A_444 = arith.constant 0 : i32
    %dma_wait3A_445 = tpu.memref_slice %arg4[%dma_wait3A_437, %dma_wait3A_438, %add3A, %dma_wait3A_443, %dma_wait3A_444] : memref<200x4x32x8x128xf32, #tpu.memory_space<hbm>> -> memref<1x1x1x8x128xf32, #tpu.memory_space<hbm>>
    %dma_wait3A_446 = tpu.memref_squeeze %dma_wait3A_445 : memref<1x1x1x8x128xf32, #tpu.memory_space<hbm>> -> memref<8x128xf32, #tpu.memory_space<hbm>>
    %dma_wait3A_447 = tpu.memref_slice %arg10[%dma_wait3A_439] : memref<2x!tpu.dma_semaphore, #tpu.memory_space<semaphore_mem>> -> memref<1x!tpu.dma_semaphore, #tpu.memory_space<semaphore_mem>>
    %dma_wait3A_448 = tpu.memref_squeeze %dma_wait3A_447 : memref<1x!tpu.dma_semaphore, #tpu.memory_space<semaphore_mem>> -> memref<!tpu.dma_semaphore, #tpu.memory_space<semaphore_mem>>
    %dma_wait3A_449 = arith.constant 0 : i32
    %dma_wait3A_450 = arith.constant 0 : i32
    %dma_wait3A_451 = tpu.memref_slice %arg4[%dma_wait3A_437, %dma_wait3A_438, %add3A, %dma_wait3A_449, %dma_wait3A_450] : memref<200x4x32x8x128xf32, #tpu.memory_space<hbm>> -> memref<1x1x1x8x128xf32, #tpu.memory_space<hbm>>
    %dma_wait3A_452 = tpu.memref_squeeze %dma_wait3A_451 : memref<1x1x1x8x128xf32, #tpu.memory_space<hbm>> -> memref<8x128xf32, #tpu.memory_space<hbm>>
    %dma_wait3A_453 = arith.constant 8 : i32
    %dma_wait3A_454 = arith.constant 0 : i32
    %dma_wait3A_455 = tpu.memref_slice %arg7[%dma_wait3A_453, %dma_wait3A_454] : memref<32x129xf32, #tpu.memory_space<vmem>> -> memref<8x128xf32, #tpu.memory_space<vmem>>
    tpu.wait_dma2 semaphore(%dma_wait3A_448 : memref<!tpu.dma_semaphore, #tpu.memory_space<semaphore_mem>>) src(%dma_wait3A_455 : memref<8x128xf32, #tpu.memory_space<vmem>>) dst(%dma_wait3A_452 : memref<8x128xf32, #tpu.memory_space<hbm>>)
    %dma_wait3A_456 = arith.constant 196 : i32
    %dma_wait3A_457 = arith.constant 2 : i32
    %dma_wait3A_458 = arith.constant 0 : i32
    %dma_wait3A_459 = arith.constant 16 : i32
    %dma_wait3A_460 = arith.constant 0 : i32
    %dma_wait3A_461 = tpu.memref_slice %arg7[%dma_wait3A_459, %dma_wait3A_460] : memref<32x129xf32, #tpu.memory_space<vmem>> -> memref<8x128xf32, #tpu.memory_space<vmem>>
    %dma_wait3A_462 = arith.constant 0 : i32
    %dma_wait3A_463 = arith.constant 0 : i32
    %dma_wait3A_464 = tpu.memref_slice %arg4[%dma_wait3A_456, %dma_wait3A_457, %add3A, %dma_wait3A_462, %dma_wait3A_463] : memref<200x4x32x8x128xf32, #tpu.memory_space<hbm>> -> memref<1x1x1x8x128xf32, #tpu.memory_space<hbm>>
    %dma_wait3A_465 = tpu.memref_squeeze %dma_wait3A_464 : memref<1x1x1x8x128xf32, #tpu.memory_space<hbm>> -> memref<8x128xf32, #tpu.memory_space<hbm>>
    %dma_wait3A_466 = tpu.memref_slice %arg10[%dma_wait3A_458] : memref<2x!tpu.dma_semaphore, #tpu.memory_space<semaphore_mem>> -> memref<1x!tpu.dma_semaphore, #tpu.memory_space<semaphore_mem>>
    %dma_wait3A_467 = tpu.memref_squeeze %dma_wait3A_466 : memref<1x!tpu.dma_semaphore, #tpu.memory_space<semaphore_mem>> -> memref<!tpu.dma_semaphore, #tpu.memory_space<semaphore_mem>>
    %dma_wait3A_468 = arith.constant 0 : i32
    %dma_wait3A_469 = arith.constant 0 : i32
    %dma_wait3A_470 = tpu.memref_slice %arg4[%dma_wait3A_456, %dma_wait3A_457, %add3A, %dma_wait3A_468, %dma_wait3A_469] : memref<200x4x32x8x128xf32, #tpu.memory_space<hbm>> -> memref<1x1x1x8x128xf32, #tpu.memory_space<hbm>>
    %dma_wait3A_471 = tpu.memref_squeeze %dma_wait3A_470 : memref<1x1x1x8x128xf32, #tpu.memory_space<hbm>> -> memref<8x128xf32, #tpu.memory_space<hbm>>
    %dma_wait3A_472 = arith.constant 16 : i32
    %dma_wait3A_473 = arith.constant 0 : i32
    %dma_wait3A_474 = tpu.memref_slice %arg7[%dma_wait3A_472, %dma_wait3A_473] : memref<32x129xf32, #tpu.memory_space<vmem>> -> memref<8x128xf32, #tpu.memory_space<vmem>>
    tpu.wait_dma2 semaphore(%dma_wait3A_467 : memref<!tpu.dma_semaphore, #tpu.memory_space<semaphore_mem>>) src(%dma_wait3A_474 : memref<8x128xf32, #tpu.memory_space<vmem>>) dst(%dma_wait3A_471 : memref<8x128xf32, #tpu.memory_space<hbm>>)
    %dma_wait3A_475 = arith.constant 196 : i32
    %dma_wait3A_476 = arith.constant 3 : i32
    %dma_wait3A_477 = arith.constant 0 : i32
    %dma_wait3A_478 = arith.constant 24 : i32
    %dma_wait3A_479 = arith.constant 0 : i32
    %dma_wait3A_480 = tpu.memref_slice %arg7[%dma_wait3A_478, %dma_wait3A_479] : memref<32x129xf32, #tpu.memory_space<vmem>> -> memref<8x128xf32, #tpu.memory_space<vmem>>
    %dma_wait3A_481 = arith.constant 0 : i32
    %dma_wait3A_482 = arith.constant 0 : i32
    %dma_wait3A_483 = tpu.memref_slice %arg4[%dma_wait3A_475, %dma_wait3A_476, %add3A, %dma_wait3A_481, %dma_wait3A_482] : memref<200x4x32x8x128xf32, #tpu.memory_space<hbm>> -> memref<1x1x1x8x128xf32, #tpu.memory_space<hbm>>
    %dma_wait3A_484 = tpu.memref_squeeze %dma_wait3A_483 : memref<1x1x1x8x128xf32, #tpu.memory_space<hbm>> -> memref<8x128xf32, #tpu.memory_space<hbm>>
    %dma_wait3A_485 = tpu.memref_slice %arg10[%dma_wait3A_477] : memref<2x!tpu.dma_semaphore, #tpu.memory_space<semaphore_mem>> -> memref<1x!tpu.dma_semaphore, #tpu.memory_space<semaphore_mem>>
    %dma_wait3A_486 = tpu.memref_squeeze %dma_wait3A_485 : memref<1x!tpu.dma_semaphore, #tpu.memory_space<semaphore_mem>> -> memref<!tpu.dma_semaphore, #tpu.memory_space<semaphore_mem>>
    %dma_wait3A_487 = arith.constant 0 : i32
    %dma_wait3A_488 = arith.constant 0 : i32
    %dma_wait3A_489 = tpu.memref_slice %arg4[%dma_wait3A_475, %dma_wait3A_476, %add3A, %dma_wait3A_487, %dma_wait3A_488] : memref<200x4x32x8x128xf32, #tpu.memory_space<hbm>> -> memref<1x1x1x8x128xf32, #tpu.memory_space<hbm>>
    %dma_wait3A_490 = tpu.memref_squeeze %dma_wait3A_489 : memref<1x1x1x8x128xf32, #tpu.memory_space<hbm>> -> memref<8x128xf32, #tpu.memory_space<hbm>>
    %dma_wait3A_491 = arith.constant 24 : i32
    %dma_wait3A_492 = arith.constant 0 : i32
    %dma_wait3A_493 = tpu.memref_slice %arg7[%dma_wait3A_491, %dma_wait3A_492] : memref<32x129xf32, #tpu.memory_space<vmem>> -> memref<8x128xf32, #tpu.memory_space<vmem>>
    tpu.wait_dma2 semaphore(%dma_wait3A_486 : memref<!tpu.dma_semaphore, #tpu.memory_space<semaphore_mem>>) src(%dma_wait3A_493 : memref<8x128xf32, #tpu.memory_space<vmem>>) dst(%dma_wait3A_490 : memref<8x128xf32, #tpu.memory_space<hbm>>)
    %parallel_loop3A_494 = arith.constant 0 : i32
    %parallel_loop3A_495 = arith.constant 128 : i32
    %parallel_loop3A_496 = arith.constant 1 : i32
    scf.for %parallel_loop3A_895 = %parallel_loop3A_494 to %parallel_loop3A_495 step %parallel_loop3A_496  : i32 {
      %parallel_loop3A_896 = vector.broadcast %parallel_loop3A_895 : i32 to vector<16xi32>
      %parallel_loop3A_897 = arith.constant 2 : i32
      %parallel_loop3A_898 = arith.index_cast %parallel_loop3A_897 : i32 to index
      %parallel_loop3A_899 = arith.index_cast %parallel_loop3A_895 : i32 to index
      %parallel_loop3A_900 = arith.constant 0 : index
      %parallel_loop3A_901 = tpu.vector_load %arg6[%parallel_loop3A_898, %parallel_loop3A_899, %parallel_loop3A_900] {strides = array<i32>} : memref<4x128x32xf32, #tpu.memory_space<vmem>>, vector<16xf32>,
      %parallel_loop3A_902 = arith.constant 0 : i32
      %parallel_loop3A_903 = vector.broadcast %parallel_loop3A_902 : i32 to vector<16xi32>
      %parallel_loop3A_904 = arith.addi %iota3A, %parallel_loop3A_903 : vector<16xi32>
      tpu.vector_store_idx %arg7[%parallel_loop3A_904, %parallel_loop3A_896], %parallel_loop3A_901 : memref<32x129xf32, #tpu.memory_space<vmem>>[vector<16xi32>, vector<16xi32>], vector<16xf32>,
      %parallel_loop3A_905 = arith.constant 2 : i32
      %parallel_loop3A_906 = arith.index_cast %parallel_loop3A_905 : i32 to index
      %parallel_loop3A_907 = arith.index_cast %parallel_loop3A_895 : i32 to index
      %parallel_loop3A_908 = arith.constant 16 : index
      %parallel_loop3A_909 = tpu.vector_load %arg6[%parallel_loop3A_906, %parallel_loop3A_907, %parallel_loop3A_908] {strides = array<i32>} : memref<4x128x32xf32, #tpu.memory_space<vmem>>, vector<16xf32>,
      %parallel_loop3A_910 = arith.constant 16 : i32
      %parallel_loop3A_911 = vector.broadcast %parallel_loop3A_910 : i32 to vector<16xi32>
      %parallel_loop3A_912 = arith.addi %iota3A, %parallel_loop3A_911 : vector<16xi32>
      tpu.vector_store_idx %arg7[%parallel_loop3A_912, %parallel_loop3A_896], %parallel_loop3A_909 : memref<32x129xf32, #tpu.memory_space<vmem>>[vector<16xi32>, vector<16xi32>], vector<16xf32>,
    } {sc.loop_unroll_factor = 16 : i64, sc.parallel_access}
    %dma_start3A_497 = arith.constant 198 : i32
    %dma_start3A_498 = arith.constant 0 : i32
    %dma_start3A_499 = arith.constant 0 : i32
    %dma_start3A_500 = arith.constant 0 : i32
    %dma_start3A_501 = arith.constant 0 : i32
    %dma_start3A_502 = tpu.memref_slice %arg7[%dma_start3A_500, %dma_start3A_501] : memref<32x129xf32, #tpu.memory_space<vmem>> -> memref<8x128xf32, #tpu.memory_space<vmem>>
    %dma_start3A_503 = arith.constant 0 : i32
    %dma_start3A_504 = arith.constant 0 : i32
    %dma_start3A_505 = tpu.memref_slice %arg4[%dma_start3A_497, %dma_start3A_498, %add3A, %dma_start3A_503, %dma_start3A_504] : memref<200x4x32x8x128xf32, #tpu.memory_space<hbm>> -> memref<1x1x1x8x128xf32, #tpu.memory_space<hbm>>
    %dma_start3A_506 = tpu.memref_squeeze %dma_start3A_505 : memref<1x1x1x8x128xf32, #tpu.memory_space<hbm>> -> memref<8x128xf32, #tpu.memory_space<hbm>>
    %dma_start3A_507 = tpu.memref_slice %arg10[%dma_start3A_499] : memref<2x!tpu.dma_semaphore, #tpu.memory_space<semaphore_mem>> -> memref<1x!tpu.dma_semaphore, #tpu.memory_space<semaphore_mem>>
    %dma_start3A_508 = tpu.memref_squeeze %dma_start3A_507 : memref<1x!tpu.dma_semaphore, #tpu.memory_space<semaphore_mem>> -> memref<!tpu.dma_semaphore, #tpu.memory_space<semaphore_mem>>
    %dma_start3A_509 = arith.constant 0 : i32
    %dma_start3A_510 = arith.constant 0 : i32
    %dma_start3A_511 = tpu.memref_slice %arg4[%dma_start3A_497, %dma_start3A_498, %add3A, %dma_start3A_509, %dma_start3A_510] : memref<200x4x32x8x128xf32, #tpu.memory_space<hbm>> -> memref<1x1x1x8x128xf32, #tpu.memory_space<hbm>>
    %dma_start3A_512 = tpu.memref_squeeze %dma_start3A_511 : memref<1x1x1x8x128xf32, #tpu.memory_space<hbm>> -> memref<8x128xf32, #tpu.memory_space<hbm>>
    %dma_start3A_513 = arith.constant 0 : i32
    %dma_start3A_514 = arith.constant 0 : i32
    %dma_start3A_515 = tpu.memref_slice %arg7[%dma_start3A_513, %dma_start3A_514] : memref<32x129xf32, #tpu.memory_space<vmem>> -> memref<8x128xf32, #tpu.memory_space<vmem>>
    tpu.enqueue_dma source(%dma_start3A_515 : memref<8x128xf32, #tpu.memory_space<vmem>>) target(%dma_start3A_512 : memref<8x128xf32, #tpu.memory_space<hbm>>) target_semaphore(%dma_start3A_508 : memref<!tpu.dma_semaphore, #tpu.memory_space<semaphore_mem>>)
    %dma_start3A_516 = arith.constant 198 : i32
    %dma_start3A_517 = arith.constant 1 : i32
    %dma_start3A_518 = arith.constant 0 : i32
    %dma_start3A_519 = arith.constant 8 : i32
    %dma_start3A_520 = arith.constant 0 : i32
    %dma_start3A_521 = tpu.memref_slice %arg7[%dma_start3A_519, %dma_start3A_520] : memref<32x129xf32, #tpu.memory_space<vmem>> -> memref<8x128xf32, #tpu.memory_space<vmem>>
    %dma_start3A_522 = arith.constant 0 : i32
    %dma_start3A_523 = arith.constant 0 : i32
    %dma_start3A_524 = tpu.memref_slice %arg4[%dma_start3A_516, %dma_start3A_517, %add3A, %dma_start3A_522, %dma_start3A_523] : memref<200x4x32x8x128xf32, #tpu.memory_space<hbm>> -> memref<1x1x1x8x128xf32, #tpu.memory_space<hbm>>
    %dma_start3A_525 = tpu.memref_squeeze %dma_start3A_524 : memref<1x1x1x8x128xf32, #tpu.memory_space<hbm>> -> memref<8x128xf32, #tpu.memory_space<hbm>>
    %dma_start3A_526 = tpu.memref_slice %arg10[%dma_start3A_518] : memref<2x!tpu.dma_semaphore, #tpu.memory_space<semaphore_mem>> -> memref<1x!tpu.dma_semaphore, #tpu.memory_space<semaphore_mem>>
    %dma_start3A_527 = tpu.memref_squeeze %dma_start3A_526 : memref<1x!tpu.dma_semaphore, #tpu.memory_space<semaphore_mem>> -> memref<!tpu.dma_semaphore, #tpu.memory_space<semaphore_mem>>
    %dma_start3A_528 = arith.constant 0 : i32
    %dma_start3A_529 = arith.constant 0 : i32
    %dma_start3A_530 = tpu.memref_slice %arg4[%dma_start3A_516, %dma_start3A_517, %add3A, %dma_start3A_528, %dma_start3A_529] : memref<200x4x32x8x128xf32, #tpu.memory_space<hbm>> -> memref<1x1x1x8x128xf32, #tpu.memory_space<hbm>>
    %dma_start3A_531 = tpu.memref_squeeze %dma_start3A_530 : memref<1x1x1x8x128xf32, #tpu.memory_space<hbm>> -> memref<8x128xf32, #tpu.memory_space<hbm>>
    %dma_start3A_532 = arith.constant 8 : i32
    %dma_start3A_533 = arith.constant 0 : i32
    %dma_start3A_534 = tpu.memref_slice %arg7[%dma_start3A_532, %dma_start3A_533] : memref<32x129xf32, #tpu.memory_space<vmem>> -> memref<8x128xf32, #tpu.memory_space<vmem>>
    tpu.enqueue_dma source(%dma_start3A_534 : memref<8x128xf32, #tpu.memory_space<vmem>>) target(%dma_start3A_531 : memref<8x128xf32, #tpu.memory_space<hbm>>) target_semaphore(%dma_start3A_527 : memref<!tpu.dma_semaphore, #tpu.memory_space<semaphore_mem>>)
    %dma_start3A_535 = arith.constant 198 : i32
    %dma_start3A_536 = arith.constant 2 : i32
    %dma_start3A_537 = arith.constant 0 : i32
    %dma_start3A_538 = arith.constant 16 : i32
    %dma_start3A_539 = arith.constant 0 : i32
    %dma_start3A_540 = tpu.memref_slice %arg7[%dma_start3A_538, %dma_start3A_539] : memref<32x129xf32, #tpu.memory_space<vmem>> -> memref<8x128xf32, #tpu.memory_space<vmem>>
    %dma_start3A_541 = arith.constant 0 : i32
    %dma_start3A_542 = arith.constant 0 : i32
    %dma_start3A_543 = tpu.memref_slice %arg4[%dma_start3A_535, %dma_start3A_536, %add3A, %dma_start3A_541, %dma_start3A_542] : memref<200x4x32x8x128xf32, #tpu.memory_space<hbm>> -> memref<1x1x1x8x128xf32, #tpu.memory_space<hbm>>
    %dma_start3A_544 = tpu.memref_squeeze %dma_start3A_543 : memref<1x1x1x8x128xf32, #tpu.memory_space<hbm>> -> memref<8x128xf32, #tpu.memory_space<hbm>>
    %dma_start3A_545 = tpu.memref_slice %arg10[%dma_start3A_537] : memref<2x!tpu.dma_semaphore, #tpu.memory_space<semaphore_mem>> -> memref<1x!tpu.dma_semaphore, #tpu.memory_space<semaphore_mem>>
    %dma_start3A_546 = tpu.memref_squeeze %dma_start3A_545 : memref<1x!tpu.dma_semaphore, #tpu.memory_space<semaphore_mem>> -> memref<!tpu.dma_semaphore, #tpu.memory_space<semaphore_mem>>
    %dma_start3A_547 = arith.constant 0 : i32
    %dma_start3A_548 = arith.constant 0 : i32
    %dma_start3A_549 = tpu.memref_slice %arg4[%dma_start3A_535, %dma_start3A_536, %add3A, %dma_start3A_547, %dma_start3A_548] : memref<200x4x32x8x128xf32, #tpu.memory_space<hbm>> -> memref<1x1x1x8x128xf32, #tpu.memory_space<hbm>>
    %dma_start3A_550 = tpu.memref_squeeze %dma_start3A_549 : memref<1x1x1x8x128xf32, #tpu.memory_space<hbm>> -> memref<8x128xf32, #tpu.memory_space<hbm>>
    %dma_start3A_551 = arith.constant 16 : i32
    %dma_start3A_552 = arith.constant 0 : i32
    %dma_start3A_553 = tpu.memref_slice %arg7[%dma_start3A_551, %dma_start3A_552] : memref<32x129xf32, #tpu.memory_space<vmem>> -> memref<8x128xf32, #tpu.memory_space<vmem>>
    tpu.enqueue_dma source(%dma_start3A_553 : memref<8x128xf32, #tpu.memory_space<vmem>>) target(%dma_start3A_550 : memref<8x128xf32, #tpu.memory_space<hbm>>) target_semaphore(%dma_start3A_546 : memref<!tpu.dma_semaphore, #tpu.memory_space<semaphore_mem>>)
    %dma_start3A_554 = arith.constant 198 : i32
    %dma_start3A_555 = arith.constant 3 : i32
    %dma_start3A_556 = arith.constant 0 : i32
    %dma_start3A_557 = arith.constant 24 : i32
    %dma_start3A_558 = arith.constant 0 : i32
    %dma_start3A_559 = tpu.memref_slice %arg7[%dma_start3A_557, %dma_start3A_558] : memref<32x129xf32, #tpu.memory_space<vmem>> -> memref<8x128xf32, #tpu.memory_space<vmem>>
    %dma_start3A_560 = arith.constant 0 : i32
    %dma_start3A_561 = arith.constant 0 : i32
    %dma_start3A_562 = tpu.memref_slice %arg4[%dma_start3A_554, %dma_start3A_555, %add3A, %dma_start3A_560, %dma_start3A_561] : memref<200x4x32x8x128xf32, #tpu.memory_space<hbm>> -> memref<1x1x1x8x128xf32, #tpu.memory_space<hbm>>
    %dma_start3A_563 = tpu.memref_squeeze %dma_start3A_562 : memref<1x1x1x8x128xf32, #tpu.memory_space<hbm>> -> memref<8x128xf32, #tpu.memory_space<hbm>>
    %dma_start3A_564 = tpu.memref_slice %arg10[%dma_start3A_556] : memref<2x!tpu.dma_semaphore, #tpu.memory_space<semaphore_mem>> -> memref<1x!tpu.dma_semaphore, #tpu.memory_space<semaphore_mem>>
    %dma_start3A_565 = tpu.memref_squeeze %dma_start3A_564 : memref<1x!tpu.dma_semaphore, #tpu.memory_space<semaphore_mem>> -> memref<!tpu.dma_semaphore, #tpu.memory_space<semaphore_mem>>
    %dma_start3A_566 = arith.constant 0 : i32
    %dma_start3A_567 = arith.constant 0 : i32
    %dma_start3A_568 = tpu.memref_slice %arg4[%dma_start3A_554, %dma_start3A_555, %add3A, %dma_start3A_566, %dma_start3A_567] : memref<200x4x32x8x128xf32, #tpu.memory_space<hbm>> -> memref<1x1x1x8x128xf32, #tpu.memory_space<hbm>>
    %dma_start3A_569 = tpu.memref_squeeze %dma_start3A_568 : memref<1x1x1x8x128xf32, #tpu.memory_space<hbm>> -> memref<8x128xf32, #tpu.memory_space<hbm>>
    %dma_start3A_570 = arith.constant 24 : i32
    %dma_start3A_571 = arith.constant 0 : i32
    %dma_start3A_572 = tpu.memref_slice %arg7[%dma_start3A_570, %dma_start3A_571] : memref<32x129xf32, #tpu.memory_space<vmem>> -> memref<8x128xf32, #tpu.memory_space<vmem>>
    tpu.enqueue_dma source(%dma_start3A_572 : memref<8x128xf32, #tpu.memory_space<vmem>>) target(%dma_start3A_569 : memref<8x128xf32, #tpu.memory_space<hbm>>) target_semaphore(%dma_start3A_565 : memref<!tpu.dma_semaphore, #tpu.memory_space<semaphore_mem>>)
    %dma_wait3A_573 = arith.constant 199 : i32
    %dma_wait3A_574 = arith.constant 3 : i32
    %dma_wait3A_575 = arith.constant 3 : i32
    %dma_wait3A_576 = arith.constant 0 : i32
    %dma_wait3A_577 = arith.constant 0 : i32
    %dma_wait3A_578 = tpu.memref_slice %arg6[%dma_wait3A_574, %dma_wait3A_576, %dma_wait3A_577] : memref<4x128x32xf32, #tpu.memory_space<vmem>> -> memref<1x128x32xf32, #tpu.memory_space<vmem>>
    %dma_wait3A_579 = tpu.memref_squeeze %dma_wait3A_578 : memref<1x128x32xf32, #tpu.memory_space<vmem>> -> memref<128x32xf32, #tpu.memory_space<vmem>>
    %dma_wait3A_580 = arith.constant 0 : i32
    %dma_wait3A_581 = tpu.memref_slice %arg5[%dma_wait3A_573, %dma_wait3A_580] : memref<200x128xi32, #tpu.memory_space<vmem>> -> memref<1x128xi32, #tpu.memory_space<vmem>>
    %dma_wait3A_582 = tpu.memref_squeeze %dma_wait3A_581 : memref<1x128xi32, #tpu.memory_space<vmem>> -> memref<128xi32, #tpu.memory_space<vmem>>
    %dma_wait3A_583 = arith.constant 0 : i32
    %dma_wait3A_584 = arith.constant 0 : i32
    %dma_wait3A_585 = tpu.memref_slice %arg3[%dma_wait3A_583, %dma_wait3A_584] : memref<1000000x32xf32, #tpu.memory_space<hbm>> -> memref<1000000x32xf32, #tpu.memory_space<hbm>>
    %dma_wait3A_586 = tpu.memref_slice %arg9[%dma_wait3A_575] : memref<4x!tpu.dma_semaphore, #tpu.memory_space<semaphore_mem>> -> memref<1x!tpu.dma_semaphore, #tpu.memory_space<semaphore_mem>>
    %dma_wait3A_587 = tpu.memref_squeeze %dma_wait3A_586 : memref<1x!tpu.dma_semaphore, #tpu.memory_space<semaphore_mem>> -> memref<!tpu.dma_semaphore, #tpu.memory_space<semaphore_mem>>
    tpu.wait_indirect_dma semaphore(%dma_wait3A_587 : memref<!tpu.dma_semaphore, #tpu.memory_space<semaphore_mem>>) src(%dma_wait3A_585 : memref<1000000x32xf32, #tpu.memory_space<hbm>>) dst(%dma_wait3A_579 : memref<128x32xf32, #tpu.memory_space<vmem>>)
    %dma_wait3A_588 = arith.constant 197 : i32
    %dma_wait3A_589 = arith.constant 0 : i32
    %dma_wait3A_590 = arith.constant 1 : i32
    %dma_wait3A_591 = arith.constant 0 : i32
    %dma_wait3A_592 = arith.constant 0 : i32
    %dma_wait3A_593 = tpu.memref_slice %arg8[%dma_wait3A_591, %dma_wait3A_592] : memref<32x129xf32, #tpu.memory_space<vmem>> -> memref<8x128xf32, #tpu.memory_space<vmem>>
    %dma_wait3A_594 = arith.constant 0 : i32
    %dma_wait3A_595 = arith.constant 0 : i32
    %dma_wait3A_596 = tpu.memref_slice %arg4[%dma_wait3A_588, %dma_wait3A_589, %add3A, %dma_wait3A_594, %dma_wait3A_595] : memref<200x4x32x8x128xf32, #tpu.memory_space<hbm>> -> memref<1x1x1x8x128xf32, #tpu.memory_space<hbm>>
    %dma_wait3A_597 = tpu.memref_squeeze %dma_wait3A_596 : memref<1x1x1x8x128xf32, #tpu.memory_space<hbm>> -> memref<8x128xf32, #tpu.memory_space<hbm>>
    %dma_wait3A_598 = tpu.memref_slice %arg10[%dma_wait3A_590] : memref<2x!tpu.dma_semaphore, #tpu.memory_space<semaphore_mem>> -> memref<1x!tpu.dma_semaphore, #tpu.memory_space<semaphore_mem>>
    %dma_wait3A_599 = tpu.memref_squeeze %dma_wait3A_598 : memref<1x!tpu.dma_semaphore, #tpu.memory_space<semaphore_mem>> -> memref<!tpu.dma_semaphore, #tpu.memory_space<semaphore_mem>>
    %dma_wait3A_600 = arith.constant 0 : i32
    %dma_wait3A_601 = arith.constant 0 : i32
    %dma_wait3A_602 = tpu.memref_slice %arg4[%dma_wait3A_588, %dma_wait3A_589, %add3A, %dma_wait3A_600, %dma_wait3A_601] : memref<200x4x32x8x128xf32, #tpu.memory_space<hbm>> -> memref<1x1x1x8x128xf32, #tpu.memory_space<hbm>>
    %dma_wait3A_603 = tpu.memref_squeeze %dma_wait3A_602 : memref<1x1x1x8x128xf32, #tpu.memory_space<hbm>> -> memref<8x128xf32, #tpu.memory_space<hbm>>
    %dma_wait3A_604 = arith.constant 0 : i32
    %dma_wait3A_605 = arith.constant 0 : i32
    %dma_wait3A_606 = tpu.memref_slice %arg8[%dma_wait3A_604, %dma_wait3A_605] : memref<32x129xf32, #tpu.memory_space<vmem>> -> memref<8x128xf32, #tpu.memory_space<vmem>>
    tpu.wait_dma2 semaphore(%dma_wait3A_599 : memref<!tpu.dma_semaphore, #tpu.memory_space<semaphore_mem>>) src(%dma_wait3A_606 : memref<8x128xf32, #tpu.memory_space<vmem>>) dst(%dma_wait3A_603 : memref<8x128xf32, #tpu.memory_space<hbm>>)
    %dma_wait3A_607 = arith.constant 197 : i32
    %dma_wait3A_608 = arith.constant 1 : i32
    %dma_wait3A_609 = arith.constant 1 : i32
    %dma_wait3A_610 = arith.constant 8 : i32
    %dma_wait3A_611 = arith.constant 0 : i32
    %dma_wait3A_612 = tpu.memref_slice %arg8[%dma_wait3A_610, %dma_wait3A_611] : memref<32x129xf32, #tpu.memory_space<vmem>> -> memref<8x128xf32, #tpu.memory_space<vmem>>
    %dma_wait3A_613 = arith.constant 0 : i32
    %dma_wait3A_614 = arith.constant 0 : i32
    %dma_wait3A_615 = tpu.memref_slice %arg4[%dma_wait3A_607, %dma_wait3A_608, %add3A, %dma_wait3A_613, %dma_wait3A_614] : memref<200x4x32x8x128xf32, #tpu.memory_space<hbm>> -> memref<1x1x1x8x128xf32, #tpu.memory_space<hbm>>
    %dma_wait3A_616 = tpu.memref_squeeze %dma_wait3A_615 : memref<1x1x1x8x128xf32, #tpu.memory_space<hbm>> -> memref<8x128xf32, #tpu.memory_space<hbm>>
    %dma_wait3A_617 = tpu.memref_slice %arg10[%dma_wait3A_609] : memref<2x!tpu.dma_semaphore, #tpu.memory_space<semaphore_mem>> -> memref<1x!tpu.dma_semaphore, #tpu.memory_space<semaphore_mem>>
    %dma_wait3A_618 = tpu.memref_squeeze %dma_wait3A_617 : memref<1x!tpu.dma_semaphore, #tpu.memory_space<semaphore_mem>> -> memref<!tpu.dma_semaphore, #tpu.memory_space<semaphore_mem>>
    %dma_wait3A_619 = arith.constant 0 : i32
    %dma_wait3A_620 = arith.constant 0 : i32
    %dma_wait3A_621 = tpu.memref_slice %arg4[%dma_wait3A_607, %dma_wait3A_608, %add3A, %dma_wait3A_619, %dma_wait3A_620] : memref<200x4x32x8x128xf32, #tpu.memory_space<hbm>> -> memref<1x1x1x8x128xf32, #tpu.memory_space<hbm>>
    %dma_wait3A_622 = tpu.memref_squeeze %dma_wait3A_621 : memref<1x1x1x8x128xf32, #tpu.memory_space<hbm>> -> memref<8x128xf32, #tpu.memory_space<hbm>>
    %dma_wait3A_623 = arith.constant 8 : i32
    %dma_wait3A_624 = arith.constant 0 : i32
    %dma_wait3A_625 = tpu.memref_slice %arg8[%dma_wait3A_623, %dma_wait3A_624] : memref<32x129xf32, #tpu.memory_space<vmem>> -> memref<8x128xf32, #tpu.memory_space<vmem>>
    tpu.wait_dma2 semaphore(%dma_wait3A_618 : memref<!tpu.dma_semaphore, #tpu.memory_space<semaphore_mem>>) src(%dma_wait3A_625 : memref<8x128xf32, #tpu.memory_space<vmem>>) dst(%dma_wait3A_622 : memref<8x128xf32, #tpu.memory_space<hbm>>)
    %dma_wait3A_626 = arith.constant 197 : i32
    %dma_wait3A_627 = arith.constant 2 : i32
    %dma_wait3A_628 = arith.constant 1 : i32
    %dma_wait3A_629 = arith.constant 16 : i32
    %dma_wait3A_630 = arith.constant 0 : i32
    %dma_wait3A_631 = tpu.memref_slice %arg8[%dma_wait3A_629, %dma_wait3A_630] : memref<32x129xf32, #tpu.memory_space<vmem>> -> memref<8x128xf32, #tpu.memory_space<vmem>>
    %dma_wait3A_632 = arith.constant 0 : i32
    %dma_wait3A_633 = arith.constant 0 : i32
    %dma_wait3A_634 = tpu.memref_slice %arg4[%dma_wait3A_626, %dma_wait3A_627, %add3A, %dma_wait3A_632, %dma_wait3A_633] : memref<200x4x32x8x128xf32, #tpu.memory_space<hbm>> -> memref<1x1x1x8x128xf32, #tpu.memory_space<hbm>>
    %dma_wait3A_635 = tpu.memref_squeeze %dma_wait3A_634 : memref<1x1x1x8x128xf32, #tpu.memory_space<hbm>> -> memref<8x128xf32, #tpu.memory_space<hbm>>
    %dma_wait3A_636 = tpu.memref_slice %arg10[%dma_wait3A_628] : memref<2x!tpu.dma_semaphore, #tpu.memory_space<semaphore_mem>> -> memref<1x!tpu.dma_semaphore, #tpu.memory_space<semaphore_mem>>
    %dma_wait3A_637 = tpu.memref_squeeze %dma_wait3A_636 : memref<1x!tpu.dma_semaphore, #tpu.memory_space<semaphore_mem>> -> memref<!tpu.dma_semaphore, #tpu.memory_space<semaphore_mem>>
    %dma_wait3A_638 = arith.constant 0 : i32
    %dma_wait3A_639 = arith.constant 0 : i32
    %dma_wait3A_640 = tpu.memref_slice %arg4[%dma_wait3A_626, %dma_wait3A_627, %add3A, %dma_wait3A_638, %dma_wait3A_639] : memref<200x4x32x8x128xf32, #tpu.memory_space<hbm>> -> memref<1x1x1x8x128xf32, #tpu.memory_space<hbm>>
    %dma_wait3A_641 = tpu.memref_squeeze %dma_wait3A_640 : memref<1x1x1x8x128xf32, #tpu.memory_space<hbm>> -> memref<8x128xf32, #tpu.memory_space<hbm>>
    %dma_wait3A_642 = arith.constant 16 : i32
    %dma_wait3A_643 = arith.constant 0 : i32
    %dma_wait3A_644 = tpu.memref_slice %arg8[%dma_wait3A_642, %dma_wait3A_643] : memref<32x129xf32, #tpu.memory_space<vmem>> -> memref<8x128xf32, #tpu.memory_space<vmem>>
    tpu.wait_dma2 semaphore(%dma_wait3A_637 : memref<!tpu.dma_semaphore, #tpu.memory_space<semaphore_mem>>) src(%dma_wait3A_644 : memref<8x128xf32, #tpu.memory_space<vmem>>) dst(%dma_wait3A_641 : memref<8x128xf32, #tpu.memory_space<hbm>>)
    %dma_wait3A_645 = arith.constant 197 : i32
    %dma_wait3A_646 = arith.constant 3 : i32
    %dma_wait3A_647 = arith.constant 1 : i32
    %dma_wait3A_648 = arith.constant 24 : i32
    %dma_wait3A_649 = arith.constant 0 : i32
    %dma_wait3A_650 = tpu.memref_slice %arg8[%dma_wait3A_648, %dma_wait3A_649] : memref<32x129xf32, #tpu.memory_space<vmem>> -> memref<8x128xf32, #tpu.memory_space<vmem>>
    %dma_wait3A_651 = arith.constant 0 : i32
    %dma_wait3A_652 = arith.constant 0 : i32
    %dma_wait3A_653 = tpu.memref_slice %arg4[%dma_wait3A_645, %dma_wait3A_646, %add3A, %dma_wait3A_651, %dma_wait3A_652] : memref<200x4x32x8x128xf32, #tpu.memory_space<hbm>> -> memref<1x1x1x8x128xf32, #tpu.memory_space<hbm>>
    %dma_wait3A_654 = tpu.memref_squeeze %dma_wait3A_653 : memref<1x1x1x8x128xf32, #tpu.memory_space<hbm>> -> memref<8x128xf32, #tpu.memory_space<hbm>>
    %dma_wait3A_655 = tpu.memref_slice %arg10[%dma_wait3A_647] : memref<2x!tpu.dma_semaphore, #tpu.memory_space<semaphore_mem>> -> memref<1x!tpu.dma_semaphore, #tpu.memory_space<semaphore_mem>>
    %dma_wait3A_656 = tpu.memref_squeeze %dma_wait3A_655 : memref<1x!tpu.dma_semaphore, #tpu.memory_space<semaphore_mem>> -> memref<!tpu.dma_semaphore, #tpu.memory_space<semaphore_mem>>
    %dma_wait3A_657 = arith.constant 0 : i32
    %dma_wait3A_658 = arith.constant 0 : i32
    %dma_wait3A_659 = tpu.memref_slice %arg4[%dma_wait3A_645, %dma_wait3A_646, %add3A, %dma_wait3A_657, %dma_wait3A_658] : memref<200x4x32x8x128xf32, #tpu.memory_space<hbm>> -> memref<1x1x1x8x128xf32, #tpu.memory_space<hbm>>
    %dma_wait3A_660 = tpu.memref_squeeze %dma_wait3A_659 : memref<1x1x1x8x128xf32, #tpu.memory_space<hbm>> -> memref<8x128xf32, #tpu.memory_space<hbm>>
    %dma_wait3A_661 = arith.constant 24 : i32
    %dma_wait3A_662 = arith.constant 0 : i32
    %dma_wait3A_663 = tpu.memref_slice %arg8[%dma_wait3A_661, %dma_wait3A_662] : memref<32x129xf32, #tpu.memory_space<vmem>> -> memref<8x128xf32, #tpu.memory_space<vmem>>
    tpu.wait_dma2 semaphore(%dma_wait3A_656 : memref<!tpu.dma_semaphore, #tpu.memory_space<semaphore_mem>>) src(%dma_wait3A_663 : memref<8x128xf32, #tpu.memory_space<vmem>>) dst(%dma_wait3A_660 : memref<8x128xf32, #tpu.memory_space<hbm>>)
    %parallel_loop3A_664 = arith.constant 0 : i32
    %parallel_loop3A_665 = arith.constant 128 : i32
    %parallel_loop3A_666 = arith.constant 1 : i32
    scf.for %parallel_loop3A_895 = %parallel_loop3A_664 to %parallel_loop3A_665 step %parallel_loop3A_666  : i32 {
      %parallel_loop3A_896 = vector.broadcast %parallel_loop3A_895 : i32 to vector<16xi32>
      %parallel_loop3A_897 = arith.constant 3 : i32
      %parallel_loop3A_898 = arith.index_cast %parallel_loop3A_897 : i32 to index
      %parallel_loop3A_899 = arith.index_cast %parallel_loop3A_895 : i32 to index
      %parallel_loop3A_900 = arith.constant 0 : index
      %parallel_loop3A_901 = tpu.vector_load %arg6[%parallel_loop3A_898, %parallel_loop3A_899, %parallel_loop3A_900] {strides = array<i32>} : memref<4x128x32xf32, #tpu.memory_space<vmem>>, vector<16xf32>,
      %parallel_loop3A_902 = arith.constant 0 : i32
      %parallel_loop3A_903 = vector.broadcast %parallel_loop3A_902 : i32 to vector<16xi32>
      %parallel_loop3A_904 = arith.addi %iota3A, %parallel_loop3A_903 : vector<16xi32>
      tpu.vector_store_idx %arg8[%parallel_loop3A_904, %parallel_loop3A_896], %parallel_loop3A_901 : memref<32x129xf32, #tpu.memory_space<vmem>>[vector<16xi32>, vector<16xi32>], vector<16xf32>,
      %parallel_loop3A_905 = arith.constant 3 : i32
      %parallel_loop3A_906 = arith.index_cast %parallel_loop3A_905 : i32 to index
      %parallel_loop3A_907 = arith.index_cast %parallel_loop3A_895 : i32 to index
      %parallel_loop3A_908 = arith.constant 16 : index
      %parallel_loop3A_909 = tpu.vector_load %arg6[%parallel_loop3A_906, %parallel_loop3A_907, %parallel_loop3A_908] {strides = array<i32>} : memref<4x128x32xf32, #tpu.memory_space<vmem>>, vector<16xf32>,
      %parallel_loop3A_910 = arith.constant 16 : i32
      %parallel_loop3A_911 = vector.broadcast %parallel_loop3A_910 : i32 to vector<16xi32>
      %parallel_loop3A_912 = arith.addi %iota3A, %parallel_loop3A_911 : vector<16xi32>
      tpu.vector_store_idx %arg8[%parallel_loop3A_912, %parallel_loop3A_896], %parallel_loop3A_909 : memref<32x129xf32, #tpu.memory_space<vmem>>[vector<16xi32>, vector<16xi32>], vector<16xf32>,
    } {sc.loop_unroll_factor = 16 : i64, sc.parallel_access}
    %dma_start3A_667 = arith.constant 199 : i32
    %dma_start3A_668 = arith.constant 0 : i32
    %dma_start3A_669 = arith.constant 1 : i32
    %dma_start3A_670 = arith.constant 0 : i32
    %dma_start3A_671 = arith.constant 0 : i32
    %dma_start3A_672 = tpu.memref_slice %arg8[%dma_start3A_670, %dma_start3A_671] : memref<32x129xf32, #tpu.memory_space<vmem>> -> memref<8x128xf32, #tpu.memory_space<vmem>>
    %dma_start3A_673 = arith.constant 0 : i32
    %dma_start3A_674 = arith.constant 0 : i32
    %dma_start3A_675 = tpu.memref_slice %arg4[%dma_start3A_667, %dma_start3A_668, %add3A, %dma_start3A_673, %dma_start3A_674] : memref<200x4x32x8x128xf32, #tpu.memory_space<hbm>> -> memref<1x1x1x8x128xf32, #tpu.memory_space<hbm>>
    %dma_start3A_676 = tpu.memref_squeeze %dma_start3A_675 : memref<1x1x1x8x128xf32, #tpu.memory_space<hbm>> -> memref<8x128xf32, #tpu.memory_space<hbm>>
    %dma_start3A_677 = tpu.memref_slice %arg10[%dma_start3A_669] : memref<2x!tpu.dma_semaphore, #tpu.memory_space<semaphore_mem>> -> memref<1x!tpu.dma_semaphore, #tpu.memory_space<semaphore_mem>>
    %dma_start3A_678 = tpu.memref_squeeze %dma_start3A_677 : memref<1x!tpu.dma_semaphore, #tpu.memory_space<semaphore_mem>> -> memref<!tpu.dma_semaphore, #tpu.memory_space<semaphore_mem>>
    %dma_start3A_679 = arith.constant 0 : i32
    %dma_start3A_680 = arith.constant 0 : i32
    %dma_start3A_681 = tpu.memref_slice %arg4[%dma_start3A_667, %dma_start3A_668, %add3A, %dma_start3A_679, %dma_start3A_680] : memref<200x4x32x8x128xf32, #tpu.memory_space<hbm>> -> memref<1x1x1x8x128xf32, #tpu.memory_space<hbm>>
    %dma_start3A_682 = tpu.memref_squeeze %dma_start3A_681 : memref<1x1x1x8x128xf32, #tpu.memory_space<hbm>> -> memref<8x128xf32, #tpu.memory_space<hbm>>
    %dma_start3A_683 = arith.constant 0 : i32
    %dma_start3A_684 = arith.constant 0 : i32
    %dma_start3A_685 = tpu.memref_slice %arg8[%dma_start3A_683, %dma_start3A_684] : memref<32x129xf32, #tpu.memory_space<vmem>> -> memref<8x128xf32, #tpu.memory_space<vmem>>
    tpu.enqueue_dma source(%dma_start3A_685 : memref<8x128xf32, #tpu.memory_space<vmem>>) target(%dma_start3A_682 : memref<8x128xf32, #tpu.memory_space<hbm>>) target_semaphore(%dma_start3A_678 : memref<!tpu.dma_semaphore, #tpu.memory_space<semaphore_mem>>)
    %dma_start3A_686 = arith.constant 199 : i32
    %dma_start3A_687 = arith.constant 1 : i32
    %dma_start3A_688 = arith.constant 1 : i32
    %dma_start3A_689 = arith.constant 8 : i32
    %dma_start3A_690 = arith.constant 0 : i32
    %dma_start3A_691 = tpu.memref_slice %arg8[%dma_start3A_689, %dma_start3A_690] : memref<32x129xf32, #tpu.memory_space<vmem>> -> memref<8x128xf32, #tpu.memory_space<vmem>>
    %dma_start3A_692 = arith.constant 0 : i32
    %dma_start3A_693 = arith.constant 0 : i32
    %dma_start3A_694 = tpu.memref_slice %arg4[%dma_start3A_686, %dma_start3A_687, %add3A, %dma_start3A_692, %dma_start3A_693] : memref<200x4x32x8x128xf32, #tpu.memory_space<hbm>> -> memref<1x1x1x8x128xf32, #tpu.memory_space<hbm>>
    %dma_start3A_695 = tpu.memref_squeeze %dma_start3A_694 : memref<1x1x1x8x128xf32, #tpu.memory_space<hbm>> -> memref<8x128xf32, #tpu.memory_space<hbm>>
    %dma_start3A_696 = tpu.memref_slice %arg10[%dma_start3A_688] : memref<2x!tpu.dma_semaphore, #tpu.memory_space<semaphore_mem>> -> memref<1x!tpu.dma_semaphore, #tpu.memory_space<semaphore_mem>>
    %dma_start3A_697 = tpu.memref_squeeze %dma_start3A_696 : memref<1x!tpu.dma_semaphore, #tpu.memory_space<semaphore_mem>> -> memref<!tpu.dma_semaphore, #tpu.memory_space<semaphore_mem>>
    %dma_start3A_698 = arith.constant 0 : i32
    %dma_start3A_699 = arith.constant 0 : i32
    %dma_start3A_700 = tpu.memref_slice %arg4[%dma_start3A_686, %dma_start3A_687, %add3A, %dma_start3A_698, %dma_start3A_699] : memref<200x4x32x8x128xf32, #tpu.memory_space<hbm>> -> memref<1x1x1x8x128xf32, #tpu.memory_space<hbm>>
    %dma_start3A_701 = tpu.memref_squeeze %dma_start3A_700 : memref<1x1x1x8x128xf32, #tpu.memory_space<hbm>> -> memref<8x128xf32, #tpu.memory_space<hbm>>
    %dma_start3A_702 = arith.constant 8 : i32
    %dma_start3A_703 = arith.constant 0 : i32
    %dma_start3A_704 = tpu.memref_slice %arg8[%dma_start3A_702, %dma_start3A_703] : memref<32x129xf32, #tpu.memory_space<vmem>> -> memref<8x128xf32, #tpu.memory_space<vmem>>
    tpu.enqueue_dma source(%dma_start3A_704 : memref<8x128xf32, #tpu.memory_space<vmem>>) target(%dma_start3A_701 : memref<8x128xf32, #tpu.memory_space<hbm>>) target_semaphore(%dma_start3A_697 : memref<!tpu.dma_semaphore, #tpu.memory_space<semaphore_mem>>)
    %dma_start3A_705 = arith.constant 199 : i32
    %dma_start3A_706 = arith.constant 2 : i32
    %dma_start3A_707 = arith.constant 1 : i32
    %dma_start3A_708 = arith.constant 16 : i32
    %dma_start3A_709 = arith.constant 0 : i32
    %dma_start3A_710 = tpu.memref_slice %arg8[%dma_start3A_708, %dma_start3A_709] : memref<32x129xf32, #tpu.memory_space<vmem>> -> memref<8x128xf32, #tpu.memory_space<vmem>>
    %dma_start3A_711 = arith.constant 0 : i32
    %dma_start3A_712 = arith.constant 0 : i32
    %dma_start3A_713 = tpu.memref_slice %arg4[%dma_start3A_705, %dma_start3A_706, %add3A, %dma_start3A_711, %dma_start3A_712] : memref<200x4x32x8x128xf32, #tpu.memory_space<hbm>> -> memref<1x1x1x8x128xf32, #tpu.memory_space<hbm>>
    %dma_start3A_714 = tpu.memref_squeeze %dma_start3A_713 : memref<1x1x1x8x128xf32, #tpu.memory_space<hbm>> -> memref<8x128xf32, #tpu.memory_space<hbm>>
    %dma_start3A_715 = tpu.memref_slice %arg10[%dma_start3A_707] : memref<2x!tpu.dma_semaphore, #tpu.memory_space<semaphore_mem>> -> memref<1x!tpu.dma_semaphore, #tpu.memory_space<semaphore_mem>>
    %dma_start3A_716 = tpu.memref_squeeze %dma_start3A_715 : memref<1x!tpu.dma_semaphore, #tpu.memory_space<semaphore_mem>> -> memref<!tpu.dma_semaphore, #tpu.memory_space<semaphore_mem>>
    %dma_start3A_717 = arith.constant 0 : i32
    %dma_start3A_718 = arith.constant 0 : i32
    %dma_start3A_719 = tpu.memref_slice %arg4[%dma_start3A_705, %dma_start3A_706, %add3A, %dma_start3A_717, %dma_start3A_718] : memref<200x4x32x8x128xf32, #tpu.memory_space<hbm>> -> memref<1x1x1x8x128xf32, #tpu.memory_space<hbm>>
    %dma_start3A_720 = tpu.memref_squeeze %dma_start3A_719 : memref<1x1x1x8x128xf32, #tpu.memory_space<hbm>> -> memref<8x128xf32, #tpu.memory_space<hbm>>
    %dma_start3A_721 = arith.constant 16 : i32
    %dma_start3A_722 = arith.constant 0 : i32
    %dma_start3A_723 = tpu.memref_slice %arg8[%dma_start3A_721, %dma_start3A_722] : memref<32x129xf32, #tpu.memory_space<vmem>> -> memref<8x128xf32, #tpu.memory_space<vmem>>
    tpu.enqueue_dma source(%dma_start3A_723 : memref<8x128xf32, #tpu.memory_space<vmem>>) target(%dma_start3A_720 : memref<8x128xf32, #tpu.memory_space<hbm>>) target_semaphore(%dma_start3A_716 : memref<!tpu.dma_semaphore, #tpu.memory_space<semaphore_mem>>)
    %dma_start3A_724 = arith.constant 199 : i32
    %dma_start3A_725 = arith.constant 3 : i32
    %dma_start3A_726 = arith.constant 1 : i32
    %dma_start3A_727 = arith.constant 24 : i32
    %dma_start3A_728 = arith.constant 0 : i32
    %dma_start3A_729 = tpu.memref_slice %arg8[%dma_start3A_727, %dma_start3A_728] : memref<32x129xf32, #tpu.memory_space<vmem>> -> memref<8x128xf32, #tpu.memory_space<vmem>>
    %dma_start3A_730 = arith.constant 0 : i32
    %dma_start3A_731 = arith.constant 0 : i32
    %dma_start3A_732 = tpu.memref_slice %arg4[%dma_start3A_724, %dma_start3A_725, %add3A, %dma_start3A_730, %dma_start3A_731] : memref<200x4x32x8x128xf32, #tpu.memory_space<hbm>> -> memref<1x1x1x8x128xf32, #tpu.memory_space<hbm>>
    %dma_start3A_733 = tpu.memref_squeeze %dma_start3A_732 : memref<1x1x1x8x128xf32, #tpu.memory_space<hbm>> -> memref<8x128xf32, #tpu.memory_space<hbm>>
    %dma_start3A_734 = tpu.memref_slice %arg10[%dma_start3A_726] : memref<2x!tpu.dma_semaphore, #tpu.memory_space<semaphore_mem>> -> memref<1x!tpu.dma_semaphore, #tpu.memory_space<semaphore_mem>>
    %dma_start3A_735 = tpu.memref_squeeze %dma_start3A_734 : memref<1x!tpu.dma_semaphore, #tpu.memory_space<semaphore_mem>> -> memref<!tpu.dma_semaphore, #tpu.memory_space<semaphore_mem>>
    %dma_start3A_736 = arith.constant 0 : i32
    %dma_start3A_737 = arith.constant 0 : i32
    %dma_start3A_738 = tpu.memref_slice %arg4[%dma_start3A_724, %dma_start3A_725, %add3A, %dma_start3A_736, %dma_start3A_737] : memref<200x4x32x8x128xf32, #tpu.memory_space<hbm>> -> memref<1x1x1x8x128xf32, #tpu.memory_space<hbm>>
    %dma_start3A_739 = tpu.memref_squeeze %dma_start3A_738 : memref<1x1x1x8x128xf32, #tpu.memory_space<hbm>> -> memref<8x128xf32, #tpu.memory_space<hbm>>
    %dma_start3A_740 = arith.constant 24 : i32
    %dma_start3A_741 = arith.constant 0 : i32
    %dma_start3A_742 = tpu.memref_slice %arg8[%dma_start3A_740, %dma_start3A_741] : memref<32x129xf32, #tpu.memory_space<vmem>> -> memref<8x128xf32, #tpu.memory_space<vmem>>
    tpu.enqueue_dma source(%dma_start3A_742 : memref<8x128xf32, #tpu.memory_space<vmem>>) target(%dma_start3A_739 : memref<8x128xf32, #tpu.memory_space<hbm>>) target_semaphore(%dma_start3A_735 : memref<!tpu.dma_semaphore, #tpu.memory_space<semaphore_mem>>)
    %dma_wait3A_743 = arith.constant 198 : i32
    %dma_wait3A_744 = arith.constant 0 : i32
    %dma_wait3A_745 = arith.constant 0 : i32
    %dma_wait3A_746 = arith.constant 0 : i32
    %dma_wait3A_747 = arith.constant 0 : i32
    %dma_wait3A_748 = tpu.memref_slice %arg7[%dma_wait3A_746, %dma_wait3A_747] : memref<32x129xf32, #tpu.memory_space<vmem>> -> memref<8x128xf32, #tpu.memory_space<vmem>>
    %dma_wait3A_749 = arith.constant 0 : i32
    %dma_wait3A_750 = arith.constant 0 : i32
    %dma_wait3A_751 = tpu.memref_slice %arg4[%dma_wait3A_743, %dma_wait3A_744, %add3A, %dma_wait3A_749, %dma_wait3A_750] : memref<200x4x32x8x128xf32, #tpu.memory_space<hbm>> -> memref<1x1x1x8x128xf32, #tpu.memory_space<hbm>>
    %dma_wait3A_752 = tpu.memref_squeeze %dma_wait3A_751 : memref<1x1x1x8x128xf32, #tpu.memory_space<hbm>> -> memref<8x128xf32, #tpu.memory_space<hbm>>
    %dma_wait3A_753 = tpu.memref_slice %arg10[%dma_wait3A_745] : memref<2x!tpu.dma_semaphore, #tpu.memory_space<semaphore_mem>> -> memref<1x!tpu.dma_semaphore, #tpu.memory_space<semaphore_mem>>
    %dma_wait3A_754 = tpu.memref_squeeze %dma_wait3A_753 : memref<1x!tpu.dma_semaphore, #tpu.memory_space<semaphore_mem>> -> memref<!tpu.dma_semaphore, #tpu.memory_space<semaphore_mem>>
    %dma_wait3A_755 = arith.constant 0 : i32
    %dma_wait3A_756 = arith.constant 0 : i32
    %dma_wait3A_757 = tpu.memref_slice %arg4[%dma_wait3A_743, %dma_wait3A_744, %add3A, %dma_wait3A_755, %dma_wait3A_756] : memref<200x4x32x8x128xf32, #tpu.memory_space<hbm>> -> memref<1x1x1x8x128xf32, #tpu.memory_space<hbm>>
    %dma_wait3A_758 = tpu.memref_squeeze %dma_wait3A_757 : memref<1x1x1x8x128xf32, #tpu.memory_space<hbm>> -> memref<8x128xf32, #tpu.memory_space<hbm>>
    %dma_wait3A_759 = arith.constant 0 : i32
    %dma_wait3A_760 = arith.constant 0 : i32
    %dma_wait3A_761 = tpu.memref_slice %arg7[%dma_wait3A_759, %dma_wait3A_760] : memref<32x129xf32, #tpu.memory_space<vmem>> -> memref<8x128xf32, #tpu.memory_space<vmem>>
    tpu.wait_dma2 semaphore(%dma_wait3A_754 : memref<!tpu.dma_semaphore, #tpu.memory_space<semaphore_mem>>) src(%dma_wait3A_761 : memref<8x128xf32, #tpu.memory_space<vmem>>) dst(%dma_wait3A_758 : memref<8x128xf32, #tpu.memory_space<hbm>>)
    %dma_wait3A_762 = arith.constant 198 : i32
    %dma_wait3A_763 = arith.constant 1 : i32
    %dma_wait3A_764 = arith.constant 0 : i32
    %dma_wait3A_765 = arith.constant 8 : i32
    %dma_wait3A_766 = arith.constant 0 : i32
    %dma_wait3A_767 = tpu.memref_slice %arg7[%dma_wait3A_765, %dma_wait3A_766] : memref<32x129xf32, #tpu.memory_space<vmem>> -> memref<8x128xf32, #tpu.memory_space<vmem>>
    %dma_wait3A_768 = arith.constant 0 : i32
    %dma_wait3A_769 = arith.constant 0 : i32
    %dma_wait3A_770 = tpu.memref_slice %arg4[%dma_wait3A_762, %dma_wait3A_763, %add3A, %dma_wait3A_768, %dma_wait3A_769] : memref<200x4x32x8x128xf32, #tpu.memory_space<hbm>> -> memref<1x1x1x8x128xf32, #tpu.memory_space<hbm>>
    %dma_wait3A_771 = tpu.memref_squeeze %dma_wait3A_770 : memref<1x1x1x8x128xf32, #tpu.memory_space<hbm>> -> memref<8x128xf32, #tpu.memory_space<hbm>>
    %dma_wait3A_772 = tpu.memref_slice %arg10[%dma_wait3A_764] : memref<2x!tpu.dma_semaphore, #tpu.memory_space<semaphore_mem>> -> memref<1x!tpu.dma_semaphore, #tpu.memory_space<semaphore_mem>>
    %dma_wait3A_773 = tpu.memref_squeeze %dma_wait3A_772 : memref<1x!tpu.dma_semaphore, #tpu.memory_space<semaphore_mem>> -> memref<!tpu.dma_semaphore, #tpu.memory_space<semaphore_mem>>
    %dma_wait3A_774 = arith.constant 0 : i32
    %dma_wait3A_775 = arith.constant 0 : i32
    %dma_wait3A_776 = tpu.memref_slice %arg4[%dma_wait3A_762, %dma_wait3A_763, %add3A, %dma_wait3A_774, %dma_wait3A_775] : memref<200x4x32x8x128xf32, #tpu.memory_space<hbm>> -> memref<1x1x1x8x128xf32, #tpu.memory_space<hbm>>
    %dma_wait3A_777 = tpu.memref_squeeze %dma_wait3A_776 : memref<1x1x1x8x128xf32, #tpu.memory_space<hbm>> -> memref<8x128xf32, #tpu.memory_space<hbm>>
    %dma_wait3A_778 = arith.constant 8 : i32
    %dma_wait3A_779 = arith.constant 0 : i32
    %dma_wait3A_780 = tpu.memref_slice %arg7[%dma_wait3A_778, %dma_wait3A_779] : memref<32x129xf32, #tpu.memory_space<vmem>> -> memref<8x128xf32, #tpu.memory_space<vmem>>
    tpu.wait_dma2 semaphore(%dma_wait3A_773 : memref<!tpu.dma_semaphore, #tpu.memory_space<semaphore_mem>>) src(%dma_wait3A_780 : memref<8x128xf32, #tpu.memory_space<vmem>>) dst(%dma_wait3A_777 : memref<8x128xf32, #tpu.memory_space<hbm>>)
    %dma_wait3A_781 = arith.constant 198 : i32
    %dma_wait3A_782 = arith.constant 2 : i32
    %dma_wait3A_783 = arith.constant 0 : i32
    %dma_wait3A_784 = arith.constant 16 : i32
    %dma_wait3A_785 = arith.constant 0 : i32
    %dma_wait3A_786 = tpu.memref_slice %arg7[%dma_wait3A_784, %dma_wait3A_785] : memref<32x129xf32, #tpu.memory_space<vmem>> -> memref<8x128xf32, #tpu.memory_space<vmem>>
    %dma_wait3A_787 = arith.constant 0 : i32
    %dma_wait3A_788 = arith.constant 0 : i32
    %dma_wait3A_789 = tpu.memref_slice %arg4[%dma_wait3A_781, %dma_wait3A_782, %add3A, %dma_wait3A_787, %dma_wait3A_788] : memref<200x4x32x8x128xf32, #tpu.memory_space<hbm>> -> memref<1x1x1x8x128xf32, #tpu.memory_space<hbm>>
    %dma_wait3A_790 = tpu.memref_squeeze %dma_wait3A_789 : memref<1x1x1x8x128xf32, #tpu.memory_space<hbm>> -> memref<8x128xf32, #tpu.memory_space<hbm>>
    %dma_wait3A_791 = tpu.memref_slice %arg10[%dma_wait3A_783] : memref<2x!tpu.dma_semaphore, #tpu.memory_space<semaphore_mem>> -> memref<1x!tpu.dma_semaphore, #tpu.memory_space<semaphore_mem>>
    %dma_wait3A_792 = tpu.memref_squeeze %dma_wait3A_791 : memref<1x!tpu.dma_semaphore, #tpu.memory_space<semaphore_mem>> -> memref<!tpu.dma_semaphore, #tpu.memory_space<semaphore_mem>>
    %dma_wait3A_793 = arith.constant 0 : i32
    %dma_wait3A_794 = arith.constant 0 : i32
    %dma_wait3A_795 = tpu.memref_slice %arg4[%dma_wait3A_781, %dma_wait3A_782, %add3A, %dma_wait3A_793, %dma_wait3A_794] : memref<200x4x32x8x128xf32, #tpu.memory_space<hbm>> -> memref<1x1x1x8x128xf32, #tpu.memory_space<hbm>>
    %dma_wait3A_796 = tpu.memref_squeeze %dma_wait3A_795 : memref<1x1x1x8x128xf32, #tpu.memory_space<hbm>> -> memref<8x128xf32, #tpu.memory_space<hbm>>
    %dma_wait3A_797 = arith.constant 16 : i32
    %dma_wait3A_798 = arith.constant 0 : i32
    %dma_wait3A_799 = tpu.memref_slice %arg7[%dma_wait3A_797, %dma_wait3A_798] : memref<32x129xf32, #tpu.memory_space<vmem>> -> memref<8x128xf32, #tpu.memory_space<vmem>>
    tpu.wait_dma2 semaphore(%dma_wait3A_792 : memref<!tpu.dma_semaphore, #tpu.memory_space<semaphore_mem>>) src(%dma_wait3A_799 : memref<8x128xf32, #tpu.memory_space<vmem>>) dst(%dma_wait3A_796 : memref<8x128xf32, #tpu.memory_space<hbm>>)
    %dma_wait3A_800 = arith.constant 198 : i32
    %dma_wait3A_801 = arith.constant 3 : i32
    %dma_wait3A_802 = arith.constant 0 : i32
    %dma_wait3A_803 = arith.constant 24 : i32
    %dma_wait3A_804 = arith.constant 0 : i32
    %dma_wait3A_805 = tpu.memref_slice %arg7[%dma_wait3A_803, %dma_wait3A_804] : memref<32x129xf32, #tpu.memory_space<vmem>> -> memref<8x128xf32, #tpu.memory_space<vmem>>
    %dma_wait3A_806 = arith.constant 0 : i32
    %dma_wait3A_807 = arith.constant 0 : i32
    %dma_wait3A_808 = tpu.memref_slice %arg4[%dma_wait3A_800, %dma_wait3A_801, %add3A, %dma_wait3A_806, %dma_wait3A_807] : memref<200x4x32x8x128xf32, #tpu.memory_space<hbm>> -> memref<1x1x1x8x128xf32, #tpu.memory_space<hbm>>
    %dma_wait3A_809 = tpu.memref_squeeze %dma_wait3A_808 : memref<1x1x1x8x128xf32, #tpu.memory_space<hbm>> -> memref<8x128xf32, #tpu.memory_space<hbm>>
    %dma_wait3A_810 = tpu.memref_slice %arg10[%dma_wait3A_802] : memref<2x!tpu.dma_semaphore, #tpu.memory_space<semaphore_mem>> -> memref<1x!tpu.dma_semaphore, #tpu.memory_space<semaphore_mem>>
    %dma_wait3A_811 = tpu.memref_squeeze %dma_wait3A_810 : memref<1x!tpu.dma_semaphore, #tpu.memory_space<semaphore_mem>> -> memref<!tpu.dma_semaphore, #tpu.memory_space<semaphore_mem>>
    %dma_wait3A_812 = arith.constant 0 : i32
    %dma_wait3A_813 = arith.constant 0 : i32
    %dma_wait3A_814 = tpu.memref_slice %arg4[%dma_wait3A_800, %dma_wait3A_801, %add3A, %dma_wait3A_812, %dma_wait3A_813] : memref<200x4x32x8x128xf32, #tpu.memory_space<hbm>> -> memref<1x1x1x8x128xf32, #tpu.memory_space<hbm>>
    %dma_wait3A_815 = tpu.memref_squeeze %dma_wait3A_814 : memref<1x1x1x8x128xf32, #tpu.memory_space<hbm>> -> memref<8x128xf32, #tpu.memory_space<hbm>>
    %dma_wait3A_816 = arith.constant 24 : i32
    %dma_wait3A_817 = arith.constant 0 : i32
    %dma_wait3A_818 = tpu.memref_slice %arg7[%dma_wait3A_816, %dma_wait3A_817] : memref<32x129xf32, #tpu.memory_space<vmem>> -> memref<8x128xf32, #tpu.memory_space<vmem>>
    tpu.wait_dma2 semaphore(%dma_wait3A_811 : memref<!tpu.dma_semaphore, #tpu.memory_space<semaphore_mem>>) src(%dma_wait3A_818 : memref<8x128xf32, #tpu.memory_space<vmem>>) dst(%dma_wait3A_815 : memref<8x128xf32, #tpu.memory_space<hbm>>)
    %dma_wait3A_819 = arith.constant 199 : i32
    %dma_wait3A_820 = arith.constant 0 : i32
    %dma_wait3A_821 = arith.constant 1 : i32
    %dma_wait3A_822 = arith.constant 0 : i32
    %dma_wait3A_823 = arith.constant 0 : i32
    %dma_wait3A_824 = tpu.memref_slice %arg8[%dma_wait3A_822, %dma_wait3A_823] : memref<32x129xf32, #tpu.memory_space<vmem>> -> memref<8x128xf32, #tpu.memory_space<vmem>>
    %dma_wait3A_825 = arith.constant 0 : i32
    %dma_wait3A_826 = arith.constant 0 : i32
    %dma_wait3A_827 = tpu.memref_slice %arg4[%dma_wait3A_819, %dma_wait3A_820, %add3A, %dma_wait3A_825, %dma_wait3A_826] : memref<200x4x32x8x128xf32, #tpu.memory_space<hbm>> -> memref<1x1x1x8x128xf32, #tpu.memory_space<hbm>>
    %dma_wait3A_828 = tpu.memref_squeeze %dma_wait3A_827 : memref<1x1x1x8x128xf32, #tpu.memory_space<hbm>> -> memref<8x128xf32, #tpu.memory_space<hbm>>
    %dma_wait3A_829 = tpu.memref_slice %arg10[%dma_wait3A_821] : memref<2x!tpu.dma_semaphore, #tpu.memory_space<semaphore_mem>> -> memref<1x!tpu.dma_semaphore, #tpu.memory_space<semaphore_mem>>
    %dma_wait3A_830 = tpu.memref_squeeze %dma_wait3A_829 : memref<1x!tpu.dma_semaphore, #tpu.memory_space<semaphore_mem>> -> memref<!tpu.dma_semaphore, #tpu.memory_space<semaphore_mem>>
    %dma_wait3A_831 = arith.constant 0 : i32
    %dma_wait3A_832 = arith.constant 0 : i32
    %dma_wait3A_833 = tpu.memref_slice %arg4[%dma_wait3A_819, %dma_wait3A_820, %add3A, %dma_wait3A_831, %dma_wait3A_832] : memref<200x4x32x8x128xf32, #tpu.memory_space<hbm>> -> memref<1x1x1x8x128xf32, #tpu.memory_space<hbm>>
    %dma_wait3A_834 = tpu.memref_squeeze %dma_wait3A_833 : memref<1x1x1x8x128xf32, #tpu.memory_space<hbm>> -> memref<8x128xf32, #tpu.memory_space<hbm>>
    %dma_wait3A_835 = arith.constant 0 : i32
    %dma_wait3A_836 = arith.constant 0 : i32
    %dma_wait3A_837 = tpu.memref_slice %arg8[%dma_wait3A_835, %dma_wait3A_836] : memref<32x129xf32, #tpu.memory_space<vmem>> -> memref<8x128xf32, #tpu.memory_space<vmem>>
    tpu.wait_dma2 semaphore(%dma_wait3A_830 : memref<!tpu.dma_semaphore, #tpu.memory_space<semaphore_mem>>) src(%dma_wait3A_837 : memref<8x128xf32, #tpu.memory_space<vmem>>) dst(%dma_wait3A_834 : memref<8x128xf32, #tpu.memory_space<hbm>>)
    %dma_wait3A_838 = arith.constant 199 : i32
    %dma_wait3A_839 = arith.constant 1 : i32
    %dma_wait3A_840 = arith.constant 1 : i32
    %dma_wait3A_841 = arith.constant 8 : i32
    %dma_wait3A_842 = arith.constant 0 : i32
    %dma_wait3A_843 = tpu.memref_slice %arg8[%dma_wait3A_841, %dma_wait3A_842] : memref<32x129xf32, #tpu.memory_space<vmem>> -> memref<8x128xf32, #tpu.memory_space<vmem>>
    %dma_wait3A_844 = arith.constant 0 : i32
    %dma_wait3A_845 = arith.constant 0 : i32
    %dma_wait3A_846 = tpu.memref_slice %arg4[%dma_wait3A_838, %dma_wait3A_839, %add3A, %dma_wait3A_844, %dma_wait3A_845] : memref<200x4x32x8x128xf32, #tpu.memory_space<hbm>> -> memref<1x1x1x8x128xf32, #tpu.memory_space<hbm>>
    %dma_wait3A_847 = tpu.memref_squeeze %dma_wait3A_846 : memref<1x1x1x8x128xf32, #tpu.memory_space<hbm>> -> memref<8x128xf32, #tpu.memory_space<hbm>>
    %dma_wait3A_848 = tpu.memref_slice %arg10[%dma_wait3A_840] : memref<2x!tpu.dma_semaphore, #tpu.memory_space<semaphore_mem>> -> memref<1x!tpu.dma_semaphore, #tpu.memory_space<semaphore_mem>>
    %dma_wait3A_849 = tpu.memref_squeeze %dma_wait3A_848 : memref<1x!tpu.dma_semaphore, #tpu.memory_space<semaphore_mem>> -> memref<!tpu.dma_semaphore, #tpu.memory_space<semaphore_mem>>
    %dma_wait3A_850 = arith.constant 0 : i32
    %dma_wait3A_851 = arith.constant 0 : i32
    %dma_wait3A_852 = tpu.memref_slice %arg4[%dma_wait3A_838, %dma_wait3A_839, %add3A, %dma_wait3A_850, %dma_wait3A_851] : memref<200x4x32x8x128xf32, #tpu.memory_space<hbm>> -> memref<1x1x1x8x128xf32, #tpu.memory_space<hbm>>
    %dma_wait3A_853 = tpu.memref_squeeze %dma_wait3A_852 : memref<1x1x1x8x128xf32, #tpu.memory_space<hbm>> -> memref<8x128xf32, #tpu.memory_space<hbm>>
    %dma_wait3A_854 = arith.constant 8 : i32
    %dma_wait3A_855 = arith.constant 0 : i32
    %dma_wait3A_856 = tpu.memref_slice %arg8[%dma_wait3A_854, %dma_wait3A_855] : memref<32x129xf32, #tpu.memory_space<vmem>> -> memref<8x128xf32, #tpu.memory_space<vmem>>
    tpu.wait_dma2 semaphore(%dma_wait3A_849 : memref<!tpu.dma_semaphore, #tpu.memory_space<semaphore_mem>>) src(%dma_wait3A_856 : memref<8x128xf32, #tpu.memory_space<vmem>>) dst(%dma_wait3A_853 : memref<8x128xf32, #tpu.memory_space<hbm>>)
    %dma_wait3A_857 = arith.constant 199 : i32
    %dma_wait3A_858 = arith.constant 2 : i32
    %dma_wait3A_859 = arith.constant 1 : i32
    %dma_wait3A_860 = arith.constant 16 : i32
    %dma_wait3A_861 = arith.constant 0 : i32
    %dma_wait3A_862 = tpu.memref_slice %arg8[%dma_wait3A_860, %dma_wait3A_861] : memref<32x129xf32, #tpu.memory_space<vmem>> -> memref<8x128xf32, #tpu.memory_space<vmem>>
    %dma_wait3A_863 = arith.constant 0 : i32
    %dma_wait3A_864 = arith.constant 0 : i32
    %dma_wait3A_865 = tpu.memref_slice %arg4[%dma_wait3A_857, %dma_wait3A_858, %add3A, %dma_wait3A_863, %dma_wait3A_864] : memref<200x4x32x8x128xf32, #tpu.memory_space<hbm>> -> memref<1x1x1x8x128xf32, #tpu.memory_space<hbm>>
    %dma_wait3A_866 = tpu.memref_squeeze %dma_wait3A_865 : memref<1x1x1x8x128xf32, #tpu.memory_space<hbm>> -> memref<8x128xf32, #tpu.memory_space<hbm>>
    %dma_wait3A_867 = tpu.memref_slice %arg10[%dma_wait3A_859] : memref<2x!tpu.dma_semaphore, #tpu.memory_space<semaphore_mem>> -> memref<1x!tpu.dma_semaphore, #tpu.memory_space<semaphore_mem>>
    %dma_wait3A_868 = tpu.memref_squeeze %dma_wait3A_867 : memref<1x!tpu.dma_semaphore, #tpu.memory_space<semaphore_mem>> -> memref<!tpu.dma_semaphore, #tpu.memory_space<semaphore_mem>>
    %dma_wait3A_869 = arith.constant 0 : i32
    %dma_wait3A_870 = arith.constant 0 : i32
    %dma_wait3A_871 = tpu.memref_slice %arg4[%dma_wait3A_857, %dma_wait3A_858, %add3A, %dma_wait3A_869, %dma_wait3A_870] : memref<200x4x32x8x128xf32, #tpu.memory_space<hbm>> -> memref<1x1x1x8x128xf32, #tpu.memory_space<hbm>>
    %dma_wait3A_872 = tpu.memref_squeeze %dma_wait3A_871 : memref<1x1x1x8x128xf32, #tpu.memory_space<hbm>> -> memref<8x128xf32, #tpu.memory_space<hbm>>
    %dma_wait3A_873 = arith.constant 16 : i32
    %dma_wait3A_874 = arith.constant 0 : i32
    %dma_wait3A_875 = tpu.memref_slice %arg8[%dma_wait3A_873, %dma_wait3A_874] : memref<32x129xf32, #tpu.memory_space<vmem>> -> memref<8x128xf32, #tpu.memory_space<vmem>>
    tpu.wait_dma2 semaphore(%dma_wait3A_868 : memref<!tpu.dma_semaphore, #tpu.memory_space<semaphore_mem>>) src(%dma_wait3A_875 : memref<8x128xf32, #tpu.memory_space<vmem>>) dst(%dma_wait3A_872 : memref<8x128xf32, #tpu.memory_space<hbm>>)
    %dma_wait3A_876 = arith.constant 199 : i32
    %dma_wait3A_877 = arith.constant 3 : i32
    %dma_wait3A_878 = arith.constant 1 : i32
    %dma_wait3A_879 = arith.constant 24 : i32
    %dma_wait3A_880 = arith.constant 0 : i32
    %dma_wait3A_881 = tpu.memref_slice %arg8[%dma_wait3A_879, %dma_wait3A_880] : memref<32x129xf32, #tpu.memory_space<vmem>> -> memref<8x128xf32, #tpu.memory_space<vmem>>
    %dma_wait3A_882 = arith.constant 0 : i32
    %dma_wait3A_883 = arith.constant 0 : i32
    %dma_wait3A_884 = tpu.memref_slice %arg4[%dma_wait3A_876, %dma_wait3A_877, %add3A, %dma_wait3A_882, %dma_wait3A_883] : memref<200x4x32x8x128xf32, #tpu.memory_space<hbm>> -> memref<1x1x1x8x128xf32, #tpu.memory_space<hbm>>
    %dma_wait3A_885 = tpu.memref_squeeze %dma_wait3A_884 : memref<1x1x1x8x128xf32, #tpu.memory_space<hbm>> -> memref<8x128xf32, #tpu.memory_space<hbm>>
    %dma_wait3A_886 = tpu.memref_slice %arg10[%dma_wait3A_878] : memref<2x!tpu.dma_semaphore, #tpu.memory_space<semaphore_mem>> -> memref<1x!tpu.dma_semaphore, #tpu.memory_space<semaphore_mem>>
    %dma_wait3A_887 = tpu.memref_squeeze %dma_wait3A_886 : memref<1x!tpu.dma_semaphore, #tpu.memory_space<semaphore_mem>> -> memref<!tpu.dma_semaphore, #tpu.memory_space<semaphore_mem>>
    %dma_wait3A_888 = arith.constant 0 : i32
    %dma_wait3A_889 = arith.constant 0 : i32
    %dma_wait3A_890 = tpu.memref_slice %arg4[%dma_wait3A_876, %dma_wait3A_877, %add3A, %dma_wait3A_888, %dma_wait3A_889] : memref<200x4x32x8x128xf32, #tpu.memory_space<hbm>> -> memref<1x1x1x8x128xf32, #tpu.memory_space<hbm>>
    %dma_wait3A_891 = tpu.memref_squeeze %dma_wait3A_890 : memref<1x1x1x8x128xf32, #tpu.memory_space<hbm>> -> memref<8x128xf32, #tpu.memory_space<hbm>>
    %dma_wait3A_892 = arith.constant 24 : i32
    %dma_wait3A_893 = arith.constant 0 : i32
    %dma_wait3A_894 = tpu.memref_slice %arg8[%dma_wait3A_892, %dma_wait3A_893] : memref<32x129xf32, #tpu.memory_space<vmem>> -> memref<8x128xf32, #tpu.memory_space<vmem>>
    tpu.wait_dma2 semaphore(%dma_wait3A_887 : memref<!tpu.dma_semaphore, #tpu.memory_space<semaphore_mem>>) src(%dma_wait3A_894 : memref<8x128xf32, #tpu.memory_space<vmem>>) dst(%dma_wait3A_891 : memref<8x128xf32, #tpu.memory_space<hbm>>)
    return
  }
}

</mosaic_0001>

<sc_bundles>
// kernel: kernel.3.cloned.1.call-start
scs
__scs_entry_jumppad:
0x0: {  	(pc) =	sbr.rel $0x88, $3  }
0x1: {  	(tag) =	ssettag $0x0;
	lr =	simm.s32 $0x1  }
0x2: {  	[smem:$0x3F9F] =	sst lr;
	_ =	strace $0xD0000000  }
0x3: {  	_ = 	snop  }
0x4: {  	_ = 	snop  }
0x5: {  	_ = 	snop  }
0x6: {  	_ = 	snop  }
0x7: {  	_ = 	snop  }
__scs_overlays_trampoline_lowered:
0x8: {  	[smem:$0x3FAE] =	sst s0  }
0x9: {  	[smem:$0x3FAF] =	sst s1  }
0xa: {  	[smem:$0x3FB0] =	sst s2  }
0xb: {  	[smem:$0x3FB1] =	sst s3  }
0xc: {  	[smem:$0x3FB2] =	sst s4  }
0xd: {  	[smem:$0x3FB3] =	sst s5  }
0xe: {  	[smem:$0x3FB4] =	sst s6  }
0xf: {  	[smem:$0x3FB5] =	sst s7  }
0x10: {  	[smem:$0x3FB6] =	sst s8  }
0x11: {  	[smem:$0x3FB7] =	sst s9;
	s0 =	simm.s32 @!p0 $0x0  }
0x12: {  	s1 =	sld [smem:$0x3F9D];
	s0 =	simm.s32 @p0 $0x1  }
0x13: {  	[smem:$0x3FB8] =	sst s0;
	s0 =	simm.s32 @!p1 $0x0  }
0x14: {  	s2 =	sld [smem:$0x3F9C];
	s0 =	simm.s32 @p1 $0x1  }
0x15: {  	[smem:$0x3FB9] =	sst s0;
	s0 =	simm.s32 @!p2 $0x0  }
0x16: {  	s3 =	sld [smem:$0x3FDB];
	s0 =	simm.s32 @p2 $0x1  }
0x17: {  	s4 =	simm.s32 $0x1BF5;
	[smem:$0x3FBB] =	sst s0  }
0x18: {  	s0 =	sld [smem:$0x3F9E];
	_ =	swait.ge [sflag:s4], $0x0  }
0x19: {  	s7 =	sld [smem:$0x3F9F]  }
0x1a: {  	s8 =	sadd.s32 $0xFFFFE003, lr  }
0x1b: {  	s9 =	sadd.s32 $0xFFFFFEF7, lr;
	s5 =	simm.s32 $0xFFFFFFFF;
	p2 =	slt.u32 s8, $0xFFFFF086  }
0x1c: {  	p1 =	slt.u32 s9, $0xF7A;
	s5 =	simm.s32 @!p2 $0x0  }
0x1d: {  	s5 =	simm.s32 @p1 $0x1;
	p0 =	seq.s32 s7, s2  }
0x1e: {  	s7 =	smul.u32 @!p0 $0xF7A, s2;
	p2 =	seq.s32 @!p0 s5, $0x0  }
0x1f: {  	s9 =	smul.u32 $0xF7A, s1;
	s8 =	simm.s32 @!p0 $0x1BF5;
	p2 =	por !p2, p0  }
0x20: {  	[sflag:s8] =	ssyncset.s32 @!p0 $0xFFFFF086;
	s6 =	sadd.s32 @!p0 s3, s7;
	s7 =	simm.s32 @!p0 $0x108  }
0x21: {  	s3 =	sadd.s32 s3, s9;
	s6 =	sadd.s32 @!p0 $0x88, s6;
	s7 =	simm.s32 @p2 $0x1082  }
0x22: {  	[simem:s7], [sflag:s8] =	dma.local @!p0 [hbm:s6], $0xF7A  }
0x23: {  	s9 =	sor.u32 $0xD0000000, s2;
	s6 =	simm.s32 $0x108;
	_ =	swait.ge @!p0 [sflag:s8], $0x0  }
0x24: {  	s3 =	sadd.s32 $0x88, s3;
	s6 =	simm.s32 @!p1 $0x1082;
	[sflag:s4] =	ssyncset.s32 $0xFFFFF086  }
0x25: {  	[simem:s6], [sflag:s4] =	dma.local [hbm:s3], $0xF7A  }
0x26: {  	[smem:$0x3F9F] =	sst s1;
	(tag) =	ssettag s2;
	_ =	strace s9  }
0x27: {  	s1 =	sld [smem:$0x3FAF]  }
0x28: {  	s2 =	sld [smem:$0x3FB0]  }
0x29: {  	s4 =	sld [smem:$0x3FB2]  }
0x2a: {  	p0 =	seq.s32 s5, $0x0;
	s5 =	sld [smem:$0x3FB3]  }
0x2b: {  	s6 =	sld [smem:$0x3FB4]  }
0x2c: {  	s7 =	sld [smem:$0x3FB5]  }
0x2d: {  	s3 =	simm.s32 $0x108;
	s8 =	sld [smem:$0x3FB6]  }
0x2e: {  	s3 =	simm.s32 @!p0 $0x1082;
	s9 =	sld [smem:$0x3FB7]  }
0x2f: {  	lr =	sadd.s32 s0, s3;
	s0 =	sld [smem:$0x3FAE]  }
0x30: {  	s3 =	sld [smem:$0x3FB1]  }
0x31: {  	[smem:$0x3FBA] =	sst s10  }
0x32: {  	s10 =	sld [smem:$0x3FB8];
	_ =	sdelay $0x3  }
0x33: {  	p0 =	seq.s32 s10, $0x1;
	s10 =	sld [smem:$0x3FBA];
	_ =	sdelay $0x3  }
0x34: {  	[smem:$0x3FBA] =	sst s10  }
0x35: {  	s10 =	sld [smem:$0x3FB9];
	_ =	sdelay $0x3  }
0x36: {  	p1 =	seq.s32 s10, $0x1;
	s10 =	sld [smem:$0x3FBA];
	_ =	sdelay $0x3  }
0x37: {  	[smem:$0x3FBA] =	sst s10  }
0x38: {  	s10 =	sld [smem:$0x3FBB]  }
0x39: {  	_ = 	snop;
	(pc) =	sbr.ind lr, $3  }
0x3a: {  	_ = 	snop  }
0x3b: {  	_ = 	snop  }
0x3c: {  	p2 =	seq.s32 s10, $0x1;
	s10 =	sld [smem:$0x3FBA]  }
0x3d: {  	_ =	shalt  }
0x3e: {  	_ =	shalt  }
0x3f: {  	_ =	shalt  }
0x40: {  	_ =	shalt  }
0x41: {  	_ =	shalt  }
0x42: {  	_ =	shalt  }
0x43: {  	_ =	shalt  }
0x44: {  	_ =	shalt  }
0x45: {  	_ =	shalt  }
0x46: {  	_ =	shalt  }
0x47: {  	_ =	shalt  }
0x48: {  	_ =	shalt  }
0x49: {  	_ =	shalt  }
0x4a: {  	_ =	shalt  }
0x4b: {  	_ =	shalt  }
0x4c: {  	_ =	shalt  }
0x4d: {  	_ =	shalt  }
0x4e: {  	_ =	shalt  }
0x4f: {  	_ =	shalt  }
0x50: {  	_ =	shalt  }
0x51: {  	_ =	shalt  }
0x52: {  	_ =	shalt  }
0x53: {  	_ =	shalt  }
0x54: {  	_ =	shalt  }
0x55: {  	_ =	shalt  }
0x56: {  	_ =	shalt  }
0x57: {  	_ =	shalt  }
0x58: {  	_ =	shalt  }
0x59: {  	_ =	shalt  }
0x5a: {  	_ =	shalt  }
0x5b: {  	_ =	shalt  }
0x5c: {  	_ =	shalt  }
0x5d: {  	_ =	shalt  }
0x5e: {  	_ =	shalt  }
0x5f: {  	_ =	shalt  }
0x60: {  	_ =	shalt  }
0x61: {  	_ =	shalt  }
0x62: {  	_ =	shalt  }
0x63: {  	_ =	shalt  }
0x64: {  	_ =	shalt  }
0x65: {  	_ =	shalt  }
0x66: {  	_ =	shalt  }
0x67: {  	_ =	shalt  }
0x68: {  	_ =	shalt  }
0x69: {  	_ =	shalt  }
0x6a: {  	_ =	shalt  }
0x6b: {  	_ =	shalt  }
0x6c: {  	_ =	shalt  }
0x6d: {  	_ =	shalt  }
0x6e: {  	_ =	shalt  }
0x6f: {  	_ =	shalt  }
0x70: {  	_ =	shalt  }
0x71: {  	_ =	shalt  }
0x72: {  	_ =	shalt  }
0x73: {  	_ =	shalt  }
0x74: {  	_ =	shalt  }
0x75: {  	_ =	shalt  }
0x76: {  	_ =	shalt  }
0x77: {  	_ =	shalt  }
0x78: {  	_ =	shalt  }
0x79: {  	_ =	shalt  }
0x7a: {  	_ =	shalt  }
0x7b: {  	_ =	shalt  }
0x7c: {  	_ =	shalt  }
0x7d: {  	_ =	shalt  }
0x7e: {  	_ =	shalt  }
0x7f: {  	_ =	shalt  }
0x80: {  	_ =	shalt  }
0x81: {  	_ =	shalt  }
0x82: {  	_ =	shalt  }
0x83: {  	_ =	shalt  }
0x84: {  	_ =	shalt  }
0x85: {  	_ =	shalt  }
0x86: {  	_ =	shalt  }
0x87: {  	_ =	shalt  }
.Lfunc_end0:
.L_simem_size_0:
called_computation_lowered:
.L_overlay_start_0:
0x88: {  	s2 =	sld [smem:$0x3FD9]  }
0x89: {  	s3 =	sld [smem:$0x3FFE];
	_ =	sdelay $0x1  }
0x8a: {  	s1 =	srdreg.scid  }
0x8b: {  	s0 =	sand.u32 $0x1, s1  }
0x8c: {  	s17 =	sshll.u32 s0, $0xA;
	s2 =	sadd.s32 s3, s2  }
0x8d: {  	s2 =	sadd.s32 s2, s17  }
0x8e: {  	[smem:$0x3FC6] =	sst s2  }
0x8f: {  	_ = 	snop  }
0x90: {  	s2 =	sld [smem:$0x3FD0];
	(tm) =	ssettm $0x1  }
0x91: {  	s18 =	sld [smem:$0x3FFB];
	_ =	sdelay $0x3  }
0x92: {  	_ =	strace s18  }
0x93: {  	s3 =	sld [smem:$0x3FFC];
	_ =	sdelay $0x3  }
0x94: {  	_ =	strace s3  }
0x95: {  	s3 =	sld [smem:$0x3FFD];
	_ =	sdelay $0x3  }
0x96: {  	_ =	strace s3  }
0x97: {  	_ =	strace $0x8FFFFFFF  }
0x98: {  	s19 =	sld [smem:$0x3FDB];
	_ =	sdelay $0x1  }
0x99: {  	s4 =	simm.s32 $_scs_section_size  }
0x9a: {  	s5 =	simm.s32 $_size__tile_overlayer_lowered;
	s6 =	simm.s32 $_tile_overlayer_lowered  }
0x9b: {  	s22 =	simm.s32 $0x1BFF;
	s21 =	sshll.u32 s6, $0x1;
	s3 =	sadd.s32 s4, s19  }
0x9c: {  	s7 =	simm.s32 $0x0;
	s20 =	sshll.u32 s5, $0x1;
	s5 =	sadd.s32 s21, s3  }
0x9d: {  	[timem:s7], [sflag:s22] =	dma.local [hbm:s5], s20  }
0x9e: {  	_ =	swait.ge [sflag:s22], s20  }
0x9f: {  	s4 =	ssub.s32 $0x0, s20;
	[sflag:s22] =	ssyncset.done $0x0  }
0xa0: {  	[sflag:s22] =	ssyncadd.s32 s4;
	_ =	sdelay $0x1  }
0xa1: {  	s23 =	simm.s32 $0x1B8B  }
0xa2: {  	_ =	swait.ge [sflag:s23], $0x1  }
0xa3: {  	[sflag:s23] =	ssyncset.done $0x0  }
0xa4: {  	s25 =	simm.s32 $0x1B8E;
	s24 =	sld [smem:$0x3FFE];
	[sflag:s23] =	ssyncadd.s32 $0xFFFFFFFF  }
0xa5: {  	s26 =	simm.s32 $execute0_lowered;
	[smem:$0x3FD2] =	sst s25  }
0xa6: {  	s5 =	sshll.u32 s26, $0x1;
	_ =	strace $0x80000046;
	[dreg:$0x1] =	wrdreg $0xFFFFFFFF  }
0xa7: {  	s28 =	simm.s32 $_size_execute0_lowered;
	s3 =	sadd.s32 s3, s5;
	[dreg:$0x0] =	wrdreg $0x0  }
0xa8: {  	s5 =	sshll.u32 s28, $0x1;
	[dreg:$0x2] =	wrdreg s3  }
0xa9: {  	[dreg:$0x3] =	wrdreg s5  }
0xaa: {  	[dreg:$0x4] =	wrdreg $0xC0  }
0xab: {  	_ =	task [dreg:s7], $0x5FFFF  }
0xac: {  	[dreg:$0x1] =	wrdreg $0xFFFFFFFF  }
0xad: {  	[dreg:$0x0] =	wrdreg $0x60  }
0xae: {  	[dreg:$0x2] =	wrdreg s24  }
0xaf: {  	[dreg:$0x3] =	wrdreg s2  }
0xb0: {  	[dreg:$0x4] =	wrdreg $0x9  }
0xb1: {  	_ =	task.clear_ibuf [dreg:s7], $0x5FFFF;
	_ =	strace $0x90000046  }
0xb2: {  	s29 =	simm.s32 $0x9;
	_ =	strace $0x80000048  }
0xb3: {  	_ =	swait.ge [sflag:s29], $0x1  }
0xb4: {  	[sflag:s29] =	ssyncadd.s32 $0xFFFFFFFF  }
0xb5: {  	_ =	strace $0x90000048  }
0xb6: {  	_ =	sfence  }
0xb7: {  	s30 =	sld [smem:$0x0];
	_ =	sdelay $0x2  }
0xb8: {  	s31 =	sshll.u32 s1, $0xD;
	s1 =	sshrl.u32 s1, $0x2  }
0xb9: {  	s3 =	sand.u32 $0x4000, s31;
	s1 =	sadd.s32 s1, s30  }
0xba: {  	s0 =	sor.u32 s3, s0;
	s1 =	sshll.u32 s1, $0x11  }
0xbb: {  	s0 =	sor.u32 s1, s0  }
0xbc: {  	s0 =	sadd.s32 $0x8F2B, s0  }
0xbd: {  	[sflag:s0] =	ssyncadd.remote.s32 $0x1  }
0xbe: {  	_ =	sfence.sel $0xFFFF  }
0xbf: {  	[dreg:$0x0] =	wrdreg $0xFFFFFFFF;
	(pc) =	sbr.abs _section_cstart, $3  }
0xc0: {  	[dreg:$0x1] =	wrdreg $0xFFFFFFFF  }
0xc1: {  	_ =	task.clear_ibuf [dreg:s7], $0x2FFFF;
	_ =	strace $0x9FFFFFFF  }
0xc2: {  	(tm) =	ssettm $0x7FFFFFFF  }
0xc3: {  	_ =	shalt  }
tec
execute0_lowered:
.L_overlay_start_1:
0x0: {  	(tag) =	ssettag $0x1  }
0x1: {  	s0 =	rddreg [dreg:$0x0];
	s1 =	srdreg.scid  }
0x2: {  	s2 =	stileid.u32;
	s7 =	rddreg [dreg:$0x1];
	s3 =	simm.s32 $0x0  }
0x3: {  	s1 =	sand.u32 $0x1, s1;
	[smem:$0x7FF] =	sst s3;
	s18 =	sadd.s32 $0x1000, s7  }
0x4: {  	s19 =	sadd.s32 $0x2000, s7;
	_ =	strace $0x80000047;
	[dreg:$0x5] =	wrdreg s18  }
0x5: {  	s2 =	sshll.u32 s2, $0x1;
	s14 =	sadd.s32 $0x3000, s7;
	[dreg:$0x6] =	wrdreg s19  }
0x6: {  	s2 =	sor.u32 s1, s2;
	s1 =	ssub.s32 $0x2, s1;
	[dreg:$0x18] =	wrdreg s14  }
0x7: {  	s18 =	sadd.s32 $0x7000, s7;
	s19 =	sadd.s32 $0x8000, s7;
	s4 =	sshll.u32 s2, $0x4  }
0x8: {  	s6 =	sshrl.u32 s1, $0x1;
	s16 =	sshll.u32 s2, $0x7;
	[dreg:$0x1c] =	wrdreg s18  }
0x9: {  	[dreg:$0x1d] =	wrdreg s19;
	s5 =	sadd.s32 s4, s0;
	s15 =	ssub.s32 s1, s6  }
0xa: {  	[dreg:$0x3] =	wrdreg s16;
	s1 =	sadd.s32 s16, s7;
	s16 =	sadd.s32 $0x5000, s7  }
0xb: {  	s17 =	sadd.s32 $0x600, s5;
	[dreg:$0x1a] =	wrdreg s16  }
0xc: {  	s20 =	sadd.s32 $0x310000, s1;
	[dreg:$0x4] =	wrdreg s17  }
0xd: {  	s21 =	sadd.s32 $0x311000, s1;
	[dreg:$0x7] =	wrdreg s20  }
0xe: {  	s22 =	sadd.s32 $0x312000, s1;
	[dreg:$0x8] =	wrdreg s21  }
0xf: {  	s23 =	sadd.s32 $0x313000, s1;
	[dreg:$0x9] =	wrdreg s22  }
0x10: {  	s24 =	sadd.s32 $0x314000, s1;
	[dreg:$0xa] =	wrdreg s23  }
0x11: {  	s25 =	sadd.s32 $0x315000, s1;
	[dreg:$0xb] =	wrdreg s24  }
0x12: {  	s26 =	sadd.s32 $0x316000, s1;
	[dreg:$0xc] =	wrdreg s25  }
0x13: {  	s5 =	sadd.s32 $0x317000, s1;
	[dreg:$0xd] =	wrdreg s26  }
0x14: {  	s6 =	sadd.s32 $0x318000, s1;
	[dreg:$0xe] =	wrdreg s5  }
0x15: {  	s8 =	sadd.s32 $0x319000, s1;
	[dreg:$0xf] =	wrdreg s6  }
0x16: {  	s28 =	simm.s32 $0x3;
	s9 =	sadd.s32 $0x31A000, s1;
	[dreg:$0x10] =	wrdreg s8  }
0x17: {  	s29 =	simm.s32 $0x5;
	s10 =	sadd.s32 $0x31B000, s1;
	[dreg:$0x11] =	wrdreg s9  }
0x18: {  	s30 =	simm.s32 $0x4;
	s11 =	sadd.s32 $0x31C000, s1;
	[dreg:$0x12] =	wrdreg s10  }
0x19: {  	s31 =	simm.s32 $0x6;
	s12 =	sadd.s32 $0x31D000, s1;
	[dreg:$0x13] =	wrdreg s11  }
0x1a: {  	s14 =	simm.s32 $0xB500;
	s13 =	sadd.s32 $0x31E000, s1;
	[dreg:$0x14] =	wrdreg s12  }
0x1b: {  	s18 =	simm.s32 $0x1;
	s1 =	sadd.s32 $0x31F000, s1;
	[dreg:$0x15] =	wrdreg s13  }
0x1c: {  	s4 =	sadd.s32 $0xF42A00, s0;
	s0 =	smax.u32 s15, $0x1;
	[dreg:$0x16] =	wrdreg s1  }
0x1d: {  	s19 =	simm.s32 $0xA400;
	s15 =	sadd.s32 $0x4000, s7;
	[dreg:$0x17] =	wrdreg s0  }
0x1e: {  	s2 =	simm.s32 $0x2;
	[dreg:$0x19] =	wrdreg s15;
	s17 =	sadd.s32 $0x6000, s7  }
0x1f: {  	s16 =	simm.s32 $0xC2D0;
	s20 =	sadd.s32 $0x9000, s7;
	[dreg:$0x1b] =	wrdreg s17  }
0x20: {  	s21 =	sadd.s32 $0xA000, s7;
	s22 =	sadd.s32 $0xB000, s7;
	[dreg:$0x1e] =	wrdreg s20  }
0x21: {  	v0 =	vlaneseq.u32;
	s23 =	sadd.s32 $0xC000, s7;
	s24 =	sadd.s32 $0xD000, s7;
	[dreg:$0x1f] =	wrdreg s21  }
0x22: {  	v1 =	vimm.s32 $0x0;
	vm0 =	vcmask $0x300;
	v0 =	vmul.u32 $0x88, v0;
	s25 =	sadd.s32 $0xE000, s7;
	s26 =	sadd.s32 $0xF000, s7;
	[smem:$0x7F9] =	sst s22  }
0x23: {  	v1 =	vsel vm0, $0x3, v1;
	s13 =	simm.s32 $0x80;
	s12 =	simm.s32 $0xBF18;
	[smem:$0x7FA] =	sst s23  }
0x24: {  	v2 =	vadd.s32 $0x880, v0;
	v3 =	vor.u32 $0x1, v0;
	v4 =	vadd.s32 $0x881, v0;
	s15 =	simm.s32 $0xC248;
	s7 =	simm.s32 $0xC3E0;
	[smem:$0x7FB] =	sst s24  }
0x25: {  	v5 =	vor.u32 $0x2, v0;
	v6 =	vadd.s32 $0x882, v0;
	v7 =	vor.u32 $0x3, v0;
	s8 =	simm.s32 $0xC468;
	s5 =	simm.s32 $0xC4F0;
	[smem:$0x7FC] =	sst s25  }
0x26: {  	v8 =	vadd.s32 $0x883, v0;
	v9 =	vor.u32 $0x4, v0;
	v10 =	vadd.s32 $0x884, v0;
	s1 =	simm.s32 $0x0;
	[smem:$0x7FD] =	sst s26;
	s20 =	simm.s32 $0xBFA0  }
0x27: {  	v11 =	vor.u32 $0x5, v0;
	v12 =	vadd.s32 $0x885, v0;
	v13 =	vor.u32 $0x6, v0;
	s21 =	simm.s32 $0xC028;
	s22 =	simm.s32 $0xC0B0;
	s23 =	simm.s32 $0xC138  }
0x28: {  	v14 =	vadd.s32 $0x886, v0;
	v15 =	vor.u32 $0x7, v0;
	v16 =	vadd.s32 $0x887, v0;
	s24 =	simm.s32 $0xC1C0;
	s17 =	simm.s32 $0xC358;
	s26 =	simm.s32 $0xC578  }
.LBB2_1:
0x29: {  	[smem:$0x7F8] =	sst s1  }
0x2a: {  	s0 =	rddreg [dreg:$0x4];
	s11 =	simm.s32 $0x1000;
	s25 =	simm.s32 $0x7  }
0x2b: {  	[tilespmem:s3], [sflag:$0x7] =	stream.strided.gather [hbm4b:s0+s13], $0x6400, s11, s13, $0x38;
	[tilespmem:$0xC600] =	vst v63  }
0x2c: {  	_ =	swait.ge [sflag:s25], $0x6400  }
0x2d: {  	[sflag:s25] =	ssyncset.done $0x0  }
0x2e: {  	s1 =	simm.s32 $0x6400;
	[sflag:s25] =	ssyncadd.s32 $0xFFFF9C00  }
0x2f: {  	[tilespmem:s1], [sflag:$0x1] =	stream.indirect.gather [hbm4b:s4+s13], $0x20, s3, s13, $0xb8;
	[tilespmem:$0xC600] =	vst v63  }
0x30: {  	s6 =	simm.s32 $0x7400  }
0x31: {  	[tilespmem:s6], [sflag:$0x2] =	stream.indirect.gather [hbm4b:s4+s13], $0x20, s13, s13, $0xb8;
	[tilespmem:$0xC600] =	vst v63  }
0x32: {  	s9 =	simm.s32 $0x100;
	s10 =	simm.s32 $0x8400  }
0x33: {  	[tilespmem:s10], [sflag:$0x3] =	stream.indirect.gather [hbm4b:s4+s13], $0x20, s9, s13, $0xb8;
	[tilespmem:$0xC600] =	vst v63  }
0x34: {  	s11 =	simm.s32 $0x180;
	s25 =	simm.s32 $0x9400;
	s1 =	simm.s32 $0x0  }
0x35: {  	[tilespmem:s25], [sflag:$0x4] =	stream.indirect.gather [hbm4b:s4+s13], $0x20, s11, s13, $0xb8;
	[tilespmem:$0xC600] =	vst v63  }
.LBB2_2:
0x36: {  	_ =	swait.ge [sflag:s18], $0x1000;
	p0 =	seq.s32 s1, $0x0;
	s6 =	simm.s32 $0x0  }
0x37: {  	s9 =	simm.s32 $0x1;
	s11 =	simm.s32 $0x2;
	[sflag:s18] =	ssyncset.done $0x0  }
0x38: {  	s25 =	simm.s32 $0x3;
	s0 =	simm.s32 @!p0 $0x5;
	[sflag:s18] =	ssyncadd.s32 $0xFFFFF000  }
0x39: {  	s10 =	simm.s32 $0x4;
	v17 =	vmov s6;
	v18 =	vmov s9;
	s9 =	simm.s32 $0x5;
	_ =	swait.ge @!p0 [sflag:s0], $0x400  }
0x3a: {  	v19 =	vmov s11;
	v20 =	vmov s25;
	v21 =	vmov s10;
	s11 =	simm.s32 $0x6;
	s25 =	simm.s32 $0x7;
	[sflag:s0] =	ssyncset.done @!p0 $0x0  }
0x3b: {  	s10 =	simm.s32 $0x8;
	v22 =	vmov s9;
	v23 =	vmov s11;
	v24 =	vmov s25;
	[sflag:s0] =	ssyncadd.s32 @!p0 $0xFFFFFC00  }
0x3c: {  	s11 =	simm.s32 $0x9;
	v25 =	vmov s10;
	v17 =	vshrl.u32 v17, $0x3;
	v18 =	vshrl.u32 v18, $0x3;
	_ =	swait.ge @!p0 [sflag:s0], $0x400  }
0x3d: {  	s25 =	simm.s32 $0xA;
	s10 =	simm.s32 $0xD;
	v19 =	vshrl.u32 v19, $0x3;
	v20 =	vshrl.u32 v20, $0x3;
	v21 =	vshrl.u32 v21, $0x3;
	[sflag:s0] =	ssyncset.done @!p0 $0x0  }
0x3e: {  	v26 =	vmov s11;
	v27 =	vmov s25;
	s25 =	simm.s32 $0xC;
	v30 =	vmov s10;
	[sflag:s0] =	ssyncadd.s32 @!p0 $0xFFFFFC00  }
0x3f: {  	v17 =	vshll.u32 v17, v1;
	v22 =	vshrl.u32 v22, $0x3;
	v29 =	vmov s25;
	s25 =	simm.s32 $0xF;
	_ =	swait.ge @!p0 [sflag:s0], $0x400  }
0x40: {  	v23 =	vshrl.u32 v23, $0x3;
	v24 =	vshrl.u32 v24, $0x3;
	v32 =	vmov s25;
	[sflag:s0] =	ssyncset.done @!p0 $0x0  }
0x41: {  	s11 =	simm.s32 $0xB;
	v25 =	vshrl.u32 v25, $0x3;
	v18 =	vshll.u32 v18, v1;
	v32 =	vshrl.u32 v32, $0x3;
	[sflag:s0] =	ssyncadd.s32 @!p0 $0xFFFFFC00  }
0x42: {  	v28 =	vmov s11;
	v26 =	vshrl.u32 v26, $0x3;
	v32 =	vshll.u32 v32, v1;
	_ =	swait.ge @!p0 [sflag:s0], $0x400  }
0x43: {  	v27 =	vshrl.u32 v27, $0x3;
	v17 =	vbroadcast v17, $0x0;
	v32 =	vbroadcast v32, $0x0;
	[sflag:s0] =	ssyncset.done @!p0 $0x0  }
0x44: {  	v33 =	vbroadcast v18, $0x0;
	v18 =	vshll.u32 v19, v1;
	v30 =	vshrl.u32 v30, $0x3;
	[sflag:s0] =	ssyncadd.s32 @!p0 $0xFFFFFC00;
	s0 =	simm.s32 $0x6500  }
0x45: {  	v37 =	vbroadcast v18, $0x0;
	v18 =	vshll.u32 v20, v1;
	v34 =	vadd.s32 v15, v32;
	v19 =	vld [tilespmem:s0+$0xE0]  }
0x46: {  	s10 =	simm.s32 $0x11;
	v22 =	vshll.u32 v22, v1;
	v38 =	vadd.s32 v3, v33;
	v39 =	vbroadcast v18, $0x0;
	v20 =	vld [tilespmem:s0+$0xFFFFFF20]  }
0x47: {  	s11 =	simm.s32 $0xE;
	v60 =	vmov s10;
	v36 =	vadd.s32 v0, v17;
	v18 =	vshll.u32 v21, v1;
	v35 =	vld [tilespmem:s0+$0xFFFFFF00]  }
0x48: {  	v31 =	vmov s11;
	v41 =	vbroadcast v18, $0x0;
	v42 =	vadd.s32 v7, v39;
	v18 =	vld [tilespmem:s0+$0xFFFFFF60]  }
0x49: {  	v28 =	vshrl.u32 v28, $0x3;
	v45 =	vbroadcast v22, $0x0;
	v40 =	vadd.s32 v5, v37;
	v21 =	vld [tilespmem:s0+$0xFFFFFF40]  }
0x4a: {  	s10 =	simm.s32 $0x15;
	v29 =	vshrl.u32 v29, $0x3;
	v22 =	vshll.u32 v23, v1;
	v44 =	vadd.s32 v9, v41;
	v43 =	vld [tilespmem:s0+$0xFFFFFF80];
	[tilespmem:v34+s19+$0x0] =	vst.idx.msk $0xffff, v19  }
0x4b: {  	v50 =	vmov s10;
	v19 =	vshll.u32 v24, v1;
	[tilespmem:v38+s19+$0x0] =	vst.idx.msk $0xffff, v20;
	v20 =	vld [tilespmem:s0+$0xFFFFFFA0];
	v24 =	vadd.s32 v11, v45  }
0x4c: {  	v33 =	vadd.s32 v4, v33;
	v23 =	vadd.s32 v16, v32;
	[tilespmem:v36+s19+$0x0] =	vst.idx.msk $0xffff, v35;
	v36 =	vbroadcast v22, $0x0;
	v22 =	vld [tilespmem:s0+$0xF0]  }
0x4d: {  	v31 =	vshrl.u32 v31, $0x3;
	v55 =	vadd.s32 v6, v37;
	[tilespmem:v42+s19+$0x0] =	vst.idx.msk $0xffff, v18;
	v18 =	vshll.u32 v27, v1;
	v51 =	vld [tilespmem:s0+$0xFFFFFF30]  }
0x4e: {  	[tilespmem:v40+s19+$0x0] =	vst.idx.msk $0xffff, v21;
	v21 =	vld [tilespmem:s0+$0xFFFFFFC0];
	v46 =	vbroadcast v19, $0x0;
	v19 =	vshll.u32 v25, v1;
	v25 =	vadd.s32 v13, v36  }
0x4f: {  	[tilespmem:v44+s19+$0x0] =	vst.idx.msk $0xffff, v43;
	v48 =	vbroadcast v18, $0x0;
	v54 =	vld [tilespmem:s0+$0xFFFFFF50];
	v40 =	vbroadcast v19, $0x0;
	v19 =	vshll.u32 v26, v1  }
0x50: {  	s11 =	simm.s32 $0x12;
	v18 =	vshll.u32 v28, v1;
	v26 =	vld [tilespmem:s0+$0xFFFFFFE0];
	v57 =	vadd.s32 v15, v46;
	v47 =	vbroadcast v19, $0x0;
	[tilespmem:v24+s19+$0x0] =	vst.idx.msk $0xffff, v20  }
0x51: {  	s25 =	simm.s32 $0x13;
	v61 =	vmov s11;
	v27 =	vld [tilespmem:s0+$0x0];
	v18 =	vbroadcast v18, $0x0;
	v58 =	vadd.s32 v0, v40;
	[tilespmem:v23+s19+$0x0] =	vst.idx.msk $0xffff, v22  }
0x52: {  	v62 =	vmov s25;
	v28 =	vld [tilespmem:s0+$0x20];
	v19 =	vshll.u32 v29, v1;
	v59 =	vadd.s32 v3, v47;
	[tilespmem:v33+s19+$0x0] =	vst.idx.msk $0xffff, v51  }
0x53: {  	s11 =	simm.s32 $0x16;
	v39 =	vadd.s32 v8, v39;
	v19 =	vbroadcast v19, $0x0;
	v24 =	vld [tilespmem:s0+$0x60];
	[tilespmem:v25+s19+$0x0] =	vst.idx.msk $0xffff, v21;
	v25 =	vadd.s32 v7, v18  }
0x54: {  	v52 =	vmov s11;
	v20 =	vshll.u32 v30, v1;
	v22 =	vld [tilespmem:s0+$0x40];
	v23 =	vadd.s32 v5, v48;
	[tilespmem:v55+s19+$0x0] =	vst.idx.msk $0xffff, v54  }
0x55: {  	s25 =	simm.s32 $0x17;
	v41 =	vadd.s32 v10, v41;
	v20 =	vbroadcast v20, $0x0;
	v30 =	vadd.s32 v9, v19;
	[tilespmem:v57+s19+$0x0] =	vst.idx.msk $0xffff, v26;
	v26 =	vld [tilespmem:s0+$0x80]  }
0x56: {  	s10 =	simm.s32 $0x19;
	v53 =	vmov s25;
	v56 =	vld [tilespmem:s0+$0xFFFFFFB0];
	v21 =	vshll.u32 v31, v1;
	v57 =	vadd.s32 v12, v45;
	[tilespmem:v58+s19+$0x0] =	vst.idx.msk $0xffff, v27  }
0x57: {  	s11 =	simm.s32 $0x1A;
	v34 =	vmov s10;
	s10 =	simm.s32 $0x1C;
	v21 =	vbroadcast v21, $0x0;
	v31 =	vadd.s32 v11, v20;
	v27 =	vld [tilespmem:s0+$0xA0];
	[tilespmem:v59+s19+$0x0] =	vst.idx.msk $0xffff, v28  }
0x58: {  	s9 =	simm.s32 $0x10;
	v35 =	vmov s11;
	v32 =	vmov s10;
	v42 =	vadd.s32 v14, v36;
	[tilespmem:v25+s19+$0x0] =	vst.idx.msk $0xffff, v24;
	v25 =	vld [tilespmem:s0+$0xFFFFFF70]  }
0x59: {  	v36 =	vshrl.u32 v60, $0x3;
	v29 =	vmov s9;
	v28 =	vld [tilespmem:s0+$0xC0];
	v63 =	vadd.s32 v13, v21;
	[tilespmem:v23+s19+$0x0] =	vst.idx.msk $0xffff, v22  }
0x5a: {  	s9 =	simm.s32 $0x14;
	v43 =	vadd.s32 v16, v46;
	v46 =	vadd.s32 v6, v48;
	v29 =	vshrl.u32 v29, $0x3;
	[tilespmem:v30+s19+$0x0] =	vst.idx.msk $0xffff, v26;
	v26 =	vld [tilespmem:s0+$0xFFFFFF90]  }
0x5b: {  	s11 =	simm.s32 $0x1D;
	v49 =	vmov s9;
	s9 =	simm.s32 $0x18;
	v44 =	vadd.s32 v2, v40;
	v33 =	vshrl.u32 v61, $0x3;
	v37 =	vld [tilespmem:s0+$0xFFFFFFD0];
	[tilespmem:v57+s19+$0x0] =	vst.idx.msk $0xffff, v56  }
0x5c: {  	s25 =	simm.s32 $0x1B;
	v45 =	vadd.s32 v4, v47;
	v38 =	vld [tilespmem:s0+$0xFFFFFFF0];
	v22 =	vmov s11;
	v24 =	vmov s9;
	[tilespmem:v31+s19+$0x0] =	vst.idx.msk $0xffff, v27  }
0x5d: {  	v30 =	vmov s25;
	s25 =	simm.s32 $0x1E;
	v24 =	vshrl.u32 v24, $0x3;
	v31 =	vshll.u32 v29, v1;
	[tilespmem:v39+s19+$0x0] =	vst.idx.msk $0xffff, v25;
	v39 =	vld [tilespmem:s0+$0x10]  }
0x5e: {  	v40 =	vld [tilespmem:s0+$0x30];
	v23 =	vmov s25;
	v29 =	vshrl.u32 v62, $0x3;
	v27 =	vshrl.u32 v50, $0x3;
	[tilespmem:v63+s19+$0x0] =	vst.idx.msk $0xffff, v28  }
0x5f: {  	s6 =	simm.s32 $0x20;
	s9 =	simm.s32 $0x1F;
	v28 =	vshrl.u32 v49, $0x3;
	v25 =	vshrl.u32 v52, $0x3;
	[tilespmem:v41+s19+$0x0] =	vst.idx.msk $0xffff, v26;
	v26 =	vshrl.u32 v53, $0x3;
	v41 =	vld [tilespmem:s0+$0x50]  }
.LBB2_3:
0x60: {  	p1 =	slt.u32 s6, $0x70;
	v34 =	vshrl.u32 v34, $0x3;
	v47 =	vmov s9;
	[tilespmem:v42+s19+$0x0] =	vst.idx.msk $0xffff, v37;
	v37 =	vld [tilespmem:s0+$0x70];
	v18 =	vadd.s32 v8, v18  }
0x61: {  	v35 =	vshrl.u32 v35, $0x3;
	v19 =	vadd.s32 v10, v19;
	v42 =	vshrl.u32 v47, $0x3;
	[tilespmem:v43+s19+$0x0] =	vst.idx.msk $0xffff, v38;
	v38 =	vld [tilespmem:s0+$0x90]  }
0x62: {  	v30 =	vshrl.u32 v30, $0x3;
	v20 =	vadd.s32 v12, v20;
	v42 =	vshll.u32 v42, v1;
	[tilespmem:v44+s19+$0x0] =	vst.idx.msk $0xffff, v39;
	v39 =	vld [tilespmem:s0+$0xB0]  }
0x63: {  	v32 =	vshrl.u32 v32, $0x3;
	v21 =	vadd.s32 v14, v21;
	v42 =	vbroadcast v42, $0x0;
	[tilespmem:v45+s19+$0x0] =	vst.idx.msk $0xffff, v40;
	v40 =	vld [tilespmem:s0+$0xD0]  }
0x64: {  	v36 =	vshll.u32 v36, v1;
	v44 =	vadd.s32 v2, v17;
	v17 =	vbroadcast v31, $0x0;
	v43 =	vld [tilespmem:s0+$0xFFFFFF10];
	[tilespmem:v46+s19+$0x0] =	vst.idx.msk $0xffff, v41;
	s0 =	sadd.s32 $0x200, s0  }
0x65: {  	v33 =	vshll.u32 v33, v1;
	v31 =	vbroadcast v36, $0x0;
	v36 =	vld [tilespmem:s0+$0xE0];
	v41 =	vadd.s32 v15, v42;
	[tilespmem:v18+s19+$0x0] =	vst.idx.msk $0xffff, v37  }
0x66: {  	v29 =	vshll.u32 v29, v1;
	v33 =	vbroadcast v33, $0x0;
	v37 =	vadd.s32 v0, v17;
	v18 =	vld [tilespmem:s0+$0xFFFFFF00];
	[tilespmem:v19+s19+$0x0] =	vst.idx.msk $0xffff, v38  }
0x67: {  	v28 =	vshll.u32 v28, v1;
	v29 =	vbroadcast v29, $0x0;
	v38 =	vadd.s32 v3, v31;
	v19 =	vld [tilespmem:s0+$0xFFFFFF20];
	[tilespmem:v20+s19+$0x0] =	vst.idx.msk $0xffff, v39  }
0x68: {  	v22 =	vshrl.u32 v22, $0x3;
	v28 =	vbroadcast v28, $0x0;
	v39 =	vadd.s32 v5, v33;
	v20 =	vld [tilespmem:s0+$0xFFFFFF40];
	[tilespmem:v21+s19+$0x0] =	vst.idx.msk $0xffff, v40  }
0x69: {  	v27 =	vshll.u32 v27, v1;
	v23 =	vshrl.u32 v23, $0x3;
	v40 =	vadd.s32 v7, v29;
	v21 =	vld [tilespmem:s0+$0xFFFFFF60];
	[tilespmem:v44+s19+$0x0] =	vst.idx.msk $0xffff, v43  }
0x6a: {  	v25 =	vshll.u32 v25, v1;
	v27 =	vbroadcast v27, $0x0;
	v44 =	vadd.s32 v9, v28;
	v43 =	vld [tilespmem:s0+$0xFFFFFF80];
	[tilespmem:v41+s19+$0x0] =	vst.idx.msk $0xffff, v36  }
0x6b: {  	v25 =	vbroadcast v25, $0x0;
	v36 =	vadd.s32 v16, v42;
	[tilespmem:v37+s19+$0x0] =	vst.idx.msk $0xffff, v18;
	v18 =	vshll.u32 v26, v1;
	v26 =	vld [tilespmem:s0+$0xF0]  }
0x6c: {  	v37 =	vadd.s32 v11, v27;
	[tilespmem:v38+s19+$0x0] =	vst.idx.msk $0xffff, v19;
	v19 =	vld [tilespmem:s0+$0xFFFFFFA0];
	v41 =	vbroadcast v18, $0x0;
	v18 =	vshll.u32 v24, v1  }
0x6d: {  	v24 =	vadd.s32 v13, v25;
	[tilespmem:v39+s19+$0x0] =	vst.idx.msk $0xffff, v20;
	v20 =	vld [tilespmem:s0+$0xFFFFFFC0];
	v45 =	vbroadcast v18, $0x0;
	v18 =	vshll.u32 v34, v1  }
0x6e: {  	[tilespmem:v40+s19+$0x0] =	vst.idx.msk $0xffff, v21;
	v21 =	vld [tilespmem:s0+$0xFFFFFFE0];
	v34 =	vadd.s32 v15, v41;
	v46 =	vbroadcast v18, $0x0;
	v18 =	vshll.u32 v35, v1  }
0x6f: {  	[tilespmem:v44+s19+$0x0] =	vst.idx.msk $0xffff, v43;
	v35 =	vld [tilespmem:s0+$0x0];
	v38 =	vadd.s32 v0, v45;
	v47 =	vbroadcast v18, $0x0;
	v18 =	vshll.u32 v30, v1  }
0x70: {  	v32 =	vshll.u32 v32, v1;
	v30 =	vld [tilespmem:s0+$0x20];
	v39 =	vadd.s32 v3, v46;
	v18 =	vbroadcast v18, $0x0;
	[tilespmem:v36+s19+$0x0] =	vst.idx.msk $0xffff, v26  }
0x71: {  	v22 =	vshll.u32 v22, v1;
	[tilespmem:v37+s19+$0x0] =	vst.idx.msk $0xffff, v19;
	v26 =	vld [tilespmem:s0+$0x40];
	v36 =	vadd.s32 v5, v47;
	v19 =	vbroadcast v32, $0x0  }
0x72: {  	[tilespmem:v24+s19+$0x0] =	vst.idx.msk $0xffff, v20;
	v24 =	vld [tilespmem:s0+$0x60];
	v32 =	vadd.s32 v7, v18;
	v20 =	vbroadcast v22, $0x0;
	v22 =	vshll.u32 v23, v1  }
0x73: {  	s9 =	sadd.s32 $0x1, s6;
	v23 =	vmov s6;
	[tilespmem:v34+s19+$0x0] =	vst.idx.msk $0xffff, v21;
	v37 =	vld [tilespmem:s0+$0x80];
	v40 =	vadd.s32 v9, v19;
	v21 =	vbroadcast v22, $0x0  }
0x74: {  	s10 =	sadd.s32 $0x3, s6;
	v43 =	vmov s9;
	s9 =	sadd.s32 $0x2, s6;
	v23 =	vshrl.u32 v23, $0x3;
	[tilespmem:v38+s19+$0x0] =	vst.idx.msk $0xffff, v35;
	v22 =	vld [tilespmem:s0+$0xA0];
	v38 =	vadd.s32 v11, v20  }
0x75: {  	v48 =	vmov s10;
	s10 =	sadd.s32 $0x5, s6;
	v44 =	vmov s9;
	s9 =	sadd.s32 $0x4, s6;
	[tilespmem:v39+s19+$0x0] =	vst.idx.msk $0xffff, v30;
	v39 =	vld [tilespmem:s0+$0xC0];
	v42 =	vadd.s32 v13, v21  }
0x76: {  	v50 =	vmov s10;
	s10 =	sadd.s32 $0x7, s6;
	v52 =	vadd.s32 v4, v31;
	v49 =	vmov s9;
	s9 =	sadd.s32 $0x6, s6;
	v51 =	vld [tilespmem:s0+$0xFFFFFF30];
	[tilespmem:v36+s19+$0x0] =	vst.idx.msk $0xffff, v26  }
0x77: {  	v53 =	vmov s10;
	s10 =	sadd.s32 $0x9, s6;
	v55 =	vadd.s32 v6, v33;
	v26 =	vmov s9;
	s9 =	sadd.s32 $0x8, s6;
	v54 =	vld [tilespmem:s0+$0xFFFFFF50];
	[tilespmem:v32+s19+$0x0] =	vst.idx.msk $0xffff, v24  }
0x78: {  	v57 =	vadd.s32 v8, v29;
	v34 =	vmov s10;
	s10 =	sadd.s32 $0xB, s6;
	v24 =	vmov s9;
	s9 =	sadd.s32 $0xA, s6;
	v56 =	vld [tilespmem:s0+$0xFFFFFF70];
	[tilespmem:v40+s19+$0x0] =	vst.idx.msk $0xffff, v37  }
0x79: {  	v58 =	vadd.s32 v10, v28;
	v30 =	vmov s10;
	s10 =	sadd.s32 $0xD, s6;
	v35 =	vmov s9;
	s9 =	sadd.s32 $0xC, s6;
	v40 =	vld [tilespmem:s0+$0xFFFFFF90];
	[tilespmem:v38+s19+$0x0] =	vst.idx.msk $0xffff, v22  }
0x7a: {  	v60 =	vadd.s32 v12, v27;
	v32 =	vmov s9;
	v22 =	vmov s10;
	s9 =	sadd.s32 $0xE, s6;
	v59 =	vld [tilespmem:s0+$0xFFFFFFB0];
	[tilespmem:v42+s19+$0x0] =	vst.idx.msk $0xffff, v39  }
.Ltmp0:
0x7b: {  	v31 =	vshll.u32 v23, v1;
	v23 =	vmov s9;
	v42 =	vadd.s32 v14, v25;
	[tilespmem:v52+s19+$0x0] =	vst.idx.msk $0xffff, v51;
	v37 =	vld [tilespmem:s0+$0xFFFFFFD0];
	(pc) =	sbr.rel @p1 .LBB2_3-.Ltmp0, $4  }
0x7c: {  	v33 =	vshrl.u32 v44, $0x3;
	v36 =	vshrl.u32 v43, $0x3;
	v43 =	vadd.s32 v16, v41;
	[tilespmem:v55+s19+$0x0] =	vst.idx.msk $0xffff, v54;
	v38 =	vld [tilespmem:s0+$0xFFFFFFF0]  }
0x7d: {  	v29 =	vshrl.u32 v48, $0x3;
	v44 =	vadd.s32 v2, v45;
	v28 =	vshrl.u32 v49, $0x3;
	[tilespmem:v57+s19+$0x0] =	vst.idx.msk $0xffff, v56;
	v39 =	vld [tilespmem:s0+$0x10]  }
0x7e: {  	v27 =	vshrl.u32 v50, $0x3;
	v45 =	vadd.s32 v4, v46;
	v25 =	vshrl.u32 v26, $0x3;
	[tilespmem:v58+s19+$0x0] =	vst.idx.msk $0xffff, v40;
	v40 =	vld [tilespmem:s0+$0x30]  }
0x7f: {  	v46 =	vadd.s32 v6, v47;
	v24 =	vshrl.u32 v24, $0x3;
	v26 =	vshrl.u32 v53, $0x3;
	s9 =	sadd.s32 $0xF, s6;
	s6 =	sadd.s32 $0x10, s6;
	[tilespmem:v60+s19+$0x0] =	vst.idx.msk $0xffff, v59;
	v41 =	vld [tilespmem:s0+$0x50]  }
0x80: {  	_ =	sdelay $0x3  }
0x81: {  	v34 =	vshrl.u32 v34, $0x3;
	v47 =	vmov s9;
	[tilespmem:v42+s19+$0x0] =	vst.idx.msk $0xffff, v37;
	v55 =	vld [tilespmem:s0+$0x70];
	v56 =	vadd.s32 v8, v18  }
0x82: {  	v57 =	vld [tilespmem:s0+$0x90];
	v19 =	vadd.s32 v10, v19;
	v20 =	vadd.s32 v12, v20;
	v18 =	vshrl.u32 v47, $0x3;
	[tilespmem:v43+s19+$0x0] =	vst.idx.msk $0xffff, v38  }
0x83: {  	v35 =	vshrl.u32 v35, $0x3;
	v58 =	vld [tilespmem:s0+$0xB0];
	v21 =	vadd.s32 v14, v21;
	v18 =	vshll.u32 v18, v1;
	[tilespmem:v44+s19+$0x0] =	vst.idx.msk $0xffff, v39  }
0x84: {  	v60 =	vld [tilespmem:s0+$0xD0];
	v17 =	vadd.s32 v2, v17;
	v33 =	vshll.u32 v33, v1;
	v59 =	vbroadcast v18, $0x0;
	[tilespmem:v45+s19+$0x0] =	vst.idx.msk $0xffff, v40  }
0x85: {  	v61 =	vld [tilespmem:s0+$0xFFFFFF10];
	s9 =	sadd.s32 $0x200, s0;
	v29 =	vshll.u32 v29, v1;
	v28 =	vshll.u32 v28, v1;
	v18 =	vbroadcast v31, $0x0;
	[tilespmem:v46+s19+$0x0] =	vst.idx.msk $0xffff, v41  }
0x86: {  	v27 =	vshll.u32 v27, v1;
	v62 =	vld [tilespmem:s9+$0xE0];
	v33 =	vbroadcast v33, $0x0;
	v63 =	vadd.s32 v15, v59;
	[tilespmem:v56+s19+$0x0] =	vst.idx.msk $0xffff, v55  }
0x87: {  	v25 =	vshll.u32 v25, v1;
	v29 =	vbroadcast v29, $0x0;
	v46 =	vld [tilespmem:s9+$0xFFFFFF00];
	v47 =	vadd.s32 v0, v18;
	[tilespmem:v19+s19+$0x0] =	vst.idx.msk $0xffff, v57  }
0x88: {  	v28 =	vbroadcast v28, $0x0;
	v31 =	vshll.u32 v36, v1;
	v49 =	vadd.s32 v5, v33;
	[tilespmem:v20+s19+$0x0] =	vst.idx.msk $0xffff, v58;
	v20 =	vld [tilespmem:s9+$0xFFFFFF40]  }
0x89: {  	v34 =	vshll.u32 v34, v1;
	v50 =	vadd.s32 v7, v29;
	v31 =	vbroadcast v31, $0x0;
	[tilespmem:v21+s19+$0x0] =	vst.idx.msk $0xffff, v60;
	v21 =	vld [tilespmem:s9+$0xFFFFFF60]  }
0x8a: {  	v26 =	vshll.u32 v26, v1;
	v34 =	vbroadcast v34, $0x0;
	v51 =	vadd.s32 v9, v28;
	[tilespmem:v17+s19+$0x0] =	vst.idx.msk $0xffff, v61;
	v17 =	vld [tilespmem:s9+$0xFFFFFF80]  }
0x8b: {  	v24 =	vshll.u32 v24, v1;
	v25 =	vbroadcast v25, $0x0;
	v19 =	vld [tilespmem:s9+$0xFFFFFF20];
	v48 =	vadd.s32 v3, v31;
	[tilespmem:v63+s19+$0x0] =	vst.idx.msk $0xffff, v62  }
0x8c: {  	v26 =	vbroadcast v26, $0x0;
	v53 =	vadd.s32 v16, v59;
	v58 =	vld [tilespmem:s9+$0x20];
	v59 =	vadd.s32 v3, v34;
	[tilespmem:v47+s19+$0x0] =	vst.idx.msk $0xffff, v46  }
0x8d: {  	v23 =	vshrl.u32 v23, $0x3;
	v24 =	vbroadcast v24, $0x0;
	v55 =	vadd.s32 v13, v25;
	[tilespmem:v49+s19+$0x0] =	vst.idx.msk $0xffff, v20;
	v20 =	vld [tilespmem:s9+$0xFFFFFFC0]  }
0x8e: {  	v27 =	vbroadcast v27, $0x0;
	v23 =	vshll.u32 v23, v1;
	v56 =	vadd.s32 v15, v26;
	[tilespmem:v50+s19+$0x0] =	vst.idx.msk $0xffff, v21;
	v21 =	vld [tilespmem:s9+$0xFFFFFFE0]  }
0x8f: {  	v30 =	vshrl.u32 v30, $0x3;
	v23 =	vbroadcast v23, $0x0;
	v57 =	vadd.s32 v0, v24;
	[tilespmem:v51+s19+$0x0] =	vst.idx.msk $0xffff, v17;
	v17 =	vld [tilespmem:s9+$0x0]  }
0x90: {  	v32 =	vshrl.u32 v32, $0x3;
	v30 =	vshll.u32 v30, v1;
	v54 =	vadd.s32 v11, v27;
	[tilespmem:v48+s19+$0x0] =	vst.idx.msk $0xffff, v19;
	v19 =	vld [tilespmem:s9+$0xFFFFFFA0]  }
0x91: {  	v32 =	vshll.u32 v32, v1;
	v30 =	vbroadcast v30, $0x0;
	v45 =	vld [tilespmem:s9+$0xC0];
	[tilespmem:v59+s19+$0x0] =	vst.idx.msk $0xffff, v58;
	v46 =	vadd.s32 v13, v23  }
0x92: {  	v22 =	vshrl.u32 v22, $0x3;
	v35 =	vshll.u32 v35, v1;
	v32 =	vbroadcast v32, $0x0;
	v52 =	vld [tilespmem:s9+$0xF0];
	[tilespmem:v55+s19+$0x0] =	vst.idx.msk $0xffff, v20  }
0x93: {  	v22 =	vshll.u32 v22, v1;
	v35 =	vbroadcast v35, $0x0;
	v61 =	vadd.s32 v7, v30;
	v20 =	vld [tilespmem:s9+$0x60];
	[tilespmem:v56+s19+$0x0] =	vst.idx.msk $0xffff, v21  }
0x94: {  	v22 =	vbroadcast v22, $0x0;
	v62 =	vadd.s32 v9, v32;
	v21 =	vld [tilespmem:s9+$0x80];
	[tilespmem:v57+s19+$0x0] =	vst.idx.msk $0xffff, v17  }
0x95: {  	v60 =	vadd.s32 v5, v35;
	[tilespmem:v54+s19+$0x0] =	vst.idx.msk $0xffff, v19;
	v19 =	vld [tilespmem:s9+$0x40]  }
0x96: {  	v63 =	vadd.s32 v11, v22;
	v17 =	vld [tilespmem:s9+$0xA0];
	[tilespmem:v46+s19+$0x0] =	vst.idx.msk $0xffff, v45  }
0x97: {  	v31 =	vadd.s32 v4, v31;
	v47 =	vld [tilespmem:s9+$0xFFFFFF30];
	[tilespmem:v53+s19+$0x0] =	vst.idx.msk $0xffff, v52  }
0x98: {  	v29 =	vadd.s32 v8, v29;
	[tilespmem:v61+s19+$0x0] =	vst.idx.msk $0xffff, v20;
	v20 =	vld [tilespmem:s9+$0xFFFFFF70]  }
0x99: {  	v28 =	vadd.s32 v10, v28;
	[tilespmem:v62+s19+$0x0] =	vst.idx.msk $0xffff, v21;
	v21 =	vld [tilespmem:s9+$0xFFFFFF90]  }
0x9a: {  	v33 =	vadd.s32 v6, v33;
	[tilespmem:v60+s19+$0x0] =	vst.idx.msk $0xffff, v19;
	v19 =	vld [tilespmem:s9+$0xFFFFFF50]  }
0x9b: {  	v27 =	vadd.s32 v12, v27;
	[tilespmem:v63+s19+$0x0] =	vst.idx.msk $0xffff, v17;
	v17 =	vld [tilespmem:s9+$0xFFFFFFB0]  }
0x9c: {  	v25 =	vadd.s32 v14, v25;
	[tilespmem:v31+s19+$0x0] =	vst.idx.msk $0xffff, v47;
	v31 =	vld [tilespmem:s9+$0xFFFFFFD0]  }
0x9d: {  	v24 =	vadd.s32 v2, v24;
	[tilespmem:v29+s19+$0x0] =	vst.idx.msk $0xffff, v20;
	v20 =	vld [tilespmem:s9+$0x10]  }
0x9e: {  	[tilespmem:v28+s19+$0x0] =	vst.idx.msk $0xffff, v21;
	v21 =	vld [tilespmem:s9+$0x30];
	v28 =	vadd.s32 v4, v34  }
0x9f: {  	v26 =	vadd.s32 v16, v26;
	[tilespmem:v33+s19+$0x0] =	vst.idx.msk $0xffff, v19;
	v19 =	vld [tilespmem:s9+$0xFFFFFFF0]  }
0xa0: {  	[tilespmem:v27+s19+$0x0] =	vst.idx.msk $0xffff, v17;
	v17 =	vld [tilespmem:s9+$0x50];
	v27 =	vadd.s32 v6, v35  }
0xa1: {  	[tilespmem:v25+s19+$0x0] =	vst.idx.msk $0xffff, v31;
	v25 =	vld [tilespmem:s9+$0x70];
	v29 =	vadd.s32 v8, v30  }
0xa2: {  	v22 =	vadd.s32 v12, v22;
	[tilespmem:v24+s19+$0x0] =	vst.idx.msk $0xffff, v20;
	v20 =	vld [tilespmem:s9+$0xB0]  }
0xa3: {  	v23 =	vadd.s32 v14, v23;
	[tilespmem:v28+s19+$0x0] =	vst.idx.msk $0xffff, v21;
	v21 =	vld [tilespmem:s9+$0xD0]  }
0xa4: {  	[tilespmem:v26+s19+$0x0] =	vst.idx.msk $0xffff, v19;
	v19 =	vld [tilespmem:s9+$0x90];
	v26 =	vadd.s32 v10, v32  }
0xa5: {  	[tilespmem:v27+s19+$0x0] =	vst.idx.msk $0xffff, v17  }
0xa6: {  	[tilespmem:v29+s19+$0x0] =	vst.idx.msk $0xffff, v25  }
0xa7: {  	v18 =	vadd.s32 v2, v18;
	v24 =	vld [tilespmem:s9+$0xFFFFFF10];
	[tilespmem:v22+s19+$0x0] =	vst.idx.msk $0xffff, v20  }
0xa8: {  	[tilespmem:v23+s19+$0x0] =	vst.idx.msk $0xffff, v21  }
0xa9: {  	[tilespmem:v26+s19+$0x0] =	vst.idx.msk $0xffff, v19  }
0xaa: {  	s10 =	sshll.u32 s1, $0x10;
	s6 =	rddreg [dreg:$0x3]  }
0xab: {  	s11 =	rddreg [dreg:$0x1];
	s0 =	sor.u32 s6, s10  }
0xac: {  	[tilespmem:v18+s19+$0x0] =	vst.idx.msk $0xffff, v24;
	s6 =	sadd.s32 s11, s0  }
0xad: {  	[hbm4b:s6+s3] =	stream.linear.scatter [tilespmem:s19], [sflag:$0x5], $0x80, $0x38;
	[tilespmem:$0xC600] =	vst v63  }
0xae: {  	s10 =	simm.s32 $0xA488;
	s25 =	sadd.s32 $0x10, s6  }
0xaf: {  	[hbm4b:s25+s3] =	stream.linear.scatter [tilespmem:s10], [sflag:$0x5], $0x80, $0x38;
	[tilespmem:$0xC600] =	vst v63  }
0xb0: {  	s11 =	sadd.s32 $0x20, s6;
	s25 =	simm.s32 $0xA510  }
0xb1: {  	[hbm4b:s11+s3] =	stream.linear.scatter [tilespmem:s25], [sflag:$0x5], $0x80, $0x38;
	[tilespmem:$0xC600] =	vst v63  }
0xb2: {  	s11 =	sadd.s32 $0x30, s6;
	s25 =	simm.s32 $0xA598  }
0xb3: {  	[hbm4b:s11+s3] =	stream.linear.scatter [tilespmem:s25], [sflag:$0x5], $0x80, $0x38;
	[tilespmem:$0xC600] =	vst v63  }
0xb4: {  	s11 =	sadd.s32 $0x40, s6;
	s25 =	simm.s32 $0xA620  }
0xb5: {  	[hbm4b:s11+s3] =	stream.linear.scatter [tilespmem:s25], [sflag:$0x5], $0x80, $0x38;
	[tilespmem:$0xC600] =	vst v63  }
0xb6: {  	s11 =	sadd.s32 $0x50, s6;
	s25 =	simm.s32 $0xA6A8  }
0xb7: {  	[hbm4b:s11+s3] =	stream.linear.scatter [tilespmem:s25], [sflag:$0x5], $0x80, $0x38;
	[tilespmem:$0xC600] =	vst v63  }
0xb8: {  	s10 =	sadd.s32 $0x60, s6;
	s11 =	simm.s32 $0xA730  }
0xb9: {  	[hbm4b:s10+s3] =	stream.linear.scatter [tilespmem:s11], [sflag:$0x5], $0x80, $0x38;
	[tilespmem:$0xC600] =	vst v63  }
0xba: {  	s9 =	rddreg [dreg:$0x5];
	s6 =	sadd.s32 $0x70, s6;
	s25 =	simm.s32 $0xA7B8  }
0xbb: {  	[hbm4b:s6+s3] =	stream.linear.scatter [tilespmem:s25], [sflag:$0x5], $0x80, $0x38;
	[tilespmem:$0xC600] =	vst v63  }
0xbc: {  	s10 =	simm.s32 $0xA840;
	s6 =	sadd.s32 s0, s9  }
0xbd: {  	[hbm4b:s6+s3] =	stream.linear.scatter [tilespmem:s10], [sflag:$0x5], $0x80, $0x38;
	[tilespmem:$0xC600] =	vst v63  }
0xbe: {  	s25 =	simm.s32 $0xA8C8;
	s11 =	sadd.s32 $0x10, s6  }
0xbf: {  	[hbm4b:s11+s3] =	stream.linear.scatter [tilespmem:s25], [sflag:$0x5], $0x80, $0x38;
	[tilespmem:$0xC600] =	vst v63  }
0xc0: {  	s11 =	sadd.s32 $0x20, s6;
	s25 =	simm.s32 $0xA950  }
0xc1: {  	[hbm4b:s11+s3] =	stream.linear.scatter [tilespmem:s25], [sflag:$0x5], $0x80, $0x38;
	[tilespmem:$0xC600] =	vst v63  }
0xc2: {  	s11 =	sadd.s32 $0x30, s6;
	s25 =	simm.s32 $0xA9D8  }
0xc3: {  	[hbm4b:s11+s3] =	stream.linear.scatter [tilespmem:s25], [sflag:$0x5], $0x80, $0x38;
	[tilespmem:$0xC600] =	vst v63  }
0xc4: {  	s11 =	sadd.s32 $0x40, s6;
	s25 =	simm.s32 $0xAA60  }
0xc5: {  	[hbm4b:s11+s3] =	stream.linear.scatter [tilespmem:s25], [sflag:$0x5], $0x80, $0x38;
	[tilespmem:$0xC600] =	vst v63  }
0xc6: {  	s11 =	sadd.s32 $0x50, s6;
	s25 =	simm.s32 $0xAAE8  }
0xc7: {  	[hbm4b:s11+s3] =	stream.linear.scatter [tilespmem:s25], [sflag:$0x5], $0x80, $0x38;
	[tilespmem:$0xC600] =	vst v63  }
0xc8: {  	s10 =	sadd.s32 $0x60, s6;
	s11 =	simm.s32 $0xAB70  }
0xc9: {  	[hbm4b:s10+s3] =	stream.linear.scatter [tilespmem:s11], [sflag:$0x5], $0x80, $0x38;
	[tilespmem:$0xC600] =	vst v63  }
0xca: {  	s9 =	rddreg [dreg:$0x6];
	s6 =	sadd.s32 $0x70, s6;
	s25 =	simm.s32 $0xABF8  }
0xcb: {  	[hbm4b:s6+s3] =	stream.linear.scatter [tilespmem:s25], [sflag:$0x5], $0x80, $0x38;
	[tilespmem:$0xC600] =	vst v63  }
0xcc: {  	s10 =	simm.s32 $0xAC80;
	s6 =	sadd.s32 s0, s9  }
0xcd: {  	[hbm4b:s6+s3] =	stream.linear.scatter [tilespmem:s10], [sflag:$0x5], $0x80, $0x38;
	[tilespmem:$0xC600] =	vst v63  }
0xce: {  	s25 =	simm.s32 $0xAD08;
	s11 =	sadd.s32 $0x10, s6  }
0xcf: {  	[hbm4b:s11+s3] =	stream.linear.scatter [tilespmem:s25], [sflag:$0x5], $0x80, $0x38;
	[tilespmem:$0xC600] =	vst v63  }
0xd0: {  	s11 =	sadd.s32 $0x20, s6;
	s25 =	simm.s32 $0xAD90  }
0xd1: {  	[hbm4b:s11+s3] =	stream.linear.scatter [tilespmem:s25], [sflag:$0x5], $0x80, $0x38;
	[tilespmem:$0xC600] =	vst v63  }
0xd2: {  	s11 =	sadd.s32 $0x30, s6;
	s25 =	simm.s32 $0xAE18  }
0xd3: {  	[hbm4b:s11+s3] =	stream.linear.scatter [tilespmem:s25], [sflag:$0x5], $0x80, $0x38;
	[tilespmem:$0xC600] =	vst v63  }
0xd4: {  	s11 =	sadd.s32 $0x40, s6;
	s25 =	simm.s32 $0xAEA0  }
0xd5: {  	[hbm4b:s11+s3] =	stream.linear.scatter [tilespmem:s25], [sflag:$0x5], $0x80, $0x38;
	[tilespmem:$0xC600] =	vst v63  }
0xd6: {  	s11 =	sadd.s32 $0x50, s6;
	s25 =	simm.s32 $0xAF28  }
0xd7: {  	[hbm4b:s11+s3] =	stream.linear.scatter [tilespmem:s25], [sflag:$0x5], $0x80, $0x38;
	[tilespmem:$0xC600] =	vst v63  }
0xd8: {  	s10 =	sadd.s32 $0x60, s6;
	s11 =	simm.s32 $0xAFB0  }
0xd9: {  	[hbm4b:s10+s3] =	stream.linear.scatter [tilespmem:s11], [sflag:$0x5], $0x80, $0x38;
	[tilespmem:$0xC600] =	vst v63  }
0xda: {  	s9 =	rddreg [dreg:$0x18];
	s6 =	sadd.s32 $0x70, s6;
	s25 =	simm.s32 $0xB038  }
0xdb: {  	[hbm4b:s6+s3] =	stream.linear.scatter [tilespmem:s25], [sflag:$0x5], $0x80, $0x38;
	[tilespmem:$0xC600] =	vst v63  }
0xdc: {  	s10 =	simm.s32 $0xB0C0;
	s6 =	sadd.s32 s0, s9  }
0xdd: {  	[hbm4b:s6+s3] =	stream.linear.scatter [tilespmem:s10], [sflag:$0x5], $0x80, $0x38;
	[tilespmem:$0xC600] =	vst v63  }
0xde: {  	s25 =	simm.s32 $0xB148;
	s11 =	sadd.s32 $0x10, s6  }
0xdf: {  	[hbm4b:s11+s3] =	stream.linear.scatter [tilespmem:s25], [sflag:$0x5], $0x80, $0x38;
	[tilespmem:$0xC600] =	vst v63  }
0xe0: {  	s11 =	sadd.s32 $0x20, s6;
	s25 =	simm.s32 $0xB1D0  }
0xe1: {  	[hbm4b:s11+s3] =	stream.linear.scatter [tilespmem:s25], [sflag:$0x5], $0x80, $0x38;
	[tilespmem:$0xC600] =	vst v63  }
0xe2: {  	s11 =	sadd.s32 $0x30, s6;
	s25 =	simm.s32 $0xB258  }
0xe3: {  	[hbm4b:s11+s3] =	stream.linear.scatter [tilespmem:s25], [sflag:$0x5], $0x80, $0x38;
	[tilespmem:$0xC600] =	vst v63  }
0xe4: {  	s11 =	sadd.s32 $0x40, s6;
	s25 =	simm.s32 $0xB2E0  }
0xe5: {  	[hbm4b:s11+s3] =	stream.linear.scatter [tilespmem:s25], [sflag:$0x5], $0x80, $0x38;
	[tilespmem:$0xC600] =	vst v63  }
0xe6: {  	s11 =	sadd.s32 $0x50, s6;
	s25 =	simm.s32 $0xB368  }
0xe7: {  	[hbm4b:s11+s3] =	stream.linear.scatter [tilespmem:s25], [sflag:$0x5], $0x80, $0x38;
	[tilespmem:$0xC600] =	vst v63  }
0xe8: {  	s10 =	sadd.s32 $0x60, s6;
	s11 =	simm.s32 $0xB3F0  }
0xe9: {  	[hbm4b:s10+s3] =	stream.linear.scatter [tilespmem:s11], [sflag:$0x5], $0x80, $0x38;
	[tilespmem:$0xC600] =	vst v63  }
0xea: {  	s6 =	sadd.s32 $0x70, s6;
	s25 =	simm.s32 $0xB478;
	s10 =	sshll.u32 s1, $0x9  }
0xeb: {  	[hbm4b:s6+s3] =	stream.linear.scatter [tilespmem:s25], [sflag:$0x5], $0x80, $0x38;
	[tilespmem:$0xC600] =	vst v63  }
0xec: {  	s6 =	sand.u32 $0x3FFFFE00, s10  }
0xed: {  	s25 =	simm.s32 $0x6400;
	s11 =	sadd.s32 $0x200, s6  }
0xee: {  	[tilespmem:s25], [sflag:$0x1] =	stream.indirect.gather [hbm4b:s4+s13], $0x20, s11, s13, $0xb8;
	[tilespmem:$0xC600] =	vst v63  }
0xef: {  	_ =	swait.ge [sflag:s2], $0x1000  }
0xf0: {  	[sflag:s2] =	ssyncset.done $0x0  }
0xf1: {  	s9 =	simm.s32 @!p0 $0x6;
	s10 =	simm.s32 $0x2;
	[sflag:s2] =	ssyncadd.s32 $0xFFFFF000  }
0xf2: {  	v19 =	vmov s10;
	s10 =	simm.s32 $0x5;
	s25 =	simm.s32 $0x1;
	_ =	swait.ge @!p0 [sflag:s9], $0x400  }
0xf3: {  	s11 =	simm.s32 $0x0;
	v18 =	vmov s25;
	s25 =	simm.s32 $0x3;
	[sflag:s9] =	ssyncset.done @!p0 $0x0  }
0xf4: {  	v22 =	vmov s10;
	s10 =	simm.s32 $0x8;
	v19 =	vshrl.u32 v19, $0x3;
	v20 =	vmov s25;
	s25 =	simm.s32 $0x7;
	[sflag:s9] =	ssyncadd.s32 @!p0 $0xFFFFFC00  }
0xf5: {  	v17 =	vmov s11;
	s11 =	simm.s32 $0x4;
	v25 =	vmov s10;
	v24 =	vmov s25;
	s25 =	simm.s32 $0xA;
	_ =	swait.ge @!p0 [sflag:s9], $0x400  }
0xf6: {  	s10 =	simm.s32 $0xD;
	v22 =	vshrl.u32 v22, $0x3;
	v21 =	vmov s11;
	v27 =	vmov s25;
	s25 =	simm.s32 $0xC;
	[sflag:s9] =	ssyncset.done @!p0 $0x0  }
0xf7: {  	v17 =	vshrl.u32 v17, $0x3;
	v30 =	vmov s10;
	v29 =	vmov s25;
	s25 =	simm.s32 $0xE;
	[sflag:s9] =	ssyncadd.s32 @!p0 $0xFFFFFC00  }
0xf8: {  	s11 =	simm.s32 $0x6;
	v18 =	vshrl.u32 v18, $0x3;
	v25 =	vshrl.u32 v25, $0x3;
	v31 =	vmov s25;
	s25 =	simm.s32 $0xF;
	_ =	swait.ge @!p0 [sflag:s9], $0x400  }
0xf9: {  	v22 =	vshll.u32 v22, v1;
	v23 =	vmov s11;
	v48 =	vmov s25;
	[sflag:s9] =	ssyncset.done @!p0 $0x0  }
0xfa: {  	v17 =	vshll.u32 v17, v1;
	v20 =	vshrl.u32 v20, $0x3;
	v32 =	vshrl.u32 v48, $0x3;
	[sflag:s9] =	ssyncadd.s32 @!p0 $0xFFFFFC00  }
0xfb: {  	v21 =	vshrl.u32 v21, $0x3;
	v18 =	vshll.u32 v18, v1;
	v32 =	vshll.u32 v32, v1;
	_ =	swait.ge @!p0 [sflag:s9], $0x400  }
0xfc: {  	s11 =	simm.s32 $0x9;
	v30 =	vshrl.u32 v30, $0x3;
	v45 =	vbroadcast v22, $0x0;
	v32 =	vbroadcast v32, $0x0;
	[sflag:s9] =	ssyncset.done @!p0 $0x0  }
0xfd: {  	v26 =	vmov s11;
	v23 =	vshrl.u32 v23, $0x3;
	v17 =	vbroadcast v17, $0x0;
	s25 =	simm.s32 $0x75F0;
	[sflag:s9] =	ssyncadd.s32 @!p0 $0xFFFFFC00  }
0xfe: {  	v33 =	vbroadcast v18, $0x0;
	v18 =	vshll.u32 v19, v1;
	v49 =	vadd.s32 v15, v32;
	v19 =	vld [tilespmem:s25+$0xFFFFFFF0]  }
0xff: {  	v37 =	vbroadcast v18, $0x0;
	v18 =	vshll.u32 v20, v1;
	v51 =	vadd.s32 v0, v17;
	v50 =	vld [tilespmem:s25+$0xFFFFFE10]  }
0x100: {  	v52 =	vadd.s32 v3, v33;
	v39 =	vbroadcast v18, $0x0;
	v18 =	vshll.u32 v21, v1;
	v20 =	vld [tilespmem:s25+$0xFFFFFE30]  }
0x101: {  	s11 =	simm.s32 $0xB;
	v24 =	vshrl.u32 v24, $0x3;
	v53 =	vadd.s32 v5, v37;
	v41 =	vbroadcast v18, $0x0;
	v21 =	vld [tilespmem:s25+$0xFFFFFE50]  }
0x102: {  	v28 =	vmov s11;
	v26 =	vshrl.u32 v26, $0x3;
	v54 =	vadd.s32 v7, v39;
	v18 =	vld [tilespmem:s25+$0xFFFFFE70]  }
0x103: {  	v27 =	vshrl.u32 v27, $0x3;
	v22 =	vshll.u32 v23, v1;
	v56 =	vadd.s32 v9, v41;
	v55 =	vld [tilespmem:s25+$0xFFFFFE90];
	[tilespmem:v49+s14+$0x0] =	vst.idx.msk $0xffff, v19  }
0x104: {  	v28 =	vshrl.u32 v28, $0x3;
	v29 =	vshrl.u32 v29, $0x3;
	v33 =	vadd.s32 v4, v33;
	[tilespmem:v51+s14+$0x0] =	vst.idx.msk $0xffff, v50  }
0x105: {  	s11 =	simm.s32 $0x11;
	v36 =	vbroadcast v22, $0x0;
	v19 =	vshll.u32 v24, v1;
	[tilespmem:v52+s14+$0x0] =	vst.idx.msk $0xffff, v20;
	v20 =	vld [tilespmem:s25+$0xFFFFFEB0];
	v24 =	vadd.s32 v11, v45  }
0x106: {  	v60 =	vmov s11;
	v39 =	vadd.s32 v8, v39;
	v23 =	vadd.s32 v16, v32;
	[tilespmem:v53+s14+$0x0] =	vst.idx.msk $0xffff, v21;
	v22 =	vld [tilespmem:s25+$0x0]  }
0x107: {  	v21 =	vld [tilespmem:s25+$0xFFFFFED0];
	[tilespmem:v54+s14+$0x0] =	vst.idx.msk $0xffff, v18;
	v46 =	vbroadcast v19, $0x0;
	v19 =	vshll.u32 v25, v1;
	v25 =	vadd.s32 v13, v36  }
0x108: {  	v31 =	vshrl.u32 v31, $0x3;
	v18 =	vshll.u32 v27, v1;
	[tilespmem:v56+s14+$0x0] =	vst.idx.msk $0xffff, v55;
	v55 =	vadd.s32 v6, v37;
	v51 =	vld [tilespmem:s25+$0xFFFFFE40]  }
0x109: {  	v48 =	vbroadcast v18, $0x0;
	v54 =	vld [tilespmem:s25+$0xFFFFFE60];
	v40 =	vbroadcast v19, $0x0;
	v19 =	vshll.u32 v26, v1  }
0x10a: {  	v18 =	vshll.u32 v28, v1;
	v26 =	vld [tilespmem:s25+$0xFFFFFEF0];
	v57 =	vadd.s32 v15, v46;
	v47 =	vbroadcast v19, $0x0;
	[tilespmem:v24+s14+$0x0] =	vst.idx.msk $0xffff, v20  }
0x10b: {  	s11 =	simm.s32 $0x13;
	v42 =	vadd.s32 v14, v36;
	v27 =	vld [tilespmem:s25+$0xFFFFFF10];
	v18 =	vbroadcast v18, $0x0;
	v58 =	vadd.s32 v0, v40;
	[tilespmem:v23+s14+$0x0] =	vst.idx.msk $0xffff, v22  }
0x10c: {  	v62 =	vmov s11;
	v28 =	vld [tilespmem:s25+$0xFFFFFF30];
	v19 =	vshll.u32 v29, v1;
	v59 =	vadd.s32 v3, v47;
	[tilespmem:v25+s14+$0x0] =	vst.idx.msk $0xffff, v21  }
0x10d: {  	s11 =	simm.s32 $0x15;
	v41 =	vadd.s32 v10, v41;
	v19 =	vbroadcast v19, $0x0;
	v24 =	vld [tilespmem:s25+$0xFFFFFF70];
	v25 =	vadd.s32 v7, v18;
	[tilespmem:v33+s14+$0x0] =	vst.idx.msk $0xffff, v51  }
0x10e: {  	v50 =	vmov s11;
	s11 =	simm.s32 $0x17;
	v20 =	vshll.u32 v30, v1;
	v22 =	vld [tilespmem:s25+$0xFFFFFF50];
	v23 =	vadd.s32 v5, v48;
	[tilespmem:v55+s14+$0x0] =	vst.idx.msk $0xffff, v54  }
0x10f: {  	v53 =	vmov s11;
	v20 =	vbroadcast v20, $0x0;
	v30 =	vadd.s32 v9, v19;
	[tilespmem:v57+s14+$0x0] =	vst.idx.msk $0xffff, v26;
	v26 =	vld [tilespmem:s25+$0xFFFFFF90]  }
0x110: {  	s10 =	simm.s32 $0x10;
	v36 =	vshrl.u32 v60, $0x3;
	v21 =	vshll.u32 v31, v1;
	v56 =	vld [tilespmem:s25+$0xFFFFFEC0];
	v57 =	vadd.s32 v12, v45;
	[tilespmem:v58+s14+$0x0] =	vst.idx.msk $0xffff, v27  }
0x111: {  	s11 =	simm.s32 $0x19;
	v29 =	vmov s10;
	s10 =	simm.s32 $0x12;
	v21 =	vbroadcast v21, $0x0;
	v31 =	vadd.s32 v11, v20;
	v27 =	vld [tilespmem:s25+$0xFFFFFFB0];
	[tilespmem:v59+s14+$0x0] =	vst.idx.msk $0xffff, v28  }
0x112: {  	v34 =	vmov s11;
	v43 =	vadd.s32 v16, v46;
	v61 =	vmov s10;
	s10 =	simm.s32 $0x14;
	[tilespmem:v25+s14+$0x0] =	vst.idx.msk $0xffff, v24;
	v25 =	vld [tilespmem:s25+$0xFFFFFE80]  }
0x113: {  	v46 =	vadd.s32 v6, v48;
	v49 =	vmov s10;
	s10 =	simm.s32 $0x16;
	v63 =	vadd.s32 v13, v21;
	v28 =	vld [tilespmem:s25+$0xFFFFFFD0];
	[tilespmem:v23+s14+$0x0] =	vst.idx.msk $0xffff, v22  }
0x114: {  	v29 =	vshrl.u32 v29, $0x3;
	v44 =	vadd.s32 v2, v40;
	v52 =	vmov s10;
	s10 =	simm.s32 $0x18;
	[tilespmem:v30+s14+$0x0] =	vst.idx.msk $0xffff, v26;
	v26 =	vld [tilespmem:s25+$0xFFFFFEA0]  }
0x115: {  	s11 =	simm.s32 $0x1B;
	v33 =	vshrl.u32 v61, $0x3;
	v37 =	vld [tilespmem:s25+$0xFFFFFEE0];
	v45 =	vadd.s32 v4, v47;
	v24 =	vmov s10;
	s10 =	simm.s32 $0x1A;
	[tilespmem:v57+s14+$0x0] =	vst.idx.msk $0xffff, v56  }
0x116: {  	v38 =	vld [tilespmem:s25+$0xFFFFFF00];
	v35 =	vmov s10;
	s10 =	simm.s32 $0x1C;
	v24 =	vshrl.u32 v24, $0x3;
	v30 =	vmov s11;
	s11 =	simm.s32 $0x1D;
	[tilespmem:v31+s14+$0x0] =	vst.idx.msk $0xffff, v27  }
0x117: {  	v32 =	vmov s10;
	v22 =	vmov s11;
	s11 =	simm.s32 $0x1E;
	v31 =	vshll.u32 v29, v1;
	[tilespmem:v39+s14+$0x0] =	vst.idx.msk $0xffff, v25;
	v39 =	vld [tilespmem:s25+$0xFFFFFF20]  }
0x118: {  	v40 =	vld [tilespmem:s25+$0xFFFFFF40];
	v29 =	vshrl.u32 v62, $0x3;
	v27 =	vshrl.u32 v50, $0x3;
	[tilespmem:v63+s14+$0x0] =	vst.idx.msk $0xffff, v28;
	v23 =	vmov s11  }
0x119: {  	s9 =	simm.s32 $0x20;
	s10 =	simm.s32 $0x1F;
	v28 =	vshrl.u32 v49, $0x3;
	v25 =	vshrl.u32 v52, $0x3;
	[tilespmem:v41+s14+$0x0] =	vst.idx.msk $0xffff, v26;
	v26 =	vshrl.u32 v53, $0x3;
	v41 =	vld [tilespmem:s25+$0xFFFFFF60]  }
.LBB2_5:
0x11a: {  	p0 =	slt.u32 s9, $0x70;
	v34 =	vshrl.u32 v34, $0x3;
	v47 =	vmov s10;
	[tilespmem:v42+s14+$0x0] =	vst.idx.msk $0xffff, v37;
	v37 =	vld [tilespmem:s25+$0xFFFFFF80];
	v18 =	vadd.s32 v8, v18  }
0x11b: {  	v35 =	vshrl.u32 v35, $0x3;
	v19 =	vadd.s32 v10, v19;
	v42 =	vshrl.u32 v47, $0x3;
	[tilespmem:v43+s14+$0x0] =	vst.idx.msk $0xffff, v38;
	v38 =	vld [tilespmem:s25+$0xFFFFFFA0]  }
0x11c: {  	v30 =	vshrl.u32 v30, $0x3;
	v20 =	vadd.s32 v12, v20;
	v42 =	vshll.u32 v42, v1;
	[tilespmem:v44+s14+$0x0] =	vst.idx.msk $0xffff, v39;
	v39 =	vld [tilespmem:s25+$0xFFFFFFC0]  }
0x11d: {  	v32 =	vshrl.u32 v32, $0x3;
	v21 =	vadd.s32 v14, v21;
	v42 =	vbroadcast v42, $0x0;
	[tilespmem:v45+s14+$0x0] =	vst.idx.msk $0xffff, v40;
	v40 =	vld [tilespmem:s25+$0xFFFFFFE0]  }
0x11e: {  	v36 =	vshll.u32 v36, v1;
	v44 =	vadd.s32 v2, v17;
	v17 =	vbroadcast v31, $0x0;
	v43 =	vld [tilespmem:s25+$0xFFFFFE20];
	[tilespmem:v46+s14+$0x0] =	vst.idx.msk $0xffff, v41;
	s25 =	sadd.s32 $0x200, s25  }
0x11f: {  	v33 =	vshll.u32 v33, v1;
	v31 =	vbroadcast v36, $0x0;
	v36 =	vld [tilespmem:s25+$0xFFFFFFF0];
	v41 =	vadd.s32 v15, v42;
	[tilespmem:v18+s14+$0x0] =	vst.idx.msk $0xffff, v37  }
0x120: {  	v29 =	vshll.u32 v29, v1;
	v33 =	vbroadcast v33, $0x0;
	v37 =	vadd.s32 v0, v17;
	v18 =	vld [tilespmem:s25+$0xFFFFFE10];
	[tilespmem:v19+s14+$0x0] =	vst.idx.msk $0xffff, v38  }
0x121: {  	v28 =	vshll.u32 v28, v1;
	v29 =	vbroadcast v29, $0x0;
	v38 =	vadd.s32 v3, v31;
	v19 =	vld [tilespmem:s25+$0xFFFFFE30];
	[tilespmem:v20+s14+$0x0] =	vst.idx.msk $0xffff, v39  }
0x122: {  	v22 =	vshrl.u32 v22, $0x3;
	v28 =	vbroadcast v28, $0x0;
	v39 =	vadd.s32 v5, v33;
	v20 =	vld [tilespmem:s25+$0xFFFFFE50];
	[tilespmem:v21+s14+$0x0] =	vst.idx.msk $0xffff, v40  }
0x123: {  	v27 =	vshll.u32 v27, v1;
	v23 =	vshrl.u32 v23, $0x3;
	v40 =	vadd.s32 v7, v29;
	v21 =	vld [tilespmem:s25+$0xFFFFFE70];
	[tilespmem:v44+s14+$0x0] =	vst.idx.msk $0xffff, v43  }
0x124: {  	v25 =	vshll.u32 v25, v1;
	v27 =	vbroadcast v27, $0x0;
	v44 =	vadd.s32 v9, v28;
	v43 =	vld [tilespmem:s25+$0xFFFFFE90];
	[tilespmem:v41+s14+$0x0] =	vst.idx.msk $0xffff, v36  }
0x125: {  	v25 =	vbroadcast v25, $0x0;
	v36 =	vadd.s32 v16, v42;
	[tilespmem:v37+s14+$0x0] =	vst.idx.msk $0xffff, v18;
	v18 =	vshll.u32 v26, v1;
	v26 =	vld [tilespmem:s25+$0x0]  }
0x126: {  	v37 =	vadd.s32 v11, v27;
	[tilespmem:v38+s14+$0x0] =	vst.idx.msk $0xffff, v19;
	v19 =	vld [tilespmem:s25+$0xFFFFFEB0];
	v41 =	vbroadcast v18, $0x0;
	v18 =	vshll.u32 v24, v1  }
0x127: {  	v24 =	vadd.s32 v13, v25;
	[tilespmem:v39+s14+$0x0] =	vst.idx.msk $0xffff, v20;
	v20 =	vld [tilespmem:s25+$0xFFFFFED0];
	v45 =	vbroadcast v18, $0x0;
	v18 =	vshll.u32 v34, v1  }
0x128: {  	[tilespmem:v40+s14+$0x0] =	vst.idx.msk $0xffff, v21;
	v21 =	vld [tilespmem:s25+$0xFFFFFEF0];
	v34 =	vadd.s32 v15, v41;
	v46 =	vbroadcast v18, $0x0;
	v18 =	vshll.u32 v35, v1  }
0x129: {  	[tilespmem:v44+s14+$0x0] =	vst.idx.msk $0xffff, v43;
	v35 =	vld [tilespmem:s25+$0xFFFFFF10];
	v38 =	vadd.s32 v0, v45;
	v47 =	vbroadcast v18, $0x0;
	v18 =	vshll.u32 v30, v1  }
0x12a: {  	v32 =	vshll.u32 v32, v1;
	v30 =	vld [tilespmem:s25+$0xFFFFFF30];
	v39 =	vadd.s32 v3, v46;
	v18 =	vbroadcast v18, $0x0;
	[tilespmem:v36+s14+$0x0] =	vst.idx.msk $0xffff, v26  }
0x12b: {  	v22 =	vshll.u32 v22, v1;
	[tilespmem:v37+s14+$0x0] =	vst.idx.msk $0xffff, v19;
	v26 =	vld [tilespmem:s25+$0xFFFFFF50];
	v36 =	vadd.s32 v5, v47;
	v19 =	vbroadcast v32, $0x0  }
0x12c: {  	[tilespmem:v24+s14+$0x0] =	vst.idx.msk $0xffff, v20;
	v24 =	vld [tilespmem:s25+$0xFFFFFF70];
	v32 =	vadd.s32 v7, v18;
	v20 =	vbroadcast v22, $0x0;
	v22 =	vshll.u32 v23, v1  }
0x12d: {  	s10 =	sadd.s32 $0x1, s9;
	v23 =	vmov s9;
	[tilespmem:v34+s14+$0x0] =	vst.idx.msk $0xffff, v21;
	v37 =	vld [tilespmem:s25+$0xFFFFFF90];
	v40 =	vadd.s32 v9, v19;
	v21 =	vbroadcast v22, $0x0  }
0x12e: {  	s11 =	sadd.s32 $0x3, s9;
	v43 =	vmov s10;
	s10 =	sadd.s32 $0x2, s9;
	v23 =	vshrl.u32 v23, $0x3;
	[tilespmem:v38+s14+$0x0] =	vst.idx.msk $0xffff, v35;
	v22 =	vld [tilespmem:s25+$0xFFFFFFB0];
	v38 =	vadd.s32 v11, v20  }
0x12f: {  	v48 =	vmov s11;
	s11 =	sadd.s32 $0x5, s9;
	v44 =	vmov s10;
	s10 =	sadd.s32 $0x4, s9;
	[tilespmem:v39+s14+$0x0] =	vst.idx.msk $0xffff, v30;
	v39 =	vld [tilespmem:s25+$0xFFFFFFD0];
	v42 =	vadd.s32 v13, v21  }
0x130: {  	v50 =	vmov s11;
	s11 =	sadd.s32 $0x7, s9;
	v52 =	vadd.s32 v4, v31;
	v49 =	vmov s10;
	s10 =	sadd.s32 $0x6, s9;
	v51 =	vld [tilespmem:s25+$0xFFFFFE40];
	[tilespmem:v36+s14+$0x0] =	vst.idx.msk $0xffff, v26  }
0x131: {  	v53 =	vmov s11;
	s11 =	sadd.s32 $0x9, s9;
	v55 =	vadd.s32 v6, v33;
	v26 =	vmov s10;
	s10 =	sadd.s32 $0x8, s9;
	v54 =	vld [tilespmem:s25+$0xFFFFFE60];
	[tilespmem:v32+s14+$0x0] =	vst.idx.msk $0xffff, v24  }
0x132: {  	v57 =	vadd.s32 v8, v29;
	v34 =	vmov s11;
	s11 =	sadd.s32 $0xB, s9;
	v24 =	vmov s10;
	s10 =	sadd.s32 $0xA, s9;
	v56 =	vld [tilespmem:s25+$0xFFFFFE80];
	[tilespmem:v40+s14+$0x0] =	vst.idx.msk $0xffff, v37  }
0x133: {  	v58 =	vadd.s32 v10, v28;
	v30 =	vmov s11;
	s11 =	sadd.s32 $0xD, s9;
	v35 =	vmov s10;
	s10 =	sadd.s32 $0xC, s9;
	v40 =	vld [tilespmem:s25+$0xFFFFFEA0];
	[tilespmem:v38+s14+$0x0] =	vst.idx.msk $0xffff, v22  }
0x134: {  	v60 =	vadd.s32 v12, v27;
	v32 =	vmov s10;
	v22 =	vmov s11;
	s10 =	sadd.s32 $0xE, s9;
	v59 =	vld [tilespmem:s25+$0xFFFFFEC0];
	[tilespmem:v42+s14+$0x0] =	vst.idx.msk $0xffff, v39  }
.Ltmp1:
0x135: {  	v31 =	vshll.u32 v23, v1;
	v23 =	vmov s10;
	v42 =	vadd.s32 v14, v25;
	[tilespmem:v52+s14+$0x0] =	vst.idx.msk $0xffff, v51;
	v37 =	vld [tilespmem:s25+$0xFFFFFEE0];
	(pc) =	sbr.rel @p0 .LBB2_5-.Ltmp1, $4  }
0x136: {  	v33 =	vshrl.u32 v44, $0x3;
	v36 =	vshrl.u32 v43, $0x3;
	v43 =	vadd.s32 v16, v41;
	[tilespmem:v55+s14+$0x0] =	vst.idx.msk $0xffff, v54;
	v38 =	vld [tilespmem:s25+$0xFFFFFF00]  }
0x137: {  	v29 =	vshrl.u32 v48, $0x3;
	v44 =	vadd.s32 v2, v45;
	v28 =	vshrl.u32 v49, $0x3;
	[tilespmem:v57+s14+$0x0] =	vst.idx.msk $0xffff, v56;
	v39 =	vld [tilespmem:s25+$0xFFFFFF20]  }
0x138: {  	v27 =	vshrl.u32 v50, $0x3;
	v45 =	vadd.s32 v4, v46;
	v25 =	vshrl.u32 v26, $0x3;
	[tilespmem:v58+s14+$0x0] =	vst.idx.msk $0xffff, v40;
	v40 =	vld [tilespmem:s25+$0xFFFFFF40]  }
0x139: {  	v46 =	vadd.s32 v6, v47;
	v24 =	vshrl.u32 v24, $0x3;
	v26 =	vshrl.u32 v53, $0x3;
	s10 =	sadd.s32 $0xF, s9;
	s9 =	sadd.s32 $0x10, s9;
	[tilespmem:v60+s14+$0x0] =	vst.idx.msk $0xffff, v59;
	v41 =	vld [tilespmem:s25+$0xFFFFFF60]  }
0x13a: {  	_ =	sdelay $0x3  }
0x13b: {  	v34 =	vshrl.u32 v34, $0x3;
	v47 =	vmov s10;
	[tilespmem:v42+s14+$0x0] =	vst.idx.msk $0xffff, v37;
	v55 =	vld [tilespmem:s25+$0xFFFFFF80];
	v56 =	vadd.s32 v8, v18  }
0x13c: {  	v57 =	vld [tilespmem:s25+$0xFFFFFFA0];
	v19 =	vadd.s32 v10, v19;
	v20 =	vadd.s32 v12, v20;
	v18 =	vshrl.u32 v47, $0x3;
	[tilespmem:v43+s14+$0x0] =	vst.idx.msk $0xffff, v38  }
0x13d: {  	v30 =	vshrl.u32 v30, $0x3;
	v58 =	vld [tilespmem:s25+$0xFFFFFFC0];
	v21 =	vadd.s32 v14, v21;
	v18 =	vshll.u32 v18, v1;
	[tilespmem:v44+s14+$0x0] =	vst.idx.msk $0xffff, v39  }
0x13e: {  	v60 =	vld [tilespmem:s25+$0xFFFFFFE0];
	v17 =	vadd.s32 v2, v17;
	v33 =	vshll.u32 v33, v1;
	v59 =	vbroadcast v18, $0x0;
	[tilespmem:v45+s14+$0x0] =	vst.idx.msk $0xffff, v40  }
0x13f: {  	v61 =	vld [tilespmem:s25+$0xFFFFFE20];
	s9 =	sadd.s32 $0x200, s25;
	v29 =	vshll.u32 v29, v1;
	v28 =	vshll.u32 v28, v1;
	v18 =	vbroadcast v31, $0x0;
	[tilespmem:v46+s14+$0x0] =	vst.idx.msk $0xffff, v41  }
0x140: {  	v23 =	vshrl.u32 v23, $0x3;
	v62 =	vld [tilespmem:s9+$0xFFFFFFF0];
	v33 =	vbroadcast v33, $0x0;
	v63 =	vadd.s32 v15, v59;
	[tilespmem:v56+s14+$0x0] =	vst.idx.msk $0xffff, v55  }
0x141: {  	v25 =	vshll.u32 v25, v1;
	v29 =	vbroadcast v29, $0x0;
	v46 =	vld [tilespmem:s9+$0xFFFFFE10];
	v47 =	vadd.s32 v0, v18;
	[tilespmem:v19+s14+$0x0] =	vst.idx.msk $0xffff, v57  }
0x142: {  	v28 =	vbroadcast v28, $0x0;
	v34 =	vshll.u32 v34, v1;
	v49 =	vadd.s32 v5, v33;
	[tilespmem:v20+s14+$0x0] =	vst.idx.msk $0xffff, v58;
	v20 =	vld [tilespmem:s9+$0xFFFFFE50]  }
0x143: {  	v34 =	vbroadcast v34, $0x0;
	v31 =	vshll.u32 v36, v1;
	v50 =	vadd.s32 v7, v29;
	[tilespmem:v21+s14+$0x0] =	vst.idx.msk $0xffff, v60;
	v21 =	vld [tilespmem:s9+$0xFFFFFE70]  }
0x144: {  	v26 =	vshll.u32 v26, v1;
	v51 =	vadd.s32 v9, v28;
	v31 =	vbroadcast v31, $0x0;
	[tilespmem:v17+s14+$0x0] =	vst.idx.msk $0xffff, v61;
	v17 =	vld [tilespmem:s9+$0xFFFFFE90]  }
0x145: {  	v25 =	vbroadcast v25, $0x0;
	v53 =	vadd.s32 v16, v59;
	v58 =	vld [tilespmem:s9+$0xFFFFFF30];
	v59 =	vadd.s32 v3, v34;
	[tilespmem:v63+s14+$0x0] =	vst.idx.msk $0xffff, v62  }
0x146: {  	v24 =	vshll.u32 v24, v1;
	v26 =	vbroadcast v26, $0x0;
	v19 =	vld [tilespmem:s9+$0xFFFFFE30];
	v48 =	vadd.s32 v3, v31;
	[tilespmem:v47+s14+$0x0] =	vst.idx.msk $0xffff, v46  }
0x147: {  	v24 =	vbroadcast v24, $0x0;
	v23 =	vshll.u32 v23, v1;
	v55 =	vadd.s32 v13, v25;
	[tilespmem:v49+s14+$0x0] =	vst.idx.msk $0xffff, v20;
	v20 =	vld [tilespmem:s9+$0xFFFFFED0]  }
0x148: {  	v27 =	vshll.u32 v27, v1;
	v23 =	vbroadcast v23, $0x0;
	v56 =	vadd.s32 v15, v26;
	[tilespmem:v50+s14+$0x0] =	vst.idx.msk $0xffff, v21;
	v21 =	vld [tilespmem:s9+$0xFFFFFEF0]  }
0x149: {  	v32 =	vshrl.u32 v32, $0x3;
	v27 =	vbroadcast v27, $0x0;
	v57 =	vadd.s32 v0, v24;
	[tilespmem:v51+s14+$0x0] =	vst.idx.msk $0xffff, v17;
	v17 =	vld [tilespmem:s9+$0xFFFFFF10]  }
0x14a: {  	v22 =	vshrl.u32 v22, $0x3;
	v30 =	vshll.u32 v30, v1;
	v45 =	vld [tilespmem:s9+$0xFFFFFFD0];
	[tilespmem:v59+s14+$0x0] =	vst.idx.msk $0xffff, v58;
	v46 =	vadd.s32 v13, v23  }
0x14b: {  	v32 =	vshll.u32 v32, v1;
	v30 =	vbroadcast v30, $0x0;
	v54 =	vadd.s32 v11, v27;
	[tilespmem:v48+s14+$0x0] =	vst.idx.msk $0xffff, v19;
	v19 =	vld [tilespmem:s9+$0xFFFFFEB0]  }
0x14c: {  	v35 =	vshrl.u32 v35, $0x3;
	v22 =	vshll.u32 v22, v1;
	v32 =	vbroadcast v32, $0x0;
	v52 =	vld [tilespmem:s9+$0x0];
	[tilespmem:v55+s14+$0x0] =	vst.idx.msk $0xffff, v20  }
0x14d: {  	v35 =	vshll.u32 v35, v1;
	v22 =	vbroadcast v22, $0x0;
	v61 =	vadd.s32 v7, v30;
	v20 =	vld [tilespmem:s9+$0xFFFFFF70];
	[tilespmem:v56+s14+$0x0] =	vst.idx.msk $0xffff, v21  }
0x14e: {  	v35 =	vbroadcast v35, $0x0;
	v62 =	vadd.s32 v9, v32;
	v21 =	vld [tilespmem:s9+$0xFFFFFF90];
	[tilespmem:v57+s14+$0x0] =	vst.idx.msk $0xffff, v17  }
0x14f: {  	v63 =	vadd.s32 v11, v22;
	v17 =	vld [tilespmem:s9+$0xFFFFFFB0];
	[tilespmem:v46+s14+$0x0] =	vst.idx.msk $0xffff, v45  }
0x150: {  	v60 =	vadd.s32 v5, v35;
	[tilespmem:v54+s14+$0x0] =	vst.idx.msk $0xffff, v19;
	v19 =	vld [tilespmem:s9+$0xFFFFFF50]  }
0x151: {  	v31 =	vadd.s32 v4, v31;
	v47 =	vld [tilespmem:s9+$0xFFFFFE40];
	[tilespmem:v53+s14+$0x0] =	vst.idx.msk $0xffff, v52  }
0x152: {  	v29 =	vadd.s32 v8, v29;
	[tilespmem:v61+s14+$0x0] =	vst.idx.msk $0xffff, v20;
	v20 =	vld [tilespmem:s9+$0xFFFFFE80]  }
0x153: {  	v28 =	vadd.s32 v10, v28;
	[tilespmem:v62+s14+$0x0] =	vst.idx.msk $0xffff, v21;
	v21 =	vld [tilespmem:s9+$0xFFFFFEA0]  }
0x154: {  	v27 =	vadd.s32 v12, v27;
	[tilespmem:v63+s14+$0x0] =	vst.idx.msk $0xffff, v17;
	v17 =	vld [tilespmem:s9+$0xFFFFFEC0]  }
0x155: {  	v33 =	vadd.s32 v6, v33;
	[tilespmem:v60+s14+$0x0] =	vst.idx.msk $0xffff, v19;
	v19 =	vld [tilespmem:s9+$0xFFFFFE60]  }
0x156: {  	v25 =	vadd.s32 v14, v25;
	[tilespmem:v31+s14+$0x0] =	vst.idx.msk $0xffff, v47;
	v31 =	vld [tilespmem:s9+$0xFFFFFEE0]  }
0x157: {  	v24 =	vadd.s32 v2, v24;
	[tilespmem:v29+s14+$0x0] =	vst.idx.msk $0xffff, v20;
	v20 =	vld [tilespmem:s9+$0xFFFFFF20]  }
0x158: {  	[tilespmem:v28+s14+$0x0] =	vst.idx.msk $0xffff, v21;
	v21 =	vld [tilespmem:s9+$0xFFFFFF40];
	v28 =	vadd.s32 v4, v34  }
0x159: {  	[tilespmem:v27+s14+$0x0] =	vst.idx.msk $0xffff, v17;
	v17 =	vld [tilespmem:s9+$0xFFFFFF60];
	v27 =	vadd.s32 v6, v35  }
0x15a: {  	v26 =	vadd.s32 v16, v26;
	[tilespmem:v33+s14+$0x0] =	vst.idx.msk $0xffff, v19;
	v19 =	vld [tilespmem:s9+$0xFFFFFF00]  }
0x15b: {  	[tilespmem:v25+s14+$0x0] =	vst.idx.msk $0xffff, v31;
	v25 =	vld [tilespmem:s9+$0xFFFFFF80];
	v29 =	vadd.s32 v8, v30  }
0x15c: {  	v22 =	vadd.s32 v12, v22;
	[tilespmem:v24+s14+$0x0] =	vst.idx.msk $0xffff, v20;
	v20 =	vld [tilespmem:s9+$0xFFFFFFC0]  }
0x15d: {  	v23 =	vadd.s32 v14, v23;
	[tilespmem:v28+s14+$0x0] =	vst.idx.msk $0xffff, v21;
	v21 =	vld [tilespmem:s9+$0xFFFFFFE0]  }
0x15e: {  	v18 =	vadd.s32 v2, v18;
	v24 =	vld [tilespmem:s9+$0xFFFFFE20];
	[tilespmem:v27+s14+$0x0] =	vst.idx.msk $0xffff, v17  }
0x15f: {  	[tilespmem:v26+s14+$0x0] =	vst.idx.msk $0xffff, v19;
	v19 =	vld [tilespmem:s9+$0xFFFFFFA0];
	v26 =	vadd.s32 v10, v32  }
0x160: {  	[tilespmem:v29+s14+$0x0] =	vst.idx.msk $0xffff, v25  }
0x161: {  	[tilespmem:v22+s14+$0x0] =	vst.idx.msk $0xffff, v20  }
0x162: {  	[tilespmem:v23+s14+$0x0] =	vst.idx.msk $0xffff, v21  }
0x163: {  	[tilespmem:v18+s14+$0x0] =	vst.idx.msk $0xffff, v24  }
0x164: {  	[tilespmem:v26+s14+$0x0] =	vst.idx.msk $0xffff, v19  }
0x165: {  	s11 =	rddreg [dreg:$0x19]  }
0x166: {  	s9 =	simm.s32 $0x0;
	s10 =	sadd.s32 s0, s11  }
0x167: {  	[hbm4b:s10+s9] =	stream.linear.scatter [tilespmem:s14], [sflag:$0x6], $0x80, $0x38;
	[tilespmem:$0xC600] =	vst v63  }
0x168: {  	s25 =	simm.s32 $0xB588;
	s11 =	sadd.s32 $0x10, s10  }
0x169: {  	[hbm4b:s11+s9] =	stream.linear.scatter [tilespmem:s25], [sflag:$0x6], $0x80, $0x38;
	[tilespmem:$0xC600] =	vst v63  }
0x16a: {  	s11 =	sadd.s32 $0x20, s10;
	s25 =	simm.s32 $0xB610  }
0x16b: {  	[hbm4b:s11+s9] =	stream.linear.scatter [tilespmem:s25], [sflag:$0x6], $0x80, $0x38;
	[tilespmem:$0xC600] =	vst v63  }
0x16c: {  	s11 =	sadd.s32 $0x30, s10;
	s25 =	simm.s32 $0xB698  }
0x16d: {  	[hbm4b:s11+s9] =	stream.linear.scatter [tilespmem:s25], [sflag:$0x6], $0x80, $0x38;
	[tilespmem:$0xC600] =	vst v63  }
0x16e: {  	s11 =	sadd.s32 $0x40, s10;
	s25 =	simm.s32 $0xB720  }
0x16f: {  	[hbm4b:s11+s9] =	stream.linear.scatter [tilespmem:s25], [sflag:$0x6], $0x80, $0x38;
	[tilespmem:$0xC600] =	vst v63  }
0x170: {  	s11 =	sadd.s32 $0x50, s10;
	s25 =	simm.s32 $0xB7A8  }
0x171: {  	[hbm4b:s11+s9] =	stream.linear.scatter [tilespmem:s25], [sflag:$0x6], $0x80, $0x38;
	[tilespmem:$0xC600] =	vst v63  }
0x172: {  	s11 =	sadd.s32 $0x60, s10;
	s25 =	simm.s32 $0xB830  }
0x173: {  	[hbm4b:s11+s9] =	stream.linear.scatter [tilespmem:s25], [sflag:$0x6], $0x80, $0x38;
	[tilespmem:$0xC600] =	vst v63  }
0x174: {  	s10 =	sadd.s32 $0x70, s10;
	s25 =	simm.s32 $0xB8B8;
	s11 =	rddreg [dreg:$0x1a]  }
0x175: {  	[hbm4b:s10+s9] =	stream.linear.scatter [tilespmem:s25], [sflag:$0x6], $0x80, $0x38;
	[tilespmem:$0xC600] =	vst v63  }
0x176: {  	s10 =	sadd.s32 s0, s11;
	s25 =	simm.s32 $0xB940  }
0x177: {  	[hbm4b:s10+s9] =	stream.linear.scatter [tilespmem:s25], [sflag:$0x6], $0x80, $0x38;
	[tilespmem:$0xC600] =	vst v63  }
0x178: {  	s11 =	sadd.s32 $0x10, s10;
	s25 =	simm.s32 $0xB9C8  }
0x179: {  	[hbm4b:s11+s9] =	stream.linear.scatter [tilespmem:s25], [sflag:$0x6], $0x80, $0x38;
	[tilespmem:$0xC600] =	vst v63  }
0x17a: {  	s11 =	sadd.s32 $0x20, s10;
	s25 =	simm.s32 $0xBA50  }
0x17b: {  	[hbm4b:s11+s9] =	stream.linear.scatter [tilespmem:s25], [sflag:$0x6], $0x80, $0x38;
	[tilespmem:$0xC600] =	vst v63  }
0x17c: {  	s11 =	sadd.s32 $0x30, s10;
	s25 =	simm.s32 $0xBAD8  }
0x17d: {  	[hbm4b:s11+s9] =	stream.linear.scatter [tilespmem:s25], [sflag:$0x6], $0x80, $0x38;
	[tilespmem:$0xC600] =	vst v63  }
0x17e: {  	s11 =	sadd.s32 $0x40, s10;
	s25 =	simm.s32 $0xBB60  }
0x17f: {  	[hbm4b:s11+s9] =	stream.linear.scatter [tilespmem:s25], [sflag:$0x6], $0x80, $0x38;
	[tilespmem:$0xC600] =	vst v63  }
0x180: {  	s11 =	sadd.s32 $0x50, s10;
	s25 =	simm.s32 $0xBBE8  }
0x181: {  	[hbm4b:s11+s9] =	stream.linear.scatter [tilespmem:s25], [sflag:$0x6], $0x80, $0x38;
	[tilespmem:$0xC600] =	vst v63  }
0x182: {  	s11 =	sadd.s32 $0x60, s10;
	s25 =	simm.s32 $0xBC70  }
0x183: {  	[hbm4b:s11+s9] =	stream.linear.scatter [tilespmem:s25], [sflag:$0x6], $0x80, $0x38;
	[tilespmem:$0xC600] =	vst v63  }
0x184: {  	s10 =	sadd.s32 $0x70, s10;
	s25 =	simm.s32 $0xBCF8;
	s11 =	rddreg [dreg:$0x1b]  }
0x185: {  	[hbm4b:s10+s9] =	stream.linear.scatter [tilespmem:s25], [sflag:$0x6], $0x80, $0x38;
	[tilespmem:$0xC600] =	vst v63  }
0x186: {  	s10 =	sadd.s32 s0, s11;
	s25 =	simm.s32 $0xBD80  }
0x187: {  	[hbm4b:s10+s9] =	stream.linear.scatter [tilespmem:s25], [sflag:$0x6], $0x80, $0x38;
	[tilespmem:$0xC600] =	vst v63  }
0x188: {  	s11 =	sadd.s32 $0x10, s10;
	s25 =	simm.s32 $0xBE08  }
0x189: {  	[hbm4b:s11+s9] =	stream.linear.scatter [tilespmem:s25], [sflag:$0x6], $0x80, $0x38;
	[tilespmem:$0xC600] =	vst v63  }
0x18a: {  	s11 =	sadd.s32 $0x20, s10;
	s25 =	simm.s32 $0xBE90  }
0x18b: {  	[hbm4b:s11+s9] =	stream.linear.scatter [tilespmem:s25], [sflag:$0x6], $0x80, $0x38;
	[tilespmem:$0xC600] =	vst v63  }
0x18c: {  	s25 =	sadd.s32 $0x30, s10  }
0x18d: {  	[hbm4b:s25+s9] =	stream.linear.scatter [tilespmem:s12], [sflag:$0x6], $0x80, $0x38;
	[tilespmem:$0xC600] =	vst v63  }
0x18e: {  	s25 =	sadd.s32 $0x40, s10  }
0x18f: {  	[hbm4b:s25+s9] =	stream.linear.scatter [tilespmem:s20], [sflag:$0x6], $0x80, $0x38;
	[tilespmem:$0xC600] =	vst v63  }
0x190: {  	s25 =	sadd.s32 $0x50, s10  }
0x191: {  	[hbm4b:s25+s9] =	stream.linear.scatter [tilespmem:s21], [sflag:$0x6], $0x80, $0x38;
	[tilespmem:$0xC600] =	vst v63  }
0x192: {  	s25 =	sadd.s32 $0x60, s10  }
0x193: {  	[hbm4b:s25+s9] =	stream.linear.scatter [tilespmem:s22], [sflag:$0x6], $0x80, $0x38;
	[tilespmem:$0xC600] =	vst v63  }
0x194: {  	s11 =	rddreg [dreg:$0x1c];
	s10 =	sadd.s32 $0x70, s10  }
0x195: {  	[hbm4b:s10+s9] =	stream.linear.scatter [tilespmem:s23], [sflag:$0x6], $0x80, $0x38;
	[tilespmem:$0xC600] =	vst v63  }
0x196: {  	s10 =	sadd.s32 s0, s11  }
0x197: {  	[hbm4b:s10+s9] =	stream.linear.scatter [tilespmem:s24], [sflag:$0x6], $0x80, $0x38;
	[tilespmem:$0xC600] =	vst v63  }
0x198: {  	s25 =	sadd.s32 $0x10, s10  }
0x199: {  	[hbm4b:s25+s9] =	stream.linear.scatter [tilespmem:s15], [sflag:$0x6], $0x80, $0x38;
	[tilespmem:$0xC600] =	vst v63  }
0x19a: {  	s25 =	sadd.s32 $0x20, s10  }
0x19b: {  	[hbm4b:s25+s9] =	stream.linear.scatter [tilespmem:s16], [sflag:$0x6], $0x80, $0x38;
	[tilespmem:$0xC600] =	vst v63  }
0x19c: {  	s25 =	sadd.s32 $0x30, s10  }
0x19d: {  	[hbm4b:s25+s9] =	stream.linear.scatter [tilespmem:s17], [sflag:$0x6], $0x80, $0x38;
	[tilespmem:$0xC600] =	vst v63  }
0x19e: {  	s25 =	sadd.s32 $0x40, s10  }
0x19f: {  	[hbm4b:s25+s9] =	stream.linear.scatter [tilespmem:s7], [sflag:$0x6], $0x80, $0x38;
	[tilespmem:$0xC600] =	vst v63  }
0x1a0: {  	s25 =	sadd.s32 $0x50, s10  }
0x1a1: {  	[hbm4b:s25+s9] =	stream.linear.scatter [tilespmem:s8], [sflag:$0x6], $0x80, $0x38;
	[tilespmem:$0xC600] =	vst v63  }
0x1a2: {  	s25 =	sadd.s32 $0x60, s10  }
0x1a3: {  	[hbm4b:s25+s9] =	stream.linear.scatter [tilespmem:s5], [sflag:$0x6], $0x80, $0x38;
	[tilespmem:$0xC600] =	vst v63  }
0x1a4: {  	s10 =	sadd.s32 $0x70, s10  }
0x1a5: {  	[hbm4b:s10+s9] =	stream.linear.scatter [tilespmem:s26], [sflag:$0x6], $0x80, $0x38;
	[tilespmem:$0xC600] =	vst v63  }
0x1a6: {  	s11 =	sadd.s32 $0x280, s6;
	s25 =	simm.s32 $0x7400  }
0x1a7: {  	[tilespmem:s25], [sflag:$0x2] =	stream.indirect.gather [hbm4b:s4+s13], $0x20, s11, s13, $0xb8;
	[tilespmem:$0xC600] =	vst v63  }
0x1a8: {  	_ =	swait.ge [sflag:s28], $0x1000  }
0x1a9: {  	v17 =	vmov s9;
	[sflag:s28] =	ssyncset.done $0x0  }
0x1aa: {  	v17 =	vshrl.u32 v17, $0x3;
	[sflag:s28] =	ssyncadd.s32 $0xFFFFF000  }
0x1ab: {  	v17 =	vshll.u32 v17, v1;
	_ =	swait.ge [sflag:s29], $0x400  }
0x1ac: {  	v17 =	vbroadcast v17, $0x0;
	s10 =	simm.s32 $0x1;
	[sflag:s29] =	ssyncset.done $0x0  }
0x1ad: {  	v18 =	vmov s10;
	s10 =	simm.s32 $0x4;
	s25 =	simm.s32 $0x3;
	[sflag:s29] =	ssyncadd.s32 $0xFFFFFC00  }
0x1ae: {  	v51 =	vadd.s32 v0, v17;
	s11 =	simm.s32 $0x2;
	v21 =	vmov s10;
	v20 =	vmov s25;
	s25 =	simm.s32 $0x6;
	_ =	swait.ge [sflag:s29], $0x400  }
0x1af: {  	s10 =	simm.s32 $0x7;
	v18 =	vshrl.u32 v18, $0x3;
	v19 =	vmov s11;
	v23 =	vmov s25;
	s25 =	simm.s32 $0x9;
	[sflag:s29] =	ssyncset.done $0x0  }
0x1b0: {  	s11 =	simm.s32 $0x5;
	v24 =	vmov s10;
	v21 =	vshrl.u32 v21, $0x3;
	v26 =	vmov s25;
	s25 =	simm.s32 $0xC;
	[sflag:s29] =	ssyncadd.s32 $0xFFFFFC00  }
0x1b1: {  	s10 =	simm.s32 $0xA;
	v18 =	vshll.u32 v18, v1;
	v22 =	vmov s11;
	v29 =	vmov s25;
	s25 =	simm.s32 $0xF;
	_ =	swait.ge [sflag:s29], $0x400  }
0x1b2: {  	v27 =	vmov s10;
	v19 =	vshrl.u32 v19, $0x3;
	v48 =	vmov s25;
	[sflag:s29] =	ssyncset.done $0x0  }
0x1b3: {  	s11 =	simm.s32 $0x8;
	v20 =	vshrl.u32 v20, $0x3;
	v24 =	vshrl.u32 v24, $0x3;
	v32 =	vshrl.u32 v48, $0x3;
	[sflag:s29] =	ssyncadd.s32 $0xFFFFFC00  }
0x1b4: {  	s10 =	simm.s32 $0xD;
	v33 =	vbroadcast v18, $0x0;
	v25 =	vmov s11;
	v32 =	vshll.u32 v32, v1;
	_ =	swait.ge [sflag:s29], $0x400  }
0x1b5: {  	v30 =	vmov s10;
	v22 =	vshrl.u32 v22, $0x3;
	v32 =	vbroadcast v32, $0x0;
	[sflag:s29] =	ssyncset.done $0x0  }
0x1b6: {  	s11 =	simm.s32 $0xB;
	v23 =	vshrl.u32 v23, $0x3;
	v27 =	vshrl.u32 v27, $0x3;
	v18 =	vshll.u32 v19, v1;
	s25 =	simm.s32 $0x85F0;
	[sflag:s29] =	ssyncadd.s32 $0xFFFFFC00  }
0x1b7: {  	v28 =	vmov s11;
	v25 =	vshrl.u32 v25, $0x3;
	v49 =	vadd.s32 v15, v32;
	v19 =	vld [tilespmem:s25+$0xFFFFFFF0]  }
0x1b8: {  	v26 =	vshrl.u32 v26, $0x3;
	v37 =	vbroadcast v18, $0x0;
	v18 =	vshll.u32 v20, v1;
	v50 =	vld [tilespmem:s25+$0xFFFFFE10]  }
0x1b9: {  	v52 =	vadd.s32 v3, v33;
	v39 =	vbroadcast v18, $0x0;
	v18 =	vshll.u32 v21, v1;
	v20 =	vld [tilespmem:s25+$0xFFFFFE30]  }
0x1ba: {  	v30 =	vshrl.u32 v30, $0x3;
	v53 =	vadd.s32 v5, v37;
	v41 =	vbroadcast v18, $0x0;
	v21 =	vld [tilespmem:s25+$0xFFFFFE50]  }
0x1bb: {  	s11 =	simm.s32 $0xE;
	v22 =	vshll.u32 v22, v1;
	v33 =	vadd.s32 v4, v33;
	v54 =	vadd.s32 v7, v39;
	v18 =	vld [tilespmem:s25+$0xFFFFFE70]  }
0x1bc: {  	v31 =	vmov s11;
	v45 =	vbroadcast v22, $0x0;
	v56 =	vadd.s32 v9, v41;
	v55 =	vld [tilespmem:s25+$0xFFFFFE90];
	[tilespmem:v49+s19+$0x0] =	vst.idx.msk $0xffff, v19  }
0x1bd: {  	v28 =	vshrl.u32 v28, $0x3;
	v29 =	vshrl.u32 v29, $0x3;
	v22 =	vshll.u32 v23, v1;
	[tilespmem:v51+s19+$0x0] =	vst.idx.msk $0xffff, v50  }
0x1be: {  	v36 =	vbroadcast v22, $0x0;
	v19 =	vshll.u32 v24, v1;
	[tilespmem:v52+s19+$0x0] =	vst.idx.msk $0xffff, v20;
	v20 =	vld [tilespmem:s25+$0xFFFFFEB0];
	v24 =	vadd.s32 v11, v45  }
0x1bf: {  	v31 =	vshrl.u32 v31, $0x3;
	v39 =	vadd.s32 v8, v39;
	v23 =	vadd.s32 v16, v32;
	[tilespmem:v53+s19+$0x0] =	vst.idx.msk $0xffff, v21;
	v22 =	vld [tilespmem:s25+$0x0]  }
0x1c0: {  	s11 =	simm.s32 $0x11;
	v21 =	vld [tilespmem:s25+$0xFFFFFED0];
	[tilespmem:v54+s19+$0x0] =	vst.idx.msk $0xffff, v18;
	v46 =	vbroadcast v19, $0x0;
	v19 =	vshll.u32 v25, v1;
	v25 =	vadd.s32 v13, v36  }
0x1c1: {  	v60 =	vmov s11;
	v18 =	vshll.u32 v27, v1;
	[tilespmem:v56+s19+$0x0] =	vst.idx.msk $0xffff, v55;
	v55 =	vadd.s32 v6, v37;
	v51 =	vld [tilespmem:s25+$0xFFFFFE40]  }
0x1c2: {  	v48 =	vbroadcast v18, $0x0;
	v54 =	vld [tilespmem:s25+$0xFFFFFE60];
	v40 =	vbroadcast v19, $0x0;
	v19 =	vshll.u32 v26, v1  }
0x1c3: {  	v18 =	vshll.u32 v28, v1;
	v26 =	vld [tilespmem:s25+$0xFFFFFEF0];
	v57 =	vadd.s32 v15, v46;
	v47 =	vbroadcast v19, $0x0;
	[tilespmem:v24+s19+$0x0] =	vst.idx.msk $0xffff, v20  }
0x1c4: {  	s11 =	simm.s32 $0x13;
	v41 =	vadd.s32 v10, v41;
	v27 =	vld [tilespmem:s25+$0xFFFFFF10];
	v18 =	vbroadcast v18, $0x0;
	v58 =	vadd.s32 v0, v40;
	[tilespmem:v23+s19+$0x0] =	vst.idx.msk $0xffff, v22  }
0x1c5: {  	v62 =	vmov s11;
	v28 =	vld [tilespmem:s25+$0xFFFFFF30];
	v19 =	vshll.u32 v29, v1;
	v59 =	vadd.s32 v3, v47;
	[tilespmem:v25+s19+$0x0] =	vst.idx.msk $0xffff, v21  }
0x1c6: {  	s11 =	simm.s32 $0x15;
	v42 =	vadd.s32 v14, v36;
	v19 =	vbroadcast v19, $0x0;
	v24 =	vld [tilespmem:s25+$0xFFFFFF70];
	v25 =	vadd.s32 v7, v18;
	[tilespmem:v33+s19+$0x0] =	vst.idx.msk $0xffff, v51  }
0x1c7: {  	v50 =	vmov s11;
	s11 =	simm.s32 $0x17;
	v20 =	vshll.u32 v30, v1;
	v22 =	vld [tilespmem:s25+$0xFFFFFF50];
	v23 =	vadd.s32 v5, v48;
	[tilespmem:v55+s19+$0x0] =	vst.idx.msk $0xffff, v54  }
0x1c8: {  	v53 =	vmov s11;
	v20 =	vbroadcast v20, $0x0;
	v30 =	vadd.s32 v9, v19;
	[tilespmem:v57+s19+$0x0] =	vst.idx.msk $0xffff, v26;
	v26 =	vld [tilespmem:s25+$0xFFFFFF90]  }
0x1c9: {  	s10 =	simm.s32 $0x10;
	v36 =	vshrl.u32 v60, $0x3;
	v21 =	vshll.u32 v31, v1;
	v56 =	vld [tilespmem:s25+$0xFFFFFEC0];
	v57 =	vadd.s32 v12, v45;
	[tilespmem:v58+s19+$0x0] =	vst.idx.msk $0xffff, v27  }
0x1ca: {  	s11 =	simm.s32 $0x19;
	v29 =	vmov s10;
	s10 =	simm.s32 $0x12;
	v21 =	vbroadcast v21, $0x0;
	v31 =	vadd.s32 v11, v20;
	v27 =	vld [tilespmem:s25+$0xFFFFFFB0];
	[tilespmem:v59+s19+$0x0] =	vst.idx.msk $0xffff, v28  }
0x1cb: {  	v34 =	vmov s11;
	v43 =	vadd.s32 v16, v46;
	v61 =	vmov s10;
	s10 =	simm.s32 $0x14;
	[tilespmem:v25+s19+$0x0] =	vst.idx.msk $0xffff, v24;
	v25 =	vld [tilespmem:s25+$0xFFFFFE80]  }
0x1cc: {  	v46 =	vadd.s32 v6, v48;
	v49 =	vmov s10;
	s10 =	simm.s32 $0x16;
	v63 =	vadd.s32 v13, v21;
	v28 =	vld [tilespmem:s25+$0xFFFFFFD0];
	[tilespmem:v23+s19+$0x0] =	vst.idx.msk $0xffff, v22  }
0x1cd: {  	v29 =	vshrl.u32 v29, $0x3;
	v44 =	vadd.s32 v2, v40;
	v52 =	vmov s10;
	s10 =	simm.s32 $0x18;
	[tilespmem:v30+s19+$0x0] =	vst.idx.msk $0xffff, v26;
	v26 =	vld [tilespmem:s25+$0xFFFFFEA0]  }
0x1ce: {  	s11 =	simm.s32 $0x1B;
	v33 =	vshrl.u32 v61, $0x3;
	v37 =	vld [tilespmem:s25+$0xFFFFFEE0];
	v45 =	vadd.s32 v4, v47;
	v24 =	vmov s10;
	s10 =	simm.s32 $0x1A;
	[tilespmem:v57+s19+$0x0] =	vst.idx.msk $0xffff, v56  }
0x1cf: {  	v38 =	vld [tilespmem:s25+$0xFFFFFF00];
	v35 =	vmov s10;
	s10 =	simm.s32 $0x1C;
	v24 =	vshrl.u32 v24, $0x3;
	v30 =	vmov s11;
	s11 =	simm.s32 $0x1D;
	[tilespmem:v31+s19+$0x0] =	vst.idx.msk $0xffff, v27  }
0x1d0: {  	v32 =	vmov s10;
	v22 =	vmov s11;
	s11 =	simm.s32 $0x1E;
	v31 =	vshll.u32 v29, v1;
	[tilespmem:v39+s19+$0x0] =	vst.idx.msk $0xffff, v25;
	v39 =	vld [tilespmem:s25+$0xFFFFFF20]  }
0x1d1: {  	v40 =	vld [tilespmem:s25+$0xFFFFFF40];
	v29 =	vshrl.u32 v62, $0x3;
	v27 =	vshrl.u32 v50, $0x3;
	[tilespmem:v63+s19+$0x0] =	vst.idx.msk $0xffff, v28;
	v23 =	vmov s11  }
0x1d2: {  	s9 =	simm.s32 $0x20;
	s10 =	simm.s32 $0x1F;
	v28 =	vshrl.u32 v49, $0x3;
	v25 =	vshrl.u32 v52, $0x3;
	[tilespmem:v41+s19+$0x0] =	vst.idx.msk $0xffff, v26;
	v26 =	vshrl.u32 v53, $0x3;
	v41 =	vld [tilespmem:s25+$0xFFFFFF60]  }
.LBB2_7:
0x1d3: {  	p0 =	slt.u32 s9, $0x70;
	v34 =	vshrl.u32 v34, $0x3;
	v47 =	vmov s10;
	[tilespmem:v42+s19+$0x0] =	vst.idx.msk $0xffff, v37;
	v37 =	vld [tilespmem:s25+$0xFFFFFF80];
	v18 =	vadd.s32 v8, v18  }
0x1d4: {  	v35 =	vshrl.u32 v35, $0x3;
	v19 =	vadd.s32 v10, v19;
	v42 =	vshrl.u32 v47, $0x3;
	[tilespmem:v43+s19+$0x0] =	vst.idx.msk $0xffff, v38;
	v38 =	vld [tilespmem:s25+$0xFFFFFFA0]  }
0x1d5: {  	v30 =	vshrl.u32 v30, $0x3;
	v20 =	vadd.s32 v12, v20;
	v42 =	vshll.u32 v42, v1;
	[tilespmem:v44+s19+$0x0] =	vst.idx.msk $0xffff, v39;
	v39 =	vld [tilespmem:s25+$0xFFFFFFC0]  }
0x1d6: {  	v32 =	vshrl.u32 v32, $0x3;
	v21 =	vadd.s32 v14, v21;
	v42 =	vbroadcast v42, $0x0;
	[tilespmem:v45+s19+$0x0] =	vst.idx.msk $0xffff, v40;
	v40 =	vld [tilespmem:s25+$0xFFFFFFE0]  }
0x1d7: {  	v36 =	vshll.u32 v36, v1;
	v44 =	vadd.s32 v2, v17;
	v17 =	vbroadcast v31, $0x0;
	v43 =	vld [tilespmem:s25+$0xFFFFFE20];
	[tilespmem:v46+s19+$0x0] =	vst.idx.msk $0xffff, v41;
	s25 =	sadd.s32 $0x200, s25  }
0x1d8: {  	v33 =	vshll.u32 v33, v1;
	v31 =	vbroadcast v36, $0x0;
	v36 =	vld [tilespmem:s25+$0xFFFFFFF0];
	v41 =	vadd.s32 v15, v42;
	[tilespmem:v18+s19+$0x0] =	vst.idx.msk $0xffff, v37  }
0x1d9: {  	v29 =	vshll.u32 v29, v1;
	v33 =	vbroadcast v33, $0x0;
	v37 =	vadd.s32 v0, v17;
	v18 =	vld [tilespmem:s25+$0xFFFFFE10];
	[tilespmem:v19+s19+$0x0] =	vst.idx.msk $0xffff, v38  }
0x1da: {  	v28 =	vshll.u32 v28, v1;
	v29 =	vbroadcast v29, $0x0;
	v38 =	vadd.s32 v3, v31;
	v19 =	vld [tilespmem:s25+$0xFFFFFE30];
	[tilespmem:v20+s19+$0x0] =	vst.idx.msk $0xffff, v39  }
0x1db: {  	v22 =	vshrl.u32 v22, $0x3;
	v28 =	vbroadcast v28, $0x0;
	v39 =	vadd.s32 v5, v33;
	v20 =	vld [tilespmem:s25+$0xFFFFFE50];
	[tilespmem:v21+s19+$0x0] =	vst.idx.msk $0xffff, v40  }
0x1dc: {  	v27 =	vshll.u32 v27, v1;
	v23 =	vshrl.u32 v23, $0x3;
	v40 =	vadd.s32 v7, v29;
	v21 =	vld [tilespmem:s25+$0xFFFFFE70];
	[tilespmem:v44+s19+$0x0] =	vst.idx.msk $0xffff, v43  }
0x1dd: {  	v25 =	vshll.u32 v25, v1;
	v27 =	vbroadcast v27, $0x0;
	v44 =	vadd.s32 v9, v28;
	v43 =	vld [tilespmem:s25+$0xFFFFFE90];
	[tilespmem:v41+s19+$0x0] =	vst.idx.msk $0xffff, v36  }
0x1de: {  	v25 =	vbroadcast v25, $0x0;
	v36 =	vadd.s32 v16, v42;
	[tilespmem:v37+s19+$0x0] =	vst.idx.msk $0xffff, v18;
	v18 =	vshll.u32 v26, v1;
	v26 =	vld [tilespmem:s25+$0x0]  }
0x1df: {  	v37 =	vadd.s32 v11, v27;
	[tilespmem:v38+s19+$0x0] =	vst.idx.msk $0xffff, v19;
	v19 =	vld [tilespmem:s25+$0xFFFFFEB0];
	v41 =	vbroadcast v18, $0x0;
	v18 =	vshll.u32 v24, v1  }
0x1e0: {  	v24 =	vadd.s32 v13, v25;
	[tilespmem:v39+s19+$0x0] =	vst.idx.msk $0xffff, v20;
	v20 =	vld [tilespmem:s25+$0xFFFFFED0];
	v45 =	vbroadcast v18, $0x0;
	v18 =	vshll.u32 v34, v1  }
0x1e1: {  	[tilespmem:v40+s19+$0x0] =	vst.idx.msk $0xffff, v21;
	v21 =	vld [tilespmem:s25+$0xFFFFFEF0];
	v34 =	vadd.s32 v15, v41;
	v46 =	vbroadcast v18, $0x0;
	v18 =	vshll.u32 v35, v1  }
0x1e2: {  	[tilespmem:v44+s19+$0x0] =	vst.idx.msk $0xffff, v43;
	v35 =	vld [tilespmem:s25+$0xFFFFFF10];
	v38 =	vadd.s32 v0, v45;
	v47 =	vbroadcast v18, $0x0;
	v18 =	vshll.u32 v30, v1  }
0x1e3: {  	v32 =	vshll.u32 v32, v1;
	v30 =	vld [tilespmem:s25+$0xFFFFFF30];
	v39 =	vadd.s32 v3, v46;
	v18 =	vbroadcast v18, $0x0;
	[tilespmem:v36+s19+$0x0] =	vst.idx.msk $0xffff, v26  }
0x1e4: {  	v22 =	vshll.u32 v22, v1;
	[tilespmem:v37+s19+$0x0] =	vst.idx.msk $0xffff, v19;
	v26 =	vld [tilespmem:s25+$0xFFFFFF50];
	v36 =	vadd.s32 v5, v47;
	v19 =	vbroadcast v32, $0x0  }
0x1e5: {  	[tilespmem:v24+s19+$0x0] =	vst.idx.msk $0xffff, v20;
	v24 =	vld [tilespmem:s25+$0xFFFFFF70];
	v32 =	vadd.s32 v7, v18;
	v20 =	vbroadcast v22, $0x0;
	v22 =	vshll.u32 v23, v1  }
0x1e6: {  	s10 =	sadd.s32 $0x1, s9;
	v23 =	vmov s9;
	[tilespmem:v34+s19+$0x0] =	vst.idx.msk $0xffff, v21;
	v37 =	vld [tilespmem:s25+$0xFFFFFF90];
	v40 =	vadd.s32 v9, v19;
	v21 =	vbroadcast v22, $0x0  }
0x1e7: {  	s11 =	sadd.s32 $0x3, s9;
	v43 =	vmov s10;
	s10 =	sadd.s32 $0x2, s9;
	v23 =	vshrl.u32 v23, $0x3;
	[tilespmem:v38+s19+$0x0] =	vst.idx.msk $0xffff, v35;
	v22 =	vld [tilespmem:s25+$0xFFFFFFB0];
	v38 =	vadd.s32 v11, v20  }
0x1e8: {  	v48 =	vmov s11;
	s11 =	sadd.s32 $0x5, s9;
	v44 =	vmov s10;
	s10 =	sadd.s32 $0x4, s9;
	[tilespmem:v39+s19+$0x0] =	vst.idx.msk $0xffff, v30;
	v39 =	vld [tilespmem:s25+$0xFFFFFFD0];
	v42 =	vadd.s32 v13, v21  }
0x1e9: {  	v50 =	vmov s11;
	s11 =	sadd.s32 $0x7, s9;
	v52 =	vadd.s32 v4, v31;
	v49 =	vmov s10;
	s10 =	sadd.s32 $0x6, s9;
	v51 =	vld [tilespmem:s25+$0xFFFFFE40];
	[tilespmem:v36+s19+$0x0] =	vst.idx.msk $0xffff, v26  }
0x1ea: {  	v53 =	vmov s11;
	s11 =	sadd.s32 $0x9, s9;
	v55 =	vadd.s32 v6, v33;
	v26 =	vmov s10;
	s10 =	sadd.s32 $0x8, s9;
	v54 =	vld [tilespmem:s25+$0xFFFFFE60];
	[tilespmem:v32+s19+$0x0] =	vst.idx.msk $0xffff, v24  }
0x1eb: {  	v57 =	vadd.s32 v8, v29;
	v34 =	vmov s11;
	s11 =	sadd.s32 $0xB, s9;
	v24 =	vmov s10;
	s10 =	sadd.s32 $0xA, s9;
	v56 =	vld [tilespmem:s25+$0xFFFFFE80];
	[tilespmem:v40+s19+$0x0] =	vst.idx.msk $0xffff, v37  }
0x1ec: {  	v58 =	vadd.s32 v10, v28;
	v30 =	vmov s11;
	s11 =	sadd.s32 $0xD, s9;
	v35 =	vmov s10;
	s10 =	sadd.s32 $0xC, s9;
	v40 =	vld [tilespmem:s25+$0xFFFFFEA0];
	[tilespmem:v38+s19+$0x0] =	vst.idx.msk $0xffff, v22  }
0x1ed: {  	v60 =	vadd.s32 v12, v27;
	v32 =	vmov s10;
	v22 =	vmov s11;
	s10 =	sadd.s32 $0xE, s9;
	v59 =	vld [tilespmem:s25+$0xFFFFFEC0];
	[tilespmem:v42+s19+$0x0] =	vst.idx.msk $0xffff, v39  }
.Ltmp2:
0x1ee: {  	v31 =	vshll.u32 v23, v1;
	v23 =	vmov s10;
	v42 =	vadd.s32 v14, v25;
	[tilespmem:v52+s19+$0x0] =	vst.idx.msk $0xffff, v51;
	v37 =	vld [tilespmem:s25+$0xFFFFFEE0];
	(pc) =	sbr.rel @p0 .LBB2_7-.Ltmp2, $4  }
0x1ef: {  	v33 =	vshrl.u32 v44, $0x3;
	v36 =	vshrl.u32 v43, $0x3;
	v43 =	vadd.s32 v16, v41;
	[tilespmem:v55+s19+$0x0] =	vst.idx.msk $0xffff, v54;
	v38 =	vld [tilespmem:s25+$0xFFFFFF00]  }
0x1f0: {  	v29 =	vshrl.u32 v48, $0x3;
	v44 =	vadd.s32 v2, v45;
	v28 =	vshrl.u32 v49, $0x3;
	[tilespmem:v57+s19+$0x0] =	vst.idx.msk $0xffff, v56;
	v39 =	vld [tilespmem:s25+$0xFFFFFF20]  }
0x1f1: {  	v27 =	vshrl.u32 v50, $0x3;
	v45 =	vadd.s32 v4, v46;
	v25 =	vshrl.u32 v26, $0x3;
	[tilespmem:v58+s19+$0x0] =	vst.idx.msk $0xffff, v40;
	v40 =	vld [tilespmem:s25+$0xFFFFFF40]  }
0x1f2: {  	v46 =	vadd.s32 v6, v47;
	v24 =	vshrl.u32 v24, $0x3;
	v26 =	vshrl.u32 v53, $0x3;
	s10 =	sadd.s32 $0xF, s9;
	s9 =	sadd.s32 $0x10, s9;
	[tilespmem:v60+s19+$0x0] =	vst.idx.msk $0xffff, v59;
	v41 =	vld [tilespmem:s25+$0xFFFFFF60]  }
0x1f3: {  	_ =	sdelay $0x3  }
0x1f4: {  	v34 =	vshrl.u32 v34, $0x3;
	v47 =	vmov s10;
	[tilespmem:v42+s19+$0x0] =	vst.idx.msk $0xffff, v37;
	v55 =	vld [tilespmem:s25+$0xFFFFFF80];
	v56 =	vadd.s32 v8, v18  }
0x1f5: {  	v57 =	vld [tilespmem:s25+$0xFFFFFFA0];
	v19 =	vadd.s32 v10, v19;
	v20 =	vadd.s32 v12, v20;
	v18 =	vshrl.u32 v47, $0x3;
	[tilespmem:v43+s19+$0x0] =	vst.idx.msk $0xffff, v38  }
0x1f6: {  	v30 =	vshrl.u32 v30, $0x3;
	v58 =	vld [tilespmem:s25+$0xFFFFFFC0];
	v21 =	vadd.s32 v14, v21;
	v18 =	vshll.u32 v18, v1;
	[tilespmem:v44+s19+$0x0] =	vst.idx.msk $0xffff, v39  }
0x1f7: {  	v60 =	vld [tilespmem:s25+$0xFFFFFFE0];
	v17 =	vadd.s32 v2, v17;
	v33 =	vshll.u32 v33, v1;
	v59 =	vbroadcast v18, $0x0;
	[tilespmem:v45+s19+$0x0] =	vst.idx.msk $0xffff, v40  }
0x1f8: {  	v61 =	vld [tilespmem:s25+$0xFFFFFE20];
	s9 =	sadd.s32 $0x200, s25;
	v29 =	vshll.u32 v29, v1;
	v28 =	vshll.u32 v28, v1;
	v18 =	vbroadcast v31, $0x0;
	[tilespmem:v46+s19+$0x0] =	vst.idx.msk $0xffff, v41  }
0x1f9: {  	v23 =	vshrl.u32 v23, $0x3;
	v62 =	vld [tilespmem:s9+$0xFFFFFFF0];
	v33 =	vbroadcast v33, $0x0;
	v63 =	vadd.s32 v15, v59;
	[tilespmem:v56+s19+$0x0] =	vst.idx.msk $0xffff, v55  }
0x1fa: {  	v25 =	vshll.u32 v25, v1;
	v29 =	vbroadcast v29, $0x0;
	v46 =	vld [tilespmem:s9+$0xFFFFFE10];
	v47 =	vadd.s32 v0, v18;
	[tilespmem:v19+s19+$0x0] =	vst.idx.msk $0xffff, v57  }
0x1fb: {  	v28 =	vbroadcast v28, $0x0;
	v34 =	vshll.u32 v34, v1;
	v49 =	vadd.s32 v5, v33;
	[tilespmem:v20+s19+$0x0] =	vst.idx.msk $0xffff, v58;
	v20 =	vld [tilespmem:s9+$0xFFFFFE50]  }
0x1fc: {  	v34 =	vbroadcast v34, $0x0;
	v31 =	vshll.u32 v36, v1;
	v50 =	vadd.s32 v7, v29;
	[tilespmem:v21+s19+$0x0] =	vst.idx.msk $0xffff, v60;
	v21 =	vld [tilespmem:s9+$0xFFFFFE70]  }
0x1fd: {  	v26 =	vshll.u32 v26, v1;
	v51 =	vadd.s32 v9, v28;
	v31 =	vbroadcast v31, $0x0;
	[tilespmem:v17+s19+$0x0] =	vst.idx.msk $0xffff, v61;
	v17 =	vld [tilespmem:s9+$0xFFFFFE90]  }
0x1fe: {  	v25 =	vbroadcast v25, $0x0;
	v53 =	vadd.s32 v16, v59;
	v58 =	vld [tilespmem:s9+$0xFFFFFF30];
	v59 =	vadd.s32 v3, v34;
	[tilespmem:v63+s19+$0x0] =	vst.idx.msk $0xffff, v62  }
0x1ff: {  	v24 =	vshll.u32 v24, v1;
	v26 =	vbroadcast v26, $0x0;
	v19 =	vld [tilespmem:s9+$0xFFFFFE30];
	v48 =	vadd.s32 v3, v31;
	[tilespmem:v47+s19+$0x0] =	vst.idx.msk $0xffff, v46  }
0x200: {  	v24 =	vbroadcast v24, $0x0;
	v23 =	vshll.u32 v23, v1;
	v55 =	vadd.s32 v13, v25;
	[tilespmem:v49+s19+$0x0] =	vst.idx.msk $0xffff, v20;
	v20 =	vld [tilespmem:s9+$0xFFFFFED0]  }
0x201: {  	v27 =	vshll.u32 v27, v1;
	v23 =	vbroadcast v23, $0x0;
	v56 =	vadd.s32 v15, v26;
	[tilespmem:v50+s19+$0x0] =	vst.idx.msk $0xffff, v21;
	v21 =	vld [tilespmem:s9+$0xFFFFFEF0]  }
0x202: {  	v32 =	vshrl.u32 v32, $0x3;
	v27 =	vbroadcast v27, $0x0;
	v57 =	vadd.s32 v0, v24;
	[tilespmem:v51+s19+$0x0] =	vst.idx.msk $0xffff, v17;
	v17 =	vld [tilespmem:s9+$0xFFFFFF10]  }
0x203: {  	v22 =	vshrl.u32 v22, $0x3;
	v30 =	vshll.u32 v30, v1;
	v45 =	vld [tilespmem:s9+$0xFFFFFFD0];
	[tilespmem:v59+s19+$0x0] =	vst.idx.msk $0xffff, v58;
	v46 =	vadd.s32 v13, v23  }
0x204: {  	v32 =	vshll.u32 v32, v1;
	v30 =	vbroadcast v30, $0x0;
	v54 =	vadd.s32 v11, v27;
	[tilespmem:v48+s19+$0x0] =	vst.idx.msk $0xffff, v19;
	v19 =	vld [tilespmem:s9+$0xFFFFFEB0]  }
0x205: {  	v35 =	vshrl.u32 v35, $0x3;
	v22 =	vshll.u32 v22, v1;
	v32 =	vbroadcast v32, $0x0;
	v52 =	vld [tilespmem:s9+$0x0];
	[tilespmem:v55+s19+$0x0] =	vst.idx.msk $0xffff, v20  }
0x206: {  	v35 =	vshll.u32 v35, v1;
	v22 =	vbroadcast v22, $0x0;
	v61 =	vadd.s32 v7, v30;
	v20 =	vld [tilespmem:s9+$0xFFFFFF70];
	[tilespmem:v56+s19+$0x0] =	vst.idx.msk $0xffff, v21  }
0x207: {  	v35 =	vbroadcast v35, $0x0;
	v62 =	vadd.s32 v9, v32;
	v21 =	vld [tilespmem:s9+$0xFFFFFF90];
	[tilespmem:v57+s19+$0x0] =	vst.idx.msk $0xffff, v17  }
0x208: {  	v63 =	vadd.s32 v11, v22;
	v17 =	vld [tilespmem:s9+$0xFFFFFFB0];
	[tilespmem:v46+s19+$0x0] =	vst.idx.msk $0xffff, v45  }
0x209: {  	v60 =	vadd.s32 v5, v35;
	[tilespmem:v54+s19+$0x0] =	vst.idx.msk $0xffff, v19;
	v19 =	vld [tilespmem:s9+$0xFFFFFF50]  }
0x20a: {  	v31 =	vadd.s32 v4, v31;
	v47 =	vld [tilespmem:s9+$0xFFFFFE40];
	[tilespmem:v53+s19+$0x0] =	vst.idx.msk $0xffff, v52  }
0x20b: {  	v29 =	vadd.s32 v8, v29;
	[tilespmem:v61+s19+$0x0] =	vst.idx.msk $0xffff, v20;
	v20 =	vld [tilespmem:s9+$0xFFFFFE80]  }
0x20c: {  	v28 =	vadd.s32 v10, v28;
	[tilespmem:v62+s19+$0x0] =	vst.idx.msk $0xffff, v21;
	v21 =	vld [tilespmem:s9+$0xFFFFFEA0]  }
0x20d: {  	v27 =	vadd.s32 v12, v27;
	[tilespmem:v63+s19+$0x0] =	vst.idx.msk $0xffff, v17;
	v17 =	vld [tilespmem:s9+$0xFFFFFEC0]  }
0x20e: {  	v33 =	vadd.s32 v6, v33;
	[tilespmem:v60+s19+$0x0] =	vst.idx.msk $0xffff, v19;
	v19 =	vld [tilespmem:s9+$0xFFFFFE60]  }
0x20f: {  	v25 =	vadd.s32 v14, v25;
	[tilespmem:v31+s19+$0x0] =	vst.idx.msk $0xffff, v47;
	v31 =	vld [tilespmem:s9+$0xFFFFFEE0]  }
0x210: {  	v24 =	vadd.s32 v2, v24;
	[tilespmem:v29+s19+$0x0] =	vst.idx.msk $0xffff, v20;
	v20 =	vld [tilespmem:s9+$0xFFFFFF20]  }
0x211: {  	[tilespmem:v28+s19+$0x0] =	vst.idx.msk $0xffff, v21;
	v21 =	vld [tilespmem:s9+$0xFFFFFF40];
	v28 =	vadd.s32 v4, v34  }
0x212: {  	[tilespmem:v27+s19+$0x0] =	vst.idx.msk $0xffff, v17;
	v17 =	vld [tilespmem:s9+$0xFFFFFF60];
	v27 =	vadd.s32 v6, v35  }
0x213: {  	v26 =	vadd.s32 v16, v26;
	[tilespmem:v33+s19+$0x0] =	vst.idx.msk $0xffff, v19;
	v19 =	vld [tilespmem:s9+$0xFFFFFF00]  }
0x214: {  	[tilespmem:v25+s19+$0x0] =	vst.idx.msk $0xffff, v31;
	v25 =	vld [tilespmem:s9+$0xFFFFFF80];
	v29 =	vadd.s32 v8, v30  }
0x215: {  	v22 =	vadd.s32 v12, v22;
	[tilespmem:v24+s19+$0x0] =	vst.idx.msk $0xffff, v20;
	v20 =	vld [tilespmem:s9+$0xFFFFFFC0]  }
0x216: {  	v23 =	vadd.s32 v14, v23;
	[tilespmem:v28+s19+$0x0] =	vst.idx.msk $0xffff, v21;
	v21 =	vld [tilespmem:s9+$0xFFFFFFE0]  }
0x217: {  	v18 =	vadd.s32 v2, v18;
	v24 =	vld [tilespmem:s9+$0xFFFFFE20];
	[tilespmem:v27+s19+$0x0] =	vst.idx.msk $0xffff, v17  }
0x218: {  	[tilespmem:v26+s19+$0x0] =	vst.idx.msk $0xffff, v19;
	v19 =	vld [tilespmem:s9+$0xFFFFFFA0];
	v26 =	vadd.s32 v10, v32  }
0x219: {  	[tilespmem:v29+s19+$0x0] =	vst.idx.msk $0xffff, v25  }
0x21a: {  	[tilespmem:v22+s19+$0x0] =	vst.idx.msk $0xffff, v20  }
0x21b: {  	[tilespmem:v23+s19+$0x0] =	vst.idx.msk $0xffff, v21  }
0x21c: {  	[tilespmem:v18+s19+$0x0] =	vst.idx.msk $0xffff, v24  }
0x21d: {  	[tilespmem:v26+s19+$0x0] =	vst.idx.msk $0xffff, v19  }
0x21e: {  	s11 =	rddreg [dreg:$0x1d]  }
0x21f: {  	s9 =	simm.s32 $0x0;
	s10 =	sadd.s32 s0, s11  }
0x220: {  	[hbm4b:s10+s9] =	stream.linear.scatter [tilespmem:s19], [sflag:$0x5], $0x80, $0x38;
	[tilespmem:$0xC600] =	vst v63  }
0x221: {  	s25 =	simm.s32 $0xA488;
	s11 =	sadd.s32 $0x10, s10  }
0x222: {  	[hbm4b:s11+s9] =	stream.linear.scatter [tilespmem:s25], [sflag:$0x5], $0x80, $0x38;
	[tilespmem:$0xC600] =	vst v63  }
0x223: {  	s11 =	sadd.s32 $0x20, s10;
	s25 =	simm.s32 $0xA510  }
0x224: {  	[hbm4b:s11+s9] =	stream.linear.scatter [tilespmem:s25], [sflag:$0x5], $0x80, $0x38;
	[tilespmem:$0xC600] =	vst v63  }
0x225: {  	s11 =	sadd.s32 $0x30, s10;
	s25 =	simm.s32 $0xA598  }
0x226: {  	[hbm4b:s11+s9] =	stream.linear.scatter [tilespmem:s25], [sflag:$0x5], $0x80, $0x38;
	[tilespmem:$0xC600] =	vst v63  }
0x227: {  	s11 =	sadd.s32 $0x40, s10;
	s25 =	simm.s32 $0xA620  }
0x228: {  	[hbm4b:s11+s9] =	stream.linear.scatter [tilespmem:s25], [sflag:$0x5], $0x80, $0x38;
	[tilespmem:$0xC600] =	vst v63  }
0x229: {  	s11 =	sadd.s32 $0x50, s10;
	s25 =	simm.s32 $0xA6A8  }
0x22a: {  	[hbm4b:s11+s9] =	stream.linear.scatter [tilespmem:s25], [sflag:$0x5], $0x80, $0x38;
	[tilespmem:$0xC600] =	vst v63  }
0x22b: {  	s11 =	sadd.s32 $0x60, s10;
	s25 =	simm.s32 $0xA730  }
0x22c: {  	[hbm4b:s11+s9] =	stream.linear.scatter [tilespmem:s25], [sflag:$0x5], $0x80, $0x38;
	[tilespmem:$0xC600] =	vst v63  }
0x22d: {  	s10 =	sadd.s32 $0x70, s10;
	s25 =	simm.s32 $0xA7B8;
	s11 =	rddreg [dreg:$0x1e]  }
0x22e: {  	[hbm4b:s10+s9] =	stream.linear.scatter [tilespmem:s25], [sflag:$0x5], $0x80, $0x38;
	[tilespmem:$0xC600] =	vst v63  }
0x22f: {  	s10 =	sadd.s32 s0, s11;
	s25 =	simm.s32 $0xA840  }
0x230: {  	[hbm4b:s10+s9] =	stream.linear.scatter [tilespmem:s25], [sflag:$0x5], $0x80, $0x38;
	[tilespmem:$0xC600] =	vst v63  }
0x231: {  	s11 =	sadd.s32 $0x10, s10;
	s25 =	simm.s32 $0xA8C8  }
0x232: {  	[hbm4b:s11+s9] =	stream.linear.scatter [tilespmem:s25], [sflag:$0x5], $0x80, $0x38;
	[tilespmem:$0xC600] =	vst v63  }
0x233: {  	s11 =	sadd.s32 $0x20, s10;
	s25 =	simm.s32 $0xA950  }
0x234: {  	[hbm4b:s11+s9] =	stream.linear.scatter [tilespmem:s25], [sflag:$0x5], $0x80, $0x38;
	[tilespmem:$0xC600] =	vst v63  }
0x235: {  	s11 =	sadd.s32 $0x30, s10;
	s25 =	simm.s32 $0xA9D8  }
0x236: {  	[hbm4b:s11+s9] =	stream.linear.scatter [tilespmem:s25], [sflag:$0x5], $0x80, $0x38;
	[tilespmem:$0xC600] =	vst v63  }
0x237: {  	s11 =	sadd.s32 $0x40, s10;
	s25 =	simm.s32 $0xAA60  }
0x238: {  	[hbm4b:s11+s9] =	stream.linear.scatter [tilespmem:s25], [sflag:$0x5], $0x80, $0x38;
	[tilespmem:$0xC600] =	vst v63  }
0x239: {  	s11 =	sadd.s32 $0x50, s10;
	s25 =	simm.s32 $0xAAE8  }
0x23a: {  	[hbm4b:s11+s9] =	stream.linear.scatter [tilespmem:s25], [sflag:$0x5], $0x80, $0x38;
	[tilespmem:$0xC600] =	vst v63  }
0x23b: {  	s11 =	sadd.s32 $0x60, s10;
	s25 =	simm.s32 $0xAB70  }
0x23c: {  	[hbm4b:s11+s9] =	stream.linear.scatter [tilespmem:s25], [sflag:$0x5], $0x80, $0x38;
	[tilespmem:$0xC600] =	vst v63  }
0x23d: {  	s10 =	sadd.s32 $0x70, s10;
	s25 =	simm.s32 $0xABF8;
	s11 =	rddreg [dreg:$0x1f]  }
0x23e: {  	[hbm4b:s10+s9] =	stream.linear.scatter [tilespmem:s25], [sflag:$0x5], $0x80, $0x38;
	[tilespmem:$0xC600] =	vst v63  }
0x23f: {  	s10 =	sadd.s32 s0, s11;
	s25 =	simm.s32 $0xAC80  }
0x240: {  	[hbm4b:s10+s9] =	stream.linear.scatter [tilespmem:s25], [sflag:$0x5], $0x80, $0x38;
	[tilespmem:$0xC600] =	vst v63  }
0x241: {  	s11 =	sadd.s32 $0x10, s10;
	s25 =	simm.s32 $0xAD08  }
0x242: {  	[hbm4b:s11+s9] =	stream.linear.scatter [tilespmem:s25], [sflag:$0x5], $0x80, $0x38;
	[tilespmem:$0xC600] =	vst v63  }
0x243: {  	s11 =	sadd.s32 $0x20, s10;
	s25 =	simm.s32 $0xAD90  }
0x244: {  	[hbm4b:s11+s9] =	stream.linear.scatter [tilespmem:s25], [sflag:$0x5], $0x80, $0x38;
	[tilespmem:$0xC600] =	vst v63  }
0x245: {  	s11 =	sadd.s32 $0x30, s10;
	s25 =	simm.s32 $0xAE18  }
0x246: {  	[hbm4b:s11+s9] =	stream.linear.scatter [tilespmem:s25], [sflag:$0x5], $0x80, $0x38;
	[tilespmem:$0xC600] =	vst v63  }
0x247: {  	s11 =	sadd.s32 $0x40, s10;
	s25 =	simm.s32 $0xAEA0  }
0x248: {  	[hbm4b:s11+s9] =	stream.linear.scatter [tilespmem:s25], [sflag:$0x5], $0x80, $0x38;
	[tilespmem:$0xC600] =	vst v63  }
0x249: {  	s11 =	sadd.s32 $0x50, s10;
	s25 =	simm.s32 $0xAF28  }
0x24a: {  	[hbm4b:s11+s9] =	stream.linear.scatter [tilespmem:s25], [sflag:$0x5], $0x80, $0x38;
	[tilespmem:$0xC600] =	vst v63  }
0x24b: {  	s11 =	sadd.s32 $0x60, s10;
	s25 =	simm.s32 $0xAFB0  }
0x24c: {  	[hbm4b:s11+s9] =	stream.linear.scatter [tilespmem:s25], [sflag:$0x5], $0x80, $0x38;
	[tilespmem:$0xC600] =	vst v63  }
0x24d: {  	s11 =	sld [smem:$0x7F9]  }
0x24e: {  	s10 =	sadd.s32 $0x70, s10;
	s25 =	simm.s32 $0xB038  }
0x24f: {  	[hbm4b:s10+s9] =	stream.linear.scatter [tilespmem:s25], [sflag:$0x5], $0x80, $0x38;
	[tilespmem:$0xC600] =	vst v63  }
0x250: {  	s25 =	simm.s32 $0xB0C0;
	s10 =	sadd.s32 s0, s11  }
0x251: {  	[hbm4b:s10+s9] =	stream.linear.scatter [tilespmem:s25], [sflag:$0x5], $0x80, $0x38;
	[tilespmem:$0xC600] =	vst v63  }
0x252: {  	s11 =	sadd.s32 $0x10, s10;
	s25 =	simm.s32 $0xB148  }
0x253: {  	[hbm4b:s11+s9] =	stream.linear.scatter [tilespmem:s25], [sflag:$0x5], $0x80, $0x38;
	[tilespmem:$0xC600] =	vst v63  }
0x254: {  	s11 =	sadd.s32 $0x20, s10;
	s25 =	simm.s32 $0xB1D0  }
0x255: {  	[hbm4b:s11+s9] =	stream.linear.scatter [tilespmem:s25], [sflag:$0x5], $0x80, $0x38;
	[tilespmem:$0xC600] =	vst v63  }
0x256: {  	s11 =	sadd.s32 $0x30, s10;
	s25 =	simm.s32 $0xB258  }
0x257: {  	[hbm4b:s11+s9] =	stream.linear.scatter [tilespmem:s25], [sflag:$0x5], $0x80, $0x38;
	[tilespmem:$0xC600] =	vst v63  }
0x258: {  	s11 =	sadd.s32 $0x40, s10;
	s25 =	simm.s32 $0xB2E0  }
0x259: {  	[hbm4b:s11+s9] =	stream.linear.scatter [tilespmem:s25], [sflag:$0x5], $0x80, $0x38;
	[tilespmem:$0xC600] =	vst v63  }
0x25a: {  	s11 =	sadd.s32 $0x50, s10;
	s25 =	simm.s32 $0xB368  }
0x25b: {  	[hbm4b:s11+s9] =	stream.linear.scatter [tilespmem:s25], [sflag:$0x5], $0x80, $0x38;
	[tilespmem:$0xC600] =	vst v63  }
0x25c: {  	s11 =	sadd.s32 $0x60, s10;
	s25 =	simm.s32 $0xB3F0  }
0x25d: {  	[hbm4b:s11+s9] =	stream.linear.scatter [tilespmem:s25], [sflag:$0x5], $0x80, $0x38;
	[tilespmem:$0xC600] =	vst v63  }
0x25e: {  	s10 =	sadd.s32 $0x70, s10;
	s25 =	simm.s32 $0xB478  }
0x25f: {  	[hbm4b:s10+s9] =	stream.linear.scatter [tilespmem:s25], [sflag:$0x5], $0x80, $0x38;
	[tilespmem:$0xC600] =	vst v63  }
0x260: {  	s11 =	sadd.s32 $0x300, s6;
	s25 =	simm.s32 $0x8400  }
0x261: {  	[tilespmem:s25], [sflag:$0x3] =	stream.indirect.gather [hbm4b:s4+s13], $0x20, s11, s13, $0xb8;
	[tilespmem:$0xC600] =	vst v63  }
0x262: {  	_ =	swait.ge [sflag:s30], $0x1000  }
0x263: {  	v17 =	vmov s9;
	[sflag:s30] =	ssyncset.done $0x0  }
0x264: {  	v17 =	vshrl.u32 v17, $0x3;
	[sflag:s30] =	ssyncadd.s32 $0xFFFFF000  }
0x265: {  	v17 =	vshll.u32 v17, v1;
	_ =	swait.ge [sflag:s31], $0x400  }
0x266: {  	v17 =	vbroadcast v17, $0x0;
	s10 =	simm.s32 $0x1;
	[sflag:s31] =	ssyncset.done $0x0  }
0x267: {  	v18 =	vmov s10;
	s10 =	simm.s32 $0x4;
	s25 =	simm.s32 $0x3;
	[sflag:s31] =	ssyncadd.s32 $0xFFFFFC00  }
0x268: {  	v51 =	vadd.s32 v0, v17;
	s11 =	simm.s32 $0x2;
	v21 =	vmov s10;
	v20 =	vmov s25;
	s25 =	simm.s32 $0x6;
	_ =	swait.ge [sflag:s31], $0x400  }
0x269: {  	s10 =	simm.s32 $0x7;
	v18 =	vshrl.u32 v18, $0x3;
	v19 =	vmov s11;
	v23 =	vmov s25;
	s25 =	simm.s32 $0x9;
	[sflag:s31] =	ssyncset.done $0x0  }
0x26a: {  	s11 =	simm.s32 $0x5;
	v24 =	vmov s10;
	v21 =	vshrl.u32 v21, $0x3;
	v26 =	vmov s25;
	s25 =	simm.s32 $0xC;
	[sflag:s31] =	ssyncadd.s32 $0xFFFFFC00  }
0x26b: {  	s10 =	simm.s32 $0xA;
	v18 =	vshll.u32 v18, v1;
	v22 =	vmov s11;
	v29 =	vmov s25;
	s25 =	simm.s32 $0xF;
	_ =	swait.ge [sflag:s31], $0x400  }
0x26c: {  	v27 =	vmov s10;
	v19 =	vshrl.u32 v19, $0x3;
	v48 =	vmov s25;
	[sflag:s31] =	ssyncset.done $0x0  }
0x26d: {  	s11 =	simm.s32 $0x8;
	v20 =	vshrl.u32 v20, $0x3;
	v24 =	vshrl.u32 v24, $0x3;
	v32 =	vshrl.u32 v48, $0x3;
	[sflag:s31] =	ssyncadd.s32 $0xFFFFFC00  }
0x26e: {  	s10 =	simm.s32 $0xD;
	v33 =	vbroadcast v18, $0x0;
	v25 =	vmov s11;
	v32 =	vshll.u32 v32, v1;
	_ =	swait.ge [sflag:s31], $0x400  }
0x26f: {  	v30 =	vmov s10;
	v22 =	vshrl.u32 v22, $0x3;
	v32 =	vbroadcast v32, $0x0;
	[sflag:s31] =	ssyncset.done $0x0  }
0x270: {  	s11 =	simm.s32 $0xB;
	v23 =	vshrl.u32 v23, $0x3;
	v27 =	vshrl.u32 v27, $0x3;
	v18 =	vshll.u32 v19, v1;
	s25 =	simm.s32 $0x95F0;
	[sflag:s31] =	ssyncadd.s32 $0xFFFFFC00  }
0x271: {  	v28 =	vmov s11;
	v25 =	vshrl.u32 v25, $0x3;
	v49 =	vadd.s32 v15, v32;
	v19 =	vld [tilespmem:s25+$0xFFFFFFF0]  }
0x272: {  	v26 =	vshrl.u32 v26, $0x3;
	v37 =	vbroadcast v18, $0x0;
	v18 =	vshll.u32 v20, v1;
	v50 =	vld [tilespmem:s25+$0xFFFFFE10]  }
0x273: {  	v52 =	vadd.s32 v3, v33;
	v39 =	vbroadcast v18, $0x0;
	v18 =	vshll.u32 v21, v1;
	v20 =	vld [tilespmem:s25+$0xFFFFFE30]  }
0x274: {  	v30 =	vshrl.u32 v30, $0x3;
	v53 =	vadd.s32 v5, v37;
	v41 =	vbroadcast v18, $0x0;
	v21 =	vld [tilespmem:s25+$0xFFFFFE50]  }
0x275: {  	s11 =	simm.s32 $0xE;
	v22 =	vshll.u32 v22, v1;
	v33 =	vadd.s32 v4, v33;
	v54 =	vadd.s32 v7, v39;
	v18 =	vld [tilespmem:s25+$0xFFFFFE70]  }
0x276: {  	v31 =	vmov s11;
	v45 =	vbroadcast v22, $0x0;
	v56 =	vadd.s32 v9, v41;
	v55 =	vld [tilespmem:s25+$0xFFFFFE90];
	[tilespmem:v49+s14+$0x0] =	vst.idx.msk $0xffff, v19  }
0x277: {  	v28 =	vshrl.u32 v28, $0x3;
	v29 =	vshrl.u32 v29, $0x3;
	v22 =	vshll.u32 v23, v1;
	[tilespmem:v51+s14+$0x0] =	vst.idx.msk $0xffff, v50  }
0x278: {  	v36 =	vbroadcast v22, $0x0;
	v19 =	vshll.u32 v24, v1;
	[tilespmem:v52+s14+$0x0] =	vst.idx.msk $0xffff, v20;
	v20 =	vld [tilespmem:s25+$0xFFFFFEB0];
	v24 =	vadd.s32 v11, v45  }
0x279: {  	v31 =	vshrl.u32 v31, $0x3;
	v39 =	vadd.s32 v8, v39;
	v23 =	vadd.s32 v16, v32;
	[tilespmem:v53+s14+$0x0] =	vst.idx.msk $0xffff, v21;
	v22 =	vld [tilespmem:s25+$0x0]  }
0x27a: {  	s11 =	simm.s32 $0x11;
	v21 =	vld [tilespmem:s25+$0xFFFFFED0];
	[tilespmem:v54+s14+$0x0] =	vst.idx.msk $0xffff, v18;
	v46 =	vbroadcast v19, $0x0;
	v19 =	vshll.u32 v25, v1;
	v25 =	vadd.s32 v13, v36  }
0x27b: {  	v60 =	vmov s11;
	v18 =	vshll.u32 v27, v1;
	[tilespmem:v56+s14+$0x0] =	vst.idx.msk $0xffff, v55;
	v55 =	vadd.s32 v6, v37;
	v51 =	vld [tilespmem:s25+$0xFFFFFE40]  }
0x27c: {  	v48 =	vbroadcast v18, $0x0;
	v54 =	vld [tilespmem:s25+$0xFFFFFE60];
	v40 =	vbroadcast v19, $0x0;
	v19 =	vshll.u32 v26, v1  }
0x27d: {  	v18 =	vshll.u32 v28, v1;
	v26 =	vld [tilespmem:s25+$0xFFFFFEF0];
	v57 =	vadd.s32 v15, v46;
	v47 =	vbroadcast v19, $0x0;
	[tilespmem:v24+s14+$0x0] =	vst.idx.msk $0xffff, v20  }
0x27e: {  	s11 =	simm.s32 $0x13;
	v41 =	vadd.s32 v10, v41;
	v27 =	vld [tilespmem:s25+$0xFFFFFF10];
	v18 =	vbroadcast v18, $0x0;
	v58 =	vadd.s32 v0, v40;
	[tilespmem:v23+s14+$0x0] =	vst.idx.msk $0xffff, v22  }
0x27f: {  	v62 =	vmov s11;
	v28 =	vld [tilespmem:s25+$0xFFFFFF30];
	v19 =	vshll.u32 v29, v1;
	v59 =	vadd.s32 v3, v47;
	[tilespmem:v25+s14+$0x0] =	vst.idx.msk $0xffff, v21  }
0x280: {  	s11 =	simm.s32 $0x15;
	v42 =	vadd.s32 v14, v36;
	v19 =	vbroadcast v19, $0x0;
	v24 =	vld [tilespmem:s25+$0xFFFFFF70];
	v25 =	vadd.s32 v7, v18;
	[tilespmem:v33+s14+$0x0] =	vst.idx.msk $0xffff, v51  }
0x281: {  	v50 =	vmov s11;
	s11 =	simm.s32 $0x17;
	v20 =	vshll.u32 v30, v1;
	v22 =	vld [tilespmem:s25+$0xFFFFFF50];
	v23 =	vadd.s32 v5, v48;
	[tilespmem:v55+s14+$0x0] =	vst.idx.msk $0xffff, v54  }
0x282: {  	v53 =	vmov s11;
	v20 =	vbroadcast v20, $0x0;
	v30 =	vadd.s32 v9, v19;
	[tilespmem:v57+s14+$0x0] =	vst.idx.msk $0xffff, v26;
	v26 =	vld [tilespmem:s25+$0xFFFFFF90]  }
0x283: {  	s10 =	simm.s32 $0x10;
	v36 =	vshrl.u32 v60, $0x3;
	v21 =	vshll.u32 v31, v1;
	v56 =	vld [tilespmem:s25+$0xFFFFFEC0];
	v57 =	vadd.s32 v12, v45;
	[tilespmem:v58+s14+$0x0] =	vst.idx.msk $0xffff, v27  }
0x284: {  	s11 =	simm.s32 $0x19;
	v29 =	vmov s10;
	s10 =	simm.s32 $0x12;
	v21 =	vbroadcast v21, $0x0;
	v31 =	vadd.s32 v11, v20;
	v27 =	vld [tilespmem:s25+$0xFFFFFFB0];
	[tilespmem:v59+s14+$0x0] =	vst.idx.msk $0xffff, v28  }
0x285: {  	v34 =	vmov s11;
	v43 =	vadd.s32 v16, v46;
	v61 =	vmov s10;
	s10 =	simm.s32 $0x14;
	[tilespmem:v25+s14+$0x0] =	vst.idx.msk $0xffff, v24;
	v25 =	vld [tilespmem:s25+$0xFFFFFE80]  }
0x286: {  	v46 =	vadd.s32 v6, v48;
	v49 =	vmov s10;
	s10 =	simm.s32 $0x16;
	v63 =	vadd.s32 v13, v21;
	v28 =	vld [tilespmem:s25+$0xFFFFFFD0];
	[tilespmem:v23+s14+$0x0] =	vst.idx.msk $0xffff, v22  }
0x287: {  	v29 =	vshrl.u32 v29, $0x3;
	v44 =	vadd.s32 v2, v40;
	v52 =	vmov s10;
	s10 =	simm.s32 $0x18;
	[tilespmem:v30+s14+$0x0] =	vst.idx.msk $0xffff, v26;
	v26 =	vld [tilespmem:s25+$0xFFFFFEA0]  }
0x288: {  	s11 =	simm.s32 $0x1B;
	v33 =	vshrl.u32 v61, $0x3;
	v37 =	vld [tilespmem:s25+$0xFFFFFEE0];
	v45 =	vadd.s32 v4, v47;
	v24 =	vmov s10;
	s10 =	simm.s32 $0x1A;
	[tilespmem:v57+s14+$0x0] =	vst.idx.msk $0xffff, v56  }
0x289: {  	v38 =	vld [tilespmem:s25+$0xFFFFFF00];
	v35 =	vmov s10;
	s10 =	simm.s32 $0x1C;
	v24 =	vshrl.u32 v24, $0x3;
	v30 =	vmov s11;
	s11 =	simm.s32 $0x1D;
	[tilespmem:v31+s14+$0x0] =	vst.idx.msk $0xffff, v27  }
0x28a: {  	v32 =	vmov s10;
	v22 =	vmov s11;
	s11 =	simm.s32 $0x1E;
	v31 =	vshll.u32 v29, v1;
	[tilespmem:v39+s14+$0x0] =	vst.idx.msk $0xffff, v25;
	v39 =	vld [tilespmem:s25+$0xFFFFFF20]  }
0x28b: {  	v40 =	vld [tilespmem:s25+$0xFFFFFF40];
	v29 =	vshrl.u32 v62, $0x3;
	v27 =	vshrl.u32 v50, $0x3;
	[tilespmem:v63+s14+$0x0] =	vst.idx.msk $0xffff, v28;
	v23 =	vmov s11  }
0x28c: {  	s9 =	simm.s32 $0x20;
	s10 =	simm.s32 $0x1F;
	v28 =	vshrl.u32 v49, $0x3;
	v25 =	vshrl.u32 v52, $0x3;
	[tilespmem:v41+s14+$0x0] =	vst.idx.msk $0xffff, v26;
	v26 =	vshrl.u32 v53, $0x3;
	v41 =	vld [tilespmem:s25+$0xFFFFFF60]  }
.LBB2_9:
0x28d: {  	p0 =	slt.u32 s9, $0x70;
	v34 =	vshrl.u32 v34, $0x3;
	v47 =	vmov s10;
	[tilespmem:v42+s14+$0x0] =	vst.idx.msk $0xffff, v37;
	v37 =	vld [tilespmem:s25+$0xFFFFFF80];
	v18 =	vadd.s32 v8, v18  }
0x28e: {  	v35 =	vshrl.u32 v35, $0x3;
	v19 =	vadd.s32 v10, v19;
	v42 =	vshrl.u32 v47, $0x3;
	[tilespmem:v43+s14+$0x0] =	vst.idx.msk $0xffff, v38;
	v38 =	vld [tilespmem:s25+$0xFFFFFFA0]  }
0x28f: {  	v30 =	vshrl.u32 v30, $0x3;
	v20 =	vadd.s32 v12, v20;
	v42 =	vshll.u32 v42, v1;
	[tilespmem:v44+s14+$0x0] =	vst.idx.msk $0xffff, v39;
	v39 =	vld [tilespmem:s25+$0xFFFFFFC0]  }
0x290: {  	v32 =	vshrl.u32 v32, $0x3;
	v21 =	vadd.s32 v14, v21;
	v42 =	vbroadcast v42, $0x0;
	[tilespmem:v45+s14+$0x0] =	vst.idx.msk $0xffff, v40;
	v40 =	vld [tilespmem:s25+$0xFFFFFFE0]  }
0x291: {  	v36 =	vshll.u32 v36, v1;
	v44 =	vadd.s32 v2, v17;
	v17 =	vbroadcast v31, $0x0;
	v43 =	vld [tilespmem:s25+$0xFFFFFE20];
	[tilespmem:v46+s14+$0x0] =	vst.idx.msk $0xffff, v41;
	s25 =	sadd.s32 $0x200, s25  }
0x292: {  	v33 =	vshll.u32 v33, v1;
	v31 =	vbroadcast v36, $0x0;
	v36 =	vld [tilespmem:s25+$0xFFFFFFF0];
	v41 =	vadd.s32 v15, v42;
	[tilespmem:v18+s14+$0x0] =	vst.idx.msk $0xffff, v37  }
0x293: {  	v29 =	vshll.u32 v29, v1;
	v33 =	vbroadcast v33, $0x0;
	v37 =	vadd.s32 v0, v17;
	v18 =	vld [tilespmem:s25+$0xFFFFFE10];
	[tilespmem:v19+s14+$0x0] =	vst.idx.msk $0xffff, v38  }
0x294: {  	v28 =	vshll.u32 v28, v1;
	v29 =	vbroadcast v29, $0x0;
	v38 =	vadd.s32 v3, v31;
	v19 =	vld [tilespmem:s25+$0xFFFFFE30];
	[tilespmem:v20+s14+$0x0] =	vst.idx.msk $0xffff, v39  }
0x295: {  	v22 =	vshrl.u32 v22, $0x3;
	v28 =	vbroadcast v28, $0x0;
	v39 =	vadd.s32 v5, v33;
	v20 =	vld [tilespmem:s25+$0xFFFFFE50];
	[tilespmem:v21+s14+$0x0] =	vst.idx.msk $0xffff, v40  }
0x296: {  	v27 =	vshll.u32 v27, v1;
	v23 =	vshrl.u32 v23, $0x3;
	v40 =	vadd.s32 v7, v29;
	v21 =	vld [tilespmem:s25+$0xFFFFFE70];
	[tilespmem:v44+s14+$0x0] =	vst.idx.msk $0xffff, v43  }
0x297: {  	v25 =	vshll.u32 v25, v1;
	v27 =	vbroadcast v27, $0x0;
	v44 =	vadd.s32 v9, v28;
	v43 =	vld [tilespmem:s25+$0xFFFFFE90];
	[tilespmem:v41+s14+$0x0] =	vst.idx.msk $0xffff, v36  }
0x298: {  	v25 =	vbroadcast v25, $0x0;
	v36 =	vadd.s32 v16, v42;
	[tilespmem:v37+s14+$0x0] =	vst.idx.msk $0xffff, v18;
	v18 =	vshll.u32 v26, v1;
	v26 =	vld [tilespmem:s25+$0x0]  }
0x299: {  	v37 =	vadd.s32 v11, v27;
	[tilespmem:v38+s14+$0x0] =	vst.idx.msk $0xffff, v19;
	v19 =	vld [tilespmem:s25+$0xFFFFFEB0];
	v41 =	vbroadcast v18, $0x0;
	v18 =	vshll.u32 v24, v1  }
0x29a: {  	v24 =	vadd.s32 v13, v25;
	[tilespmem:v39+s14+$0x0] =	vst.idx.msk $0xffff, v20;
	v20 =	vld [tilespmem:s25+$0xFFFFFED0];
	v45 =	vbroadcast v18, $0x0;
	v18 =	vshll.u32 v34, v1  }
0x29b: {  	[tilespmem:v40+s14+$0x0] =	vst.idx.msk $0xffff, v21;
	v21 =	vld [tilespmem:s25+$0xFFFFFEF0];
	v34 =	vadd.s32 v15, v41;
	v46 =	vbroadcast v18, $0x0;
	v18 =	vshll.u32 v35, v1  }
0x29c: {  	[tilespmem:v44+s14+$0x0] =	vst.idx.msk $0xffff, v43;
	v35 =	vld [tilespmem:s25+$0xFFFFFF10];
	v38 =	vadd.s32 v0, v45;
	v47 =	vbroadcast v18, $0x0;
	v18 =	vshll.u32 v30, v1  }
0x29d: {  	v32 =	vshll.u32 v32, v1;
	v30 =	vld [tilespmem:s25+$0xFFFFFF30];
	v39 =	vadd.s32 v3, v46;
	v18 =	vbroadcast v18, $0x0;
	[tilespmem:v36+s14+$0x0] =	vst.idx.msk $0xffff, v26  }
0x29e: {  	v22 =	vshll.u32 v22, v1;
	[tilespmem:v37+s14+$0x0] =	vst.idx.msk $0xffff, v19;
	v26 =	vld [tilespmem:s25+$0xFFFFFF50];
	v36 =	vadd.s32 v5, v47;
	v19 =	vbroadcast v32, $0x0  }
0x29f: {  	[tilespmem:v24+s14+$0x0] =	vst.idx.msk $0xffff, v20;
	v24 =	vld [tilespmem:s25+$0xFFFFFF70];
	v32 =	vadd.s32 v7, v18;
	v20 =	vbroadcast v22, $0x0;
	v22 =	vshll.u32 v23, v1  }
0x2a0: {  	s10 =	sadd.s32 $0x1, s9;
	v23 =	vmov s9;
	[tilespmem:v34+s14+$0x0] =	vst.idx.msk $0xffff, v21;
	v37 =	vld [tilespmem:s25+$0xFFFFFF90];
	v40 =	vadd.s32 v9, v19;
	v21 =	vbroadcast v22, $0x0  }
0x2a1: {  	s11 =	sadd.s32 $0x3, s9;
	v43 =	vmov s10;
	s10 =	sadd.s32 $0x2, s9;
	v23 =	vshrl.u32 v23, $0x3;
	[tilespmem:v38+s14+$0x0] =	vst.idx.msk $0xffff, v35;
	v22 =	vld [tilespmem:s25+$0xFFFFFFB0];
	v38 =	vadd.s32 v11, v20  }
0x2a2: {  	v48 =	vmov s11;
	s11 =	sadd.s32 $0x5, s9;
	v44 =	vmov s10;
	s10 =	sadd.s32 $0x4, s9;
	[tilespmem:v39+s14+$0x0] =	vst.idx.msk $0xffff, v30;
	v39 =	vld [tilespmem:s25+$0xFFFFFFD0];
	v42 =	vadd.s32 v13, v21  }
0x2a3: {  	v50 =	vmov s11;
	s11 =	sadd.s32 $0x7, s9;
	v52 =	vadd.s32 v4, v31;
	v49 =	vmov s10;
	s10 =	sadd.s32 $0x6, s9;
	v51 =	vld [tilespmem:s25+$0xFFFFFE40];
	[tilespmem:v36+s14+$0x0] =	vst.idx.msk $0xffff, v26  }
0x2a4: {  	v53 =	vmov s11;
	s11 =	sadd.s32 $0x9, s9;
	v55 =	vadd.s32 v6, v33;
	v26 =	vmov s10;
	s10 =	sadd.s32 $0x8, s9;
	v54 =	vld [tilespmem:s25+$0xFFFFFE60];
	[tilespmem:v32+s14+$0x0] =	vst.idx.msk $0xffff, v24  }
0x2a5: {  	v57 =	vadd.s32 v8, v29;
	v34 =	vmov s11;
	s11 =	sadd.s32 $0xB, s9;
	v24 =	vmov s10;
	s10 =	sadd.s32 $0xA, s9;
	v56 =	vld [tilespmem:s25+$0xFFFFFE80];
	[tilespmem:v40+s14+$0x0] =	vst.idx.msk $0xffff, v37  }
0x2a6: {  	v58 =	vadd.s32 v10, v28;
	v30 =	vmov s11;
	s11 =	sadd.s32 $0xD, s9;
	v35 =	vmov s10;
	s10 =	sadd.s32 $0xC, s9;
	v40 =	vld [tilespmem:s25+$0xFFFFFEA0];
	[tilespmem:v38+s14+$0x0] =	vst.idx.msk $0xffff, v22  }
0x2a7: {  	v60 =	vadd.s32 v12, v27;
	v32 =	vmov s10;
	v22 =	vmov s11;
	s10 =	sadd.s32 $0xE, s9;
	v59 =	vld [tilespmem:s25+$0xFFFFFEC0];
	[tilespmem:v42+s14+$0x0] =	vst.idx.msk $0xffff, v39  }
.Ltmp3:
0x2a8: {  	v31 =	vshll.u32 v23, v1;
	v23 =	vmov s10;
	v42 =	vadd.s32 v14, v25;
	[tilespmem:v52+s14+$0x0] =	vst.idx.msk $0xffff, v51;
	v37 =	vld [tilespmem:s25+$0xFFFFFEE0];
	(pc) =	sbr.rel @p0 .LBB2_9-.Ltmp3, $4  }
0x2a9: {  	v33 =	vshrl.u32 v44, $0x3;
	v36 =	vshrl.u32 v43, $0x3;
	v43 =	vadd.s32 v16, v41;
	[tilespmem:v55+s14+$0x0] =	vst.idx.msk $0xffff, v54;
	v38 =	vld [tilespmem:s25+$0xFFFFFF00]  }
0x2aa: {  	v29 =	vshrl.u32 v48, $0x3;
	v44 =	vadd.s32 v2, v45;
	v28 =	vshrl.u32 v49, $0x3;
	[tilespmem:v57+s14+$0x0] =	vst.idx.msk $0xffff, v56;
	v39 =	vld [tilespmem:s25+$0xFFFFFF20]  }
0x2ab: {  	v27 =	vshrl.u32 v50, $0x3;
	v45 =	vadd.s32 v4, v46;
	v25 =	vshrl.u32 v26, $0x3;
	[tilespmem:v58+s14+$0x0] =	vst.idx.msk $0xffff, v40;
	v40 =	vld [tilespmem:s25+$0xFFFFFF40]  }
0x2ac: {  	v46 =	vadd.s32 v6, v47;
	v24 =	vshrl.u32 v24, $0x3;
	v26 =	vshrl.u32 v53, $0x3;
	s10 =	sadd.s32 $0xF, s9;
	s9 =	sadd.s32 $0x10, s9;
	[tilespmem:v60+s14+$0x0] =	vst.idx.msk $0xffff, v59;
	v41 =	vld [tilespmem:s25+$0xFFFFFF60]  }
0x2ad: {  	_ =	sdelay $0x2  }
0x2ae: {  	v34 =	vshrl.u32 v34, $0x3  }
0x2af: {  	v47 =	vmov s10;
	[tilespmem:v42+s14+$0x0] =	vst.idx.msk $0xffff, v37;
	v52 =	vld [tilespmem:s25+$0xFFFFFF80];
	v53 =	vadd.s32 v8, v18;
	v19 =	vadd.s32 v10, v19  }
0x2b0: {  	v54 =	vld [tilespmem:s25+$0xFFFFFFA0];
	v30 =	vshrl.u32 v30, $0x3;
	v20 =	vadd.s32 v12, v20;
	v21 =	vadd.s32 v14, v21;
	[tilespmem:v43+s14+$0x0] =	vst.idx.msk $0xffff, v38  }
0x2b1: {  	v55 =	vld [tilespmem:s25+$0xFFFFFFC0];
	v32 =	vshrl.u32 v32, $0x3;
	v58 =	vshll.u32 v36, v1;
	v29 =	vshll.u32 v29, v1;
	[tilespmem:v44+s14+$0x0] =	vst.idx.msk $0xffff, v39  }
0x2b2: {  	v57 =	vld [tilespmem:s25+$0xFFFFFFE0];
	v33 =	vshll.u32 v33, v1;
	v18 =	vshrl.u32 v47, $0x3;
	v29 =	vbroadcast v29, $0x0;
	[tilespmem:v45+s14+$0x0] =	vst.idx.msk $0xffff, v40  }
0x2b3: {  	v59 =	vld [tilespmem:s25+$0xFFFFFE20];
	v17 =	vadd.s32 v2, v17;
	s9 =	sadd.s32 $0x200, s25;
	v33 =	vbroadcast v33, $0x0;
	v18 =	vshll.u32 v18, v1;
	[tilespmem:v46+s14+$0x0] =	vst.idx.msk $0xffff, v41  }
0x2b4: {  	v28 =	vshll.u32 v28, v1;
	v48 =	vld [tilespmem:s9+$0xFFFFFE70];
	v56 =	vbroadcast v18, $0x0;
	v49 =	vadd.s32 v7, v29;
	[tilespmem:v53+s14+$0x0] =	vst.idx.msk $0xffff, v52  }
0x2b5: {  	v27 =	vshll.u32 v27, v1;
	v18 =	vbroadcast v31, $0x0;
	v47 =	vadd.s32 v5, v33;
	v46 =	vld [tilespmem:s9+$0xFFFFFE50];
	[tilespmem:v19+s14+$0x0] =	vst.idx.msk $0xffff, v54  }
0x2b6: {  	v23 =	vshrl.u32 v23, $0x3;
	v60 =	vld [tilespmem:s9+$0xFFFFFFF0];
	v31 =	vbroadcast v58, $0x0;
	v61 =	vadd.s32 v15, v56;
	[tilespmem:v20+s14+$0x0] =	vst.idx.msk $0xffff, v55  }
0x2b7: {  	v25 =	vshll.u32 v25, v1;
	v62 =	vld [tilespmem:s9+$0xFFFFFE10];
	v28 =	vbroadcast v28, $0x0;
	v63 =	vadd.s32 v0, v18;
	[tilespmem:v21+s14+$0x0] =	vst.idx.msk $0xffff, v57  }
0x2b8: {  	v26 =	vshll.u32 v26, v1;
	v25 =	vbroadcast v25, $0x0;
	v19 =	vld [tilespmem:s9+$0xFFFFFE30];
	v45 =	vadd.s32 v3, v31;
	[tilespmem:v17+s14+$0x0] =	vst.idx.msk $0xffff, v59  }
0x2b9: {  	v26 =	vbroadcast v26, $0x0;
	v23 =	vshll.u32 v23, v1;
	v50 =	vadd.s32 v9, v28;
	v17 =	vld [tilespmem:s9+$0xFFFFFE90];
	[tilespmem:v49+s14+$0x0] =	vst.idx.msk $0xffff, v48  }
0x2ba: {  	v24 =	vshll.u32 v24, v1;
	v23 =	vbroadcast v23, $0x0;
	v54 =	vld [tilespmem:s9+$0xFFFFFED0];
	v55 =	vadd.s32 v13, v25;
	[tilespmem:v47+s14+$0x0] =	vst.idx.msk $0xffff, v46  }
0x2bb: {  	v27 =	vbroadcast v27, $0x0;
	v52 =	vadd.s32 v16, v56;
	v56 =	vld [tilespmem:s9+$0xFFFFFEF0];
	v57 =	vadd.s32 v15, v26;
	[tilespmem:v61+s14+$0x0] =	vst.idx.msk $0xffff, v60  }
0x2bc: {  	v24 =	vbroadcast v24, $0x0;
	v34 =	vshll.u32 v34, v1;
	v48 =	vld [tilespmem:s9+$0xFFFFFFD0];
	v49 =	vadd.s32 v13, v23;
	[tilespmem:v63+s14+$0x0] =	vst.idx.msk $0xffff, v62  }
0x2bd: {  	v30 =	vshll.u32 v30, v1;
	v34 =	vbroadcast v34, $0x0;
	v53 =	vadd.s32 v11, v27;
	[tilespmem:v45+s14+$0x0] =	vst.idx.msk $0xffff, v19;
	v19 =	vld [tilespmem:s9+$0xFFFFFEB0]  }
0x2be: {  	v32 =	vshll.u32 v32, v1;
	v30 =	vbroadcast v30, $0x0;
	v58 =	vadd.s32 v0, v24;
	[tilespmem:v50+s14+$0x0] =	vst.idx.msk $0xffff, v17;
	v17 =	vld [tilespmem:s9+$0xFFFFFF10]  }
0x2bf: {  	v32 =	vbroadcast v32, $0x0;
	v59 =	vld [tilespmem:s9+$0xFFFFFF30];
	v60 =	vadd.s32 v3, v34;
	[tilespmem:v55+s14+$0x0] =	vst.idx.msk $0xffff, v54  }
0x2c0: {  	v35 =	vshrl.u32 v35, $0x3;
	v62 =	vld [tilespmem:s9+$0xFFFFFF70];
	v63 =	vadd.s32 v7, v30;
	[tilespmem:v57+s14+$0x0] =	vst.idx.msk $0xffff, v56  }
0x2c1: {  	v22 =	vshrl.u32 v22, $0x3;
	v35 =	vshll.u32 v35, v1;
	v46 =	vadd.s32 v9, v32;
	v45 =	vld [tilespmem:s9+$0xFFFFFF90];
	[tilespmem:v49+s14+$0x0] =	vst.idx.msk $0xffff, v48  }
0x2c2: {  	v22 =	vshll.u32 v22, v1;
	v35 =	vbroadcast v35, $0x0;
	v51 =	vld [tilespmem:s9+$0x0];
	[tilespmem:v53+s14+$0x0] =	vst.idx.msk $0xffff, v19  }
0x2c3: {  	v22 =	vbroadcast v22, $0x0;
	v31 =	vadd.s32 v4, v31;
	v50 =	vld [tilespmem:s9+$0xFFFFFE40];
	[tilespmem:v58+s14+$0x0] =	vst.idx.msk $0xffff, v17  }
0x2c4: {  	v61 =	vadd.s32 v5, v35;
	v19 =	vld [tilespmem:s9+$0xFFFFFF50];
	[tilespmem:v60+s14+$0x0] =	vst.idx.msk $0xffff, v59  }
0x2c5: {  	v47 =	vadd.s32 v11, v22;
	v17 =	vld [tilespmem:s9+$0xFFFFFFB0];
	[tilespmem:v63+s14+$0x0] =	vst.idx.msk $0xffff, v62  }
0x2c6: {  	v25 =	vadd.s32 v14, v25;
	[tilespmem:v46+s14+$0x0] =	vst.idx.msk $0xffff, v45;
	v53 =	vld [tilespmem:s9+$0xFFFFFEE0]  }
0x2c7: {  	v23 =	vadd.s32 v14, v23;
	v62 =	vld [tilespmem:s9+$0xFFFFFFE0];
	[tilespmem:v52+s14+$0x0] =	vst.idx.msk $0xffff, v51  }
0x2c8: {  	v18 =	vadd.s32 v2, v18;
	v63 =	vld [tilespmem:s9+$0xFFFFFE20];
	[tilespmem:v31+s14+$0x0] =	vst.idx.msk $0xffff, v50  }
0x2c9: {  	v33 =	vadd.s32 v6, v33;
	[tilespmem:v61+s14+$0x0] =	vst.idx.msk $0xffff, v19;
	v19 =	vld [tilespmem:s9+$0xFFFFFE60]  }
0x2ca: {  	v29 =	vadd.s32 v8, v29;
	v51 =	vld [tilespmem:s9+$0xFFFFFE80];
	[tilespmem:v47+s14+$0x0] =	vst.idx.msk $0xffff, v17  }
0x2cb: {  	v28 =	vadd.s32 v10, v28;
	v52 =	vld [tilespmem:s9+$0xFFFFFEA0];
	[tilespmem:v25+s14+$0x0] =	vst.idx.msk $0xffff, v53  }
0x2cc: {  	v24 =	vadd.s32 v2, v24;
	v54 =	vld [tilespmem:s9+$0xFFFFFF20];
	[tilespmem:v23+s14+$0x0] =	vst.idx.msk $0xffff, v62  }
0x2cd: {  	v27 =	vadd.s32 v12, v27;
	v17 =	vld [tilespmem:s9+$0xFFFFFEC0];
	[tilespmem:v18+s14+$0x0] =	vst.idx.msk $0xffff, v63  }
0x2ce: {  	v26 =	vadd.s32 v16, v26;
	[tilespmem:v33+s14+$0x0] =	vst.idx.msk $0xffff, v19;
	v19 =	vld [tilespmem:s9+$0xFFFFFF00]  }
0x2cf: {  	v56 =	vadd.s32 v4, v34;
	v55 =	vld [tilespmem:s9+$0xFFFFFF40];
	[tilespmem:v29+s14+$0x0] =	vst.idx.msk $0xffff, v51  }
0x2d0: {  	v59 =	vadd.s32 v8, v30;
	v58 =	vld [tilespmem:s9+$0xFFFFFF80];
	[tilespmem:v28+s14+$0x0] =	vst.idx.msk $0xffff, v52  }
0x2d1: {  	v22 =	vadd.s32 v12, v22;
	[tilespmem:v24+s14+$0x0] =	vst.idx.msk $0xffff, v54;
	v61 =	vld [tilespmem:s9+$0xFFFFFFC0]  }
0x2d2: {  	v57 =	vadd.s32 v6, v35;
	[tilespmem:v27+s14+$0x0] =	vst.idx.msk $0xffff, v17;
	v17 =	vld [tilespmem:s9+$0xFFFFFF60]  }
0x2d3: {  	v60 =	vadd.s32 v10, v32;
	[tilespmem:v26+s14+$0x0] =	vst.idx.msk $0xffff, v19;
	v19 =	vld [tilespmem:s9+$0xFFFFFFA0]  }
0x2d4: {  	[tilespmem:v56+s14+$0x0] =	vst.idx.msk $0xffff, v55  }
0x2d5: {  	[tilespmem:v59+s14+$0x0] =	vst.idx.msk $0xffff, v58  }
0x2d6: {  	[tilespmem:v22+s14+$0x0] =	vst.idx.msk $0xffff, v61  }
0x2d7: {  	[tilespmem:v57+s14+$0x0] =	vst.idx.msk $0xffff, v17  }
0x2d8: {  	[tilespmem:v60+s14+$0x0] =	vst.idx.msk $0xffff, v19  }
0x2d9: {  	s11 =	sld [smem:$0x7FA];
	_ =	sdelay $0x2  }
0x2da: {  	s9 =	sadd.s32 s0, s11  }
0x2db: {  	[hbm4b:s9+s3] =	stream.linear.scatter [tilespmem:s14], [sflag:$0x6], $0x80, $0x38;
	[tilespmem:$0xC600] =	vst v63  }
0x2dc: {  	s11 =	simm.s32 $0xB588;
	s25 =	sadd.s32 $0x10, s9  }
0x2dd: {  	[hbm4b:s25+s3] =	stream.linear.scatter [tilespmem:s11], [sflag:$0x6], $0x80, $0x38;
	[tilespmem:$0xC600] =	vst v63  }
0x2de: {  	s11 =	sadd.s32 $0x20, s9;
	s25 =	simm.s32 $0xB610  }
0x2df: {  	[hbm4b:s11+s3] =	stream.linear.scatter [tilespmem:s25], [sflag:$0x6], $0x80, $0x38;
	[tilespmem:$0xC600] =	vst v63  }
0x2e0: {  	s11 =	sadd.s32 $0x30, s9;
	s25 =	simm.s32 $0xB698  }
0x2e1: {  	[hbm4b:s11+s3] =	stream.linear.scatter [tilespmem:s25], [sflag:$0x6], $0x80, $0x38;
	[tilespmem:$0xC600] =	vst v63  }
0x2e2: {  	s11 =	sadd.s32 $0x40, s9;
	s25 =	simm.s32 $0xB720  }
0x2e3: {  	[hbm4b:s11+s3] =	stream.linear.scatter [tilespmem:s25], [sflag:$0x6], $0x80, $0x38;
	[tilespmem:$0xC600] =	vst v63  }
0x2e4: {  	s11 =	sadd.s32 $0x50, s9;
	s25 =	simm.s32 $0xB7A8  }
0x2e5: {  	[hbm4b:s11+s3] =	stream.linear.scatter [tilespmem:s25], [sflag:$0x6], $0x80, $0x38;
	[tilespmem:$0xC600] =	vst v63  }
0x2e6: {  	s11 =	sadd.s32 $0x60, s9;
	s25 =	simm.s32 $0xB830  }
0x2e7: {  	[hbm4b:s11+s3] =	stream.linear.scatter [tilespmem:s25], [sflag:$0x6], $0x80, $0x38;
	[tilespmem:$0xC600] =	vst v63  }
0x2e8: {  	s11 =	sld [smem:$0x7FB]  }
0x2e9: {  	s9 =	sadd.s32 $0x70, s9;
	s25 =	simm.s32 $0xB8B8  }
0x2ea: {  	[hbm4b:s9+s3] =	stream.linear.scatter [tilespmem:s25], [sflag:$0x6], $0x80, $0x38;
	[tilespmem:$0xC600] =	vst v63  }
0x2eb: {  	s25 =	simm.s32 $0xB940;
	s9 =	sadd.s32 s0, s11  }
0x2ec: {  	[hbm4b:s9+s3] =	stream.linear.scatter [tilespmem:s25], [sflag:$0x6], $0x80, $0x38;
	[tilespmem:$0xC600] =	vst v63  }
0x2ed: {  	s11 =	sadd.s32 $0x10, s9;
	s25 =	simm.s32 $0xB9C8  }
0x2ee: {  	[hbm4b:s11+s3] =	stream.linear.scatter [tilespmem:s25], [sflag:$0x6], $0x80, $0x38;
	[tilespmem:$0xC600] =	vst v63  }
0x2ef: {  	s11 =	sadd.s32 $0x20, s9;
	s25 =	simm.s32 $0xBA50  }
0x2f0: {  	[hbm4b:s11+s3] =	stream.linear.scatter [tilespmem:s25], [sflag:$0x6], $0x80, $0x38;
	[tilespmem:$0xC600] =	vst v63  }
0x2f1: {  	s11 =	sadd.s32 $0x30, s9;
	s25 =	simm.s32 $0xBAD8  }
0x2f2: {  	[hbm4b:s11+s3] =	stream.linear.scatter [tilespmem:s25], [sflag:$0x6], $0x80, $0x38;
	[tilespmem:$0xC600] =	vst v63  }
0x2f3: {  	s11 =	sadd.s32 $0x40, s9;
	s25 =	simm.s32 $0xBB60  }
0x2f4: {  	[hbm4b:s11+s3] =	stream.linear.scatter [tilespmem:s25], [sflag:$0x6], $0x80, $0x38;
	[tilespmem:$0xC600] =	vst v63  }
0x2f5: {  	s11 =	sadd.s32 $0x50, s9;
	s25 =	simm.s32 $0xBBE8  }
0x2f6: {  	[hbm4b:s11+s3] =	stream.linear.scatter [tilespmem:s25], [sflag:$0x6], $0x80, $0x38;
	[tilespmem:$0xC600] =	vst v63  }
0x2f7: {  	s11 =	sadd.s32 $0x60, s9;
	s25 =	simm.s32 $0xBC70  }
0x2f8: {  	[hbm4b:s11+s3] =	stream.linear.scatter [tilespmem:s25], [sflag:$0x6], $0x80, $0x38;
	[tilespmem:$0xC600] =	vst v63  }
0x2f9: {  	s11 =	sld [smem:$0x7FC]  }
0x2fa: {  	s9 =	sadd.s32 $0x70, s9;
	s25 =	simm.s32 $0xBCF8  }
0x2fb: {  	[hbm4b:s9+s3] =	stream.linear.scatter [tilespmem:s25], [sflag:$0x6], $0x80, $0x38;
	[tilespmem:$0xC600] =	vst v63  }
0x2fc: {  	s25 =	simm.s32 $0xBD80;
	s9 =	sadd.s32 s0, s11  }
0x2fd: {  	[hbm4b:s9+s3] =	stream.linear.scatter [tilespmem:s25], [sflag:$0x6], $0x80, $0x38;
	[tilespmem:$0xC600] =	vst v63  }
0x2fe: {  	s11 =	sadd.s32 $0x10, s9;
	s25 =	simm.s32 $0xBE08  }
0x2ff: {  	[hbm4b:s11+s3] =	stream.linear.scatter [tilespmem:s25], [sflag:$0x6], $0x80, $0x38;
	[tilespmem:$0xC600] =	vst v63  }
0x300: {  	s11 =	sadd.s32 $0x20, s9;
	s25 =	simm.s32 $0xBE90  }
0x301: {  	[hbm4b:s11+s3] =	stream.linear.scatter [tilespmem:s25], [sflag:$0x6], $0x80, $0x38;
	[tilespmem:$0xC600] =	vst v63  }
0x302: {  	s11 =	sadd.s32 $0x30, s9  }
0x303: {  	[hbm4b:s11+s3] =	stream.linear.scatter [tilespmem:s12], [sflag:$0x6], $0x80, $0x38;
	[tilespmem:$0xC600] =	vst v63  }
0x304: {  	s25 =	sadd.s32 $0x40, s9  }
0x305: {  	[hbm4b:s25+s3] =	stream.linear.scatter [tilespmem:s20], [sflag:$0x6], $0x80, $0x38;
	[tilespmem:$0xC600] =	vst v63  }
0x306: {  	s11 =	sadd.s32 $0x50, s9  }
0x307: {  	[hbm4b:s11+s3] =	stream.linear.scatter [tilespmem:s21], [sflag:$0x6], $0x80, $0x38;
	[tilespmem:$0xC600] =	vst v63  }
0x308: {  	s25 =	sadd.s32 $0x60, s9;
	s11 =	sld [smem:$0x7FD]  }
0x309: {  	[hbm4b:s25+s3] =	stream.linear.scatter [tilespmem:s22], [sflag:$0x6], $0x80, $0x38;
	[tilespmem:$0xC600] =	vst v63  }
0x30a: {  	s9 =	sadd.s32 $0x70, s9  }
0x30b: {  	[hbm4b:s9+s3] =	stream.linear.scatter [tilespmem:s23], [sflag:$0x6], $0x80, $0x38;
	[tilespmem:$0xC600] =	vst v63  }
0x30c: {  	s0 =	sadd.s32 s0, s11  }
0x30d: {  	[hbm4b:s0+s3] =	stream.linear.scatter [tilespmem:s24], [sflag:$0x6], $0x80, $0x38;
	[tilespmem:$0xC600] =	vst v63  }
0x30e: {  	s9 =	sadd.s32 $0x10, s0  }
0x30f: {  	[hbm4b:s9+s3] =	stream.linear.scatter [tilespmem:s15], [sflag:$0x6], $0x80, $0x38;
	[tilespmem:$0xC600] =	vst v63  }
0x310: {  	s25 =	sadd.s32 $0x20, s0  }
0x311: {  	[hbm4b:s25+s3] =	stream.linear.scatter [tilespmem:s16], [sflag:$0x6], $0x80, $0x38;
	[tilespmem:$0xC600] =	vst v63  }
0x312: {  	s10 =	sadd.s32 $0x30, s0  }
0x313: {  	[hbm4b:s10+s3] =	stream.linear.scatter [tilespmem:s17], [sflag:$0x6], $0x80, $0x38;
	[tilespmem:$0xC600] =	vst v63  }
0x314: {  	s11 =	sadd.s32 $0x40, s0  }
0x315: {  	[hbm4b:s11+s3] =	stream.linear.scatter [tilespmem:s7], [sflag:$0x6], $0x80, $0x38;
	[tilespmem:$0xC600] =	vst v63  }
0x316: {  	s1 =	sadd.s32 $0x1, s1;
	s25 =	sadd.s32 $0x50, s0  }
0x317: {  	[hbm4b:s25+s3] =	stream.linear.scatter [tilespmem:s8], [sflag:$0x6], $0x80, $0x38;
	[tilespmem:$0xC600] =	vst v63  }
0x318: {  	p0 =	sne.s32 s1, $0x31;
	s10 =	sadd.s32 $0x60, s0  }
0x319: {  	[hbm4b:s10+s3] =	stream.linear.scatter [tilespmem:s5], [sflag:$0x6], $0x80, $0x38;
	[tilespmem:$0xC600] =	vst v63  }
.Ltmp4:
0x31a: {  	_ = 	snop;
	(pc) =	sbr.rel @p0 .LBB2_2-.Ltmp4, $4  }
0x31b: {  	s0 =	sadd.s32 $0x70, s0  }
0x31c: {  	[hbm4b:s0+s3] =	stream.linear.scatter [tilespmem:s26], [sflag:$0x6], $0x80, $0x38;
	[tilespmem:$0xC600] =	vst v63  }
0x31d: {  	s11 =	sadd.s32 $0x380, s6;
	s25 =	simm.s32 $0x9400  }
0x31e: {  	[tilespmem:s25], [sflag:$0x4] =	stream.indirect.gather [hbm4b:s4+s13], $0x20, s11, s13, $0xb8;
	[tilespmem:$0xC600] =	vst v63  }
0x31f: {  	_ =	swait.ge [sflag:s18], $0x1000;
	s0 =	simm.s32 $0x0  }
0x320: {  	s9 =	simm.s32 $0x1;
	s1 =	simm.s32 $0x2;
	[sflag:s18] =	ssyncset.done $0x0  }
0x321: {  	s6 =	simm.s32 $0x3;
	s10 =	simm.s32 $0x4;
	[sflag:s18] =	ssyncadd.s32 $0xFFFFF000  }
0x322: {  	s11 =	simm.s32 $0x5;
	s25 =	simm.s32 $0x6;
	v17 =	vmov s0;
	v18 =	vmov s9;
	_ =	swait.ge [sflag:s29], $0x400  }
0x323: {  	v19 =	vmov s1;
	v20 =	vmov s6;
	v21 =	vmov s10;
	s1 =	simm.s32 $0x7;
	s6 =	simm.s32 $0x8;
	[sflag:s29] =	ssyncset.done $0x0  }
0x324: {  	v22 =	vmov s11;
	v23 =	vmov s25;
	s9 =	simm.s32 $0x9;
	s10 =	simm.s32 $0xA;
	v17 =	vshrl.u32 v17, $0x3;
	[sflag:s29] =	ssyncadd.s32 $0xFFFFFC00  }
0x325: {  	s11 =	simm.s32 $0xB;
	s25 =	simm.s32 $0xC;
	v24 =	vmov s1;
	v25 =	vmov s6;
	v26 =	vmov s9;
	_ =	swait.ge [sflag:s29], $0x400  }
0x326: {  	v27 =	vmov s10;
	v28 =	vmov s11;
	v29 =	vmov s25;
	[sflag:s29] =	ssyncset.done $0x0  }
0x327: {  	v18 =	vshrl.u32 v18, $0x3;
	v19 =	vshrl.u32 v19, $0x3;
	v20 =	vshrl.u32 v20, $0x3;
	[sflag:s29] =	ssyncadd.s32 $0xFFFFFC00  }
0x328: {  	s9 =	simm.s32 $0xD;
	s11 =	simm.s32 $0xF;
	v21 =	vshrl.u32 v21, $0x3;
	v22 =	vshrl.u32 v22, $0x3;
	v23 =	vshrl.u32 v23, $0x3;
	_ =	swait.ge [sflag:s29], $0x400  }
0x329: {  	s10 =	simm.s32 $0xE;
	v30 =	vmov s9;
	v17 =	vshll.u32 v17, v1;
	v32 =	vmov s11;
	[sflag:s29] =	ssyncset.done $0x0  }
0x32a: {  	v31 =	vmov s10;
	v24 =	vshrl.u32 v24, $0x3;
	v32 =	vshrl.u32 v32, $0x3;
	[sflag:s29] =	ssyncadd.s32 $0xFFFFFC00  }
0x32b: {  	v25 =	vshrl.u32 v25, $0x3;
	v26 =	vshrl.u32 v26, $0x3;
	v32 =	vshll.u32 v32, v1;
	_ =	swait.ge [sflag:s29], $0x400  }
0x32c: {  	v27 =	vshrl.u32 v27, $0x3;
	v18 =	vshll.u32 v18, v1;
	v32 =	vbroadcast v32, $0x0;
	[sflag:s29] =	ssyncset.done $0x0  }
0x32d: {  	s0 =	simm.s32 $0x6500;
	v17 =	vbroadcast v17, $0x0;
	v33 =	vbroadcast v18, $0x0;
	v18 =	vshll.u32 v19, v1;
	[sflag:s29] =	ssyncadd.s32 $0xFFFFFC00  }
0x32e: {  	v37 =	vbroadcast v18, $0x0;
	v18 =	vshll.u32 v20, v1;
	v34 =	vadd.s32 v15, v32;
	v19 =	vld [tilespmem:s0+$0xE0]  }
0x32f: {  	v28 =	vshrl.u32 v28, $0x3;
	v38 =	vadd.s32 v3, v33;
	v39 =	vbroadcast v18, $0x0;
	v20 =	vld [tilespmem:s0+$0xFFFFFF20]  }
0x330: {  	v29 =	vshrl.u32 v29, $0x3;
	v36 =	vadd.s32 v0, v17;
	v18 =	vshll.u32 v21, v1;
	v35 =	vld [tilespmem:s0+$0xFFFFFF00]  }
0x331: {  	s6 =	simm.s32 $0x11;
	v22 =	vshll.u32 v22, v1;
	v41 =	vbroadcast v18, $0x0;
	v42 =	vadd.s32 v7, v39;
	v18 =	vld [tilespmem:s0+$0xFFFFFF60]  }
0x332: {  	v60 =	vmov s6;
	v45 =	vbroadcast v22, $0x0;
	v40 =	vadd.s32 v5, v37;
	v21 =	vld [tilespmem:s0+$0xFFFFFF40]  }
0x333: {  	v30 =	vshrl.u32 v30, $0x3;
	v22 =	vshll.u32 v23, v1;
	v44 =	vadd.s32 v9, v41;
	v43 =	vld [tilespmem:s0+$0xFFFFFF80];
	[tilespmem:v34+s19+$0x0] =	vst.idx.msk $0xffff, v19  }
0x334: {  	v31 =	vshrl.u32 v31, $0x3;
	v19 =	vshll.u32 v24, v1;
	[tilespmem:v38+s19+$0x0] =	vst.idx.msk $0xffff, v20;
	v20 =	vld [tilespmem:s0+$0xFFFFFFA0];
	v24 =	vadd.s32 v11, v45  }
0x335: {  	s9 =	simm.s32 $0x12;
	v33 =	vadd.s32 v4, v33;
	v23 =	vadd.s32 v16, v32;
	[tilespmem:v36+s19+$0x0] =	vst.idx.msk $0xffff, v35;
	v36 =	vbroadcast v22, $0x0;
	v22 =	vld [tilespmem:s0+$0xF0]  }
0x336: {  	v61 =	vmov s9;
	v55 =	vadd.s32 v6, v37;
	[tilespmem:v42+s19+$0x0] =	vst.idx.msk $0xffff, v18;
	v18 =	vshll.u32 v27, v1;
	v51 =	vld [tilespmem:s0+$0xFFFFFF30]  }
0x337: {  	[tilespmem:v40+s19+$0x0] =	vst.idx.msk $0xffff, v21;
	v21 =	vld [tilespmem:s0+$0xFFFFFFC0];
	v46 =	vbroadcast v19, $0x0;
	v19 =	vshll.u32 v25, v1;
	v25 =	vadd.s32 v13, v36  }
0x338: {  	[tilespmem:v44+s19+$0x0] =	vst.idx.msk $0xffff, v43;
	v48 =	vbroadcast v18, $0x0;
	v54 =	vld [tilespmem:s0+$0xFFFFFF50];
	v40 =	vbroadcast v19, $0x0;
	v19 =	vshll.u32 v26, v1  }
0x339: {  	s10 =	simm.s32 $0x13;
	v18 =	vshll.u32 v28, v1;
	v26 =	vld [tilespmem:s0+$0xFFFFFFE0];
	v57 =	vadd.s32 v15, v46;
	v47 =	vbroadcast v19, $0x0;
	[tilespmem:v24+s19+$0x0] =	vst.idx.msk $0xffff, v20  }
0x33a: {  	s11 =	simm.s32 $0x14;
	v62 =	vmov s10;
	v27 =	vld [tilespmem:s0+$0x0];
	v18 =	vbroadcast v18, $0x0;
	v58 =	vadd.s32 v0, v40;
	[tilespmem:v23+s19+$0x0] =	vst.idx.msk $0xffff, v22  }
0x33b: {  	v49 =	vmov s11;
	s9 =	simm.s32 $0x16;
	v28 =	vld [tilespmem:s0+$0x20];
	v19 =	vshll.u32 v29, v1;
	v59 =	vadd.s32 v3, v47;
	[tilespmem:v33+s19+$0x0] =	vst.idx.msk $0xffff, v51  }
0x33c: {  	s10 =	simm.s32 $0x17;
	v52 =	vmov s9;
	v19 =	vbroadcast v19, $0x0;
	v24 =	vld [tilespmem:s0+$0x60];
	[tilespmem:v25+s19+$0x0] =	vst.idx.msk $0xffff, v21;
	v25 =	vadd.s32 v7, v18  }
0x33d: {  	v53 =	vmov s10;
	v20 =	vshll.u32 v30, v1;
	v22 =	vld [tilespmem:s0+$0x40];
	v23 =	vadd.s32 v5, v48;
	[tilespmem:v55+s19+$0x0] =	vst.idx.msk $0xffff, v54  }
0x33e: {  	s10 =	simm.s32 $0x1C;
	v39 =	vadd.s32 v8, v39;
	v20 =	vbroadcast v20, $0x0;
	v30 =	vadd.s32 v9, v19;
	[tilespmem:v57+s19+$0x0] =	vst.idx.msk $0xffff, v26;
	v26 =	vld [tilespmem:s0+$0x80]  }
0x33f: {  	v32 =	vmov s10;
	v56 =	vld [tilespmem:s0+$0xFFFFFFB0];
	v21 =	vshll.u32 v31, v1;
	v57 =	vadd.s32 v12, v45;
	[tilespmem:v58+s19+$0x0] =	vst.idx.msk $0xffff, v27  }
0x340: {  	s6 =	simm.s32 $0x1A;
	v41 =	vadd.s32 v10, v41;
	v21 =	vbroadcast v21, $0x0;
	v31 =	vadd.s32 v11, v20;
	v27 =	vld [tilespmem:s0+$0xA0];
	[tilespmem:v59+s19+$0x0] =	vst.idx.msk $0xffff, v28  }
0x341: {  	s25 =	simm.s32 $0x10;
	v35 =	vmov s6;
	v42 =	vadd.s32 v14, v36;
	v36 =	vshrl.u32 v60, $0x3;
	[tilespmem:v25+s19+$0x0] =	vst.idx.msk $0xffff, v24;
	v25 =	vld [tilespmem:s0+$0xFFFFFF70]  }
0x342: {  	v29 =	vmov s25;
	s25 =	simm.s32 $0x15;
	v43 =	vadd.s32 v16, v46;
	v28 =	vld [tilespmem:s0+$0xC0];
	v63 =	vadd.s32 v13, v21;
	[tilespmem:v23+s19+$0x0] =	vst.idx.msk $0xffff, v22  }
0x343: {  	v46 =	vadd.s32 v6, v48;
	v29 =	vshrl.u32 v29, $0x3;
	v50 =	vmov s25;
	s25 =	simm.s32 $0x19;
	[tilespmem:v30+s19+$0x0] =	vst.idx.msk $0xffff, v26;
	v26 =	vld [tilespmem:s0+$0xFFFFFF90]  }
0x344: {  	s11 =	simm.s32 $0x18;
	v44 =	vadd.s32 v2, v40;
	v34 =	vmov s25;
	s25 =	simm.s32 $0x1E;
	v33 =	vshrl.u32 v61, $0x3;
	v37 =	vld [tilespmem:s0+$0xFFFFFFD0];
	[tilespmem:v57+s19+$0x0] =	vst.idx.msk $0xffff, v56  }
0x345: {  	s9 =	simm.s32 $0x1B;
	v45 =	vadd.s32 v4, v47;
	v38 =	vld [tilespmem:s0+$0xFFFFFFF0];
	v23 =	vmov s25;
	v24 =	vmov s11;
	s11 =	simm.s32 $0x1D;
	[tilespmem:v31+s19+$0x0] =	vst.idx.msk $0xffff, v27  }
0x346: {  	v30 =	vmov s9;
	v22 =	vmov s11;
	v24 =	vshrl.u32 v24, $0x3;
	[tilespmem:v39+s19+$0x0] =	vst.idx.msk $0xffff, v25;
	v39 =	vld [tilespmem:s0+$0x10]  }
0x347: {  	v40 =	vld [tilespmem:s0+$0x30];
	v31 =	vshll.u32 v29, v1;
	v29 =	vshrl.u32 v62, $0x3;
	v27 =	vshrl.u32 v50, $0x3;
	[tilespmem:v63+s19+$0x0] =	vst.idx.msk $0xffff, v28  }
0x348: {  	s1 =	simm.s32 $0x20;
	s6 =	simm.s32 $0x1F;
	v28 =	vshrl.u32 v49, $0x3;
	v25 =	vshrl.u32 v52, $0x3;
	[tilespmem:v41+s19+$0x0] =	vst.idx.msk $0xffff, v26;
	v26 =	vshrl.u32 v53, $0x3;
	v41 =	vld [tilespmem:s0+$0x50]  }
.LBB2_12:
0x349: {  	p0 =	slt.u32 s1, $0x70;
	v34 =	vshrl.u32 v34, $0x3;
	v47 =	vmov s6;
	[tilespmem:v42+s19+$0x0] =	vst.idx.msk $0xffff, v37;
	v37 =	vld [tilespmem:s0+$0x70];
	v18 =	vadd.s32 v8, v18  }
0x34a: {  	v35 =	vshrl.u32 v35, $0x3;
	v19 =	vadd.s32 v10, v19;
	v42 =	vshrl.u32 v47, $0x3;
	[tilespmem:v43+s19+$0x0] =	vst.idx.msk $0xffff, v38;
	v38 =	vld [tilespmem:s0+$0x90]  }
0x34b: {  	v30 =	vshrl.u32 v30, $0x3;
	v20 =	vadd.s32 v12, v20;
	v42 =	vshll.u32 v42, v1;
	[tilespmem:v44+s19+$0x0] =	vst.idx.msk $0xffff, v39;
	v39 =	vld [tilespmem:s0+$0xB0]  }
0x34c: {  	v32 =	vshrl.u32 v32, $0x3;
	v21 =	vadd.s32 v14, v21;
	v42 =	vbroadcast v42, $0x0;
	[tilespmem:v45+s19+$0x0] =	vst.idx.msk $0xffff, v40;
	v40 =	vld [tilespmem:s0+$0xD0]  }
0x34d: {  	v36 =	vshll.u32 v36, v1;
	v44 =	vadd.s32 v2, v17;
	v17 =	vbroadcast v31, $0x0;
	v43 =	vld [tilespmem:s0+$0xFFFFFF10];
	[tilespmem:v46+s19+$0x0] =	vst.idx.msk $0xffff, v41;
	s0 =	sadd.s32 $0x200, s0  }
0x34e: {  	v33 =	vshll.u32 v33, v1;
	v31 =	vbroadcast v36, $0x0;
	v36 =	vld [tilespmem:s0+$0xE0];
	v41 =	vadd.s32 v15, v42;
	[tilespmem:v18+s19+$0x0] =	vst.idx.msk $0xffff, v37  }
0x34f: {  	v29 =	vshll.u32 v29, v1;
	v33 =	vbroadcast v33, $0x0;
	v37 =	vadd.s32 v0, v17;
	v18 =	vld [tilespmem:s0+$0xFFFFFF00];
	[tilespmem:v19+s19+$0x0] =	vst.idx.msk $0xffff, v38  }
0x350: {  	v28 =	vshll.u32 v28, v1;
	v29 =	vbroadcast v29, $0x0;
	v38 =	vadd.s32 v3, v31;
	v19 =	vld [tilespmem:s0+$0xFFFFFF20];
	[tilespmem:v20+s19+$0x0] =	vst.idx.msk $0xffff, v39  }
0x351: {  	v22 =	vshrl.u32 v22, $0x3;
	v28 =	vbroadcast v28, $0x0;
	v39 =	vadd.s32 v5, v33;
	v20 =	vld [tilespmem:s0+$0xFFFFFF40];
	[tilespmem:v21+s19+$0x0] =	vst.idx.msk $0xffff, v40  }
0x352: {  	v27 =	vshll.u32 v27, v1;
	v23 =	vshrl.u32 v23, $0x3;
	v40 =	vadd.s32 v7, v29;
	v21 =	vld [tilespmem:s0+$0xFFFFFF60];
	[tilespmem:v44+s19+$0x0] =	vst.idx.msk $0xffff, v43  }
0x353: {  	v25 =	vshll.u32 v25, v1;
	v27 =	vbroadcast v27, $0x0;
	v44 =	vadd.s32 v9, v28;
	v43 =	vld [tilespmem:s0+$0xFFFFFF80];
	[tilespmem:v41+s19+$0x0] =	vst.idx.msk $0xffff, v36  }
0x354: {  	v25 =	vbroadcast v25, $0x0;
	v36 =	vadd.s32 v16, v42;
	[tilespmem:v37+s19+$0x0] =	vst.idx.msk $0xffff, v18;
	v18 =	vshll.u32 v26, v1;
	v26 =	vld [tilespmem:s0+$0xF0]  }
0x355: {  	v37 =	vadd.s32 v11, v27;
	[tilespmem:v38+s19+$0x0] =	vst.idx.msk $0xffff, v19;
	v19 =	vld [tilespmem:s0+$0xFFFFFFA0];
	v41 =	vbroadcast v18, $0x0;
	v18 =	vshll.u32 v24, v1  }
0x356: {  	v24 =	vadd.s32 v13, v25;
	[tilespmem:v39+s19+$0x0] =	vst.idx.msk $0xffff, v20;
	v20 =	vld [tilespmem:s0+$0xFFFFFFC0];
	v45 =	vbroadcast v18, $0x0;
	v18 =	vshll.u32 v34, v1  }
0x357: {  	[tilespmem:v40+s19+$0x0] =	vst.idx.msk $0xffff, v21;
	v21 =	vld [tilespmem:s0+$0xFFFFFFE0];
	v34 =	vadd.s32 v15, v41;
	v46 =	vbroadcast v18, $0x0;
	v18 =	vshll.u32 v35, v1  }
0x358: {  	[tilespmem:v44+s19+$0x0] =	vst.idx.msk $0xffff, v43;
	v35 =	vld [tilespmem:s0+$0x0];
	v38 =	vadd.s32 v0, v45;
	v47 =	vbroadcast v18, $0x0;
	v18 =	vshll.u32 v30, v1  }
0x359: {  	v32 =	vshll.u32 v32, v1;
	v30 =	vld [tilespmem:s0+$0x20];
	v39 =	vadd.s32 v3, v46;
	v18 =	vbroadcast v18, $0x0;
	[tilespmem:v36+s19+$0x0] =	vst.idx.msk $0xffff, v26  }
0x35a: {  	v22 =	vshll.u32 v22, v1;
	[tilespmem:v37+s19+$0x0] =	vst.idx.msk $0xffff, v19;
	v26 =	vld [tilespmem:s0+$0x40];
	v36 =	vadd.s32 v5, v47;
	v19 =	vbroadcast v32, $0x0  }
0x35b: {  	[tilespmem:v24+s19+$0x0] =	vst.idx.msk $0xffff, v20;
	v24 =	vld [tilespmem:s0+$0x60];
	v32 =	vadd.s32 v7, v18;
	v20 =	vbroadcast v22, $0x0;
	v22 =	vshll.u32 v23, v1  }
0x35c: {  	s6 =	sadd.s32 $0x1, s1;
	v23 =	vmov s1;
	[tilespmem:v34+s19+$0x0] =	vst.idx.msk $0xffff, v21;
	v37 =	vld [tilespmem:s0+$0x80];
	v40 =	vadd.s32 v9, v19;
	v21 =	vbroadcast v22, $0x0  }
0x35d: {  	s9 =	sadd.s32 $0x3, s1;
	v43 =	vmov s6;
	s6 =	sadd.s32 $0x2, s1;
	v23 =	vshrl.u32 v23, $0x3;
	[tilespmem:v38+s19+$0x0] =	vst.idx.msk $0xffff, v35;
	v22 =	vld [tilespmem:s0+$0xA0];
	v38 =	vadd.s32 v11, v20  }
0x35e: {  	v48 =	vmov s9;
	s9 =	sadd.s32 $0x5, s1;
	v44 =	vmov s6;
	s6 =	sadd.s32 $0x4, s1;
	[tilespmem:v39+s19+$0x0] =	vst.idx.msk $0xffff, v30;
	v39 =	vld [tilespmem:s0+$0xC0];
	v42 =	vadd.s32 v13, v21  }
0x35f: {  	v50 =	vmov s9;
	s9 =	sadd.s32 $0x7, s1;
	v52 =	vadd.s32 v4, v31;
	v49 =	vmov s6;
	s6 =	sadd.s32 $0x6, s1;
	v51 =	vld [tilespmem:s0+$0xFFFFFF30];
	[tilespmem:v36+s19+$0x0] =	vst.idx.msk $0xffff, v26  }
0x360: {  	v53 =	vmov s9;
	s9 =	sadd.s32 $0x9, s1;
	v55 =	vadd.s32 v6, v33;
	v26 =	vmov s6;
	s6 =	sadd.s32 $0x8, s1;
	v54 =	vld [tilespmem:s0+$0xFFFFFF50];
	[tilespmem:v32+s19+$0x0] =	vst.idx.msk $0xffff, v24  }
0x361: {  	v57 =	vadd.s32 v8, v29;
	v34 =	vmov s9;
	s9 =	sadd.s32 $0xB, s1;
	v24 =	vmov s6;
	s6 =	sadd.s32 $0xA, s1;
	v56 =	vld [tilespmem:s0+$0xFFFFFF70];
	[tilespmem:v40+s19+$0x0] =	vst.idx.msk $0xffff, v37  }
0x362: {  	v58 =	vadd.s32 v10, v28;
	v30 =	vmov s9;
	s9 =	sadd.s32 $0xD, s1;
	v35 =	vmov s6;
	s6 =	sadd.s32 $0xC, s1;
	v40 =	vld [tilespmem:s0+$0xFFFFFF90];
	[tilespmem:v38+s19+$0x0] =	vst.idx.msk $0xffff, v22  }
0x363: {  	v60 =	vadd.s32 v12, v27;
	v32 =	vmov s6;
	v22 =	vmov s9;
	s6 =	sadd.s32 $0xE, s1;
	v59 =	vld [tilespmem:s0+$0xFFFFFFB0];
	[tilespmem:v42+s19+$0x0] =	vst.idx.msk $0xffff, v39  }
.Ltmp5:
0x364: {  	v31 =	vshll.u32 v23, v1;
	v23 =	vmov s6;
	v42 =	vadd.s32 v14, v25;
	[tilespmem:v52+s19+$0x0] =	vst.idx.msk $0xffff, v51;
	v37 =	vld [tilespmem:s0+$0xFFFFFFD0];
	(pc) =	sbr.rel @p0 .LBB2_12-.Ltmp5, $4  }
0x365: {  	v33 =	vshrl.u32 v44, $0x3;
	v36 =	vshrl.u32 v43, $0x3;
	v43 =	vadd.s32 v16, v41;
	[tilespmem:v55+s19+$0x0] =	vst.idx.msk $0xffff, v54;
	v38 =	vld [tilespmem:s0+$0xFFFFFFF0]  }
0x366: {  	v29 =	vshrl.u32 v48, $0x3;
	v44 =	vadd.s32 v2, v45;
	v28 =	vshrl.u32 v49, $0x3;
	[tilespmem:v57+s19+$0x0] =	vst.idx.msk $0xffff, v56;
	v39 =	vld [tilespmem:s0+$0x10]  }
0x367: {  	v27 =	vshrl.u32 v50, $0x3;
	v45 =	vadd.s32 v4, v46;
	v25 =	vshrl.u32 v26, $0x3;
	[tilespmem:v58+s19+$0x0] =	vst.idx.msk $0xffff, v40;
	v40 =	vld [tilespmem:s0+$0x30]  }
0x368: {  	v46 =	vadd.s32 v6, v47;
	v24 =	vshrl.u32 v24, $0x3;
	v26 =	vshrl.u32 v53, $0x3;
	s6 =	sadd.s32 $0xF, s1;
	s1 =	sadd.s32 $0x10, s1;
	[tilespmem:v60+s19+$0x0] =	vst.idx.msk $0xffff, v59;
	v41 =	vld [tilespmem:s0+$0x50]  }
0x369: {  	_ =	sdelay $0x3  }
0x36a: {  	v34 =	vshrl.u32 v34, $0x3;
	v47 =	vmov s6;
	[tilespmem:v42+s19+$0x0] =	vst.idx.msk $0xffff, v37;
	v55 =	vld [tilespmem:s0+$0x70];
	v56 =	vadd.s32 v8, v18  }
0x36b: {  	v57 =	vld [tilespmem:s0+$0x90];
	v19 =	vadd.s32 v10, v19;
	v20 =	vadd.s32 v12, v20;
	v18 =	vshrl.u32 v47, $0x3;
	[tilespmem:v43+s19+$0x0] =	vst.idx.msk $0xffff, v38  }
0x36c: {  	v30 =	vshrl.u32 v30, $0x3;
	v58 =	vld [tilespmem:s0+$0xB0];
	v21 =	vadd.s32 v14, v21;
	v18 =	vshll.u32 v18, v1;
	[tilespmem:v44+s19+$0x0] =	vst.idx.msk $0xffff, v39  }
0x36d: {  	v60 =	vld [tilespmem:s0+$0xD0];
	v17 =	vadd.s32 v2, v17;
	v33 =	vshll.u32 v33, v1;
	v59 =	vbroadcast v18, $0x0;
	[tilespmem:v45+s19+$0x0] =	vst.idx.msk $0xffff, v40  }
0x36e: {  	v61 =	vld [tilespmem:s0+$0xFFFFFF10];
	s10 =	sadd.s32 $0x200, s0;
	v29 =	vshll.u32 v29, v1;
	v28 =	vshll.u32 v28, v1;
	v18 =	vbroadcast v31, $0x0;
	[tilespmem:v46+s19+$0x0] =	vst.idx.msk $0xffff, v41  }
0x36f: {  	v23 =	vshrl.u32 v23, $0x3;
	v62 =	vld [tilespmem:s10+$0xE0];
	v33 =	vbroadcast v33, $0x0;
	v63 =	vadd.s32 v15, v59;
	[tilespmem:v56+s19+$0x0] =	vst.idx.msk $0xffff, v55  }
0x370: {  	v25 =	vshll.u32 v25, v1;
	v29 =	vbroadcast v29, $0x0;
	v46 =	vld [tilespmem:s10+$0xFFFFFF00];
	v47 =	vadd.s32 v0, v18;
	[tilespmem:v19+s19+$0x0] =	vst.idx.msk $0xffff, v57  }
0x371: {  	v28 =	vbroadcast v28, $0x0;
	v34 =	vshll.u32 v34, v1;
	v49 =	vadd.s32 v5, v33;
	[tilespmem:v20+s19+$0x0] =	vst.idx.msk $0xffff, v58;
	v20 =	vld [tilespmem:s10+$0xFFFFFF40]  }
0x372: {  	v34 =	vbroadcast v34, $0x0;
	v31 =	vshll.u32 v36, v1;
	v50 =	vadd.s32 v7, v29;
	[tilespmem:v21+s19+$0x0] =	vst.idx.msk $0xffff, v60;
	v21 =	vld [tilespmem:s10+$0xFFFFFF60]  }
0x373: {  	v26 =	vshll.u32 v26, v1;
	v51 =	vadd.s32 v9, v28;
	v31 =	vbroadcast v31, $0x0;
	[tilespmem:v17+s19+$0x0] =	vst.idx.msk $0xffff, v61;
	v17 =	vld [tilespmem:s10+$0xFFFFFF80]  }
0x374: {  	v25 =	vbroadcast v25, $0x0;
	v53 =	vadd.s32 v16, v59;
	v58 =	vld [tilespmem:s10+$0x20];
	v59 =	vadd.s32 v3, v34;
	[tilespmem:v63+s19+$0x0] =	vst.idx.msk $0xffff, v62  }
0x375: {  	v24 =	vshll.u32 v24, v1;
	v26 =	vbroadcast v26, $0x0;
	v19 =	vld [tilespmem:s10+$0xFFFFFF20];
	v48 =	vadd.s32 v3, v31;
	[tilespmem:v47+s19+$0x0] =	vst.idx.msk $0xffff, v46  }
0x376: {  	v24 =	vbroadcast v24, $0x0;
	v23 =	vshll.u32 v23, v1;
	v55 =	vadd.s32 v13, v25;
	[tilespmem:v49+s19+$0x0] =	vst.idx.msk $0xffff, v20;
	v20 =	vld [tilespmem:s10+$0xFFFFFFC0]  }
0x377: {  	v27 =	vshll.u32 v27, v1;
	v23 =	vbroadcast v23, $0x0;
	v56 =	vadd.s32 v15, v26;
	[tilespmem:v50+s19+$0x0] =	vst.idx.msk $0xffff, v21;
	v21 =	vld [tilespmem:s10+$0xFFFFFFE0]  }
0x378: {  	v32 =	vshrl.u32 v32, $0x3;
	v27 =	vbroadcast v27, $0x0;
	v57 =	vadd.s32 v0, v24;
	[tilespmem:v51+s19+$0x0] =	vst.idx.msk $0xffff, v17;
	v17 =	vld [tilespmem:s10+$0x0]  }
0x379: {  	v22 =	vshrl.u32 v22, $0x3;
	v30 =	vshll.u32 v30, v1;
	v45 =	vld [tilespmem:s10+$0xC0];
	[tilespmem:v59+s19+$0x0] =	vst.idx.msk $0xffff, v58;
	v46 =	vadd.s32 v13, v23  }
0x37a: {  	v32 =	vshll.u32 v32, v1;
	v30 =	vbroadcast v30, $0x0;
	v54 =	vadd.s32 v11, v27;
	[tilespmem:v48+s19+$0x0] =	vst.idx.msk $0xffff, v19;
	v19 =	vld [tilespmem:s10+$0xFFFFFFA0]  }
0x37b: {  	v35 =	vshrl.u32 v35, $0x3;
	v22 =	vshll.u32 v22, v1;
	v32 =	vbroadcast v32, $0x0;
	v52 =	vld [tilespmem:s10+$0xF0];
	[tilespmem:v55+s19+$0x0] =	vst.idx.msk $0xffff, v20  }
0x37c: {  	v35 =	vshll.u32 v35, v1;
	v22 =	vbroadcast v22, $0x0;
	v61 =	vadd.s32 v7, v30;
	v20 =	vld [tilespmem:s10+$0x60];
	[tilespmem:v56+s19+$0x0] =	vst.idx.msk $0xffff, v21  }
0x37d: {  	v35 =	vbroadcast v35, $0x0;
	v62 =	vadd.s32 v9, v32;
	v21 =	vld [tilespmem:s10+$0x80];
	[tilespmem:v57+s19+$0x0] =	vst.idx.msk $0xffff, v17  }
0x37e: {  	v63 =	vadd.s32 v11, v22;
	v17 =	vld [tilespmem:s10+$0xA0];
	[tilespmem:v46+s19+$0x0] =	vst.idx.msk $0xffff, v45  }
0x37f: {  	v60 =	vadd.s32 v5, v35;
	[tilespmem:v54+s19+$0x0] =	vst.idx.msk $0xffff, v19;
	v19 =	vld [tilespmem:s10+$0x40]  }
0x380: {  	v31 =	vadd.s32 v4, v31;
	v47 =	vld [tilespmem:s10+$0xFFFFFF30];
	[tilespmem:v53+s19+$0x0] =	vst.idx.msk $0xffff, v52  }
0x381: {  	v29 =	vadd.s32 v8, v29;
	[tilespmem:v61+s19+$0x0] =	vst.idx.msk $0xffff, v20;
	v20 =	vld [tilespmem:s10+$0xFFFFFF70]  }
0x382: {  	v28 =	vadd.s32 v10, v28;
	[tilespmem:v62+s19+$0x0] =	vst.idx.msk $0xffff, v21;
	v21 =	vld [tilespmem:s10+$0xFFFFFF90]  }
0x383: {  	v27 =	vadd.s32 v12, v27;
	[tilespmem:v63+s19+$0x0] =	vst.idx.msk $0xffff, v17;
	v17 =	vld [tilespmem:s10+$0xFFFFFFB0]  }
0x384: {  	v33 =	vadd.s32 v6, v33;
	[tilespmem:v60+s19+$0x0] =	vst.idx.msk $0xffff, v19;
	v19 =	vld [tilespmem:s10+$0xFFFFFF50]  }
0x385: {  	v25 =	vadd.s32 v14, v25;
	[tilespmem:v31+s19+$0x0] =	vst.idx.msk $0xffff, v47;
	v31 =	vld [tilespmem:s10+$0xFFFFFFD0]  }
0x386: {  	v24 =	vadd.s32 v2, v24;
	[tilespmem:v29+s19+$0x0] =	vst.idx.msk $0xffff, v20;
	v20 =	vld [tilespmem:s10+$0x10]  }
0x387: {  	[tilespmem:v28+s19+$0x0] =	vst.idx.msk $0xffff, v21;
	v21 =	vld [tilespmem:s10+$0x30];
	v28 =	vadd.s32 v4, v34  }
0x388: {  	[tilespmem:v27+s19+$0x0] =	vst.idx.msk $0xffff, v17;
	v17 =	vld [tilespmem:s10+$0x50];
	v27 =	vadd.s32 v6, v35  }
0x389: {  	v26 =	vadd.s32 v16, v26;
	[tilespmem:v33+s19+$0x0] =	vst.idx.msk $0xffff, v19;
	v19 =	vld [tilespmem:s10+$0xFFFFFFF0]  }
0x38a: {  	[tilespmem:v25+s19+$0x0] =	vst.idx.msk $0xffff, v31;
	v25 =	vld [tilespmem:s10+$0x70];
	v29 =	vadd.s32 v8, v30  }
0x38b: {  	v22 =	vadd.s32 v12, v22;
	[tilespmem:v24+s19+$0x0] =	vst.idx.msk $0xffff, v20;
	v20 =	vld [tilespmem:s10+$0xB0]  }
0x38c: {  	v23 =	vadd.s32 v14, v23;
	[tilespmem:v28+s19+$0x0] =	vst.idx.msk $0xffff, v21;
	v21 =	vld [tilespmem:s10+$0xD0]  }
0x38d: {  	v18 =	vadd.s32 v2, v18;
	v24 =	vld [tilespmem:s10+$0xFFFFFF10];
	[tilespmem:v27+s19+$0x0] =	vst.idx.msk $0xffff, v17  }
0x38e: {  	[tilespmem:v26+s19+$0x0] =	vst.idx.msk $0xffff, v19;
	v19 =	vld [tilespmem:s10+$0x90];
	v26 =	vadd.s32 v10, v32  }
0x38f: {  	[tilespmem:v29+s19+$0x0] =	vst.idx.msk $0xffff, v25  }
0x390: {  	[tilespmem:v22+s19+$0x0] =	vst.idx.msk $0xffff, v20  }
0x391: {  	[tilespmem:v23+s19+$0x0] =	vst.idx.msk $0xffff, v21  }
0x392: {  	[tilespmem:v18+s19+$0x0] =	vst.idx.msk $0xffff, v24  }
0x393: {  	[tilespmem:v26+s19+$0x0] =	vst.idx.msk $0xffff, v19  }
0x394: {  	s0 =	simm.s32 $0x0;
	s6 =	rddreg [dreg:$0x7]  }
0x395: {  	[hbm4b:s6+s0] =	stream.linear.scatter [tilespmem:s19], [sflag:$0x5], $0x80, $0x38;
	[tilespmem:$0xC600] =	vst v63  }
0x396: {  	s9 =	simm.s32 $0xA488;
	s1 =	sadd.s32 $0x10, s6  }
0x397: {  	[hbm4b:s1+s0] =	stream.linear.scatter [tilespmem:s9], [sflag:$0x5], $0x80, $0x38;
	[tilespmem:$0xC600] =	vst v63  }
0x398: {  	s25 =	simm.s32 $0xA510;
	s11 =	sadd.s32 $0x20, s6  }
0x399: {  	[hbm4b:s11+s0] =	stream.linear.scatter [tilespmem:s25], [sflag:$0x5], $0x80, $0x38;
	[tilespmem:$0xC600] =	vst v63  }
0x39a: {  	s10 =	simm.s32 $0xA598;
	s9 =	sadd.s32 $0x30, s6  }
0x39b: {  	[hbm4b:s9+s0] =	stream.linear.scatter [tilespmem:s10], [sflag:$0x5], $0x80, $0x38;
	[tilespmem:$0xC600] =	vst v63  }
0x39c: {  	s11 =	sadd.s32 $0x40, s6;
	s25 =	simm.s32 $0xA620  }
0x39d: {  	[hbm4b:s11+s0] =	stream.linear.scatter [tilespmem:s25], [sflag:$0x5], $0x80, $0x38;
	[tilespmem:$0xC600] =	vst v63  }
0x39e: {  	s9 =	sadd.s32 $0x50, s6;
	s10 =	simm.s32 $0xA6A8  }
0x39f: {  	[hbm4b:s9+s0] =	stream.linear.scatter [tilespmem:s10], [sflag:$0x5], $0x80, $0x38;
	[tilespmem:$0xC600] =	vst v63  }
0x3a0: {  	s11 =	sadd.s32 $0x60, s6;
	s25 =	simm.s32 $0xA730  }
0x3a1: {  	[hbm4b:s11+s0] =	stream.linear.scatter [tilespmem:s25], [sflag:$0x5], $0x80, $0x38;
	[tilespmem:$0xC600] =	vst v63  }
0x3a2: {  	s10 =	sadd.s32 $0x70, s6;
	s11 =	simm.s32 $0xA7B8  }
0x3a3: {  	[hbm4b:s10+s0] =	stream.linear.scatter [tilespmem:s11], [sflag:$0x5], $0x80, $0x38;
	[tilespmem:$0xC600] =	vst v63  }
0x3a4: {  	s6 =	rddreg [dreg:$0x8];
	s25 =	simm.s32 $0xA840  }
0x3a5: {  	[hbm4b:s6+s0] =	stream.linear.scatter [tilespmem:s25], [sflag:$0x5], $0x80, $0x38;
	[tilespmem:$0xC600] =	vst v63  }
0x3a6: {  	s9 =	sadd.s32 $0x10, s6;
	s10 =	simm.s32 $0xA8C8  }
0x3a7: {  	[hbm4b:s9+s0] =	stream.linear.scatter [tilespmem:s10], [sflag:$0x5], $0x80, $0x38;
	[tilespmem:$0xC600] =	vst v63  }
0x3a8: {  	s11 =	sadd.s32 $0x20, s6;
	s25 =	simm.s32 $0xA950  }
0x3a9: {  	[hbm4b:s11+s0] =	stream.linear.scatter [tilespmem:s25], [sflag:$0x5], $0x80, $0x38;
	[tilespmem:$0xC600] =	vst v63  }
0x3aa: {  	s9 =	sadd.s32 $0x30, s6;
	s10 =	simm.s32 $0xA9D8  }
0x3ab: {  	[hbm4b:s9+s0] =	stream.linear.scatter [tilespmem:s10], [sflag:$0x5], $0x80, $0x38;
	[tilespmem:$0xC600] =	vst v63  }
0x3ac: {  	s11 =	sadd.s32 $0x40, s6;
	s25 =	simm.s32 $0xAA60  }
0x3ad: {  	[hbm4b:s11+s0] =	stream.linear.scatter [tilespmem:s25], [sflag:$0x5], $0x80, $0x38;
	[tilespmem:$0xC600] =	vst v63  }
0x3ae: {  	s9 =	sadd.s32 $0x50, s6;
	s10 =	simm.s32 $0xAAE8  }
0x3af: {  	[hbm4b:s9+s0] =	stream.linear.scatter [tilespmem:s10], [sflag:$0x5], $0x80, $0x38;
	[tilespmem:$0xC600] =	vst v63  }
0x3b0: {  	s11 =	sadd.s32 $0x60, s6;
	s25 =	simm.s32 $0xAB70  }
0x3b1: {  	[hbm4b:s11+s0] =	stream.linear.scatter [tilespmem:s25], [sflag:$0x5], $0x80, $0x38;
	[tilespmem:$0xC600] =	vst v63  }
0x3b2: {  	s10 =	sadd.s32 $0x70, s6;
	s11 =	simm.s32 $0xABF8  }
0x3b3: {  	[hbm4b:s10+s0] =	stream.linear.scatter [tilespmem:s11], [sflag:$0x5], $0x80, $0x38;
	[tilespmem:$0xC600] =	vst v63  }
0x3b4: {  	s6 =	rddreg [dreg:$0x9];
	s25 =	simm.s32 $0xAC80  }
0x3b5: {  	[hbm4b:s6+s0] =	stream.linear.scatter [tilespmem:s25], [sflag:$0x5], $0x80, $0x38;
	[tilespmem:$0xC600] =	vst v63  }
0x3b6: {  	s9 =	sadd.s32 $0x10, s6;
	s10 =	simm.s32 $0xAD08  }
0x3b7: {  	[hbm4b:s9+s0] =	stream.linear.scatter [tilespmem:s10], [sflag:$0x5], $0x80, $0x38;
	[tilespmem:$0xC600] =	vst v63  }
0x3b8: {  	s11 =	sadd.s32 $0x20, s6;
	s25 =	simm.s32 $0xAD90  }
0x3b9: {  	[hbm4b:s11+s0] =	stream.linear.scatter [tilespmem:s25], [sflag:$0x5], $0x80, $0x38;
	[tilespmem:$0xC600] =	vst v63  }
0x3ba: {  	s9 =	sadd.s32 $0x30, s6;
	s10 =	simm.s32 $0xAE18  }
0x3bb: {  	[hbm4b:s9+s0] =	stream.linear.scatter [tilespmem:s10], [sflag:$0x5], $0x80, $0x38;
	[tilespmem:$0xC600] =	vst v63  }
0x3bc: {  	s11 =	sadd.s32 $0x40, s6;
	s25 =	simm.s32 $0xAEA0  }
0x3bd: {  	[hbm4b:s11+s0] =	stream.linear.scatter [tilespmem:s25], [sflag:$0x5], $0x80, $0x38;
	[tilespmem:$0xC600] =	vst v63  }
0x3be: {  	s9 =	sadd.s32 $0x50, s6;
	s10 =	simm.s32 $0xAF28  }
0x3bf: {  	[hbm4b:s9+s0] =	stream.linear.scatter [tilespmem:s10], [sflag:$0x5], $0x80, $0x38;
	[tilespmem:$0xC600] =	vst v63  }
0x3c0: {  	s11 =	sadd.s32 $0x60, s6;
	s25 =	simm.s32 $0xAFB0  }
0x3c1: {  	[hbm4b:s11+s0] =	stream.linear.scatter [tilespmem:s25], [sflag:$0x5], $0x80, $0x38;
	[tilespmem:$0xC600] =	vst v63  }
0x3c2: {  	s6 =	sadd.s32 $0x70, s6;
	s9 =	simm.s32 $0xB038  }
0x3c3: {  	[hbm4b:s6+s0] =	stream.linear.scatter [tilespmem:s9], [sflag:$0x5], $0x80, $0x38;
	[tilespmem:$0xC600] =	vst v63  }
0x3c4: {  	s10 =	simm.s32 $0xB0C0;
	s6 =	rddreg [dreg:$0xa]  }
0x3c5: {  	[hbm4b:s6+s0] =	stream.linear.scatter [tilespmem:s10], [sflag:$0x5], $0x80, $0x38;
	[tilespmem:$0xC600] =	vst v63  }
0x3c6: {  	s25 =	simm.s32 $0xB148;
	s11 =	sadd.s32 $0x10, s6  }
0x3c7: {  	[hbm4b:s11+s0] =	stream.linear.scatter [tilespmem:s25], [sflag:$0x5], $0x80, $0x38;
	[tilespmem:$0xC600] =	vst v63  }
0x3c8: {  	s9 =	sadd.s32 $0x20, s6;
	s10 =	simm.s32 $0xB1D0  }
0x3c9: {  	[hbm4b:s9+s0] =	stream.linear.scatter [tilespmem:s10], [sflag:$0x5], $0x80, $0x38;
	[tilespmem:$0xC600] =	vst v63  }
0x3ca: {  	s11 =	sadd.s32 $0x30, s6;
	s25 =	simm.s32 $0xB258  }
0x3cb: {  	[hbm4b:s11+s0] =	stream.linear.scatter [tilespmem:s25], [sflag:$0x5], $0x80, $0x38;
	[tilespmem:$0xC600] =	vst v63  }
0x3cc: {  	s9 =	sadd.s32 $0x40, s6;
	s10 =	simm.s32 $0xB2E0  }
0x3cd: {  	[hbm4b:s9+s0] =	stream.linear.scatter [tilespmem:s10], [sflag:$0x5], $0x80, $0x38;
	[tilespmem:$0xC600] =	vst v63  }
0x3ce: {  	s11 =	sadd.s32 $0x50, s6;
	s25 =	simm.s32 $0xB368  }
0x3cf: {  	[hbm4b:s11+s0] =	stream.linear.scatter [tilespmem:s25], [sflag:$0x5], $0x80, $0x38;
	[tilespmem:$0xC600] =	vst v63  }
0x3d0: {  	s9 =	sadd.s32 $0x60, s6;
	s10 =	simm.s32 $0xB3F0  }
0x3d1: {  	[hbm4b:s9+s0] =	stream.linear.scatter [tilespmem:s10], [sflag:$0x5], $0x80, $0x38;
	[tilespmem:$0xC600] =	vst v63  }
0x3d2: {  	s11 =	sadd.s32 $0x70, s6;
	s25 =	simm.s32 $0xB478  }
0x3d3: {  	[hbm4b:s11+s0] =	stream.linear.scatter [tilespmem:s25], [sflag:$0x5], $0x80, $0x38;
	[tilespmem:$0xC600] =	vst v63  }
0x3d4: {  	_ =	swait.ge [sflag:s2], $0x1000  }
0x3d5: {  	[sflag:s2] =	ssyncset.done $0x0  }
0x3d6: {  	v17 =	vmov s0;
	s1 =	simm.s32 $0x1;
	[sflag:s2] =	ssyncadd.s32 $0xFFFFF000  }
0x3d7: {  	v17 =	vshrl.u32 v17, $0x3;
	v18 =	vmov s1;
	_ =	swait.ge [sflag:s31], $0x400  }
0x3d8: {  	v17 =	vshll.u32 v17, v1;
	v18 =	vshrl.u32 v18, $0x3;
	[sflag:s31] =	ssyncset.done $0x0  }
0x3d9: {  	v17 =	vbroadcast v17, $0x0;
	s1 =	simm.s32 $0x7;
	v18 =	vshll.u32 v18, v1;
	[sflag:s31] =	ssyncadd.s32 $0xFFFFFC00  }
0x3da: {  	v24 =	vmov s1;
	v33 =	vbroadcast v18, $0x0;
	_ =	swait.ge [sflag:s31], $0x400  }
0x3db: {  	v51 =	vadd.s32 v0, v17;
	v24 =	vshrl.u32 v24, $0x3;
	s6 =	simm.s32 $0x2;
	s11 =	simm.s32 $0x5;
	[sflag:s31] =	ssyncset.done $0x0  }
0x3dc: {  	v52 =	vadd.s32 v3, v33;
	v19 =	vmov s6;
	s6 =	simm.s32 $0x8;
	v22 =	vmov s11;
	s11 =	simm.s32 $0xB;
	[sflag:s31] =	ssyncadd.s32 $0xFFFFFC00  }
0x3dd: {  	v33 =	vadd.s32 v4, v33;
	s9 =	simm.s32 $0x3;
	v25 =	vmov s6;
	v28 =	vmov s11;
	s11 =	simm.s32 $0xF;
	_ =	swait.ge [sflag:s31], $0x400  }
0x3de: {  	s10 =	simm.s32 $0x4;
	v19 =	vshrl.u32 v19, $0x3;
	v20 =	vmov s9;
	v48 =	vmov s11;
	[sflag:s31] =	ssyncset.done $0x0  }
0x3df: {  	s6 =	simm.s32 $0x11;
	v21 =	vmov s10;
	v25 =	vshrl.u32 v25, $0x3;
	v32 =	vshrl.u32 v48, $0x3;
	[sflag:s31] =	ssyncadd.s32 $0xFFFFFC00  }
0x3e0: {  	s9 =	simm.s32 $0x9;
	s10 =	simm.s32 $0xA;
	v18 =	vshll.u32 v19, v1;
	v60 =	vmov s6;
	v32 =	vshll.u32 v32, v1;
	_ =	swait.ge [sflag:s31], $0x400  }
0x3e1: {  	s6 =	simm.s32 $0x1A;
	v26 =	vmov s9;
	v27 =	vmov s10;
	v32 =	vbroadcast v32, $0x0;
	[sflag:s31] =	ssyncset.done $0x0  }
0x3e2: {  	s25 =	simm.s32 $0x6;
	v20 =	vshrl.u32 v20, $0x3;
	v21 =	vshrl.u32 v21, $0x3;
	s0 =	simm.s32 $0x75F0;
	v37 =	vbroadcast v18, $0x0;
	[sflag:s31] =	ssyncadd.s32 $0xFFFFFC00  }
0x3e3: {  	s9 =	simm.s32 $0xD;
	s10 =	simm.s32 $0xE;
	v35 =	vmov s6;
	v23 =	vmov s25;
	v49 =	vadd.s32 v15, v32;
	v19 =	vld [tilespmem:s0+$0xFFFFFFF0]  }
0x3e4: {  	v30 =	vmov s9;
	v31 =	vmov s10;
	v18 =	vshll.u32 v20, v1;
	v50 =	vld [tilespmem:s0+$0xFFFFFE10]  }
0x3e5: {  	v26 =	vshrl.u32 v26, $0x3;
	v39 =	vbroadcast v18, $0x0;
	v18 =	vshll.u32 v21, v1;
	v20 =	vld [tilespmem:s0+$0xFFFFFE30]  }
0x3e6: {  	v22 =	vshrl.u32 v22, $0x3;
	v53 =	vadd.s32 v5, v37;
	v41 =	vbroadcast v18, $0x0;
	v21 =	vld [tilespmem:s0+$0xFFFFFE50]  }
0x3e7: {  	v27 =	vshrl.u32 v27, $0x3;
	v22 =	vshll.u32 v22, v1;
	v54 =	vadd.s32 v7, v39;
	v18 =	vld [tilespmem:s0+$0xFFFFFE70]  }
0x3e8: {  	s25 =	simm.s32 $0xC;
	v23 =	vshrl.u32 v23, $0x3;
	v45 =	vbroadcast v22, $0x0;
	v56 =	vadd.s32 v9, v41;
	v55 =	vld [tilespmem:s0+$0xFFFFFE90];
	[tilespmem:v49+s14+$0x0] =	vst.idx.msk $0xffff, v19  }
0x3e9: {  	v29 =	vmov s25;
	v30 =	vshrl.u32 v30, $0x3;
	v22 =	vshll.u32 v23, v1;
	[tilespmem:v51+s14+$0x0] =	vst.idx.msk $0xffff, v50  }
0x3ea: {  	v36 =	vbroadcast v22, $0x0;
	v19 =	vshll.u32 v24, v1;
	[tilespmem:v52+s14+$0x0] =	vst.idx.msk $0xffff, v20;
	v20 =	vld [tilespmem:s0+$0xFFFFFEB0];
	v24 =	vadd.s32 v11, v45  }
0x3eb: {  	v31 =	vshrl.u32 v31, $0x3;
	v28 =	vshrl.u32 v28, $0x3;
	v23 =	vadd.s32 v16, v32;
	[tilespmem:v53+s14+$0x0] =	vst.idx.msk $0xffff, v21;
	v22 =	vld [tilespmem:s0+$0x0]  }
0x3ec: {  	v21 =	vld [tilespmem:s0+$0xFFFFFED0];
	[tilespmem:v54+s14+$0x0] =	vst.idx.msk $0xffff, v18;
	v46 =	vbroadcast v19, $0x0;
	v19 =	vshll.u32 v25, v1;
	v25 =	vadd.s32 v13, v36  }
0x3ed: {  	v29 =	vshrl.u32 v29, $0x3;
	v18 =	vshll.u32 v27, v1;
	[tilespmem:v56+s14+$0x0] =	vst.idx.msk $0xffff, v55;
	v55 =	vadd.s32 v6, v37;
	v51 =	vld [tilespmem:s0+$0xFFFFFE40]  }
0x3ee: {  	v48 =	vbroadcast v18, $0x0;
	v54 =	vld [tilespmem:s0+$0xFFFFFE60];
	v40 =	vbroadcast v19, $0x0;
	v19 =	vshll.u32 v26, v1  }
0x3ef: {  	v18 =	vshll.u32 v28, v1;
	v26 =	vld [tilespmem:s0+$0xFFFFFEF0];
	v57 =	vadd.s32 v15, v46;
	v47 =	vbroadcast v19, $0x0;
	[tilespmem:v24+s14+$0x0] =	vst.idx.msk $0xffff, v20  }
0x3f0: {  	s9 =	simm.s32 $0x12;
	v39 =	vadd.s32 v8, v39;
	v27 =	vld [tilespmem:s0+$0xFFFFFF10];
	v18 =	vbroadcast v18, $0x0;
	v58 =	vadd.s32 v0, v40;
	[tilespmem:v23+s14+$0x0] =	vst.idx.msk $0xffff, v22  }
0x3f1: {  	v61 =	vmov s9;
	v28 =	vld [tilespmem:s0+$0xFFFFFF30];
	v19 =	vshll.u32 v29, v1;
	v59 =	vadd.s32 v3, v47;
	[tilespmem:v25+s14+$0x0] =	vst.idx.msk $0xffff, v21  }
0x3f2: {  	s10 =	simm.s32 $0x13;
	v41 =	vadd.s32 v10, v41;
	v19 =	vbroadcast v19, $0x0;
	v24 =	vld [tilespmem:s0+$0xFFFFFF70];
	v25 =	vadd.s32 v7, v18;
	[tilespmem:v33+s14+$0x0] =	vst.idx.msk $0xffff, v51  }
0x3f3: {  	v62 =	vmov s10;
	v20 =	vshll.u32 v30, v1;
	v22 =	vld [tilespmem:s0+$0xFFFFFF50];
	v23 =	vadd.s32 v5, v48;
	[tilespmem:v55+s14+$0x0] =	vst.idx.msk $0xffff, v54  }
0x3f4: {  	s11 =	simm.s32 $0x14;
	v42 =	vadd.s32 v14, v36;
	v20 =	vbroadcast v20, $0x0;
	v30 =	vadd.s32 v9, v19;
	[tilespmem:v57+s14+$0x0] =	vst.idx.msk $0xffff, v26;
	v26 =	vld [tilespmem:s0+$0xFFFFFF90]  }
0x3f5: {  	s10 =	simm.s32 $0x17;
	v49 =	vmov s11;
	v21 =	vshll.u32 v31, v1;
	v56 =	vld [tilespmem:s0+$0xFFFFFEC0];
	v57 =	vadd.s32 v12, v45;
	[tilespmem:v58+s14+$0x0] =	vst.idx.msk $0xffff, v27  }
0x3f6: {  	s9 =	simm.s32 $0x16;
	v53 =	vmov s10;
	s10 =	simm.s32 $0x1C;
	v21 =	vbroadcast v21, $0x0;
	v31 =	vadd.s32 v11, v20;
	v27 =	vld [tilespmem:s0+$0xFFFFFFB0];
	[tilespmem:v59+s14+$0x0] =	vst.idx.msk $0xffff, v28  }
0x3f7: {  	s25 =	simm.s32 $0x10;
	v52 =	vmov s9;
	v32 =	vmov s10;
	v36 =	vshrl.u32 v60, $0x3;
	[tilespmem:v25+s14+$0x0] =	vst.idx.msk $0xffff, v24;
	v25 =	vld [tilespmem:s0+$0xFFFFFE80]  }
0x3f8: {  	v29 =	vmov s25;
	s25 =	simm.s32 $0x15;
	v43 =	vadd.s32 v16, v46;
	v63 =	vadd.s32 v13, v21;
	v28 =	vld [tilespmem:s0+$0xFFFFFFD0];
	[tilespmem:v23+s14+$0x0] =	vst.idx.msk $0xffff, v22  }
0x3f9: {  	v46 =	vadd.s32 v6, v48;
	v29 =	vshrl.u32 v29, $0x3;
	v50 =	vmov s25;
	s25 =	simm.s32 $0x19;
	[tilespmem:v30+s14+$0x0] =	vst.idx.msk $0xffff, v26;
	v26 =	vld [tilespmem:s0+$0xFFFFFEA0]  }
0x3fa: {  	s11 =	simm.s32 $0x18;
	v44 =	vadd.s32 v2, v40;
	v34 =	vmov s25;
	s25 =	simm.s32 $0x1E;
	v33 =	vshrl.u32 v61, $0x3;
	v37 =	vld [tilespmem:s0+$0xFFFFFEE0];
	[tilespmem:v57+s14+$0x0] =	vst.idx.msk $0xffff, v56  }
0x3fb: {  	s9 =	simm.s32 $0x1B;
	v45 =	vadd.s32 v4, v47;
	v38 =	vld [tilespmem:s0+$0xFFFFFF00];
	v24 =	vmov s11;
	s11 =	simm.s32 $0x1D;
	v23 =	vmov s25;
	[tilespmem:v31+s14+$0x0] =	vst.idx.msk $0xffff, v27  }
0x3fc: {  	v22 =	vmov s11;
	v24 =	vshrl.u32 v24, $0x3;
	v30 =	vmov s9;
	[tilespmem:v39+s14+$0x0] =	vst.idx.msk $0xffff, v25;
	v39 =	vld [tilespmem:s0+$0xFFFFFF20]  }
0x3fd: {  	v40 =	vld [tilespmem:s0+$0xFFFFFF40];
	v31 =	vshll.u32 v29, v1;
	v29 =	vshrl.u32 v62, $0x3;
	v27 =	vshrl.u32 v50, $0x3;
	[tilespmem:v63+s14+$0x0] =	vst.idx.msk $0xffff, v28  }
0x3fe: {  	s1 =	simm.s32 $0x20;
	s6 =	simm.s32 $0x1F;
	v28 =	vshrl.u32 v49, $0x3;
	v25 =	vshrl.u32 v52, $0x3;
	[tilespmem:v41+s14+$0x0] =	vst.idx.msk $0xffff, v26;
	v26 =	vshrl.u32 v53, $0x3;
	v41 =	vld [tilespmem:s0+$0xFFFFFF60]  }
.LBB2_14:
0x3ff: {  	p0 =	slt.u32 s1, $0x70;
	v34 =	vshrl.u32 v34, $0x3;
	v47 =	vmov s6;
	[tilespmem:v42+s14+$0x0] =	vst.idx.msk $0xffff, v37;
	v37 =	vld [tilespmem:s0+$0xFFFFFF80];
	v18 =	vadd.s32 v8, v18  }
0x400: {  	v35 =	vshrl.u32 v35, $0x3;
	v19 =	vadd.s32 v10, v19;
	v42 =	vshrl.u32 v47, $0x3;
	[tilespmem:v43+s14+$0x0] =	vst.idx.msk $0xffff, v38;
	v38 =	vld [tilespmem:s0+$0xFFFFFFA0]  }
0x401: {  	v30 =	vshrl.u32 v30, $0x3;
	v20 =	vadd.s32 v12, v20;
	v42 =	vshll.u32 v42, v1;
	[tilespmem:v44+s14+$0x0] =	vst.idx.msk $0xffff, v39;
	v39 =	vld [tilespmem:s0+$0xFFFFFFC0]  }
0x402: {  	v32 =	vshrl.u32 v32, $0x3;
	v21 =	vadd.s32 v14, v21;
	v42 =	vbroadcast v42, $0x0;
	[tilespmem:v45+s14+$0x0] =	vst.idx.msk $0xffff, v40;
	v40 =	vld [tilespmem:s0+$0xFFFFFFE0]  }
0x403: {  	v36 =	vshll.u32 v36, v1;
	v44 =	vadd.s32 v2, v17;
	v17 =	vbroadcast v31, $0x0;
	v43 =	vld [tilespmem:s0+$0xFFFFFE20];
	[tilespmem:v46+s14+$0x0] =	vst.idx.msk $0xffff, v41;
	s0 =	sadd.s32 $0x200, s0  }
0x404: {  	v33 =	vshll.u32 v33, v1;
	v31 =	vbroadcast v36, $0x0;
	v36 =	vld [tilespmem:s0+$0xFFFFFFF0];
	v41 =	vadd.s32 v15, v42;
	[tilespmem:v18+s14+$0x0] =	vst.idx.msk $0xffff, v37  }
0x405: {  	v29 =	vshll.u32 v29, v1;
	v33 =	vbroadcast v33, $0x0;
	v37 =	vadd.s32 v0, v17;
	v18 =	vld [tilespmem:s0+$0xFFFFFE10];
	[tilespmem:v19+s14+$0x0] =	vst.idx.msk $0xffff, v38  }
0x406: {  	v28 =	vshll.u32 v28, v1;
	v29 =	vbroadcast v29, $0x0;
	v38 =	vadd.s32 v3, v31;
	v19 =	vld [tilespmem:s0+$0xFFFFFE30];
	[tilespmem:v20+s14+$0x0] =	vst.idx.msk $0xffff, v39  }
0x407: {  	v22 =	vshrl.u32 v22, $0x3;
	v28 =	vbroadcast v28, $0x0;
	v39 =	vadd.s32 v5, v33;
	v20 =	vld [tilespmem:s0+$0xFFFFFE50];
	[tilespmem:v21+s14+$0x0] =	vst.idx.msk $0xffff, v40  }
0x408: {  	v27 =	vshll.u32 v27, v1;
	v23 =	vshrl.u32 v23, $0x3;
	v40 =	vadd.s32 v7, v29;
	v21 =	vld [tilespmem:s0+$0xFFFFFE70];
	[tilespmem:v44+s14+$0x0] =	vst.idx.msk $0xffff, v43  }
0x409: {  	v25 =	vshll.u32 v25, v1;
	v27 =	vbroadcast v27, $0x0;
	v44 =	vadd.s32 v9, v28;
	v43 =	vld [tilespmem:s0+$0xFFFFFE90];
	[tilespmem:v41+s14+$0x0] =	vst.idx.msk $0xffff, v36  }
0x40a: {  	v25 =	vbroadcast v25, $0x0;
	v36 =	vadd.s32 v16, v42;
	[tilespmem:v37+s14+$0x0] =	vst.idx.msk $0xffff, v18;
	v18 =	vshll.u32 v26, v1;
	v26 =	vld [tilespmem:s0+$0x0]  }
0x40b: {  	v37 =	vadd.s32 v11, v27;
	[tilespmem:v38+s14+$0x0] =	vst.idx.msk $0xffff, v19;
	v19 =	vld [tilespmem:s0+$0xFFFFFEB0];
	v41 =	vbroadcast v18, $0x0;
	v18 =	vshll.u32 v24, v1  }
0x40c: {  	v24 =	vadd.s32 v13, v25;
	[tilespmem:v39+s14+$0x0] =	vst.idx.msk $0xffff, v20;
	v20 =	vld [tilespmem:s0+$0xFFFFFED0];
	v45 =	vbroadcast v18, $0x0;
	v18 =	vshll.u32 v34, v1  }
0x40d: {  	[tilespmem:v40+s14+$0x0] =	vst.idx.msk $0xffff, v21;
	v21 =	vld [tilespmem:s0+$0xFFFFFEF0];
	v34 =	vadd.s32 v15, v41;
	v46 =	vbroadcast v18, $0x0;
	v18 =	vshll.u32 v35, v1  }
0x40e: {  	[tilespmem:v44+s14+$0x0] =	vst.idx.msk $0xffff, v43;
	v35 =	vld [tilespmem:s0+$0xFFFFFF10];
	v38 =	vadd.s32 v0, v45;
	v47 =	vbroadcast v18, $0x0;
	v18 =	vshll.u32 v30, v1  }
0x40f: {  	v32 =	vshll.u32 v32, v1;
	v30 =	vld [tilespmem:s0+$0xFFFFFF30];
	v39 =	vadd.s32 v3, v46;
	v18 =	vbroadcast v18, $0x0;
	[tilespmem:v36+s14+$0x0] =	vst.idx.msk $0xffff, v26  }
0x410: {  	v22 =	vshll.u32 v22, v1;
	[tilespmem:v37+s14+$0x0] =	vst.idx.msk $0xffff, v19;
	v26 =	vld [tilespmem:s0+$0xFFFFFF50];
	v36 =	vadd.s32 v5, v47;
	v19 =	vbroadcast v32, $0x0  }
0x411: {  	[tilespmem:v24+s14+$0x0] =	vst.idx.msk $0xffff, v20;
	v24 =	vld [tilespmem:s0+$0xFFFFFF70];
	v32 =	vadd.s32 v7, v18;
	v20 =	vbroadcast v22, $0x0;
	v22 =	vshll.u32 v23, v1  }
0x412: {  	s6 =	sadd.s32 $0x1, s1;
	v23 =	vmov s1;
	[tilespmem:v34+s14+$0x0] =	vst.idx.msk $0xffff, v21;
	v37 =	vld [tilespmem:s0+$0xFFFFFF90];
	v40 =	vadd.s32 v9, v19;
	v21 =	vbroadcast v22, $0x0  }
0x413: {  	s9 =	sadd.s32 $0x3, s1;
	v43 =	vmov s6;
	s6 =	sadd.s32 $0x2, s1;
	v23 =	vshrl.u32 v23, $0x3;
	[tilespmem:v38+s14+$0x0] =	vst.idx.msk $0xffff, v35;
	v22 =	vld [tilespmem:s0+$0xFFFFFFB0];
	v38 =	vadd.s32 v11, v20  }
0x414: {  	v48 =	vmov s9;
	s9 =	sadd.s32 $0x5, s1;
	v44 =	vmov s6;
	s6 =	sadd.s32 $0x4, s1;
	[tilespmem:v39+s14+$0x0] =	vst.idx.msk $0xffff, v30;
	v39 =	vld [tilespmem:s0+$0xFFFFFFD0];
	v42 =	vadd.s32 v13, v21  }
0x415: {  	v50 =	vmov s9;
	s9 =	sadd.s32 $0x7, s1;
	v52 =	vadd.s32 v4, v31;
	v49 =	vmov s6;
	s6 =	sadd.s32 $0x6, s1;
	v51 =	vld [tilespmem:s0+$0xFFFFFE40];
	[tilespmem:v36+s14+$0x0] =	vst.idx.msk $0xffff, v26  }
0x416: {  	v53 =	vmov s9;
	s9 =	sadd.s32 $0x9, s1;
	v55 =	vadd.s32 v6, v33;
	v26 =	vmov s6;
	s6 =	sadd.s32 $0x8, s1;
	v54 =	vld [tilespmem:s0+$0xFFFFFE60];
	[tilespmem:v32+s14+$0x0] =	vst.idx.msk $0xffff, v24  }
0x417: {  	v57 =	vadd.s32 v8, v29;
	v34 =	vmov s9;
	s9 =	sadd.s32 $0xB, s1;
	v24 =	vmov s6;
	s6 =	sadd.s32 $0xA, s1;
	v56 =	vld [tilespmem:s0+$0xFFFFFE80];
	[tilespmem:v40+s14+$0x0] =	vst.idx.msk $0xffff, v37  }
0x418: {  	v58 =	vadd.s32 v10, v28;
	v30 =	vmov s9;
	s9 =	sadd.s32 $0xD, s1;
	v35 =	vmov s6;
	s6 =	sadd.s32 $0xC, s1;
	v40 =	vld [tilespmem:s0+$0xFFFFFEA0];
	[tilespmem:v38+s14+$0x0] =	vst.idx.msk $0xffff, v22  }
0x419: {  	v60 =	vadd.s32 v12, v27;
	v32 =	vmov s6;
	v22 =	vmov s9;
	s6 =	sadd.s32 $0xE, s1;
	v59 =	vld [tilespmem:s0+$0xFFFFFEC0];
	[tilespmem:v42+s14+$0x0] =	vst.idx.msk $0xffff, v39  }
.Ltmp6:
0x41a: {  	v31 =	vshll.u32 v23, v1;
	v23 =	vmov s6;
	v42 =	vadd.s32 v14, v25;
	[tilespmem:v52+s14+$0x0] =	vst.idx.msk $0xffff, v51;
	v37 =	vld [tilespmem:s0+$0xFFFFFEE0];
	(pc) =	sbr.rel @p0 .LBB2_14-.Ltmp6, $4  }
0x41b: {  	v33 =	vshrl.u32 v44, $0x3;
	v36 =	vshrl.u32 v43, $0x3;
	v43 =	vadd.s32 v16, v41;
	[tilespmem:v55+s14+$0x0] =	vst.idx.msk $0xffff, v54;
	v38 =	vld [tilespmem:s0+$0xFFFFFF00]  }
0x41c: {  	v29 =	vshrl.u32 v48, $0x3;
	v44 =	vadd.s32 v2, v45;
	v28 =	vshrl.u32 v49, $0x3;
	[tilespmem:v57+s14+$0x0] =	vst.idx.msk $0xffff, v56;
	v39 =	vld [tilespmem:s0+$0xFFFFFF20]  }
0x41d: {  	v27 =	vshrl.u32 v50, $0x3;
	v45 =	vadd.s32 v4, v46;
	v25 =	vshrl.u32 v26, $0x3;
	[tilespmem:v58+s14+$0x0] =	vst.idx.msk $0xffff, v40;
	v40 =	vld [tilespmem:s0+$0xFFFFFF40]  }
0x41e: {  	v46 =	vadd.s32 v6, v47;
	v24 =	vshrl.u32 v24, $0x3;
	v26 =	vshrl.u32 v53, $0x3;
	s6 =	sadd.s32 $0xF, s1;
	s1 =	sadd.s32 $0x10, s1;
	[tilespmem:v60+s14+$0x0] =	vst.idx.msk $0xffff, v59;
	v41 =	vld [tilespmem:s0+$0xFFFFFF60]  }
0x41f: {  	_ =	sdelay $0x3  }
0x420: {  	v34 =	vshrl.u32 v34, $0x3;
	v47 =	vmov s6;
	[tilespmem:v42+s14+$0x0] =	vst.idx.msk $0xffff, v37;
	v55 =	vld [tilespmem:s0+$0xFFFFFF80];
	v56 =	vadd.s32 v8, v18  }
0x421: {  	v57 =	vld [tilespmem:s0+$0xFFFFFFA0];
	v19 =	vadd.s32 v10, v19;
	v20 =	vadd.s32 v12, v20;
	v18 =	vshrl.u32 v47, $0x3;
	[tilespmem:v43+s14+$0x0] =	vst.idx.msk $0xffff, v38  }
0x422: {  	v30 =	vshrl.u32 v30, $0x3;
	v58 =	vld [tilespmem:s0+$0xFFFFFFC0];
	v21 =	vadd.s32 v14, v21;
	v18 =	vshll.u32 v18, v1;
	[tilespmem:v44+s14+$0x0] =	vst.idx.msk $0xffff, v39  }
0x423: {  	v60 =	vld [tilespmem:s0+$0xFFFFFFE0];
	v17 =	vadd.s32 v2, v17;
	v33 =	vshll.u32 v33, v1;
	v59 =	vbroadcast v18, $0x0;
	[tilespmem:v45+s14+$0x0] =	vst.idx.msk $0xffff, v40  }
0x424: {  	v61 =	vld [tilespmem:s0+$0xFFFFFE20];
	s10 =	sadd.s32 $0x200, s0;
	v29 =	vshll.u32 v29, v1;
	v28 =	vshll.u32 v28, v1;
	v18 =	vbroadcast v31, $0x0;
	[tilespmem:v46+s14+$0x0] =	vst.idx.msk $0xffff, v41  }
0x425: {  	v23 =	vshrl.u32 v23, $0x3;
	v62 =	vld [tilespmem:s10+$0xFFFFFFF0];
	v33 =	vbroadcast v33, $0x0;
	v63 =	vadd.s32 v15, v59;
	[tilespmem:v56+s14+$0x0] =	vst.idx.msk $0xffff, v55  }
0x426: {  	v25 =	vshll.u32 v25, v1;
	v29 =	vbroadcast v29, $0x0;
	v46 =	vld [tilespmem:s10+$0xFFFFFE10];
	v47 =	vadd.s32 v0, v18;
	[tilespmem:v19+s14+$0x0] =	vst.idx.msk $0xffff, v57  }
0x427: {  	v28 =	vbroadcast v28, $0x0;
	v34 =	vshll.u32 v34, v1;
	v49 =	vadd.s32 v5, v33;
	[tilespmem:v20+s14+$0x0] =	vst.idx.msk $0xffff, v58;
	v20 =	vld [tilespmem:s10+$0xFFFFFE50]  }
0x428: {  	v34 =	vbroadcast v34, $0x0;
	v31 =	vshll.u32 v36, v1;
	v50 =	vadd.s32 v7, v29;
	[tilespmem:v21+s14+$0x0] =	vst.idx.msk $0xffff, v60;
	v21 =	vld [tilespmem:s10+$0xFFFFFE70]  }
0x429: {  	v26 =	vshll.u32 v26, v1;
	v51 =	vadd.s32 v9, v28;
	v31 =	vbroadcast v31, $0x0;
	[tilespmem:v17+s14+$0x0] =	vst.idx.msk $0xffff, v61;
	v17 =	vld [tilespmem:s10+$0xFFFFFE90]  }
0x42a: {  	v25 =	vbroadcast v25, $0x0;
	v53 =	vadd.s32 v16, v59;
	v58 =	vld [tilespmem:s10+$0xFFFFFF30];
	v59 =	vadd.s32 v3, v34;
	[tilespmem:v63+s14+$0x0] =	vst.idx.msk $0xffff, v62  }
0x42b: {  	v24 =	vshll.u32 v24, v1;
	v26 =	vbroadcast v26, $0x0;
	v19 =	vld [tilespmem:s10+$0xFFFFFE30];
	v48 =	vadd.s32 v3, v31;
	[tilespmem:v47+s14+$0x0] =	vst.idx.msk $0xffff, v46  }
0x42c: {  	v24 =	vbroadcast v24, $0x0;
	v23 =	vshll.u32 v23, v1;
	v55 =	vadd.s32 v13, v25;
	[tilespmem:v49+s14+$0x0] =	vst.idx.msk $0xffff, v20;
	v20 =	vld [tilespmem:s10+$0xFFFFFED0]  }
0x42d: {  	v27 =	vshll.u32 v27, v1;
	v23 =	vbroadcast v23, $0x0;
	v56 =	vadd.s32 v15, v26;
	[tilespmem:v50+s14+$0x0] =	vst.idx.msk $0xffff, v21;
	v21 =	vld [tilespmem:s10+$0xFFFFFEF0]  }
0x42e: {  	v32 =	vshrl.u32 v32, $0x3;
	v27 =	vbroadcast v27, $0x0;
	v57 =	vadd.s32 v0, v24;
	[tilespmem:v51+s14+$0x0] =	vst.idx.msk $0xffff, v17;
	v17 =	vld [tilespmem:s10+$0xFFFFFF10]  }
0x42f: {  	v22 =	vshrl.u32 v22, $0x3;
	v30 =	vshll.u32 v30, v1;
	v45 =	vld [tilespmem:s10+$0xFFFFFFD0];
	[tilespmem:v59+s14+$0x0] =	vst.idx.msk $0xffff, v58;
	v46 =	vadd.s32 v13, v23  }
0x430: {  	v32 =	vshll.u32 v32, v1;
	v30 =	vbroadcast v30, $0x0;
	v54 =	vadd.s32 v11, v27;
	[tilespmem:v48+s14+$0x0] =	vst.idx.msk $0xffff, v19;
	v19 =	vld [tilespmem:s10+$0xFFFFFEB0]  }
0x431: {  	v35 =	vshrl.u32 v35, $0x3;
	v22 =	vshll.u32 v22, v1;
	v32 =	vbroadcast v32, $0x0;
	v52 =	vld [tilespmem:s10+$0x0];
	[tilespmem:v55+s14+$0x0] =	vst.idx.msk $0xffff, v20  }
0x432: {  	v35 =	vshll.u32 v35, v1;
	v22 =	vbroadcast v22, $0x0;
	v61 =	vadd.s32 v7, v30;
	v20 =	vld [tilespmem:s10+$0xFFFFFF70];
	[tilespmem:v56+s14+$0x0] =	vst.idx.msk $0xffff, v21  }
0x433: {  	v35 =	vbroadcast v35, $0x0;
	v62 =	vadd.s32 v9, v32;
	v21 =	vld [tilespmem:s10+$0xFFFFFF90];
	[tilespmem:v57+s14+$0x0] =	vst.idx.msk $0xffff, v17  }
0x434: {  	v63 =	vadd.s32 v11, v22;
	v17 =	vld [tilespmem:s10+$0xFFFFFFB0];
	[tilespmem:v46+s14+$0x0] =	vst.idx.msk $0xffff, v45  }
0x435: {  	v60 =	vadd.s32 v5, v35;
	[tilespmem:v54+s14+$0x0] =	vst.idx.msk $0xffff, v19;
	v19 =	vld [tilespmem:s10+$0xFFFFFF50]  }
0x436: {  	v31 =	vadd.s32 v4, v31;
	v47 =	vld [tilespmem:s10+$0xFFFFFE40];
	[tilespmem:v53+s14+$0x0] =	vst.idx.msk $0xffff, v52  }
0x437: {  	v29 =	vadd.s32 v8, v29;
	[tilespmem:v61+s14+$0x0] =	vst.idx.msk $0xffff, v20;
	v20 =	vld [tilespmem:s10+$0xFFFFFE80]  }
0x438: {  	v28 =	vadd.s32 v10, v28;
	[tilespmem:v62+s14+$0x0] =	vst.idx.msk $0xffff, v21;
	v21 =	vld [tilespmem:s10+$0xFFFFFEA0]  }
0x439: {  	v27 =	vadd.s32 v12, v27;
	[tilespmem:v63+s14+$0x0] =	vst.idx.msk $0xffff, v17;
	v17 =	vld [tilespmem:s10+$0xFFFFFEC0]  }
0x43a: {  	v33 =	vadd.s32 v6, v33;
	[tilespmem:v60+s14+$0x0] =	vst.idx.msk $0xffff, v19;
	v19 =	vld [tilespmem:s10+$0xFFFFFE60]  }
0x43b: {  	v25 =	vadd.s32 v14, v25;
	[tilespmem:v31+s14+$0x0] =	vst.idx.msk $0xffff, v47;
	v31 =	vld [tilespmem:s10+$0xFFFFFEE0]  }
0x43c: {  	v24 =	vadd.s32 v2, v24;
	[tilespmem:v29+s14+$0x0] =	vst.idx.msk $0xffff, v20;
	v20 =	vld [tilespmem:s10+$0xFFFFFF20]  }
0x43d: {  	[tilespmem:v28+s14+$0x0] =	vst.idx.msk $0xffff, v21;
	v21 =	vld [tilespmem:s10+$0xFFFFFF40];
	v28 =	vadd.s32 v4, v34  }
0x43e: {  	[tilespmem:v27+s14+$0x0] =	vst.idx.msk $0xffff, v17;
	v17 =	vld [tilespmem:s10+$0xFFFFFF60];
	v27 =	vadd.s32 v6, v35  }
0x43f: {  	v26 =	vadd.s32 v16, v26;
	[tilespmem:v33+s14+$0x0] =	vst.idx.msk $0xffff, v19;
	v19 =	vld [tilespmem:s10+$0xFFFFFF00]  }
0x440: {  	[tilespmem:v25+s14+$0x0] =	vst.idx.msk $0xffff, v31;
	v25 =	vld [tilespmem:s10+$0xFFFFFF80];
	v29 =	vadd.s32 v8, v30  }
0x441: {  	v22 =	vadd.s32 v12, v22;
	[tilespmem:v24+s14+$0x0] =	vst.idx.msk $0xffff, v20;
	v20 =	vld [tilespmem:s10+$0xFFFFFFC0]  }
0x442: {  	v23 =	vadd.s32 v14, v23;
	[tilespmem:v28+s14+$0x0] =	vst.idx.msk $0xffff, v21;
	v21 =	vld [tilespmem:s10+$0xFFFFFFE0]  }
0x443: {  	v18 =	vadd.s32 v2, v18;
	v24 =	vld [tilespmem:s10+$0xFFFFFE20];
	[tilespmem:v27+s14+$0x0] =	vst.idx.msk $0xffff, v17  }
0x444: {  	[tilespmem:v26+s14+$0x0] =	vst.idx.msk $0xffff, v19;
	v19 =	vld [tilespmem:s10+$0xFFFFFFA0];
	v26 =	vadd.s32 v10, v32  }
0x445: {  	[tilespmem:v29+s14+$0x0] =	vst.idx.msk $0xffff, v25  }
0x446: {  	[tilespmem:v22+s14+$0x0] =	vst.idx.msk $0xffff, v20  }
0x447: {  	[tilespmem:v23+s14+$0x0] =	vst.idx.msk $0xffff, v21  }
0x448: {  	[tilespmem:v18+s14+$0x0] =	vst.idx.msk $0xffff, v24  }
0x449: {  	[tilespmem:v26+s14+$0x0] =	vst.idx.msk $0xffff, v19  }
0x44a: {  	s0 =	simm.s32 $0x0;
	s6 =	rddreg [dreg:$0xb]  }
0x44b: {  	[hbm4b:s6+s0] =	stream.linear.scatter [tilespmem:s14], [sflag:$0x6], $0x80, $0x38;
	[tilespmem:$0xC600] =	vst v63  }
0x44c: {  	s9 =	simm.s32 $0xB588;
	s1 =	sadd.s32 $0x10, s6  }
0x44d: {  	[hbm4b:s1+s0] =	stream.linear.scatter [tilespmem:s9], [sflag:$0x6], $0x80, $0x38;
	[tilespmem:$0xC600] =	vst v63  }
0x44e: {  	s25 =	simm.s32 $0xB610;
	s11 =	sadd.s32 $0x20, s6  }
0x44f: {  	[hbm4b:s11+s0] =	stream.linear.scatter [tilespmem:s25], [sflag:$0x6], $0x80, $0x38;
	[tilespmem:$0xC600] =	vst v63  }
0x450: {  	s10 =	simm.s32 $0xB698;
	s9 =	sadd.s32 $0x30, s6  }
0x451: {  	[hbm4b:s9+s0] =	stream.linear.scatter [tilespmem:s10], [sflag:$0x6], $0x80, $0x38;
	[tilespmem:$0xC600] =	vst v63  }
0x452: {  	s11 =	sadd.s32 $0x40, s6;
	s25 =	simm.s32 $0xB720  }
0x453: {  	[hbm4b:s11+s0] =	stream.linear.scatter [tilespmem:s25], [sflag:$0x6], $0x80, $0x38;
	[tilespmem:$0xC600] =	vst v63  }
0x454: {  	s9 =	sadd.s32 $0x50, s6;
	s10 =	simm.s32 $0xB7A8  }
0x455: {  	[hbm4b:s9+s0] =	stream.linear.scatter [tilespmem:s10], [sflag:$0x6], $0x80, $0x38;
	[tilespmem:$0xC600] =	vst v63  }
0x456: {  	s11 =	sadd.s32 $0x60, s6;
	s25 =	simm.s32 $0xB830  }
0x457: {  	[hbm4b:s11+s0] =	stream.linear.scatter [tilespmem:s25], [sflag:$0x6], $0x80, $0x38;
	[tilespmem:$0xC600] =	vst v63  }
0x458: {  	s10 =	sadd.s32 $0x70, s6;
	s11 =	simm.s32 $0xB8B8  }
0x459: {  	[hbm4b:s10+s0] =	stream.linear.scatter [tilespmem:s11], [sflag:$0x6], $0x80, $0x38;
	[tilespmem:$0xC600] =	vst v63  }
0x45a: {  	s6 =	rddreg [dreg:$0xc];
	s25 =	simm.s32 $0xB940  }
0x45b: {  	[hbm4b:s6+s0] =	stream.linear.scatter [tilespmem:s25], [sflag:$0x6], $0x80, $0x38;
	[tilespmem:$0xC600] =	vst v63  }
0x45c: {  	s9 =	sadd.s32 $0x10, s6;
	s10 =	simm.s32 $0xB9C8  }
0x45d: {  	[hbm4b:s9+s0] =	stream.linear.scatter [tilespmem:s10], [sflag:$0x6], $0x80, $0x38;
	[tilespmem:$0xC600] =	vst v63  }
0x45e: {  	s11 =	sadd.s32 $0x20, s6;
	s25 =	simm.s32 $0xBA50  }
0x45f: {  	[hbm4b:s11+s0] =	stream.linear.scatter [tilespmem:s25], [sflag:$0x6], $0x80, $0x38;
	[tilespmem:$0xC600] =	vst v63  }
0x460: {  	s9 =	sadd.s32 $0x30, s6;
	s10 =	simm.s32 $0xBAD8  }
0x461: {  	[hbm4b:s9+s0] =	stream.linear.scatter [tilespmem:s10], [sflag:$0x6], $0x80, $0x38;
	[tilespmem:$0xC600] =	vst v63  }
0x462: {  	s11 =	sadd.s32 $0x40, s6;
	s25 =	simm.s32 $0xBB60  }
0x463: {  	[hbm4b:s11+s0] =	stream.linear.scatter [tilespmem:s25], [sflag:$0x6], $0x80, $0x38;
	[tilespmem:$0xC600] =	vst v63  }
0x464: {  	s9 =	sadd.s32 $0x50, s6;
	s10 =	simm.s32 $0xBBE8  }
0x465: {  	[hbm4b:s9+s0] =	stream.linear.scatter [tilespmem:s10], [sflag:$0x6], $0x80, $0x38;
	[tilespmem:$0xC600] =	vst v63  }
0x466: {  	s11 =	sadd.s32 $0x60, s6;
	s25 =	simm.s32 $0xBC70  }
0x467: {  	[hbm4b:s11+s0] =	stream.linear.scatter [tilespmem:s25], [sflag:$0x6], $0x80, $0x38;
	[tilespmem:$0xC600] =	vst v63  }
0x468: {  	s10 =	sadd.s32 $0x70, s6;
	s11 =	simm.s32 $0xBCF8  }
0x469: {  	[hbm4b:s10+s0] =	stream.linear.scatter [tilespmem:s11], [sflag:$0x6], $0x80, $0x38;
	[tilespmem:$0xC600] =	vst v63  }
0x46a: {  	s6 =	rddreg [dreg:$0xd];
	s25 =	simm.s32 $0xBD80  }
0x46b: {  	[hbm4b:s6+s0] =	stream.linear.scatter [tilespmem:s25], [sflag:$0x6], $0x80, $0x38;
	[tilespmem:$0xC600] =	vst v63  }
0x46c: {  	s9 =	sadd.s32 $0x10, s6;
	s10 =	simm.s32 $0xBE08  }
0x46d: {  	[hbm4b:s9+s0] =	stream.linear.scatter [tilespmem:s10], [sflag:$0x6], $0x80, $0x38;
	[tilespmem:$0xC600] =	vst v63  }
0x46e: {  	s11 =	sadd.s32 $0x20, s6;
	s25 =	simm.s32 $0xBE90  }
0x46f: {  	[hbm4b:s11+s0] =	stream.linear.scatter [tilespmem:s25], [sflag:$0x6], $0x80, $0x38;
	[tilespmem:$0xC600] =	vst v63  }
0x470: {  	s9 =	sadd.s32 $0x30, s6  }
0x471: {  	[hbm4b:s9+s0] =	stream.linear.scatter [tilespmem:s12], [sflag:$0x6], $0x80, $0x38;
	[tilespmem:$0xC600] =	vst v63  }
0x472: {  	s10 =	sadd.s32 $0x40, s6  }
0x473: {  	[hbm4b:s10+s0] =	stream.linear.scatter [tilespmem:s20], [sflag:$0x6], $0x80, $0x38;
	[tilespmem:$0xC600] =	vst v63  }
0x474: {  	s11 =	sadd.s32 $0x50, s6  }
0x475: {  	[hbm4b:s11+s0] =	stream.linear.scatter [tilespmem:s21], [sflag:$0x6], $0x80, $0x38;
	[tilespmem:$0xC600] =	vst v63  }
0x476: {  	s25 =	sadd.s32 $0x60, s6  }
0x477: {  	[hbm4b:s25+s0] =	stream.linear.scatter [tilespmem:s22], [sflag:$0x6], $0x80, $0x38;
	[tilespmem:$0xC600] =	vst v63  }
0x478: {  	s9 =	sadd.s32 $0x70, s6  }
0x479: {  	[hbm4b:s9+s0] =	stream.linear.scatter [tilespmem:s23], [sflag:$0x6], $0x80, $0x38;
	[tilespmem:$0xC600] =	vst v63  }
0x47a: {  	s6 =	rddreg [dreg:$0xe]  }
0x47b: {  	[hbm4b:s6+s0] =	stream.linear.scatter [tilespmem:s24], [sflag:$0x6], $0x80, $0x38;
	[tilespmem:$0xC600] =	vst v63  }
0x47c: {  	s10 =	sadd.s32 $0x10, s6  }
0x47d: {  	[hbm4b:s10+s0] =	stream.linear.scatter [tilespmem:s15], [sflag:$0x6], $0x80, $0x38;
	[tilespmem:$0xC600] =	vst v63  }
0x47e: {  	s11 =	sadd.s32 $0x20, s6  }
0x47f: {  	[hbm4b:s11+s0] =	stream.linear.scatter [tilespmem:s16], [sflag:$0x6], $0x80, $0x38;
	[tilespmem:$0xC600] =	vst v63  }
0x480: {  	s25 =	sadd.s32 $0x30, s6  }
0x481: {  	[hbm4b:s25+s0] =	stream.linear.scatter [tilespmem:s17], [sflag:$0x6], $0x80, $0x38;
	[tilespmem:$0xC600] =	vst v63  }
0x482: {  	s9 =	sadd.s32 $0x40, s6  }
0x483: {  	[hbm4b:s9+s0] =	stream.linear.scatter [tilespmem:s7], [sflag:$0x6], $0x80, $0x38;
	[tilespmem:$0xC600] =	vst v63  }
0x484: {  	s10 =	sadd.s32 $0x50, s6  }
0x485: {  	[hbm4b:s10+s0] =	stream.linear.scatter [tilespmem:s8], [sflag:$0x6], $0x80, $0x38;
	[tilespmem:$0xC600] =	vst v63  }
0x486: {  	s11 =	sadd.s32 $0x60, s6  }
0x487: {  	[hbm4b:s11+s0] =	stream.linear.scatter [tilespmem:s5], [sflag:$0x6], $0x80, $0x38;
	[tilespmem:$0xC600] =	vst v63  }
0x488: {  	s25 =	sadd.s32 $0x70, s6  }
0x489: {  	[hbm4b:s25+s0] =	stream.linear.scatter [tilespmem:s26], [sflag:$0x6], $0x80, $0x38;
	[tilespmem:$0xC600] =	vst v63  }
0x48a: {  	_ =	swait.ge [sflag:s28], $0x1000  }
0x48b: {  	[sflag:s28] =	ssyncset.done $0x0  }
0x48c: {  	v17 =	vmov s0;
	s1 =	simm.s32 $0x1;
	[sflag:s28] =	ssyncadd.s32 $0xFFFFF000  }
0x48d: {  	v17 =	vshrl.u32 v17, $0x3;
	v18 =	vmov s1;
	_ =	swait.ge [sflag:s29], $0x400  }
0x48e: {  	v17 =	vshll.u32 v17, v1;
	v18 =	vshrl.u32 v18, $0x3;
	[sflag:s29] =	ssyncset.done $0x0  }
0x48f: {  	v17 =	vbroadcast v17, $0x0;
	s1 =	simm.s32 $0x7;
	v18 =	vshll.u32 v18, v1;
	[sflag:s29] =	ssyncadd.s32 $0xFFFFFC00  }
0x490: {  	v24 =	vmov s1;
	v33 =	vbroadcast v18, $0x0;
	_ =	swait.ge [sflag:s29], $0x400  }
0x491: {  	v51 =	vadd.s32 v0, v17;
	v24 =	vshrl.u32 v24, $0x3;
	s6 =	simm.s32 $0x2;
	s11 =	simm.s32 $0x5;
	[sflag:s29] =	ssyncset.done $0x0  }
0x492: {  	v52 =	vadd.s32 v3, v33;
	v19 =	vmov s6;
	s6 =	simm.s32 $0x8;
	v22 =	vmov s11;
	s11 =	simm.s32 $0xB;
	[sflag:s29] =	ssyncadd.s32 $0xFFFFFC00  }
0x493: {  	v33 =	vadd.s32 v4, v33;
	s9 =	simm.s32 $0x3;
	v25 =	vmov s6;
	v28 =	vmov s11;
	s11 =	simm.s32 $0xF;
	_ =	swait.ge [sflag:s29], $0x400  }
0x494: {  	v19 =	vshrl.u32 v19, $0x3;
	v20 =	vmov s9;
	v48 =	vmov s11;
	[sflag:s29] =	ssyncset.done $0x0  }
0x495: {  	s6 =	simm.s32 $0x11;
	s9 =	simm.s32 $0x9;
	v25 =	vshrl.u32 v25, $0x3;
	v18 =	vshll.u32 v19, v1;
	v32 =	vshrl.u32 v48, $0x3;
	[sflag:s29] =	ssyncadd.s32 $0xFFFFFC00  }
0x496: {  	v60 =	vmov s6;
	s6 =	simm.s32 $0x1A;
	v26 =	vmov s9;
	v32 =	vshll.u32 v32, v1;
	_ =	swait.ge [sflag:s29], $0x400  }
0x497: {  	s10 =	simm.s32 $0x4;
	s9 =	simm.s32 $0xD;
	v20 =	vshrl.u32 v20, $0x3;
	v37 =	vbroadcast v18, $0x0;
	v32 =	vbroadcast v32, $0x0;
	[sflag:s29] =	ssyncset.done $0x0  }
0x498: {  	v35 =	vmov s6;
	v21 =	vmov s10;
	v30 =	vmov s9;
	s0 =	simm.s32 $0x85F0;
	[sflag:s29] =	ssyncadd.s32 $0xFFFFFC00  }
0x499: {  	s10 =	simm.s32 $0xA;
	v26 =	vshrl.u32 v26, $0x3;
	v18 =	vshll.u32 v20, v1;
	v49 =	vadd.s32 v15, v32;
	v19 =	vld [tilespmem:s0+$0xFFFFFFF0]  }
0x49a: {  	v27 =	vmov s10;
	v21 =	vshrl.u32 v21, $0x3;
	v39 =	vbroadcast v18, $0x0;
	v50 =	vld [tilespmem:s0+$0xFFFFFE10]  }
0x49b: {  	s9 =	simm.s32 $0x12;
	v53 =	vadd.s32 v5, v37;
	v30 =	vshrl.u32 v30, $0x3;
	v18 =	vshll.u32 v21, v1;
	v20 =	vld [tilespmem:s0+$0xFFFFFE30]  }
0x49c: {  	v61 =	vmov s9;
	s25 =	simm.s32 $0x6;
	v22 =	vshrl.u32 v22, $0x3;
	v41 =	vbroadcast v18, $0x0;
	v21 =	vld [tilespmem:s0+$0xFFFFFE50]  }
0x49d: {  	v54 =	vadd.s32 v7, v39;
	v23 =	vmov s25;
	v22 =	vshll.u32 v22, v1;
	v18 =	vld [tilespmem:s0+$0xFFFFFE70]  }
0x49e: {  	s10 =	simm.s32 $0xE;
	v23 =	vshrl.u32 v23, $0x3;
	v56 =	vadd.s32 v9, v41;
	v45 =	vbroadcast v22, $0x0;
	v55 =	vld [tilespmem:s0+$0xFFFFFE90];
	[tilespmem:v49+s19+$0x0] =	vst.idx.msk $0xffff, v19  }
0x49f: {  	v31 =	vmov s10;
	v27 =	vshrl.u32 v27, $0x3;
	v22 =	vshll.u32 v23, v1;
	[tilespmem:v51+s19+$0x0] =	vst.idx.msk $0xffff, v50  }
0x4a0: {  	v36 =	vbroadcast v22, $0x0;
	v19 =	vshll.u32 v24, v1;
	[tilespmem:v52+s19+$0x0] =	vst.idx.msk $0xffff, v20;
	v20 =	vld [tilespmem:s0+$0xFFFFFEB0];
	v24 =	vadd.s32 v11, v45  }
0x4a1: {  	v39 =	vadd.s32 v8, v39;
	v28 =	vshrl.u32 v28, $0x3;
	v23 =	vadd.s32 v16, v32;
	[tilespmem:v53+s19+$0x0] =	vst.idx.msk $0xffff, v21;
	v22 =	vld [tilespmem:s0+$0x0]  }
0x4a2: {  	s25 =	simm.s32 $0xC;
	v21 =	vld [tilespmem:s0+$0xFFFFFED0];
	[tilespmem:v54+s19+$0x0] =	vst.idx.msk $0xffff, v18;
	v46 =	vbroadcast v19, $0x0;
	v19 =	vshll.u32 v25, v1;
	v25 =	vadd.s32 v13, v36  }
0x4a3: {  	v29 =	vmov s25;
	v18 =	vshll.u32 v27, v1;
	[tilespmem:v56+s19+$0x0] =	vst.idx.msk $0xffff, v55;
	v55 =	vadd.s32 v6, v37;
	v51 =	vld [tilespmem:s0+$0xFFFFFE40]  }
0x4a4: {  	v48 =	vbroadcast v18, $0x0;
	v54 =	vld [tilespmem:s0+$0xFFFFFE60];
	v40 =	vbroadcast v19, $0x0;
	v19 =	vshll.u32 v26, v1  }
0x4a5: {  	v18 =	vshll.u32 v28, v1;
	v26 =	vld [tilespmem:s0+$0xFFFFFEF0];
	v57 =	vadd.s32 v15, v46;
	v47 =	vbroadcast v19, $0x0;
	[tilespmem:v24+s19+$0x0] =	vst.idx.msk $0xffff, v20  }
0x4a6: {  	v29 =	vshrl.u32 v29, $0x3;
	v27 =	vld [tilespmem:s0+$0xFFFFFF10];
	v18 =	vbroadcast v18, $0x0;
	v58 =	vadd.s32 v0, v40;
	[tilespmem:v23+s19+$0x0] =	vst.idx.msk $0xffff, v22  }
0x4a7: {  	v31 =	vshrl.u32 v31, $0x3;
	v28 =	vld [tilespmem:s0+$0xFFFFFF30];
	v19 =	vshll.u32 v29, v1;
	v59 =	vadd.s32 v3, v47;
	[tilespmem:v25+s19+$0x0] =	vst.idx.msk $0xffff, v21  }
0x4a8: {  	s10 =	simm.s32 $0x13;
	v41 =	vadd.s32 v10, v41;
	v19 =	vbroadcast v19, $0x0;
	v24 =	vld [tilespmem:s0+$0xFFFFFF70];
	v25 =	vadd.s32 v7, v18;
	[tilespmem:v33+s19+$0x0] =	vst.idx.msk $0xffff, v51  }
0x4a9: {  	v62 =	vmov s10;
	v20 =	vshll.u32 v30, v1;
	v22 =	vld [tilespmem:s0+$0xFFFFFF50];
	v23 =	vadd.s32 v5, v48;
	[tilespmem:v55+s19+$0x0] =	vst.idx.msk $0xffff, v54  }
0x4aa: {  	s11 =	simm.s32 $0x14;
	v42 =	vadd.s32 v14, v36;
	v20 =	vbroadcast v20, $0x0;
	v30 =	vadd.s32 v9, v19;
	[tilespmem:v57+s19+$0x0] =	vst.idx.msk $0xffff, v26;
	v26 =	vld [tilespmem:s0+$0xFFFFFF90]  }
0x4ab: {  	s10 =	simm.s32 $0x17;
	v49 =	vmov s11;
	v21 =	vshll.u32 v31, v1;
	v56 =	vld [tilespmem:s0+$0xFFFFFEC0];
	v57 =	vadd.s32 v12, v45;
	[tilespmem:v58+s19+$0x0] =	vst.idx.msk $0xffff, v27  }
0x4ac: {  	s9 =	simm.s32 $0x16;
	v53 =	vmov s10;
	s10 =	simm.s32 $0x1C;
	v21 =	vbroadcast v21, $0x0;
	v31 =	vadd.s32 v11, v20;
	v27 =	vld [tilespmem:s0+$0xFFFFFFB0];
	[tilespmem:v59+s19+$0x0] =	vst.idx.msk $0xffff, v28  }
0x4ad: {  	s25 =	simm.s32 $0x10;
	v52 =	vmov s9;
	v32 =	vmov s10;
	v36 =	vshrl.u32 v60, $0x3;
	[tilespmem:v25+s19+$0x0] =	vst.idx.msk $0xffff, v24;
	v25 =	vld [tilespmem:s0+$0xFFFFFE80]  }
0x4ae: {  	v29 =	vmov s25;
	s25 =	simm.s32 $0x15;
	v43 =	vadd.s32 v16, v46;
	v63 =	vadd.s32 v13, v21;
	v28 =	vld [tilespmem:s0+$0xFFFFFFD0];
	[tilespmem:v23+s19+$0x0] =	vst.idx.msk $0xffff, v22  }
0x4af: {  	v46 =	vadd.s32 v6, v48;
	v29 =	vshrl.u32 v29, $0x3;
	v50 =	vmov s25;
	s25 =	simm.s32 $0x19;
	[tilespmem:v30+s19+$0x0] =	vst.idx.msk $0xffff, v26;
	v26 =	vld [tilespmem:s0+$0xFFFFFEA0]  }
0x4b0: {  	s11 =	simm.s32 $0x18;
	v44 =	vadd.s32 v2, v40;
	v34 =	vmov s25;
	s25 =	simm.s32 $0x1E;
	v33 =	vshrl.u32 v61, $0x3;
	v37 =	vld [tilespmem:s0+$0xFFFFFEE0];
	[tilespmem:v57+s19+$0x0] =	vst.idx.msk $0xffff, v56  }
0x4b1: {  	s9 =	simm.s32 $0x1B;
	v45 =	vadd.s32 v4, v47;
	v38 =	vld [tilespmem:s0+$0xFFFFFF00];
	v24 =	vmov s11;
	s11 =	simm.s32 $0x1D;
	v23 =	vmov s25;
	[tilespmem:v31+s19+$0x0] =	vst.idx.msk $0xffff, v27  }
0x4b2: {  	v22 =	vmov s11;
	v24 =	vshrl.u32 v24, $0x3;
	v30 =	vmov s9;
	[tilespmem:v39+s19+$0x0] =	vst.idx.msk $0xffff, v25;
	v39 =	vld [tilespmem:s0+$0xFFFFFF20]  }
0x4b3: {  	v40 =	vld [tilespmem:s0+$0xFFFFFF40];
	v31 =	vshll.u32 v29, v1;
	v29 =	vshrl.u32 v62, $0x3;
	v27 =	vshrl.u32 v50, $0x3;
	[tilespmem:v63+s19+$0x0] =	vst.idx.msk $0xffff, v28  }
0x4b4: {  	s1 =	simm.s32 $0x20;
	s6 =	simm.s32 $0x1F;
	v28 =	vshrl.u32 v49, $0x3;
	v25 =	vshrl.u32 v52, $0x3;
	[tilespmem:v41+s19+$0x0] =	vst.idx.msk $0xffff, v26;
	v26 =	vshrl.u32 v53, $0x3;
	v41 =	vld [tilespmem:s0+$0xFFFFFF60]  }
.LBB2_16:
0x4b5: {  	p0 =	slt.u32 s1, $0x70;
	v34 =	vshrl.u32 v34, $0x3;
	v47 =	vmov s6;
	[tilespmem:v42+s19+$0x0] =	vst.idx.msk $0xffff, v37;
	v37 =	vld [tilespmem:s0+$0xFFFFFF80];
	v18 =	vadd.s32 v8, v18  }
0x4b6: {  	v35 =	vshrl.u32 v35, $0x3;
	v19 =	vadd.s32 v10, v19;
	v42 =	vshrl.u32 v47, $0x3;
	[tilespmem:v43+s19+$0x0] =	vst.idx.msk $0xffff, v38;
	v38 =	vld [tilespmem:s0+$0xFFFFFFA0]  }
0x4b7: {  	v30 =	vshrl.u32 v30, $0x3;
	v20 =	vadd.s32 v12, v20;
	v42 =	vshll.u32 v42, v1;
	[tilespmem:v44+s19+$0x0] =	vst.idx.msk $0xffff, v39;
	v39 =	vld [tilespmem:s0+$0xFFFFFFC0]  }
0x4b8: {  	v32 =	vshrl.u32 v32, $0x3;
	v21 =	vadd.s32 v14, v21;
	v42 =	vbroadcast v42, $0x0;
	[tilespmem:v45+s19+$0x0] =	vst.idx.msk $0xffff, v40;
	v40 =	vld [tilespmem:s0+$0xFFFFFFE0]  }
0x4b9: {  	v36 =	vshll.u32 v36, v1;
	v44 =	vadd.s32 v2, v17;
	v17 =	vbroadcast v31, $0x0;
	v43 =	vld [tilespmem:s0+$0xFFFFFE20];
	[tilespmem:v46+s19+$0x0] =	vst.idx.msk $0xffff, v41;
	s0 =	sadd.s32 $0x200, s0  }
0x4ba: {  	v33 =	vshll.u32 v33, v1;
	v31 =	vbroadcast v36, $0x0;
	v36 =	vld [tilespmem:s0+$0xFFFFFFF0];
	v41 =	vadd.s32 v15, v42;
	[tilespmem:v18+s19+$0x0] =	vst.idx.msk $0xffff, v37  }
0x4bb: {  	v29 =	vshll.u32 v29, v1;
	v33 =	vbroadcast v33, $0x0;
	v37 =	vadd.s32 v0, v17;
	v18 =	vld [tilespmem:s0+$0xFFFFFE10];
	[tilespmem:v19+s19+$0x0] =	vst.idx.msk $0xffff, v38  }
0x4bc: {  	v28 =	vshll.u32 v28, v1;
	v29 =	vbroadcast v29, $0x0;
	v38 =	vadd.s32 v3, v31;
	v19 =	vld [tilespmem:s0+$0xFFFFFE30];
	[tilespmem:v20+s19+$0x0] =	vst.idx.msk $0xffff, v39  }
0x4bd: {  	v22 =	vshrl.u32 v22, $0x3;
	v28 =	vbroadcast v28, $0x0;
	v39 =	vadd.s32 v5, v33;
	v20 =	vld [tilespmem:s0+$0xFFFFFE50];
	[tilespmem:v21+s19+$0x0] =	vst.idx.msk $0xffff, v40  }
0x4be: {  	v27 =	vshll.u32 v27, v1;
	v23 =	vshrl.u32 v23, $0x3;
	v40 =	vadd.s32 v7, v29;
	v21 =	vld [tilespmem:s0+$0xFFFFFE70];
	[tilespmem:v44+s19+$0x0] =	vst.idx.msk $0xffff, v43  }
0x4bf: {  	v25 =	vshll.u32 v25, v1;
	v27 =	vbroadcast v27, $0x0;
	v44 =	vadd.s32 v9, v28;
	v43 =	vld [tilespmem:s0+$0xFFFFFE90];
	[tilespmem:v41+s19+$0x0] =	vst.idx.msk $0xffff, v36  }
0x4c0: {  	v25 =	vbroadcast v25, $0x0;
	v36 =	vadd.s32 v16, v42;
	[tilespmem:v37+s19+$0x0] =	vst.idx.msk $0xffff, v18;
	v18 =	vshll.u32 v26, v1;
	v26 =	vld [tilespmem:s0+$0x0]  }
0x4c1: {  	v37 =	vadd.s32 v11, v27;
	[tilespmem:v38+s19+$0x0] =	vst.idx.msk $0xffff, v19;
	v19 =	vld [tilespmem:s0+$0xFFFFFEB0];
	v41 =	vbroadcast v18, $0x0;
	v18 =	vshll.u32 v24, v1  }
0x4c2: {  	v24 =	vadd.s32 v13, v25;
	[tilespmem:v39+s19+$0x0] =	vst.idx.msk $0xffff, v20;
	v20 =	vld [tilespmem:s0+$0xFFFFFED0];
	v45 =	vbroadcast v18, $0x0;
	v18 =	vshll.u32 v34, v1  }
0x4c3: {  	[tilespmem:v40+s19+$0x0] =	vst.idx.msk $0xffff, v21;
	v21 =	vld [tilespmem:s0+$0xFFFFFEF0];
	v34 =	vadd.s32 v15, v41;
	v46 =	vbroadcast v18, $0x0;
	v18 =	vshll.u32 v35, v1  }
0x4c4: {  	[tilespmem:v44+s19+$0x0] =	vst.idx.msk $0xffff, v43;
	v35 =	vld [tilespmem:s0+$0xFFFFFF10];
	v38 =	vadd.s32 v0, v45;
	v47 =	vbroadcast v18, $0x0;
	v18 =	vshll.u32 v30, v1  }
0x4c5: {  	v32 =	vshll.u32 v32, v1;
	v30 =	vld [tilespmem:s0+$0xFFFFFF30];
	v39 =	vadd.s32 v3, v46;
	v18 =	vbroadcast v18, $0x0;
	[tilespmem:v36+s19+$0x0] =	vst.idx.msk $0xffff, v26  }
0x4c6: {  	v22 =	vshll.u32 v22, v1;
	[tilespmem:v37+s19+$0x0] =	vst.idx.msk $0xffff, v19;
	v26 =	vld [tilespmem:s0+$0xFFFFFF50];
	v36 =	vadd.s32 v5, v47;
	v19 =	vbroadcast v32, $0x0  }
0x4c7: {  	[tilespmem:v24+s19+$0x0] =	vst.idx.msk $0xffff, v20;
	v24 =	vld [tilespmem:s0+$0xFFFFFF70];
	v32 =	vadd.s32 v7, v18;
	v20 =	vbroadcast v22, $0x0;
	v22 =	vshll.u32 v23, v1  }
0x4c8: {  	s6 =	sadd.s32 $0x1, s1;
	v23 =	vmov s1;
	[tilespmem:v34+s19+$0x0] =	vst.idx.msk $0xffff, v21;
	v37 =	vld [tilespmem:s0+$0xFFFFFF90];
	v40 =	vadd.s32 v9, v19;
	v21 =	vbroadcast v22, $0x0  }
0x4c9: {  	s9 =	sadd.s32 $0x3, s1;
	v43 =	vmov s6;
	s6 =	sadd.s32 $0x2, s1;
	v23 =	vshrl.u32 v23, $0x3;
	[tilespmem:v38+s19+$0x0] =	vst.idx.msk $0xffff, v35;
	v22 =	vld [tilespmem:s0+$0xFFFFFFB0];
	v38 =	vadd.s32 v11, v20  }
0x4ca: {  	v48 =	vmov s9;
	s9 =	sadd.s32 $0x5, s1;
	v44 =	vmov s6;
	s6 =	sadd.s32 $0x4, s1;
	[tilespmem:v39+s19+$0x0] =	vst.idx.msk $0xffff, v30;
	v39 =	vld [tilespmem:s0+$0xFFFFFFD0];
	v42 =	vadd.s32 v13, v21  }
0x4cb: {  	v50 =	vmov s9;
	s9 =	sadd.s32 $0x7, s1;
	v52 =	vadd.s32 v4, v31;
	v49 =	vmov s6;
	s6 =	sadd.s32 $0x6, s1;
	v51 =	vld [tilespmem:s0+$0xFFFFFE40];
	[tilespmem:v36+s19+$0x0] =	vst.idx.msk $0xffff, v26  }
0x4cc: {  	v53 =	vmov s9;
	s9 =	sadd.s32 $0x9, s1;
	v55 =	vadd.s32 v6, v33;
	v26 =	vmov s6;
	s6 =	sadd.s32 $0x8, s1;
	v54 =	vld [tilespmem:s0+$0xFFFFFE60];
	[tilespmem:v32+s19+$0x0] =	vst.idx.msk $0xffff, v24  }
0x4cd: {  	v57 =	vadd.s32 v8, v29;
	v34 =	vmov s9;
	s9 =	sadd.s32 $0xB, s1;
	v24 =	vmov s6;
	s6 =	sadd.s32 $0xA, s1;
	v56 =	vld [tilespmem:s0+$0xFFFFFE80];
	[tilespmem:v40+s19+$0x0] =	vst.idx.msk $0xffff, v37  }
0x4ce: {  	v58 =	vadd.s32 v10, v28;
	v30 =	vmov s9;
	s9 =	sadd.s32 $0xD, s1;
	v35 =	vmov s6;
	s6 =	sadd.s32 $0xC, s1;
	v40 =	vld [tilespmem:s0+$0xFFFFFEA0];
	[tilespmem:v38+s19+$0x0] =	vst.idx.msk $0xffff, v22  }
0x4cf: {  	v60 =	vadd.s32 v12, v27;
	v32 =	vmov s6;
	v22 =	vmov s9;
	s6 =	sadd.s32 $0xE, s1;
	v59 =	vld [tilespmem:s0+$0xFFFFFEC0];
	[tilespmem:v42+s19+$0x0] =	vst.idx.msk $0xffff, v39  }
.Ltmp7:
0x4d0: {  	v31 =	vshll.u32 v23, v1;
	v23 =	vmov s6;
	v42 =	vadd.s32 v14, v25;
	[tilespmem:v52+s19+$0x0] =	vst.idx.msk $0xffff, v51;
	v37 =	vld [tilespmem:s0+$0xFFFFFEE0];
	(pc) =	sbr.rel @p0 .LBB2_16-.Ltmp7, $4  }
0x4d1: {  	v33 =	vshrl.u32 v44, $0x3;
	v36 =	vshrl.u32 v43, $0x3;
	v43 =	vadd.s32 v16, v41;
	[tilespmem:v55+s19+$0x0] =	vst.idx.msk $0xffff, v54;
	v38 =	vld [tilespmem:s0+$0xFFFFFF00]  }
0x4d2: {  	v29 =	vshrl.u32 v48, $0x3;
	v44 =	vadd.s32 v2, v45;
	v28 =	vshrl.u32 v49, $0x3;
	[tilespmem:v57+s19+$0x0] =	vst.idx.msk $0xffff, v56;
	v39 =	vld [tilespmem:s0+$0xFFFFFF20]  }
0x4d3: {  	v27 =	vshrl.u32 v50, $0x3;
	v45 =	vadd.s32 v4, v46;
	v25 =	vshrl.u32 v26, $0x3;
	[tilespmem:v58+s19+$0x0] =	vst.idx.msk $0xffff, v40;
	v40 =	vld [tilespmem:s0+$0xFFFFFF40]  }
0x4d4: {  	v46 =	vadd.s32 v6, v47;
	v24 =	vshrl.u32 v24, $0x3;
	v26 =	vshrl.u32 v53, $0x3;
	s6 =	sadd.s32 $0xF, s1;
	s1 =	sadd.s32 $0x10, s1;
	[tilespmem:v60+s19+$0x0] =	vst.idx.msk $0xffff, v59;
	v41 =	vld [tilespmem:s0+$0xFFFFFF60]  }
0x4d5: {  	_ =	sdelay $0x3  }
0x4d6: {  	v34 =	vshrl.u32 v34, $0x3;
	v47 =	vmov s6;
	[tilespmem:v42+s19+$0x0] =	vst.idx.msk $0xffff, v37;
	v55 =	vld [tilespmem:s0+$0xFFFFFF80];
	v56 =	vadd.s32 v8, v18  }
0x4d7: {  	v57 =	vld [tilespmem:s0+$0xFFFFFFA0];
	v19 =	vadd.s32 v10, v19;
	v20 =	vadd.s32 v12, v20;
	v18 =	vshrl.u32 v47, $0x3;
	[tilespmem:v43+s19+$0x0] =	vst.idx.msk $0xffff, v38  }
0x4d8: {  	v30 =	vshrl.u32 v30, $0x3;
	v58 =	vld [tilespmem:s0+$0xFFFFFFC0];
	v21 =	vadd.s32 v14, v21;
	v18 =	vshll.u32 v18, v1;
	[tilespmem:v44+s19+$0x0] =	vst.idx.msk $0xffff, v39  }
0x4d9: {  	v60 =	vld [tilespmem:s0+$0xFFFFFFE0];
	v17 =	vadd.s32 v2, v17;
	v33 =	vshll.u32 v33, v1;
	v59 =	vbroadcast v18, $0x0;
	[tilespmem:v45+s19+$0x0] =	vst.idx.msk $0xffff, v40  }
0x4da: {  	v61 =	vld [tilespmem:s0+$0xFFFFFE20];
	s10 =	sadd.s32 $0x200, s0;
	v29 =	vshll.u32 v29, v1;
	v28 =	vshll.u32 v28, v1;
	v18 =	vbroadcast v31, $0x0;
	[tilespmem:v46+s19+$0x0] =	vst.idx.msk $0xffff, v41  }
0x4db: {  	v23 =	vshrl.u32 v23, $0x3;
	v62 =	vld [tilespmem:s10+$0xFFFFFFF0];
	v33 =	vbroadcast v33, $0x0;
	v63 =	vadd.s32 v15, v59;
	[tilespmem:v56+s19+$0x0] =	vst.idx.msk $0xffff, v55  }
0x4dc: {  	v25 =	vshll.u32 v25, v1;
	v29 =	vbroadcast v29, $0x0;
	v46 =	vld [tilespmem:s10+$0xFFFFFE10];
	v47 =	vadd.s32 v0, v18;
	[tilespmem:v19+s19+$0x0] =	vst.idx.msk $0xffff, v57  }
0x4dd: {  	v28 =	vbroadcast v28, $0x0;
	v34 =	vshll.u32 v34, v1;
	v49 =	vadd.s32 v5, v33;
	[tilespmem:v20+s19+$0x0] =	vst.idx.msk $0xffff, v58;
	v20 =	vld [tilespmem:s10+$0xFFFFFE50]  }
0x4de: {  	v34 =	vbroadcast v34, $0x0;
	v31 =	vshll.u32 v36, v1;
	v50 =	vadd.s32 v7, v29;
	[tilespmem:v21+s19+$0x0] =	vst.idx.msk $0xffff, v60;
	v21 =	vld [tilespmem:s10+$0xFFFFFE70]  }
0x4df: {  	v26 =	vshll.u32 v26, v1;
	v51 =	vadd.s32 v9, v28;
	v31 =	vbroadcast v31, $0x0;
	[tilespmem:v17+s19+$0x0] =	vst.idx.msk $0xffff, v61;
	v17 =	vld [tilespmem:s10+$0xFFFFFE90]  }
0x4e0: {  	v25 =	vbroadcast v25, $0x0;
	v53 =	vadd.s32 v16, v59;
	v58 =	vld [tilespmem:s10+$0xFFFFFF30];
	v59 =	vadd.s32 v3, v34;
	[tilespmem:v63+s19+$0x0] =	vst.idx.msk $0xffff, v62  }
0x4e1: {  	v24 =	vshll.u32 v24, v1;
	v26 =	vbroadcast v26, $0x0;
	v19 =	vld [tilespmem:s10+$0xFFFFFE30];
	v48 =	vadd.s32 v3, v31;
	[tilespmem:v47+s19+$0x0] =	vst.idx.msk $0xffff, v46  }
0x4e2: {  	v24 =	vbroadcast v24, $0x0;
	v23 =	vshll.u32 v23, v1;
	v55 =	vadd.s32 v13, v25;
	[tilespmem:v49+s19+$0x0] =	vst.idx.msk $0xffff, v20;
	v20 =	vld [tilespmem:s10+$0xFFFFFED0]  }
0x4e3: {  	v27 =	vshll.u32 v27, v1;
	v23 =	vbroadcast v23, $0x0;
	v56 =	vadd.s32 v15, v26;
	[tilespmem:v50+s19+$0x0] =	vst.idx.msk $0xffff, v21;
	v21 =	vld [tilespmem:s10+$0xFFFFFEF0]  }
0x4e4: {  	v32 =	vshrl.u32 v32, $0x3;
	v27 =	vbroadcast v27, $0x0;
	v57 =	vadd.s32 v0, v24;
	[tilespmem:v51+s19+$0x0] =	vst.idx.msk $0xffff, v17;
	v17 =	vld [tilespmem:s10+$0xFFFFFF10]  }
0x4e5: {  	v22 =	vshrl.u32 v22, $0x3;
	v30 =	vshll.u32 v30, v1;
	v45 =	vld [tilespmem:s10+$0xFFFFFFD0];
	[tilespmem:v59+s19+$0x0] =	vst.idx.msk $0xffff, v58;
	v46 =	vadd.s32 v13, v23  }
0x4e6: {  	v32 =	vshll.u32 v32, v1;
	v30 =	vbroadcast v30, $0x0;
	v54 =	vadd.s32 v11, v27;
	[tilespmem:v48+s19+$0x0] =	vst.idx.msk $0xffff, v19;
	v19 =	vld [tilespmem:s10+$0xFFFFFEB0]  }
0x4e7: {  	v35 =	vshrl.u32 v35, $0x3;
	v22 =	vshll.u32 v22, v1;
	v32 =	vbroadcast v32, $0x0;
	v52 =	vld [tilespmem:s10+$0x0];
	[tilespmem:v55+s19+$0x0] =	vst.idx.msk $0xffff, v20  }
0x4e8: {  	v35 =	vshll.u32 v35, v1;
	v22 =	vbroadcast v22, $0x0;
	v61 =	vadd.s32 v7, v30;
	v20 =	vld [tilespmem:s10+$0xFFFFFF70];
	[tilespmem:v56+s19+$0x0] =	vst.idx.msk $0xffff, v21  }
0x4e9: {  	v35 =	vbroadcast v35, $0x0;
	v62 =	vadd.s32 v9, v32;
	v21 =	vld [tilespmem:s10+$0xFFFFFF90];
	[tilespmem:v57+s19+$0x0] =	vst.idx.msk $0xffff, v17  }
0x4ea: {  	v63 =	vadd.s32 v11, v22;
	v17 =	vld [tilespmem:s10+$0xFFFFFFB0];
	[tilespmem:v46+s19+$0x0] =	vst.idx.msk $0xffff, v45  }
0x4eb: {  	v60 =	vadd.s32 v5, v35;
	[tilespmem:v54+s19+$0x0] =	vst.idx.msk $0xffff, v19;
	v19 =	vld [tilespmem:s10+$0xFFFFFF50]  }
0x4ec: {  	v31 =	vadd.s32 v4, v31;
	v47 =	vld [tilespmem:s10+$0xFFFFFE40];
	[tilespmem:v53+s19+$0x0] =	vst.idx.msk $0xffff, v52  }
0x4ed: {  	v29 =	vadd.s32 v8, v29;
	[tilespmem:v61+s19+$0x0] =	vst.idx.msk $0xffff, v20;
	v20 =	vld [tilespmem:s10+$0xFFFFFE80]  }
0x4ee: {  	v28 =	vadd.s32 v10, v28;
	[tilespmem:v62+s19+$0x0] =	vst.idx.msk $0xffff, v21;
	v21 =	vld [tilespmem:s10+$0xFFFFFEA0]  }
0x4ef: {  	v27 =	vadd.s32 v12, v27;
	[tilespmem:v63+s19+$0x0] =	vst.idx.msk $0xffff, v17;
	v17 =	vld [tilespmem:s10+$0xFFFFFEC0]  }
0x4f0: {  	v33 =	vadd.s32 v6, v33;
	[tilespmem:v60+s19+$0x0] =	vst.idx.msk $0xffff, v19;
	v19 =	vld [tilespmem:s10+$0xFFFFFE60]  }
0x4f1: {  	v25 =	vadd.s32 v14, v25;
	[tilespmem:v31+s19+$0x0] =	vst.idx.msk $0xffff, v47;
	v31 =	vld [tilespmem:s10+$0xFFFFFEE0]  }
0x4f2: {  	v24 =	vadd.s32 v2, v24;
	[tilespmem:v29+s19+$0x0] =	vst.idx.msk $0xffff, v20;
	v20 =	vld [tilespmem:s10+$0xFFFFFF20]  }
0x4f3: {  	[tilespmem:v28+s19+$0x0] =	vst.idx.msk $0xffff, v21;
	v21 =	vld [tilespmem:s10+$0xFFFFFF40];
	v28 =	vadd.s32 v4, v34  }
0x4f4: {  	[tilespmem:v27+s19+$0x0] =	vst.idx.msk $0xffff, v17;
	v17 =	vld [tilespmem:s10+$0xFFFFFF60];
	v27 =	vadd.s32 v6, v35  }
0x4f5: {  	v26 =	vadd.s32 v16, v26;
	[tilespmem:v33+s19+$0x0] =	vst.idx.msk $0xffff, v19;
	v19 =	vld [tilespmem:s10+$0xFFFFFF00]  }
0x4f6: {  	[tilespmem:v25+s19+$0x0] =	vst.idx.msk $0xffff, v31;
	v25 =	vld [tilespmem:s10+$0xFFFFFF80];
	v29 =	vadd.s32 v8, v30  }
0x4f7: {  	v22 =	vadd.s32 v12, v22;
	[tilespmem:v24+s19+$0x0] =	vst.idx.msk $0xffff, v20;
	v20 =	vld [tilespmem:s10+$0xFFFFFFC0]  }
0x4f8: {  	v23 =	vadd.s32 v14, v23;
	[tilespmem:v28+s19+$0x0] =	vst.idx.msk $0xffff, v21;
	v21 =	vld [tilespmem:s10+$0xFFFFFFE0]  }
0x4f9: {  	v18 =	vadd.s32 v2, v18;
	v24 =	vld [tilespmem:s10+$0xFFFFFE20];
	[tilespmem:v27+s19+$0x0] =	vst.idx.msk $0xffff, v17  }
0x4fa: {  	[tilespmem:v26+s19+$0x0] =	vst.idx.msk $0xffff, v19;
	v19 =	vld [tilespmem:s10+$0xFFFFFFA0];
	v26 =	vadd.s32 v10, v32  }
0x4fb: {  	[tilespmem:v29+s19+$0x0] =	vst.idx.msk $0xffff, v25  }
0x4fc: {  	[tilespmem:v22+s19+$0x0] =	vst.idx.msk $0xffff, v20  }
0x4fd: {  	[tilespmem:v23+s19+$0x0] =	vst.idx.msk $0xffff, v21  }
0x4fe: {  	[tilespmem:v18+s19+$0x0] =	vst.idx.msk $0xffff, v24  }
0x4ff: {  	[tilespmem:v26+s19+$0x0] =	vst.idx.msk $0xffff, v19  }
0x500: {  	s0 =	simm.s32 $0x0;
	s6 =	rddreg [dreg:$0xf]  }
0x501: {  	[hbm4b:s6+s0] =	stream.linear.scatter [tilespmem:s19], [sflag:$0x5], $0x80, $0x38;
	[tilespmem:$0xC600] =	vst v63  }
0x502: {  	s9 =	simm.s32 $0xA488;
	s1 =	sadd.s32 $0x10, s6  }
0x503: {  	[hbm4b:s1+s0] =	stream.linear.scatter [tilespmem:s9], [sflag:$0x5], $0x80, $0x38;
	[tilespmem:$0xC600] =	vst v63  }
0x504: {  	s25 =	simm.s32 $0xA510;
	s11 =	sadd.s32 $0x20, s6  }
0x505: {  	[hbm4b:s11+s0] =	stream.linear.scatter [tilespmem:s25], [sflag:$0x5], $0x80, $0x38;
	[tilespmem:$0xC600] =	vst v63  }
0x506: {  	s10 =	simm.s32 $0xA598;
	s9 =	sadd.s32 $0x30, s6  }
0x507: {  	[hbm4b:s9+s0] =	stream.linear.scatter [tilespmem:s10], [sflag:$0x5], $0x80, $0x38;
	[tilespmem:$0xC600] =	vst v63  }
0x508: {  	s11 =	sadd.s32 $0x40, s6;
	s25 =	simm.s32 $0xA620  }
0x509: {  	[hbm4b:s11+s0] =	stream.linear.scatter [tilespmem:s25], [sflag:$0x5], $0x80, $0x38;
	[tilespmem:$0xC600] =	vst v63  }
0x50a: {  	s9 =	sadd.s32 $0x50, s6;
	s10 =	simm.s32 $0xA6A8  }
0x50b: {  	[hbm4b:s9+s0] =	stream.linear.scatter [tilespmem:s10], [sflag:$0x5], $0x80, $0x38;
	[tilespmem:$0xC600] =	vst v63  }
0x50c: {  	s11 =	sadd.s32 $0x60, s6;
	s25 =	simm.s32 $0xA730  }
0x50d: {  	[hbm4b:s11+s0] =	stream.linear.scatter [tilespmem:s25], [sflag:$0x5], $0x80, $0x38;
	[tilespmem:$0xC600] =	vst v63  }
0x50e: {  	s10 =	sadd.s32 $0x70, s6;
	s11 =	simm.s32 $0xA7B8  }
0x50f: {  	[hbm4b:s10+s0] =	stream.linear.scatter [tilespmem:s11], [sflag:$0x5], $0x80, $0x38;
	[tilespmem:$0xC600] =	vst v63  }
0x510: {  	s6 =	rddreg [dreg:$0x10];
	s25 =	simm.s32 $0xA840  }
0x511: {  	[hbm4b:s6+s0] =	stream.linear.scatter [tilespmem:s25], [sflag:$0x5], $0x80, $0x38;
	[tilespmem:$0xC600] =	vst v63  }
0x512: {  	s9 =	sadd.s32 $0x10, s6;
	s10 =	simm.s32 $0xA8C8  }
0x513: {  	[hbm4b:s9+s0] =	stream.linear.scatter [tilespmem:s10], [sflag:$0x5], $0x80, $0x38;
	[tilespmem:$0xC600] =	vst v63  }
0x514: {  	s11 =	sadd.s32 $0x20, s6;
	s25 =	simm.s32 $0xA950  }
0x515: {  	[hbm4b:s11+s0] =	stream.linear.scatter [tilespmem:s25], [sflag:$0x5], $0x80, $0x38;
	[tilespmem:$0xC600] =	vst v63  }
0x516: {  	s9 =	sadd.s32 $0x30, s6;
	s10 =	simm.s32 $0xA9D8  }
0x517: {  	[hbm4b:s9+s0] =	stream.linear.scatter [tilespmem:s10], [sflag:$0x5], $0x80, $0x38;
	[tilespmem:$0xC600] =	vst v63  }
0x518: {  	s11 =	sadd.s32 $0x40, s6;
	s25 =	simm.s32 $0xAA60  }
0x519: {  	[hbm4b:s11+s0] =	stream.linear.scatter [tilespmem:s25], [sflag:$0x5], $0x80, $0x38;
	[tilespmem:$0xC600] =	vst v63  }
0x51a: {  	s9 =	sadd.s32 $0x50, s6;
	s10 =	simm.s32 $0xAAE8  }
0x51b: {  	[hbm4b:s9+s0] =	stream.linear.scatter [tilespmem:s10], [sflag:$0x5], $0x80, $0x38;
	[tilespmem:$0xC600] =	vst v63  }
0x51c: {  	s11 =	sadd.s32 $0x60, s6;
	s25 =	simm.s32 $0xAB70  }
0x51d: {  	[hbm4b:s11+s0] =	stream.linear.scatter [tilespmem:s25], [sflag:$0x5], $0x80, $0x38;
	[tilespmem:$0xC600] =	vst v63  }
0x51e: {  	s10 =	sadd.s32 $0x70, s6;
	s11 =	simm.s32 $0xABF8  }
0x51f: {  	[hbm4b:s10+s0] =	stream.linear.scatter [tilespmem:s11], [sflag:$0x5], $0x80, $0x38;
	[tilespmem:$0xC600] =	vst v63  }
0x520: {  	s6 =	rddreg [dreg:$0x11];
	s25 =	simm.s32 $0xAC80  }
0x521: {  	[hbm4b:s6+s0] =	stream.linear.scatter [tilespmem:s25], [sflag:$0x5], $0x80, $0x38;
	[tilespmem:$0xC600] =	vst v63  }
0x522: {  	s9 =	sadd.s32 $0x10, s6;
	s10 =	simm.s32 $0xAD08  }
0x523: {  	[hbm4b:s9+s0] =	stream.linear.scatter [tilespmem:s10], [sflag:$0x5], $0x80, $0x38;
	[tilespmem:$0xC600] =	vst v63  }
0x524: {  	s11 =	sadd.s32 $0x20, s6;
	s25 =	simm.s32 $0xAD90  }
0x525: {  	[hbm4b:s11+s0] =	stream.linear.scatter [tilespmem:s25], [sflag:$0x5], $0x80, $0x38;
	[tilespmem:$0xC600] =	vst v63  }
0x526: {  	s9 =	sadd.s32 $0x30, s6;
	s10 =	simm.s32 $0xAE18  }
0x527: {  	[hbm4b:s9+s0] =	stream.linear.scatter [tilespmem:s10], [sflag:$0x5], $0x80, $0x38;
	[tilespmem:$0xC600] =	vst v63  }
0x528: {  	s11 =	sadd.s32 $0x40, s6;
	s25 =	simm.s32 $0xAEA0  }
0x529: {  	[hbm4b:s11+s0] =	stream.linear.scatter [tilespmem:s25], [sflag:$0x5], $0x80, $0x38;
	[tilespmem:$0xC600] =	vst v63  }
0x52a: {  	s9 =	sadd.s32 $0x50, s6;
	s10 =	simm.s32 $0xAF28  }
0x52b: {  	[hbm4b:s9+s0] =	stream.linear.scatter [tilespmem:s10], [sflag:$0x5], $0x80, $0x38;
	[tilespmem:$0xC600] =	vst v63  }
0x52c: {  	s11 =	sadd.s32 $0x60, s6;
	s25 =	simm.s32 $0xAFB0  }
0x52d: {  	[hbm4b:s11+s0] =	stream.linear.scatter [tilespmem:s25], [sflag:$0x5], $0x80, $0x38;
	[tilespmem:$0xC600] =	vst v63  }
0x52e: {  	s6 =	sadd.s32 $0x70, s6;
	s9 =	simm.s32 $0xB038  }
0x52f: {  	[hbm4b:s6+s0] =	stream.linear.scatter [tilespmem:s9], [sflag:$0x5], $0x80, $0x38;
	[tilespmem:$0xC600] =	vst v63  }
0x530: {  	s10 =	simm.s32 $0xB0C0;
	s6 =	rddreg [dreg:$0x12]  }
0x531: {  	[hbm4b:s6+s0] =	stream.linear.scatter [tilespmem:s10], [sflag:$0x5], $0x80, $0x38;
	[tilespmem:$0xC600] =	vst v63  }
0x532: {  	s25 =	simm.s32 $0xB148;
	s11 =	sadd.s32 $0x10, s6  }
0x533: {  	[hbm4b:s11+s0] =	stream.linear.scatter [tilespmem:s25], [sflag:$0x5], $0x80, $0x38;
	[tilespmem:$0xC600] =	vst v63  }
0x534: {  	s9 =	sadd.s32 $0x20, s6;
	s10 =	simm.s32 $0xB1D0  }
0x535: {  	[hbm4b:s9+s0] =	stream.linear.scatter [tilespmem:s10], [sflag:$0x5], $0x80, $0x38;
	[tilespmem:$0xC600] =	vst v63  }
0x536: {  	s11 =	sadd.s32 $0x30, s6;
	s25 =	simm.s32 $0xB258  }
0x537: {  	[hbm4b:s11+s0] =	stream.linear.scatter [tilespmem:s25], [sflag:$0x5], $0x80, $0x38;
	[tilespmem:$0xC600] =	vst v63  }
0x538: {  	s9 =	sadd.s32 $0x40, s6;
	s10 =	simm.s32 $0xB2E0  }
0x539: {  	[hbm4b:s9+s0] =	stream.linear.scatter [tilespmem:s10], [sflag:$0x5], $0x80, $0x38;
	[tilespmem:$0xC600] =	vst v63  }
0x53a: {  	s11 =	sadd.s32 $0x50, s6;
	s25 =	simm.s32 $0xB368  }
0x53b: {  	[hbm4b:s11+s0] =	stream.linear.scatter [tilespmem:s25], [sflag:$0x5], $0x80, $0x38;
	[tilespmem:$0xC600] =	vst v63  }
0x53c: {  	s9 =	sadd.s32 $0x60, s6;
	s10 =	simm.s32 $0xB3F0  }
0x53d: {  	[hbm4b:s9+s0] =	stream.linear.scatter [tilespmem:s10], [sflag:$0x5], $0x80, $0x38;
	[tilespmem:$0xC600] =	vst v63  }
0x53e: {  	s11 =	sadd.s32 $0x70, s6;
	s25 =	simm.s32 $0xB478  }
0x53f: {  	[hbm4b:s11+s0] =	stream.linear.scatter [tilespmem:s25], [sflag:$0x5], $0x80, $0x38;
	[tilespmem:$0xC600] =	vst v63  }
0x540: {  	_ =	swait.ge [sflag:s30], $0x1000  }
0x541: {  	[sflag:s30] =	ssyncset.done $0x0  }
0x542: {  	v17 =	vmov s0;
	s1 =	simm.s32 $0x1;
	[sflag:s30] =	ssyncadd.s32 $0xFFFFF000  }
0x543: {  	v17 =	vshrl.u32 v17, $0x3;
	v18 =	vmov s1;
	_ =	swait.ge [sflag:s31], $0x400  }
0x544: {  	v17 =	vshll.u32 v17, v1;
	v18 =	vshrl.u32 v18, $0x3;
	[sflag:s31] =	ssyncset.done $0x0  }
0x545: {  	v17 =	vbroadcast v17, $0x0;
	s1 =	simm.s32 $0x7;
	v18 =	vshll.u32 v18, v1;
	[sflag:s31] =	ssyncadd.s32 $0xFFFFFC00  }
0x546: {  	v24 =	vmov s1;
	v33 =	vbroadcast v18, $0x0;
	_ =	swait.ge [sflag:s31], $0x400  }
0x547: {  	v51 =	vadd.s32 v0, v17;
	v24 =	vshrl.u32 v24, $0x3;
	s6 =	simm.s32 $0x2;
	s11 =	simm.s32 $0x5;
	[sflag:s31] =	ssyncset.done $0x0  }
0x548: {  	v52 =	vadd.s32 v3, v33;
	v19 =	vmov s6;
	s6 =	simm.s32 $0x8;
	v22 =	vmov s11;
	s11 =	simm.s32 $0xB;
	[sflag:s31] =	ssyncadd.s32 $0xFFFFFC00  }
0x549: {  	v33 =	vadd.s32 v4, v33;
	s9 =	simm.s32 $0x3;
	v25 =	vmov s6;
	v28 =	vmov s11;
	s11 =	simm.s32 $0xF;
	_ =	swait.ge [sflag:s31], $0x400  }
0x54a: {  	s10 =	simm.s32 $0x4;
	v19 =	vshrl.u32 v19, $0x3;
	v20 =	vmov s9;
	v48 =	vmov s11;
	[sflag:s31] =	ssyncset.done $0x0  }
0x54b: {  	s6 =	simm.s32 $0x11;
	v21 =	vmov s10;
	v25 =	vshrl.u32 v25, $0x3;
	v32 =	vshrl.u32 v48, $0x3;
	[sflag:s31] =	ssyncadd.s32 $0xFFFFFC00  }
0x54c: {  	s9 =	simm.s32 $0x9;
	s10 =	simm.s32 $0xA;
	v18 =	vshll.u32 v19, v1;
	v60 =	vmov s6;
	v32 =	vshll.u32 v32, v1;
	_ =	swait.ge [sflag:s31], $0x400  }
0x54d: {  	s6 =	simm.s32 $0x1A;
	v26 =	vmov s9;
	v27 =	vmov s10;
	v32 =	vbroadcast v32, $0x0;
	[sflag:s31] =	ssyncset.done $0x0  }
0x54e: {  	s25 =	simm.s32 $0x6;
	v20 =	vshrl.u32 v20, $0x3;
	v21 =	vshrl.u32 v21, $0x3;
	s0 =	simm.s32 $0x95F0;
	v37 =	vbroadcast v18, $0x0;
	[sflag:s31] =	ssyncadd.s32 $0xFFFFFC00  }
0x54f: {  	s9 =	simm.s32 $0xD;
	s10 =	simm.s32 $0xE;
	v35 =	vmov s6;
	v23 =	vmov s25;
	v49 =	vadd.s32 v15, v32;
	v19 =	vld [tilespmem:s0+$0xFFFFFFF0]  }
0x550: {  	v30 =	vmov s9;
	v31 =	vmov s10;
	v18 =	vshll.u32 v20, v1;
	v50 =	vld [tilespmem:s0+$0xFFFFFE10]  }
0x551: {  	v26 =	vshrl.u32 v26, $0x3;
	v39 =	vbroadcast v18, $0x0;
	v18 =	vshll.u32 v21, v1;
	v20 =	vld [tilespmem:s0+$0xFFFFFE30]  }
0x552: {  	v22 =	vshrl.u32 v22, $0x3;
	v53 =	vadd.s32 v5, v37;
	v41 =	vbroadcast v18, $0x0;
	v21 =	vld [tilespmem:s0+$0xFFFFFE50]  }
0x553: {  	v27 =	vshrl.u32 v27, $0x3;
	v22 =	vshll.u32 v22, v1;
	v54 =	vadd.s32 v7, v39;
	v18 =	vld [tilespmem:s0+$0xFFFFFE70]  }
0x554: {  	s25 =	simm.s32 $0xC;
	v23 =	vshrl.u32 v23, $0x3;
	v45 =	vbroadcast v22, $0x0;
	v56 =	vadd.s32 v9, v41;
	v55 =	vld [tilespmem:s0+$0xFFFFFE90];
	[tilespmem:v49+s14+$0x0] =	vst.idx.msk $0xffff, v19  }
0x555: {  	v29 =	vmov s25;
	v30 =	vshrl.u32 v30, $0x3;
	v22 =	vshll.u32 v23, v1;
	[tilespmem:v51+s14+$0x0] =	vst.idx.msk $0xffff, v50  }
0x556: {  	v36 =	vbroadcast v22, $0x0;
	v19 =	vshll.u32 v24, v1;
	[tilespmem:v52+s14+$0x0] =	vst.idx.msk $0xffff, v20;
	v20 =	vld [tilespmem:s0+$0xFFFFFEB0];
	v24 =	vadd.s32 v11, v45  }
0x557: {  	v31 =	vshrl.u32 v31, $0x3;
	v28 =	vshrl.u32 v28, $0x3;
	v23 =	vadd.s32 v16, v32;
	[tilespmem:v53+s14+$0x0] =	vst.idx.msk $0xffff, v21;
	v22 =	vld [tilespmem:s0+$0x0]  }
0x558: {  	v21 =	vld [tilespmem:s0+$0xFFFFFED0];
	[tilespmem:v54+s14+$0x0] =	vst.idx.msk $0xffff, v18;
	v46 =	vbroadcast v19, $0x0;
	v19 =	vshll.u32 v25, v1;
	v25 =	vadd.s32 v13, v36  }
0x559: {  	v29 =	vshrl.u32 v29, $0x3;
	v18 =	vshll.u32 v27, v1;
	[tilespmem:v56+s14+$0x0] =	vst.idx.msk $0xffff, v55;
	v55 =	vadd.s32 v6, v37;
	v51 =	vld [tilespmem:s0+$0xFFFFFE40]  }
0x55a: {  	v48 =	vbroadcast v18, $0x0;
	v54 =	vld [tilespmem:s0+$0xFFFFFE60];
	v40 =	vbroadcast v19, $0x0;
	v19 =	vshll.u32 v26, v1  }
0x55b: {  	v18 =	vshll.u32 v28, v1;
	v26 =	vld [tilespmem:s0+$0xFFFFFEF0];
	v57 =	vadd.s32 v15, v46;
	v47 =	vbroadcast v19, $0x0;
	[tilespmem:v24+s14+$0x0] =	vst.idx.msk $0xffff, v20  }
0x55c: {  	s9 =	simm.s32 $0x12;
	v39 =	vadd.s32 v8, v39;
	v27 =	vld [tilespmem:s0+$0xFFFFFF10];
	v18 =	vbroadcast v18, $0x0;
	v58 =	vadd.s32 v0, v40;
	[tilespmem:v23+s14+$0x0] =	vst.idx.msk $0xffff, v22  }
0x55d: {  	v61 =	vmov s9;
	v28 =	vld [tilespmem:s0+$0xFFFFFF30];
	v19 =	vshll.u32 v29, v1;
	v59 =	vadd.s32 v3, v47;
	[tilespmem:v25+s14+$0x0] =	vst.idx.msk $0xffff, v21  }
0x55e: {  	s10 =	simm.s32 $0x13;
	v41 =	vadd.s32 v10, v41;
	v19 =	vbroadcast v19, $0x0;
	v24 =	vld [tilespmem:s0+$0xFFFFFF70];
	v25 =	vadd.s32 v7, v18;
	[tilespmem:v33+s14+$0x0] =	vst.idx.msk $0xffff, v51  }
0x55f: {  	v62 =	vmov s10;
	v20 =	vshll.u32 v30, v1;
	v22 =	vld [tilespmem:s0+$0xFFFFFF50];
	v23 =	vadd.s32 v5, v48;
	[tilespmem:v55+s14+$0x0] =	vst.idx.msk $0xffff, v54  }
0x560: {  	s11 =	simm.s32 $0x14;
	v42 =	vadd.s32 v14, v36;
	v20 =	vbroadcast v20, $0x0;
	v30 =	vadd.s32 v9, v19;
	[tilespmem:v57+s14+$0x0] =	vst.idx.msk $0xffff, v26;
	v26 =	vld [tilespmem:s0+$0xFFFFFF90]  }
0x561: {  	s10 =	simm.s32 $0x17;
	v49 =	vmov s11;
	v21 =	vshll.u32 v31, v1;
	v56 =	vld [tilespmem:s0+$0xFFFFFEC0];
	v57 =	vadd.s32 v12, v45;
	[tilespmem:v58+s14+$0x0] =	vst.idx.msk $0xffff, v27  }
0x562: {  	s9 =	simm.s32 $0x16;
	v53 =	vmov s10;
	s10 =	simm.s32 $0x1C;
	v21 =	vbroadcast v21, $0x0;
	v31 =	vadd.s32 v11, v20;
	v27 =	vld [tilespmem:s0+$0xFFFFFFB0];
	[tilespmem:v59+s14+$0x0] =	vst.idx.msk $0xffff, v28  }
0x563: {  	s25 =	simm.s32 $0x10;
	v52 =	vmov s9;
	v32 =	vmov s10;
	v36 =	vshrl.u32 v60, $0x3;
	[tilespmem:v25+s14+$0x0] =	vst.idx.msk $0xffff, v24;
	v25 =	vld [tilespmem:s0+$0xFFFFFE80]  }
0x564: {  	v29 =	vmov s25;
	s25 =	simm.s32 $0x15;
	v43 =	vadd.s32 v16, v46;
	v63 =	vadd.s32 v13, v21;
	v28 =	vld [tilespmem:s0+$0xFFFFFFD0];
	[tilespmem:v23+s14+$0x0] =	vst.idx.msk $0xffff, v22  }
0x565: {  	v46 =	vadd.s32 v6, v48;
	v29 =	vshrl.u32 v29, $0x3;
	v50 =	vmov s25;
	s25 =	simm.s32 $0x19;
	[tilespmem:v30+s14+$0x0] =	vst.idx.msk $0xffff, v26;
	v26 =	vld [tilespmem:s0+$0xFFFFFEA0]  }
0x566: {  	s11 =	simm.s32 $0x18;
	v44 =	vadd.s32 v2, v40;
	v34 =	vmov s25;
	s25 =	simm.s32 $0x1E;
	v33 =	vshrl.u32 v61, $0x3;
	v37 =	vld [tilespmem:s0+$0xFFFFFEE0];
	[tilespmem:v57+s14+$0x0] =	vst.idx.msk $0xffff, v56  }
0x567: {  	s9 =	simm.s32 $0x1B;
	v45 =	vadd.s32 v4, v47;
	v38 =	vld [tilespmem:s0+$0xFFFFFF00];
	v24 =	vmov s11;
	s11 =	simm.s32 $0x1D;
	v23 =	vmov s25;
	[tilespmem:v31+s14+$0x0] =	vst.idx.msk $0xffff, v27  }
0x568: {  	v22 =	vmov s11;
	v24 =	vshrl.u32 v24, $0x3;
	v30 =	vmov s9;
	[tilespmem:v39+s14+$0x0] =	vst.idx.msk $0xffff, v25;
	v39 =	vld [tilespmem:s0+$0xFFFFFF20]  }
0x569: {  	v40 =	vld [tilespmem:s0+$0xFFFFFF40];
	v31 =	vshll.u32 v29, v1;
	v29 =	vshrl.u32 v62, $0x3;
	v27 =	vshrl.u32 v50, $0x3;
	[tilespmem:v63+s14+$0x0] =	vst.idx.msk $0xffff, v28  }
0x56a: {  	s1 =	simm.s32 $0x20;
	s6 =	simm.s32 $0x1F;
	v28 =	vshrl.u32 v49, $0x3;
	v25 =	vshrl.u32 v52, $0x3;
	[tilespmem:v41+s14+$0x0] =	vst.idx.msk $0xffff, v26;
	v26 =	vshrl.u32 v53, $0x3;
	v41 =	vld [tilespmem:s0+$0xFFFFFF60]  }
.LBB2_18:
0x56b: {  	p0 =	slt.u32 s1, $0x70;
	v34 =	vshrl.u32 v34, $0x3;
	v47 =	vmov s6;
	[tilespmem:v42+s14+$0x0] =	vst.idx.msk $0xffff, v37;
	v37 =	vld [tilespmem:s0+$0xFFFFFF80];
	v18 =	vadd.s32 v8, v18  }
0x56c: {  	v35 =	vshrl.u32 v35, $0x3;
	v19 =	vadd.s32 v10, v19;
	v42 =	vshrl.u32 v47, $0x3;
	[tilespmem:v43+s14+$0x0] =	vst.idx.msk $0xffff, v38;
	v38 =	vld [tilespmem:s0+$0xFFFFFFA0]  }
0x56d: {  	v30 =	vshrl.u32 v30, $0x3;
	v20 =	vadd.s32 v12, v20;
	v42 =	vshll.u32 v42, v1;
	[tilespmem:v44+s14+$0x0] =	vst.idx.msk $0xffff, v39;
	v39 =	vld [tilespmem:s0+$0xFFFFFFC0]  }
0x56e: {  	v32 =	vshrl.u32 v32, $0x3;
	v21 =	vadd.s32 v14, v21;
	v42 =	vbroadcast v42, $0x0;
	[tilespmem:v45+s14+$0x0] =	vst.idx.msk $0xffff, v40;
	v40 =	vld [tilespmem:s0+$0xFFFFFFE0]  }
0x56f: {  	v36 =	vshll.u32 v36, v1;
	v44 =	vadd.s32 v2, v17;
	v17 =	vbroadcast v31, $0x0;
	v43 =	vld [tilespmem:s0+$0xFFFFFE20];
	[tilespmem:v46+s14+$0x0] =	vst.idx.msk $0xffff, v41;
	s0 =	sadd.s32 $0x200, s0  }
0x570: {  	v33 =	vshll.u32 v33, v1;
	v31 =	vbroadcast v36, $0x0;
	v36 =	vld [tilespmem:s0+$0xFFFFFFF0];
	v41 =	vadd.s32 v15, v42;
	[tilespmem:v18+s14+$0x0] =	vst.idx.msk $0xffff, v37  }
0x571: {  	v29 =	vshll.u32 v29, v1;
	v33 =	vbroadcast v33, $0x0;
	v37 =	vadd.s32 v0, v17;
	v18 =	vld [tilespmem:s0+$0xFFFFFE10];
	[tilespmem:v19+s14+$0x0] =	vst.idx.msk $0xffff, v38  }
0x572: {  	v28 =	vshll.u32 v28, v1;
	v29 =	vbroadcast v29, $0x0;
	v38 =	vadd.s32 v3, v31;
	v19 =	vld [tilespmem:s0+$0xFFFFFE30];
	[tilespmem:v20+s14+$0x0] =	vst.idx.msk $0xffff, v39  }
0x573: {  	v22 =	vshrl.u32 v22, $0x3;
	v28 =	vbroadcast v28, $0x0;
	v39 =	vadd.s32 v5, v33;
	v20 =	vld [tilespmem:s0+$0xFFFFFE50];
	[tilespmem:v21+s14+$0x0] =	vst.idx.msk $0xffff, v40  }
0x574: {  	v27 =	vshll.u32 v27, v1;
	v23 =	vshrl.u32 v23, $0x3;
	v40 =	vadd.s32 v7, v29;
	v21 =	vld [tilespmem:s0+$0xFFFFFE70];
	[tilespmem:v44+s14+$0x0] =	vst.idx.msk $0xffff, v43  }
0x575: {  	v25 =	vshll.u32 v25, v1;
	v27 =	vbroadcast v27, $0x0;
	v44 =	vadd.s32 v9, v28;
	v43 =	vld [tilespmem:s0+$0xFFFFFE90];
	[tilespmem:v41+s14+$0x0] =	vst.idx.msk $0xffff, v36  }
0x576: {  	v25 =	vbroadcast v25, $0x0;
	v36 =	vadd.s32 v16, v42;
	[tilespmem:v37+s14+$0x0] =	vst.idx.msk $0xffff, v18;
	v18 =	vshll.u32 v26, v1;
	v26 =	vld [tilespmem:s0+$0x0]  }
0x577: {  	v37 =	vadd.s32 v11, v27;
	[tilespmem:v38+s14+$0x0] =	vst.idx.msk $0xffff, v19;
	v19 =	vld [tilespmem:s0+$0xFFFFFEB0];
	v41 =	vbroadcast v18, $0x0;
	v18 =	vshll.u32 v24, v1  }
0x578: {  	v24 =	vadd.s32 v13, v25;
	[tilespmem:v39+s14+$0x0] =	vst.idx.msk $0xffff, v20;
	v20 =	vld [tilespmem:s0+$0xFFFFFED0];
	v45 =	vbroadcast v18, $0x0;
	v18 =	vshll.u32 v34, v1  }
0x579: {  	[tilespmem:v40+s14+$0x0] =	vst.idx.msk $0xffff, v21;
	v21 =	vld [tilespmem:s0+$0xFFFFFEF0];
	v34 =	vadd.s32 v15, v41;
	v46 =	vbroadcast v18, $0x0;
	v18 =	vshll.u32 v35, v1  }
0x57a: {  	[tilespmem:v44+s14+$0x0] =	vst.idx.msk $0xffff, v43;
	v35 =	vld [tilespmem:s0+$0xFFFFFF10];
	v38 =	vadd.s32 v0, v45;
	v47 =	vbroadcast v18, $0x0;
	v18 =	vshll.u32 v30, v1  }
0x57b: {  	v32 =	vshll.u32 v32, v1;
	v30 =	vld [tilespmem:s0+$0xFFFFFF30];
	v39 =	vadd.s32 v3, v46;
	v18 =	vbroadcast v18, $0x0;
	[tilespmem:v36+s14+$0x0] =	vst.idx.msk $0xffff, v26  }
0x57c: {  	v22 =	vshll.u32 v22, v1;
	[tilespmem:v37+s14+$0x0] =	vst.idx.msk $0xffff, v19;
	v26 =	vld [tilespmem:s0+$0xFFFFFF50];
	v36 =	vadd.s32 v5, v47;
	v19 =	vbroadcast v32, $0x0  }
0x57d: {  	[tilespmem:v24+s14+$0x0] =	vst.idx.msk $0xffff, v20;
	v24 =	vld [tilespmem:s0+$0xFFFFFF70];
	v32 =	vadd.s32 v7, v18;
	v20 =	vbroadcast v22, $0x0;
	v22 =	vshll.u32 v23, v1  }
0x57e: {  	s6 =	sadd.s32 $0x1, s1;
	v23 =	vmov s1;
	[tilespmem:v34+s14+$0x0] =	vst.idx.msk $0xffff, v21;
	v37 =	vld [tilespmem:s0+$0xFFFFFF90];
	v40 =	vadd.s32 v9, v19;
	v21 =	vbroadcast v22, $0x0  }
0x57f: {  	s9 =	sadd.s32 $0x3, s1;
	v43 =	vmov s6;
	s6 =	sadd.s32 $0x2, s1;
	v23 =	vshrl.u32 v23, $0x3;
	[tilespmem:v38+s14+$0x0] =	vst.idx.msk $0xffff, v35;
	v22 =	vld [tilespmem:s0+$0xFFFFFFB0];
	v38 =	vadd.s32 v11, v20  }
0x580: {  	v48 =	vmov s9;
	s9 =	sadd.s32 $0x5, s1;
	v44 =	vmov s6;
	s6 =	sadd.s32 $0x4, s1;
	[tilespmem:v39+s14+$0x0] =	vst.idx.msk $0xffff, v30;
	v39 =	vld [tilespmem:s0+$0xFFFFFFD0];
	v42 =	vadd.s32 v13, v21  }
0x581: {  	v50 =	vmov s9;
	s9 =	sadd.s32 $0x7, s1;
	v52 =	vadd.s32 v4, v31;
	v49 =	vmov s6;
	s6 =	sadd.s32 $0x6, s1;
	v51 =	vld [tilespmem:s0+$0xFFFFFE40];
	[tilespmem:v36+s14+$0x0] =	vst.idx.msk $0xffff, v26  }
0x582: {  	v53 =	vmov s9;
	s9 =	sadd.s32 $0x9, s1;
	v55 =	vadd.s32 v6, v33;
	v26 =	vmov s6;
	s6 =	sadd.s32 $0x8, s1;
	v54 =	vld [tilespmem:s0+$0xFFFFFE60];
	[tilespmem:v32+s14+$0x0] =	vst.idx.msk $0xffff, v24  }
0x583: {  	v57 =	vadd.s32 v8, v29;
	v34 =	vmov s9;
	s9 =	sadd.s32 $0xB, s1;
	v24 =	vmov s6;
	s6 =	sadd.s32 $0xA, s1;
	v56 =	vld [tilespmem:s0+$0xFFFFFE80];
	[tilespmem:v40+s14+$0x0] =	vst.idx.msk $0xffff, v37  }
0x584: {  	v58 =	vadd.s32 v10, v28;
	v30 =	vmov s9;
	s9 =	sadd.s32 $0xD, s1;
	v35 =	vmov s6;
	s6 =	sadd.s32 $0xC, s1;
	v40 =	vld [tilespmem:s0+$0xFFFFFEA0];
	[tilespmem:v38+s14+$0x0] =	vst.idx.msk $0xffff, v22  }
0x585: {  	v60 =	vadd.s32 v12, v27;
	v32 =	vmov s6;
	v22 =	vmov s9;
	s6 =	sadd.s32 $0xE, s1;
	v59 =	vld [tilespmem:s0+$0xFFFFFEC0];
	[tilespmem:v42+s14+$0x0] =	vst.idx.msk $0xffff, v39  }
.Ltmp8:
0x586: {  	v31 =	vshll.u32 v23, v1;
	v23 =	vmov s6;
	v42 =	vadd.s32 v14, v25;
	[tilespmem:v52+s14+$0x0] =	vst.idx.msk $0xffff, v51;
	v37 =	vld [tilespmem:s0+$0xFFFFFEE0];
	(pc) =	sbr.rel @p0 .LBB2_18-.Ltmp8, $4  }
0x587: {  	v33 =	vshrl.u32 v44, $0x3;
	v36 =	vshrl.u32 v43, $0x3;
	v43 =	vadd.s32 v16, v41;
	[tilespmem:v55+s14+$0x0] =	vst.idx.msk $0xffff, v54;
	v38 =	vld [tilespmem:s0+$0xFFFFFF00]  }
0x588: {  	v29 =	vshrl.u32 v48, $0x3;
	v44 =	vadd.s32 v2, v45;
	v28 =	vshrl.u32 v49, $0x3;
	[tilespmem:v57+s14+$0x0] =	vst.idx.msk $0xffff, v56;
	v39 =	vld [tilespmem:s0+$0xFFFFFF20]  }
0x589: {  	v27 =	vshrl.u32 v50, $0x3;
	v45 =	vadd.s32 v4, v46;
	v25 =	vshrl.u32 v26, $0x3;
	[tilespmem:v58+s14+$0x0] =	vst.idx.msk $0xffff, v40;
	v40 =	vld [tilespmem:s0+$0xFFFFFF40]  }
0x58a: {  	v46 =	vadd.s32 v6, v47;
	v24 =	vshrl.u32 v24, $0x3;
	v26 =	vshrl.u32 v53, $0x3;
	s6 =	sadd.s32 $0xF, s1;
	s1 =	sadd.s32 $0x10, s1;
	[tilespmem:v60+s14+$0x0] =	vst.idx.msk $0xffff, v59;
	v41 =	vld [tilespmem:s0+$0xFFFFFF60]  }
0x58b: {  	_ =	sdelay $0x2  }
0x58c: {  	v47 =	vmov s6  }
0x58d: {  	v34 =	vshrl.u32 v34, $0x3;
	[tilespmem:v42+s14+$0x0] =	vst.idx.msk $0xffff, v37;
	v52 =	vld [tilespmem:s0+$0xFFFFFF80];
	v53 =	vadd.s32 v8, v18;
	v19 =	vadd.s32 v10, v19  }
0x58e: {  	v54 =	vld [tilespmem:s0+$0xFFFFFFA0];
	v30 =	vshrl.u32 v30, $0x3;
	v20 =	vadd.s32 v12, v20;
	v21 =	vadd.s32 v14, v21;
	[tilespmem:v43+s14+$0x0] =	vst.idx.msk $0xffff, v38  }
0x58f: {  	v55 =	vld [tilespmem:s0+$0xFFFFFFC0];
	v32 =	vshrl.u32 v32, $0x3;
	v58 =	vshll.u32 v36, v1;
	v29 =	vshll.u32 v29, v1;
	[tilespmem:v44+s14+$0x0] =	vst.idx.msk $0xffff, v39  }
0x590: {  	v57 =	vld [tilespmem:s0+$0xFFFFFFE0];
	v33 =	vshll.u32 v33, v1;
	v18 =	vshrl.u32 v47, $0x3;
	v29 =	vbroadcast v29, $0x0;
	[tilespmem:v45+s14+$0x0] =	vst.idx.msk $0xffff, v40  }
0x591: {  	v59 =	vld [tilespmem:s0+$0xFFFFFE20];
	v17 =	vadd.s32 v2, v17;
	s6 =	sadd.s32 $0x200, s0;
	v33 =	vbroadcast v33, $0x0;
	v18 =	vshll.u32 v18, v1;
	[tilespmem:v46+s14+$0x0] =	vst.idx.msk $0xffff, v41  }
0x592: {  	v28 =	vshll.u32 v28, v1;
	v48 =	vld [tilespmem:s6+$0xFFFFFE70];
	v56 =	vbroadcast v18, $0x0;
	v49 =	vadd.s32 v7, v29;
	[tilespmem:v53+s14+$0x0] =	vst.idx.msk $0xffff, v52  }
0x593: {  	v27 =	vshll.u32 v27, v1;
	v18 =	vbroadcast v31, $0x0;
	v47 =	vadd.s32 v5, v33;
	v46 =	vld [tilespmem:s6+$0xFFFFFE50];
	[tilespmem:v19+s14+$0x0] =	vst.idx.msk $0xffff, v54  }
0x594: {  	v23 =	vshrl.u32 v23, $0x3;
	v60 =	vld [tilespmem:s6+$0xFFFFFFF0];
	v31 =	vbroadcast v58, $0x0;
	v61 =	vadd.s32 v15, v56;
	[tilespmem:v20+s14+$0x0] =	vst.idx.msk $0xffff, v55  }
0x595: {  	v25 =	vshll.u32 v25, v1;
	v62 =	vld [tilespmem:s6+$0xFFFFFE10];
	v28 =	vbroadcast v28, $0x0;
	v63 =	vadd.s32 v0, v18;
	[tilespmem:v21+s14+$0x0] =	vst.idx.msk $0xffff, v57  }
0x596: {  	v26 =	vshll.u32 v26, v1;
	v25 =	vbroadcast v25, $0x0;
	v19 =	vld [tilespmem:s6+$0xFFFFFE30];
	v45 =	vadd.s32 v3, v31;
	[tilespmem:v17+s14+$0x0] =	vst.idx.msk $0xffff, v59  }
0x597: {  	v26 =	vbroadcast v26, $0x0;
	v23 =	vshll.u32 v23, v1;
	v50 =	vadd.s32 v9, v28;
	v17 =	vld [tilespmem:s6+$0xFFFFFE90];
	[tilespmem:v49+s14+$0x0] =	vst.idx.msk $0xffff, v48  }
0x598: {  	v24 =	vshll.u32 v24, v1;
	v23 =	vbroadcast v23, $0x0;
	v54 =	vld [tilespmem:s6+$0xFFFFFED0];
	v55 =	vadd.s32 v13, v25;
	[tilespmem:v47+s14+$0x0] =	vst.idx.msk $0xffff, v46  }
0x599: {  	v27 =	vbroadcast v27, $0x0;
	v52 =	vadd.s32 v16, v56;
	v56 =	vld [tilespmem:s6+$0xFFFFFEF0];
	v57 =	vadd.s32 v15, v26;
	[tilespmem:v61+s14+$0x0] =	vst.idx.msk $0xffff, v60  }
0x59a: {  	v24 =	vbroadcast v24, $0x0;
	v34 =	vshll.u32 v34, v1;
	v48 =	vld [tilespmem:s6+$0xFFFFFFD0];
	v49 =	vadd.s32 v13, v23;
	[tilespmem:v63+s14+$0x0] =	vst.idx.msk $0xffff, v62  }
0x59b: {  	v30 =	vshll.u32 v30, v1;
	v34 =	vbroadcast v34, $0x0;
	v53 =	vadd.s32 v11, v27;
	[tilespmem:v45+s14+$0x0] =	vst.idx.msk $0xffff, v19;
	v19 =	vld [tilespmem:s6+$0xFFFFFEB0]  }
0x59c: {  	v32 =	vshll.u32 v32, v1;
	v30 =	vbroadcast v30, $0x0;
	v58 =	vadd.s32 v0, v24;
	[tilespmem:v50+s14+$0x0] =	vst.idx.msk $0xffff, v17;
	v17 =	vld [tilespmem:s6+$0xFFFFFF10]  }
0x59d: {  	v32 =	vbroadcast v32, $0x0;
	v59 =	vld [tilespmem:s6+$0xFFFFFF30];
	v60 =	vadd.s32 v3, v34;
	[tilespmem:v55+s14+$0x0] =	vst.idx.msk $0xffff, v54  }
0x59e: {  	v35 =	vshrl.u32 v35, $0x3;
	v62 =	vld [tilespmem:s6+$0xFFFFFF70];
	v63 =	vadd.s32 v7, v30;
	[tilespmem:v57+s14+$0x0] =	vst.idx.msk $0xffff, v56  }
0x59f: {  	v22 =	vshrl.u32 v22, $0x3;
	v35 =	vshll.u32 v35, v1;
	v46 =	vadd.s32 v9, v32;
	v45 =	vld [tilespmem:s6+$0xFFFFFF90];
	[tilespmem:v49+s14+$0x0] =	vst.idx.msk $0xffff, v48  }
0x5a0: {  	v22 =	vshll.u32 v22, v1;
	v35 =	vbroadcast v35, $0x0;
	v51 =	vld [tilespmem:s6+$0x0];
	[tilespmem:v53+s14+$0x0] =	vst.idx.msk $0xffff, v19  }
0x5a1: {  	v22 =	vbroadcast v22, $0x0;
	v31 =	vadd.s32 v4, v31;
	v50 =	vld [tilespmem:s6+$0xFFFFFE40];
	[tilespmem:v58+s14+$0x0] =	vst.idx.msk $0xffff, v17  }
0x5a2: {  	v61 =	vadd.s32 v5, v35;
	v19 =	vld [tilespmem:s6+$0xFFFFFF50];
	[tilespmem:v60+s14+$0x0] =	vst.idx.msk $0xffff, v59  }
0x5a3: {  	v47 =	vadd.s32 v11, v22;
	v17 =	vld [tilespmem:s6+$0xFFFFFFB0];
	[tilespmem:v63+s14+$0x0] =	vst.idx.msk $0xffff, v62  }
0x5a4: {  	v25 =	vadd.s32 v14, v25;
	[tilespmem:v46+s14+$0x0] =	vst.idx.msk $0xffff, v45;
	v53 =	vld [tilespmem:s6+$0xFFFFFEE0]  }
0x5a5: {  	v23 =	vadd.s32 v14, v23;
	v62 =	vld [tilespmem:s6+$0xFFFFFFE0];
	[tilespmem:v52+s14+$0x0] =	vst.idx.msk $0xffff, v51  }
0x5a6: {  	v18 =	vadd.s32 v2, v18;
	v63 =	vld [tilespmem:s6+$0xFFFFFE20];
	[tilespmem:v31+s14+$0x0] =	vst.idx.msk $0xffff, v50  }
0x5a7: {  	v33 =	vadd.s32 v6, v33;
	[tilespmem:v61+s14+$0x0] =	vst.idx.msk $0xffff, v19;
	v19 =	vld [tilespmem:s6+$0xFFFFFE60]  }
0x5a8: {  	v29 =	vadd.s32 v8, v29;
	v51 =	vld [tilespmem:s6+$0xFFFFFE80];
	[tilespmem:v47+s14+$0x0] =	vst.idx.msk $0xffff, v17  }
0x5a9: {  	v28 =	vadd.s32 v10, v28;
	v52 =	vld [tilespmem:s6+$0xFFFFFEA0];
	[tilespmem:v25+s14+$0x0] =	vst.idx.msk $0xffff, v53  }
0x5aa: {  	v24 =	vadd.s32 v2, v24;
	v54 =	vld [tilespmem:s6+$0xFFFFFF20];
	[tilespmem:v23+s14+$0x0] =	vst.idx.msk $0xffff, v62  }
0x5ab: {  	v27 =	vadd.s32 v12, v27;
	v17 =	vld [tilespmem:s6+$0xFFFFFEC0];
	[tilespmem:v18+s14+$0x0] =	vst.idx.msk $0xffff, v63  }
0x5ac: {  	v26 =	vadd.s32 v16, v26;
	[tilespmem:v33+s14+$0x0] =	vst.idx.msk $0xffff, v19;
	v19 =	vld [tilespmem:s6+$0xFFFFFF00]  }
0x5ad: {  	v56 =	vadd.s32 v4, v34;
	v55 =	vld [tilespmem:s6+$0xFFFFFF40];
	[tilespmem:v29+s14+$0x0] =	vst.idx.msk $0xffff, v51  }
0x5ae: {  	v59 =	vadd.s32 v8, v30;
	v58 =	vld [tilespmem:s6+$0xFFFFFF80];
	[tilespmem:v28+s14+$0x0] =	vst.idx.msk $0xffff, v52  }
0x5af: {  	v22 =	vadd.s32 v12, v22;
	[tilespmem:v24+s14+$0x0] =	vst.idx.msk $0xffff, v54;
	v61 =	vld [tilespmem:s6+$0xFFFFFFC0]  }
0x5b0: {  	v57 =	vadd.s32 v6, v35;
	[tilespmem:v27+s14+$0x0] =	vst.idx.msk $0xffff, v17;
	v17 =	vld [tilespmem:s6+$0xFFFFFF60]  }
0x5b1: {  	v60 =	vadd.s32 v10, v32;
	[tilespmem:v26+s14+$0x0] =	vst.idx.msk $0xffff, v19;
	v19 =	vld [tilespmem:s6+$0xFFFFFFA0]  }
0x5b2: {  	[tilespmem:v56+s14+$0x0] =	vst.idx.msk $0xffff, v55  }
0x5b3: {  	[tilespmem:v59+s14+$0x0] =	vst.idx.msk $0xffff, v58  }
0x5b4: {  	[tilespmem:v22+s14+$0x0] =	vst.idx.msk $0xffff, v61  }
0x5b5: {  	[tilespmem:v57+s14+$0x0] =	vst.idx.msk $0xffff, v17  }
0x5b6: {  	[tilespmem:v60+s14+$0x0] =	vst.idx.msk $0xffff, v19  }
0x5b7: {  	s1 =	rddreg [dreg:$0x13]  }
0x5b8: {  	[hbm4b:s1+s3] =	stream.linear.scatter [tilespmem:s14], [sflag:$0x6], $0x80, $0x38;
	[tilespmem:$0xC600] =	vst v63  }
0x5b9: {  	s10 =	simm.s32 $0xB588;
	s9 =	sadd.s32 $0x10, s1  }
0x5ba: {  	[hbm4b:s9+s3] =	stream.linear.scatter [tilespmem:s10], [sflag:$0x6], $0x80, $0x38;
	[tilespmem:$0xC600] =	vst v63  }
0x5bb: {  	s25 =	simm.s32 $0xB610;
	s11 =	sadd.s32 $0x20, s1  }
0x5bc: {  	[hbm4b:s11+s3] =	stream.linear.scatter [tilespmem:s25], [sflag:$0x6], $0x80, $0x38;
	[tilespmem:$0xC600] =	vst v63  }
0x5bd: {  	s9 =	sadd.s32 $0x30, s1;
	s10 =	simm.s32 $0xB698  }
0x5be: {  	[hbm4b:s9+s3] =	stream.linear.scatter [tilespmem:s10], [sflag:$0x6], $0x80, $0x38;
	[tilespmem:$0xC600] =	vst v63  }
0x5bf: {  	s11 =	sadd.s32 $0x40, s1;
	s25 =	simm.s32 $0xB720  }
0x5c0: {  	[hbm4b:s11+s3] =	stream.linear.scatter [tilespmem:s25], [sflag:$0x6], $0x80, $0x38;
	[tilespmem:$0xC600] =	vst v63  }
0x5c1: {  	s9 =	sadd.s32 $0x50, s1;
	s10 =	simm.s32 $0xB7A8  }
0x5c2: {  	[hbm4b:s9+s3] =	stream.linear.scatter [tilespmem:s10], [sflag:$0x6], $0x80, $0x38;
	[tilespmem:$0xC600] =	vst v63  }
0x5c3: {  	s11 =	sadd.s32 $0x60, s1;
	s25 =	simm.s32 $0xB830  }
0x5c4: {  	[hbm4b:s11+s3] =	stream.linear.scatter [tilespmem:s25], [sflag:$0x6], $0x80, $0x38;
	[tilespmem:$0xC600] =	vst v63  }
0x5c5: {  	s6 =	sadd.s32 $0x70, s1;
	s9 =	simm.s32 $0xB8B8  }
0x5c6: {  	[hbm4b:s6+s3] =	stream.linear.scatter [tilespmem:s9], [sflag:$0x6], $0x80, $0x38;
	[tilespmem:$0xC600] =	vst v63  }
0x5c7: {  	s1 =	rddreg [dreg:$0x14];
	s10 =	simm.s32 $0xB940  }
0x5c8: {  	[hbm4b:s1+s3] =	stream.linear.scatter [tilespmem:s10], [sflag:$0x6], $0x80, $0x38;
	[tilespmem:$0xC600] =	vst v63  }
0x5c9: {  	s11 =	sadd.s32 $0x10, s1;
	s25 =	simm.s32 $0xB9C8  }
0x5ca: {  	[hbm4b:s11+s3] =	stream.linear.scatter [tilespmem:s25], [sflag:$0x6], $0x80, $0x38;
	[tilespmem:$0xC600] =	vst v63  }
0x5cb: {  	s9 =	sadd.s32 $0x20, s1;
	s10 =	simm.s32 $0xBA50  }
0x5cc: {  	[hbm4b:s9+s3] =	stream.linear.scatter [tilespmem:s10], [sflag:$0x6], $0x80, $0x38;
	[tilespmem:$0xC600] =	vst v63  }
0x5cd: {  	s11 =	sadd.s32 $0x30, s1;
	s25 =	simm.s32 $0xBAD8  }
0x5ce: {  	[hbm4b:s11+s3] =	stream.linear.scatter [tilespmem:s25], [sflag:$0x6], $0x80, $0x38;
	[tilespmem:$0xC600] =	vst v63  }
0x5cf: {  	s9 =	sadd.s32 $0x40, s1;
	s10 =	simm.s32 $0xBB60  }
0x5d0: {  	[hbm4b:s9+s3] =	stream.linear.scatter [tilespmem:s10], [sflag:$0x6], $0x80, $0x38;
	[tilespmem:$0xC600] =	vst v63  }
0x5d1: {  	s11 =	sadd.s32 $0x50, s1;
	s25 =	simm.s32 $0xBBE8  }
0x5d2: {  	[hbm4b:s11+s3] =	stream.linear.scatter [tilespmem:s25], [sflag:$0x6], $0x80, $0x38;
	[tilespmem:$0xC600] =	vst v63  }
0x5d3: {  	s9 =	sadd.s32 $0x60, s1;
	s10 =	simm.s32 $0xBC70  }
0x5d4: {  	[hbm4b:s9+s3] =	stream.linear.scatter [tilespmem:s10], [sflag:$0x6], $0x80, $0x38;
	[tilespmem:$0xC600] =	vst v63  }
0x5d5: {  	s11 =	sadd.s32 $0x70, s1;
	s25 =	simm.s32 $0xBCF8  }
0x5d6: {  	[hbm4b:s11+s3] =	stream.linear.scatter [tilespmem:s25], [sflag:$0x6], $0x80, $0x38;
	[tilespmem:$0xC600] =	vst v63  }
0x5d7: {  	s6 =	simm.s32 $0xBD80;
	s1 =	rddreg [dreg:$0x15]  }
0x5d8: {  	[hbm4b:s1+s3] =	stream.linear.scatter [tilespmem:s6], [sflag:$0x6], $0x80, $0x38;
	[tilespmem:$0xC600] =	vst v63  }
0x5d9: {  	s9 =	sadd.s32 $0x10, s1;
	s10 =	simm.s32 $0xBE08  }
0x5da: {  	[hbm4b:s9+s3] =	stream.linear.scatter [tilespmem:s10], [sflag:$0x6], $0x80, $0x38;
	[tilespmem:$0xC600] =	vst v63  }
0x5db: {  	s11 =	sadd.s32 $0x20, s1;
	s25 =	simm.s32 $0xBE90  }
0x5dc: {  	[hbm4b:s11+s3] =	stream.linear.scatter [tilespmem:s25], [sflag:$0x6], $0x80, $0x38;
	[tilespmem:$0xC600] =	vst v63  }
0x5dd: {  	s9 =	sadd.s32 $0x30, s1  }
0x5de: {  	[hbm4b:s9+s3] =	stream.linear.scatter [tilespmem:s12], [sflag:$0x6], $0x80, $0x38;
	[tilespmem:$0xC600] =	vst v63  }
0x5df: {  	s10 =	sadd.s32 $0x40, s1  }
0x5e0: {  	[hbm4b:s10+s3] =	stream.linear.scatter [tilespmem:s20], [sflag:$0x6], $0x80, $0x38;
	[tilespmem:$0xC600] =	vst v63  }
0x5e1: {  	s11 =	sadd.s32 $0x50, s1  }
0x5e2: {  	[hbm4b:s11+s3] =	stream.linear.scatter [tilespmem:s21], [sflag:$0x6], $0x80, $0x38;
	[tilespmem:$0xC600] =	vst v63  }
0x5e3: {  	s25 =	sadd.s32 $0x60, s1  }
0x5e4: {  	[hbm4b:s25+s3] =	stream.linear.scatter [tilespmem:s22], [sflag:$0x6], $0x80, $0x38;
	[tilespmem:$0xC600] =	vst v63  }
0x5e5: {  	s6 =	sadd.s32 $0x70, s1  }
0x5e6: {  	[hbm4b:s6+s3] =	stream.linear.scatter [tilespmem:s23], [sflag:$0x6], $0x80, $0x38;
	[tilespmem:$0xC600] =	vst v63  }
0x5e7: {  	s1 =	rddreg [dreg:$0x16]  }
0x5e8: {  	[hbm4b:s1+s3] =	stream.linear.scatter [tilespmem:s24], [sflag:$0x6], $0x80, $0x38;
	[tilespmem:$0xC600] =	vst v63  }
0x5e9: {  	s9 =	sadd.s32 $0x10, s1  }
0x5ea: {  	[hbm4b:s9+s3] =	stream.linear.scatter [tilespmem:s15], [sflag:$0x6], $0x80, $0x38;
	[tilespmem:$0xC600] =	vst v63  }
0x5eb: {  	s10 =	sadd.s32 $0x20, s1  }
0x5ec: {  	[hbm4b:s10+s3] =	stream.linear.scatter [tilespmem:s16], [sflag:$0x6], $0x80, $0x38;
	[tilespmem:$0xC600] =	vst v63  }
0x5ed: {  	s11 =	sadd.s32 $0x30, s1  }
0x5ee: {  	[hbm4b:s11+s3] =	stream.linear.scatter [tilespmem:s17], [sflag:$0x6], $0x80, $0x38;
	[tilespmem:$0xC600] =	vst v63  }
0x5ef: {  	s25 =	sadd.s32 $0x40, s1  }
0x5f0: {  	[hbm4b:s25+s3] =	stream.linear.scatter [tilespmem:s7], [sflag:$0x6], $0x80, $0x38;
	[tilespmem:$0xC600] =	vst v63  }
0x5f1: {  	s6 =	sadd.s32 $0x50, s1  }
0x5f2: {  	[hbm4b:s6+s3] =	stream.linear.scatter [tilespmem:s8], [sflag:$0x6], $0x80, $0x38;
	[tilespmem:$0xC600] =	vst v63  }
0x5f3: {  	s9 =	sadd.s32 $0x60, s1  }
0x5f4: {  	[hbm4b:s9+s3] =	stream.linear.scatter [tilespmem:s5], [sflag:$0x6], $0x80, $0x38;
	[tilespmem:$0xC600] =	vst v63  }
0x5f5: {  	s10 =	sadd.s32 $0x70, s1  }
0x5f6: {  	[hbm4b:s10+s3] =	stream.linear.scatter [tilespmem:s26], [sflag:$0x6], $0x80, $0x38;
	[tilespmem:$0xC600] =	vst v63  }
0x5f7: {  	_ =	swait.ge [sflag:s29], $0x400  }
0x5f8: {  	[sflag:s29] =	ssyncset.done $0x0  }
0x5f9: {  	[sflag:s29] =	ssyncadd.s32 $0xFFFFFC00  }
0x5fa: {  	_ =	swait.ge [sflag:s29], $0x400  }
0x5fb: {  	[sflag:s29] =	ssyncset.done $0x0  }
0x5fc: {  	[sflag:s29] =	ssyncadd.s32 $0xFFFFFC00  }
0x5fd: {  	_ =	swait.ge [sflag:s29], $0x400  }
0x5fe: {  	[sflag:s29] =	ssyncset.done $0x0  }
0x5ff: {  	[sflag:s29] =	ssyncadd.s32 $0xFFFFFC00  }
0x600: {  	_ =	swait.ge [sflag:s29], $0x400  }
0x601: {  	[sflag:s29] =	ssyncset.done $0x0  }
0x602: {  	[sflag:s29] =	ssyncadd.s32 $0xFFFFFC00  }
0x603: {  	_ =	swait.ge [sflag:s31], $0x400  }
0x604: {  	[sflag:s31] =	ssyncset.done $0x0  }
0x605: {  	[sflag:s31] =	ssyncadd.s32 $0xFFFFFC00  }
0x606: {  	_ =	swait.ge [sflag:s31], $0x400  }
0x607: {  	[sflag:s31] =	ssyncset.done $0x0  }
0x608: {  	[sflag:s31] =	ssyncadd.s32 $0xFFFFFC00  }
0x609: {  	_ =	swait.ge [sflag:s31], $0x400  }
0x60a: {  	[sflag:s31] =	ssyncset.done $0x0  }
0x60b: {  	[sflag:s31] =	ssyncadd.s32 $0xFFFFFC00  }
0x60c: {  	_ =	swait.ge [sflag:s31], $0x400  }
0x60d: {  	s11 =	sld [smem:$0x7F8];
	_ =	sdelay $0x2  }
0x60e: {  	s25 =	rddreg [dreg:$0x17];
	s1 =	sadd.s32 $0x1, s11  }
0x60f: {  	p0 =	sne.s32 s1, s25  }
.Ltmp9:
0x610: {  	_ = 	snop;
	(pc) =	sbr.rel @p0 .LBB2_1-.Ltmp9, $3  }
0x611: {  	_ =	sdelay $0x1  }
0x612: {  	[sflag:s31] =	ssyncset.done $0x0  }
0x613: {  	[sflag:s31] =	ssyncadd.s32 $0xFFFFFC00  }
0x614: {  	_ =	sfence.sel $0x180000  }
0x615: {  	[bflag:$0x0] =	sbarrier.arrive $0xFFFF  }
0x616: {  	_ =	strace $0x90000047  }
0x617: {  	s0 =	stileid.u32;
	[bflag:$0x2] =	sbarrier.arrive $0xFFFF  }
0x618: {  	p0 =	sne.s32 s0, $0x0;
	s0 =	rddreg [dreg:$0x2]  }
0x619: {  	s0 =	sadd.s32 @!p0 $0x100000, s0  }
0x61a: {  	[sflag:s0] =	ssyncadd.tile.s32 @!p0 $0x1;
	_ =	shalt  }
.Lfunc_end2:
_tile_overlayer_lowered:
.L_overlay_start_2:
0x61b: {  	(tag) =	ssettag $0x2  }
0x61c: {  	s0 =	rddreg [dreg:$0x0];
	s2 =	stileid.u32  }
0x61d: {  	s1 =	rddreg [dreg:$0x1];
	p0 =	sne.s32 s2, $0x0  }
0x61e: {  	s3 =	rddreg [dreg:$0x2];
	[bflag:$0x3] =	sbarrier.arrive $0xFFFF;
	s2 =	simm.s32 @!p0 $0x1C07  }
0x61f: {  	[timem:s3], [sflag:s2] =	dma.local @!p0 [hbm:s0], s1  }
0x620: {  	s0 =	simm.s32 @!p0 $0x7  }
0x621: {  	_ =	swait.ge @!p0 [sflag:s0], s1  }
0x622: {  	s1 =	ssub.s32 @!p0 $0x0, s1;
	[sflag:s0] =	ssyncset.done @!p0 $0x0  }
0x623: {  	[sflag:s0] =	ssyncadd.s32 @!p0 s1  }
0x624: {  	[bflag:$0x3] =	sbarrier.arrive $0xFFFF  }
0x625: {  	_ =	shalt  }

</sc_bundles>
